<compile_context>
chip_gen: v7x
topology: tpu7x:2x2x1
jax: 0.10.2.dev20260603
libtpu: 0.0.44.dev20260713+nightly
codegen_flags: <defaults>
</compile_context>

<pallas_src>
import functools

import jax
import jax.numpy as jnp
from jax import lax
from jax.experimental import pallas as pl
from jax.experimental.pallas import tpu as pltpu
from jax.experimental.pallas import tpu_sc as plsc

N = 10000
E = 160000
C = 256
H = 128
MID = 512

KC = 125
IDX_ROWS = E // KC
TPR = IDX_ROWS // 16
INNER = 8

def _deg_kernel_body(ei3, deg_out, dstv, onesv, stagev, accd):
    c = lax.axis_index("c")
    s = lax.axis_index("s")

    for i in range(8):
        onesv[pl.ds(i * 16, 16)] = jnp.ones((16,), jnp.float32)

    @pl.when(s < 15)
    def _():
        for i in range(5):
            pltpu.sync_copy(onesv, accd.at[pl.ds(s * 640 + i * 128, 128)])

    @pl.when(s == 15)
    def _():
        for i in range(3):
            pltpu.sync_copy(onesv, accd.at[pl.ds(9600 + i * 128, 128)])
        pltpu.sync_copy(onesv.at[pl.ds(0, 16)], accd.at[pl.ds(9984, 16)])

    plsc.subcore_barrier()

    base = (c * 16 + s) * (TPR // 2)

    def outer(j, carry):
        pltpu.sync_copy(ei3.at[1, pl.ds(base + j * INNER, INNER)], dstv)
        for t in range(INNER):
            pltpu.sync_copy(onesv.at[pl.ds(0, KC)],
                            accd.at[dstv.at[t]], add=True)
        return carry

    lax.fori_loop(0, TPR // 2 // INNER, outer, 0)

    plsc.subcore_barrier()

    @pl.when(s < 15)
    def _():
        for i in range(5):
            pltpu.sync_copy(accd.at[pl.ds(s * 640 + i * 128, 128)], stagev)
            pltpu.sync_copy(
                stagev, deg_out.at[pl.ds(c * N + s * 640 + i * 128, 128)])

    @pl.when(s == 15)
    def _():
        for i in range(3):
            pltpu.sync_copy(accd.at[pl.ds(9600 + i * 128, 128)], stagev)
            pltpu.sync_copy(stagev,
                            deg_out.at[pl.ds(c * N + 9600 + i * 128, 128)])
        pltpu.sync_copy(accd.at[pl.ds(9984, 16)], stagev.at[pl.ds(0, 16)])
        pltpu.sync_copy(stagev.at[pl.ds(0, 16)],
                        deg_out.at[pl.ds(c * N + 9984, 16)])


def _agg_kernel_body(xs_lo, xs_hi, ei3, agg_lo, agg_hi,
                     srcv, dstv, rows_a, rows_b, acc, sem_a, sem_b):
    c = lax.axis_index("c")
    s = lax.axis_index("s")
    stage = rows_a

    def run(xs, agg):
        @pl.when(s < 15)
        def _():
            for i in range(5):
                r0 = s * 640 + i * 128
                pltpu.sync_copy(xs.at[pl.ds(r0, 128)], stage)
                pltpu.sync_copy(stage, acc.at[pl.ds(r0, 128)])

        @pl.when(s == 15)
        def _():
            for i in range(3):
                r0 = 9600 + i * 128
                pltpu.sync_copy(xs.at[pl.ds(r0, 128)], stage)
                pltpu.sync_copy(stage, acc.at[pl.ds(r0, 128)])
            pltpu.sync_copy(xs.at[pl.ds(9984, 16)], stage.at[pl.ds(0, 16)])
            pltpu.sync_copy(stage.at[pl.ds(0, 16)], acc.at[pl.ds(9984, 16)])

        plsc.subcore_barrier()
        base = s * TPR
        bufs = (rows_a, rows_b)
        sems = (sem_a, sem_b)
        HALF = TPR // 2

        def gather(t, b):
            return pltpu.async_copy(xs.at[srcv.at[t]],
                                    bufs[b].at[pl.ds(0, KC)], sems[b])

        def scatter(t, b):
            pltpu.sync_copy(bufs[b].at[pl.ds(0, KC)],
                            acc.at[dstv.at[t]], add=True)

        for half in range(2):
            r0 = base + half * HALF
            pltpu.sync_copy(ei3.at[0, pl.ds(r0, HALF)], srcv)
            pltpu.sync_copy(ei3.at[1, pl.ds(r0, HALF)], dstv)
            ga = gather(0, 0)
            gb = gather(1, 1)

            def body(j, carry):
                t0 = j * 2
                ga.wait()
                scatter(t0, 0)

                @pl.when(j < HALF // 2 - 1)
                def _():
                    gather(t0 + 2, 0)

                gb.wait()
                scatter(t0 + 1, 1)

                @pl.when(j < HALF // 2 - 1)
                def _():
                    gather(t0 + 3, 1)

                return carry

            lax.fori_loop(0, HALF // 2, body, 0)

        plsc.subcore_barrier()

        @pl.when(s < 15)
        def _():
            for i in range(5):
                r0 = s * 640 + i * 128
                pltpu.sync_copy(acc.at[pl.ds(r0, 128)], stage)
                pltpu.sync_copy(stage, agg.at[pl.ds(r0, 128)])

        @pl.when(s == 15)
        def _():
            for i in range(3):
                r0 = 9600 + i * 128
                pltpu.sync_copy(acc.at[pl.ds(r0, 128)], stage)
                pltpu.sync_copy(stage, agg.at[pl.ds(r0, 128)])
            pltpu.sync_copy(acc.at[pl.ds(9984, 16)], stage.at[pl.ds(0, 16)])
            pltpu.sync_copy(stage.at[pl.ds(0, 16)], agg.at[pl.ds(9984, 16)])

    @pl.when(c == 0)
    def _():
        run(xs_lo, agg_lo)

    @pl.when(c == 1)
    def _():
        run(xs_hi, agg_hi)


@functools.cache
def _sc_kernels():
    mesh = plsc.VectorSubcoreMesh(core_axis_name="c", subcore_axis_name="s",
                                  num_cores=2, num_subcores=16)
    deg_kernel = pl.kernel(
        _deg_kernel_body,
        out_type=jax.ShapeDtypeStruct((2 * N,), jnp.float32),
        mesh=mesh,
        scratch_types=[
            pltpu.VMEM((INNER, KC), jnp.int32),
            pltpu.VMEM((128,), jnp.float32),
            pltpu.VMEM((128,), jnp.float32),
            pltpu.VMEM_SHARED((N,), jnp.float32),
        ],
    )
    agg_kernel = pl.kernel(
        _agg_kernel_body,
        out_type=[jax.ShapeDtypeStruct((N, H), jnp.float32),
                  jax.ShapeDtypeStruct((N, H), jnp.float32)],
        mesh=mesh,
        scratch_types=[
            pltpu.VMEM((TPR // 2, KC), jnp.int32),
            pltpu.VMEM((TPR // 2, KC), jnp.int32),
            pltpu.VMEM((128, H), jnp.float32),
            pltpu.VMEM((128, H), jnp.float32),
            pltpu.VMEM_SHARED((N, H), jnp.float32),
            pltpu.SemaphoreType.DMA,
            pltpu.SemaphoreType.DMA,
        ],
    )
    return deg_kernel, agg_kernel


_R = 2000


def _bf16_dot(a, b):
    return jnp.dot(a.astype(jnp.bfloat16), b.astype(jnp.bfloat16),
                   preferred_element_type=jnp.float32)


def _k2_body(x_ref, w_ref, deg_ref, lo_ref, hi_ref):
    xw = _bf16_dot(x_ref[...], w_ref[...])
    xs = xw * lax.rsqrt(deg_ref[...])
    lo_ref[...] = xs[:, :H]
    hi_ref[...] = xs[:, H:]


def _k4_body(lo_ref, hi_ref, deg_ref, x_ref, bg_ref,
             w1_ref, b1_ref, w2_ref, b2_ref, w3_ref, b3_ref,
             x0_ref, x1_ref):
    dinv = lax.rsqrt(deg_ref[...])
    agg = jnp.concatenate([lo_ref[...], hi_ref[...]], axis=1)
    out = agg * dinv + bg_ref[...]
    h = jnp.maximum(out, 0.0) + x_ref[...]
    x0 = jnp.maximum(_bf16_dot(h, w1_ref[...]) + b1_ref[...], 0.0)
    x0_ref[...] = x0
    y = jnp.maximum(_bf16_dot(x0, w2_ref[...]) + b2_ref[...], 0.0)
    x1_ref[...] = _bf16_dot(y, w3_ref[...]) + b3_ref[...]


def kernel(x, edge_index, W_gcn, b_gcn, W1, b1, W2, b2, W3, b3):
    ei3 = edge_index.astype(jnp.int32).reshape(2, IDX_ROWS, KC)

    _deg_kernel, _agg_kernel = _sc_kernels()
    deg = _deg_kernel(ei3)
    deg_col = (deg[:N] + deg[N:] - 1.0).reshape(N, 1)

    xs_lo, xs_hi = pl.pallas_call(
        _k2_body,
        grid=(N // _R,),
        in_specs=[
            pl.BlockSpec((_R, C), lambda i: (i, 0)),
            pl.BlockSpec((C, C), lambda i: (0, 0)),
            pl.BlockSpec((_R, 1), lambda i: (i, 0)),
        ],
        out_specs=[
            pl.BlockSpec((_R, H), lambda i: (i, 0)),
            pl.BlockSpec((_R, H), lambda i: (i, 0)),
        ],
        out_shape=[jax.ShapeDtypeStruct((N, H), jnp.float32),
                   jax.ShapeDtypeStruct((N, H), jnp.float32)],
    )(x, W_gcn, deg_col)

    agg_lo, agg_hi = _agg_kernel(xs_lo, xs_hi, ei3)

    x0, x1 = pl.pallas_call(
        _k4_body,
        grid=(N // _R,),
        in_specs=[
            pl.BlockSpec((_R, H), lambda i: (i, 0)),
            pl.BlockSpec((_R, H), lambda i: (i, 0)),
            pl.BlockSpec((_R, 1), lambda i: (i, 0)),
            pl.BlockSpec((_R, C), lambda i: (i, 0)),
            pl.BlockSpec((C,), lambda i: (0,)),
            pl.BlockSpec((C, MID), lambda i: (0, 0)),
            pl.BlockSpec((MID,), lambda i: (0,)),
            pl.BlockSpec((MID, MID), lambda i: (0, 0)),
            pl.BlockSpec((MID,), lambda i: (0,)),
            pl.BlockSpec((MID, 1), lambda i: (0, 0)),
            pl.BlockSpec((1,), lambda i: (0,)),
        ],
        out_specs=[
            pl.BlockSpec((_R, MID), lambda i: (i, 0)),
            pl.BlockSpec((_R, 1), lambda i: (i, 0)),
        ],
        out_shape=[jax.ShapeDtypeStruct((N, MID), jnp.float32),
                   jax.ShapeDtypeStruct((N, 1), jnp.float32)],
    )(agg_lo, agg_hi, deg_col, x, b_gcn, W1, b1, W2, b2, W3, b3)

    return (x0, x1)

# --- scband reference (transcript-rebuilt; emitter-appended) ---
"""Pipeline reference for scband-gnnactor-base-24326694764552 (READ-ONLY COPY).

The authoritative reference and input builder live on the scoring server;
editing this copy changes nothing except your own understanding.
"""

import jax, jax.numpy as jnp
import numpy as np

N = 10000
E = 160000
IN_CH = 256
MID_CH = 512


def setup_inputs(seed: int = 0) -> dict:
    key = jax.random.key(seed)
    ks = jax.random.split(key, 12)
    x = jax.random.normal(ks[0], (N, IN_CH), dtype=jnp.float32)
    edge_index = jax.random.randint(ks[1], (2, E), 0, N, dtype=jnp.int64)
    # GCNConv(in_channels, in_channels): weight [in, in] (glorot), bias [in]
    lim_g = float(np.sqrt(6.0 / (IN_CH + IN_CH)))
    W_gcn = jax.random.uniform(ks[2], (IN_CH, IN_CH), dtype=jnp.float32, minval=-lim_g, maxval=lim_g)
    b_gcn = jnp.zeros((IN_CH,), dtype=jnp.float32)
    # lin1: [in, mid]
    lim1 = float(np.sqrt(1.0 / IN_CH))
    W1 = jax.random.uniform(ks[3], (IN_CH, MID_CH), dtype=jnp.float32, minval=-lim1, maxval=lim1)
    b1 = jax.random.uniform(ks[4], (MID_CH,), dtype=jnp.float32, minval=-lim1, maxval=lim1)
    # lin2: [mid, mid]
    lim2 = float(np.sqrt(1.0 / MID_CH))
    W2 = jax.random.uniform(ks[5], (MID_CH, MID_CH), dtype=jnp.float32, minval=-lim2, maxval=lim2)
    b2 = jax.random.uniform(ks[6], (MID_CH,), dtype=jnp.float32, minval=-lim2, maxval=lim2)
    # lin3: [mid, 1]
    W3 = jax.random.uniform(ks[7], (MID_CH, 1), dtype=jnp.float32, minval=-lim2, maxval=lim2)
    b3 = jax.random.uniform(ks[8], (1,), dtype=jnp.float32, minval=-lim2, maxval=lim2)
    return {"x": x, "edge_index": edge_index, "W_gcn": W_gcn, "b_gcn": b_gcn,
            "W1": W1, "b1": b1, "W2": W2, "b2": b2, "W3": W3, "b3": b3}


def _gcn_conv(x, edge_index, W, b):
    n = x.shape[0]
    src = edge_index[0]
    dst = edge_index[1]
    # add self-loops (PyG GCNConv default)
    loop = jnp.arange(n, dtype=src.dtype)
    src = jnp.concatenate([src, loop])
    dst = jnp.concatenate([dst, loop])
    # symmetric normalization: deg computed on dst (col), norm = d_src^-1/2 * d_dst^-1/2
    deg = jnp.zeros((n,), dtype=x.dtype).at[dst].add(1.0)
    deg_inv_sqrt = jnp.where(deg > 0, deg ** -0.5, 0.0)
    norm = deg_inv_sqrt[src] * deg_inv_sqrt[dst]
    xw = x @ W
    msg = xw[src] * norm[:, None]
    out = jnp.zeros_like(xw).at[dst].add(msg)
    return out + b


def reference(x, edge_index, W_gcn, b_gcn, W1, b1, W2, b2, W3, b3):
    out = jax.nn.relu(_gcn_conv(x, edge_index, W_gcn, b_gcn))
    x0 = out + x
    x0 = jax.nn.relu(x0 @ W1 + b1)
    x1 = jax.nn.relu(x0 @ W2 + b2)
    x1 = x1 @ W3 + b3
    return (x0, x1)

if __name__ == "__main__":
    import jax
    _d = setup_inputs()
    print(jax.jit(kernel)(*tuple(_d.values())))

</pallas_src>

<mosaic_0001>
#map = affine_map<(d0, d1) -> (0, 0, 0)>
#map1 = affine_map<(d0, d1) -> (0)>
module attributes {stable_mosaic.version = 14 : i64} {
  func.func @_deg_kernel_body(%arg0: i32, %arg1: i32, %arg2: memref<2x1280x125xi32, #tpu.memory_space<hbm>>, %arg3: memref<20000xf32, #tpu.memory_space<hbm>>, %arg4: memref<8x125xi32, #tpu.memory_space<vmem>>, %arg5: memref<128xf32, #tpu.memory_space<vmem>>, %arg6: memref<128xf32, #tpu.memory_space<vmem>>, %arg7: memref<10000xf32, #tpu.memory_space<vmem_shared>>) attributes {dimension_semantics = [#tpu.dimension_semantics<core_parallel>, #tpu.dimension_semantics<subcore_parallel>], iteration_bounds = array<i64: 2, 16>, scalar_prefetch = 0 : i64, scratch_operands = 4 : i64, tpu.core_type = #tpu.core_type<sc_vector_subcore>, window_params = [{transform_indices = #map}, {transform_indices = #map1}]} {
    %broadcast_in_dim3A = arith.constant 1.000000e+00 : f32
    %broadcast_in_dim3A_0 = vector.broadcast %broadcast_in_dim3A : f32 to vector<16xf32>
    %swap3A = arith.constant 0 : index
    %swap3A_1 = tpu.vector_load %arg5[%swap3A] {strides = array<i32>} : memref<128xf32, #tpu.memory_space<vmem>>, vector<16xf32>,
    %swap3A_2 = vector.shape_cast %swap3A_1 : vector<16xf32> to vector<16xf32>
    %swap3A_3 = vector.shape_cast %broadcast_in_dim3A_0 : vector<16xf32> to vector<16xf32>
    tpu.vector_store %arg5[%swap3A], %swap3A_3 {strides = array<i32>} : memref<128xf32, #tpu.memory_space<vmem>>, vector<16xf32>,
    %broadcast_in_dim3A_4 = arith.constant 1.000000e+00 : f32
    %broadcast_in_dim3A_5 = vector.broadcast %broadcast_in_dim3A_4 : f32 to vector<16xf32>
    %swap3A_6 = arith.constant 16 : index
    %swap3A_7 = tpu.vector_load %arg5[%swap3A_6] {strides = array<i32>} : memref<128xf32, #tpu.memory_space<vmem>>, vector<16xf32>,
    %swap3A_8 = vector.shape_cast %swap3A_7 : vector<16xf32> to vector<16xf32>
    %swap3A_9 = vector.shape_cast %broadcast_in_dim3A_5 : vector<16xf32> to vector<16xf32>
    tpu.vector_store %arg5[%swap3A_6], %swap3A_9 {strides = array<i32>} : memref<128xf32, #tpu.memory_space<vmem>>, vector<16xf32>,
    %broadcast_in_dim3A_10 = arith.constant 1.000000e+00 : f32
    %broadcast_in_dim3A_11 = vector.broadcast %broadcast_in_dim3A_10 : f32 to vector<16xf32>
    %swap3A_12 = arith.constant 32 : index
    %swap3A_13 = tpu.vector_load %arg5[%swap3A_12] {strides = array<i32>} : memref<128xf32, #tpu.memory_space<vmem>>, vector<16xf32>,
    %swap3A_14 = vector.shape_cast %swap3A_13 : vector<16xf32> to vector<16xf32>
    %swap3A_15 = vector.shape_cast %broadcast_in_dim3A_11 : vector<16xf32> to vector<16xf32>
    tpu.vector_store %arg5[%swap3A_12], %swap3A_15 {strides = array<i32>} : memref<128xf32, #tpu.memory_space<vmem>>, vector<16xf32>,
    %broadcast_in_dim3A_16 = arith.constant 1.000000e+00 : f32
    %broadcast_in_dim3A_17 = vector.broadcast %broadcast_in_dim3A_16 : f32 to vector<16xf32>
    %swap3A_18 = arith.constant 48 : index
    %swap3A_19 = tpu.vector_load %arg5[%swap3A_18] {strides = array<i32>} : memref<128xf32, #tpu.memory_space<vmem>>, vector<16xf32>,
    %swap3A_20 = vector.shape_cast %swap3A_19 : vector<16xf32> to vector<16xf32>
    %swap3A_21 = vector.shape_cast %broadcast_in_dim3A_17 : vector<16xf32> to vector<16xf32>
    tpu.vector_store %arg5[%swap3A_18], %swap3A_21 {strides = array<i32>} : memref<128xf32, #tpu.memory_space<vmem>>, vector<16xf32>,
    %broadcast_in_dim3A_22 = arith.constant 1.000000e+00 : f32
    %broadcast_in_dim3A_23 = vector.broadcast %broadcast_in_dim3A_22 : f32 to vector<16xf32>
    %swap3A_24 = arith.constant 64 : index
    %swap3A_25 = tpu.vector_load %arg5[%swap3A_24] {strides = array<i32>} : memref<128xf32, #tpu.memory_space<vmem>>, vector<16xf32>,
    %swap3A_26 = vector.shape_cast %swap3A_25 : vector<16xf32> to vector<16xf32>
    %swap3A_27 = vector.shape_cast %broadcast_in_dim3A_23 : vector<16xf32> to vector<16xf32>
    tpu.vector_store %arg5[%swap3A_24], %swap3A_27 {strides = array<i32>} : memref<128xf32, #tpu.memory_space<vmem>>, vector<16xf32>,
    %broadcast_in_dim3A_28 = arith.constant 1.000000e+00 : f32
    %broadcast_in_dim3A_29 = vector.broadcast %broadcast_in_dim3A_28 : f32 to vector<16xf32>
    %swap3A_30 = arith.constant 80 : index
    %swap3A_31 = tpu.vector_load %arg5[%swap3A_30] {strides = array<i32>} : memref<128xf32, #tpu.memory_space<vmem>>, vector<16xf32>,
    %swap3A_32 = vector.shape_cast %swap3A_31 : vector<16xf32> to vector<16xf32>
    %swap3A_33 = vector.shape_cast %broadcast_in_dim3A_29 : vector<16xf32> to vector<16xf32>
    tpu.vector_store %arg5[%swap3A_30], %swap3A_33 {strides = array<i32>} : memref<128xf32, #tpu.memory_space<vmem>>, vector<16xf32>,
    %broadcast_in_dim3A_34 = arith.constant 1.000000e+00 : f32
    %broadcast_in_dim3A_35 = vector.broadcast %broadcast_in_dim3A_34 : f32 to vector<16xf32>
    %swap3A_36 = arith.constant 96 : index
    %swap3A_37 = tpu.vector_load %arg5[%swap3A_36] {strides = array<i32>} : memref<128xf32, #tpu.memory_space<vmem>>, vector<16xf32>,
    %swap3A_38 = vector.shape_cast %swap3A_37 : vector<16xf32> to vector<16xf32>
    %swap3A_39 = vector.shape_cast %broadcast_in_dim3A_35 : vector<16xf32> to vector<16xf32>
    tpu.vector_store %arg5[%swap3A_36], %swap3A_39 {strides = array<i32>} : memref<128xf32, #tpu.memory_space<vmem>>, vector<16xf32>,
    %broadcast_in_dim3A_40 = arith.constant 1.000000e+00 : f32
    %broadcast_in_dim3A_41 = vector.broadcast %broadcast_in_dim3A_40 : f32 to vector<16xf32>
    %swap3A_42 = arith.constant 112 : index
    %swap3A_43 = tpu.vector_load %arg5[%swap3A_42] {strides = array<i32>} : memref<128xf32, #tpu.memory_space<vmem>>, vector<16xf32>,
    %swap3A_44 = vector.shape_cast %swap3A_43 : vector<16xf32> to vector<16xf32>
    %swap3A_45 = vector.shape_cast %broadcast_in_dim3A_41 : vector<16xf32> to vector<16xf32>
    tpu.vector_store %arg5[%swap3A_42], %swap3A_45 {strides = array<i32>} : memref<128xf32, #tpu.memory_space<vmem>>, vector<16xf32>,
    %lt3A = arith.constant 15 : i32
    %lt3A_46 = arith.cmpi slt, %arg1, %lt3A : i32
    %convert_element_type3A = arith.extui %lt3A_46 : i1 to i32
    %cond3A = arith.constant 0 : i32
    %cond3A_47 = arith.cmpi ne, %convert_element_type3A, %cond3A : i32
    scf.if %cond3A_47 {
      %mul3A_71 = arith.constant 640 : i32
      %mul3A_72 = arith.muli %arg1, %mul3A_71 : i32
      %add3A_73 = arith.constant 0 : i32
      %add3A_74 = arith.addi %mul3A_72, %add3A_73 : i32
      "tpu.region"() ({
        %run_scoped3A = tpu.sem_alloc : memref<!tpu.dma_semaphore, #tpu.memory_space<semaphore_mem>>
        %dma_start3A = tpu.memref_slice %arg7[%add3A_74] : memref<10000xf32, #tpu.memory_space<vmem_shared>> -> memref<128xf32, #tpu.memory_space<vmem_shared>>
        %dma_start3A_91 = tpu.memref_slice %arg7[%add3A_74] : memref<10000xf32, #tpu.memory_space<vmem_shared>> -> memref<128xf32, #tpu.memory_space<vmem_shared>>
        tpu.enqueue_dma source(%arg5 : memref<128xf32, #tpu.memory_space<vmem>>) target(%dma_start3A_91 : memref<128xf32, #tpu.memory_space<vmem_shared>>) target_semaphore(%run_scoped3A : memref<!tpu.dma_semaphore, #tpu.memory_space<semaphore_mem>>)
        %dma_wait3A = tpu.memref_slice %arg7[%add3A_74] : memref<10000xf32, #tpu.memory_space<vmem_shared>> -> memref<128xf32, #tpu.memory_space<vmem_shared>>
        %dma_wait3A_92 = tpu.memref_slice %arg7[%add3A_74] : memref<10000xf32, #tpu.memory_space<vmem_shared>> -> memref<128xf32, #tpu.memory_space<vmem_shared>>
        tpu.wait_dma2 semaphore(%run_scoped3A : memref<!tpu.dma_semaphore, #tpu.memory_space<semaphore_mem>>) src(%arg5 : memref<128xf32, #tpu.memory_space<vmem>>) dst(%dma_wait3A_92 : memref<128xf32, #tpu.memory_space<vmem_shared>>)
        tpu.yield
      }) : () -> ()
      %mul3A_75 = arith.constant 640 : i32
      %mul3A_76 = arith.muli %arg1, %mul3A_75 : i32
      %add3A_77 = arith.constant 128 : i32
      %add3A_78 = arith.addi %mul3A_76, %add3A_77 : i32
      "tpu.region"() ({
        %run_scoped3A = tpu.sem_alloc : memref<!tpu.dma_semaphore, #tpu.memory_space<semaphore_mem>>
        %dma_start3A = tpu.memref_slice %arg7[%add3A_78] : memref<10000xf32, #tpu.memory_space<vmem_shared>> -> memref<128xf32, #tpu.memory_space<vmem_shared>>
        %dma_start3A_91 = tpu.memref_slice %arg7[%add3A_78] : memref<10000xf32, #tpu.memory_space<vmem_shared>> -> memref<128xf32, #tpu.memory_space<vmem_shared>>
        tpu.enqueue_dma source(%arg5 : memref<128xf32, #tpu.memory_space<vmem>>) target(%dma_start3A_91 : memref<128xf32, #tpu.memory_space<vmem_shared>>) target_semaphore(%run_scoped3A : memref<!tpu.dma_semaphore, #tpu.memory_space<semaphore_mem>>)
        %dma_wait3A = tpu.memref_slice %arg7[%add3A_78] : memref<10000xf32, #tpu.memory_space<vmem_shared>> -> memref<128xf32, #tpu.memory_space<vmem_shared>>
        %dma_wait3A_92 = tpu.memref_slice %arg7[%add3A_78] : memref<10000xf32, #tpu.memory_space<vmem_shared>> -> memref<128xf32, #tpu.memory_space<vmem_shared>>
        tpu.wait_dma2 semaphore(%run_scoped3A : memref<!tpu.dma_semaphore, #tpu.memory_space<semaphore_mem>>) src(%arg5 : memref<128xf32, #tpu.memory_space<vmem>>) dst(%dma_wait3A_92 : memref<128xf32, #tpu.memory_space<vmem_shared>>)
        tpu.yield
      }) : () -> ()
      %mul3A_79 = arith.constant 640 : i32
      %mul3A_80 = arith.muli %arg1, %mul3A_79 : i32
      %add3A_81 = arith.constant 256 : i32
      %add3A_82 = arith.addi %mul3A_80, %add3A_81 : i32
      "tpu.region"() ({
        %run_scoped3A = tpu.sem_alloc : memref<!tpu.dma_semaphore, #tpu.memory_space<semaphore_mem>>
        %dma_start3A = tpu.memref_slice %arg7[%add3A_82] : memref<10000xf32, #tpu.memory_space<vmem_shared>> -> memref<128xf32, #tpu.memory_space<vmem_shared>>
        %dma_start3A_91 = tpu.memref_slice %arg7[%add3A_82] : memref<10000xf32, #tpu.memory_space<vmem_shared>> -> memref<128xf32, #tpu.memory_space<vmem_shared>>
        tpu.enqueue_dma source(%arg5 : memref<128xf32, #tpu.memory_space<vmem>>) target(%dma_start3A_91 : memref<128xf32, #tpu.memory_space<vmem_shared>>) target_semaphore(%run_scoped3A : memref<!tpu.dma_semaphore, #tpu.memory_space<semaphore_mem>>)
        %dma_wait3A = tpu.memref_slice %arg7[%add3A_82] : memref<10000xf32, #tpu.memory_space<vmem_shared>> -> memref<128xf32, #tpu.memory_space<vmem_shared>>
        %dma_wait3A_92 = tpu.memref_slice %arg7[%add3A_82] : memref<10000xf32, #tpu.memory_space<vmem_shared>> -> memref<128xf32, #tpu.memory_space<vmem_shared>>
        tpu.wait_dma2 semaphore(%run_scoped3A : memref<!tpu.dma_semaphore, #tpu.memory_space<semaphore_mem>>) src(%arg5 : memref<128xf32, #tpu.memory_space<vmem>>) dst(%dma_wait3A_92 : memref<128xf32, #tpu.memory_space<vmem_shared>>)
        tpu.yield
      }) : () -> ()
      %mul3A_83 = arith.constant 640 : i32
      %mul3A_84 = arith.muli %arg1, %mul3A_83 : i32
      %add3A_85 = arith.constant 384 : i32
      %add3A_86 = arith.addi %mul3A_84, %add3A_85 : i32
      "tpu.region"() ({
        %run_scoped3A = tpu.sem_alloc : memref<!tpu.dma_semaphore, #tpu.memory_space<semaphore_mem>>
        %dma_start3A = tpu.memref_slice %arg7[%add3A_86] : memref<10000xf32, #tpu.memory_space<vmem_shared>> -> memref<128xf32, #tpu.memory_space<vmem_shared>>
        %dma_start3A_91 = tpu.memref_slice %arg7[%add3A_86] : memref<10000xf32, #tpu.memory_space<vmem_shared>> -> memref<128xf32, #tpu.memory_space<vmem_shared>>
        tpu.enqueue_dma source(%arg5 : memref<128xf32, #tpu.memory_space<vmem>>) target(%dma_start3A_91 : memref<128xf32, #tpu.memory_space<vmem_shared>>) target_semaphore(%run_scoped3A : memref<!tpu.dma_semaphore, #tpu.memory_space<semaphore_mem>>)
        %dma_wait3A = tpu.memref_slice %arg7[%add3A_86] : memref<10000xf32, #tpu.memory_space<vmem_shared>> -> memref<128xf32, #tpu.memory_space<vmem_shared>>
        %dma_wait3A_92 = tpu.memref_slice %arg7[%add3A_86] : memref<10000xf32, #tpu.memory_space<vmem_shared>> -> memref<128xf32, #tpu.memory_space<vmem_shared>>
        tpu.wait_dma2 semaphore(%run_scoped3A : memref<!tpu.dma_semaphore, #tpu.memory_space<semaphore_mem>>) src(%arg5 : memref<128xf32, #tpu.memory_space<vmem>>) dst(%dma_wait3A_92 : memref<128xf32, #tpu.memory_space<vmem_shared>>)
        tpu.yield
      }) : () -> ()
      %mul3A_87 = arith.constant 640 : i32
      %mul3A_88 = arith.muli %arg1, %mul3A_87 : i32
      %add3A_89 = arith.constant 512 : i32
      %add3A_90 = arith.addi %mul3A_88, %add3A_89 : i32
      "tpu.region"() ({
        %run_scoped3A = tpu.sem_alloc : memref<!tpu.dma_semaphore, #tpu.memory_space<semaphore_mem>>
        %dma_start3A = tpu.memref_slice %arg7[%add3A_90] : memref<10000xf32, #tpu.memory_space<vmem_shared>> -> memref<128xf32, #tpu.memory_space<vmem_shared>>
        %dma_start3A_91 = tpu.memref_slice %arg7[%add3A_90] : memref<10000xf32, #tpu.memory_space<vmem_shared>> -> memref<128xf32, #tpu.memory_space<vmem_shared>>
        tpu.enqueue_dma source(%arg5 : memref<128xf32, #tpu.memory_space<vmem>>) target(%dma_start3A_91 : memref<128xf32, #tpu.memory_space<vmem_shared>>) target_semaphore(%run_scoped3A : memref<!tpu.dma_semaphore, #tpu.memory_space<semaphore_mem>>)
        %dma_wait3A = tpu.memref_slice %arg7[%add3A_90] : memref<10000xf32, #tpu.memory_space<vmem_shared>> -> memref<128xf32, #tpu.memory_space<vmem_shared>>
        %dma_wait3A_92 = tpu.memref_slice %arg7[%add3A_90] : memref<10000xf32, #tpu.memory_space<vmem_shared>> -> memref<128xf32, #tpu.memory_space<vmem_shared>>
        tpu.wait_dma2 semaphore(%run_scoped3A : memref<!tpu.dma_semaphore, #tpu.memory_space<semaphore_mem>>) src(%arg5 : memref<128xf32, #tpu.memory_space<vmem>>) dst(%dma_wait3A_92 : memref<128xf32, #tpu.memory_space<vmem_shared>>)
        tpu.yield
      }) : () -> ()
    } else {
    }
    %eq3A = arith.constant 15 : i32
    %eq3A_48 = arith.cmpi eq, %arg1, %eq3A : i32
    %convert_element_type3A_49 = arith.extui %eq3A_48 : i1 to i32
    %cond3A_50 = arith.constant 0 : i32
    %cond3A_51 = arith.cmpi ne, %convert_element_type3A_49, %cond3A_50 : i32
    scf.if %cond3A_51 {
      "tpu.region"() ({
        %run_scoped3A = tpu.sem_alloc : memref<!tpu.dma_semaphore, #tpu.memory_space<semaphore_mem>>
        %dma_start3A = arith.constant 9600 : i32
        %dma_start3A_71 = tpu.memref_slice %arg7[%dma_start3A] : memref<10000xf32, #tpu.memory_space<vmem_shared>> -> memref<128xf32, #tpu.memory_space<vmem_shared>>
        %dma_start3A_72 = arith.constant 9600 : i32
        %dma_start3A_73 = tpu.memref_slice %arg7[%dma_start3A_72] : memref<10000xf32, #tpu.memory_space<vmem_shared>> -> memref<128xf32, #tpu.memory_space<vmem_shared>>
        tpu.enqueue_dma source(%arg5 : memref<128xf32, #tpu.memory_space<vmem>>) target(%dma_start3A_73 : memref<128xf32, #tpu.memory_space<vmem_shared>>) target_semaphore(%run_scoped3A : memref<!tpu.dma_semaphore, #tpu.memory_space<semaphore_mem>>)
        %dma_wait3A = arith.constant 9600 : i32
        %dma_wait3A_74 = tpu.memref_slice %arg7[%dma_wait3A] : memref<10000xf32, #tpu.memory_space<vmem_shared>> -> memref<128xf32, #tpu.memory_space<vmem_shared>>
        %dma_wait3A_75 = arith.constant 9600 : i32
        %dma_wait3A_76 = tpu.memref_slice %arg7[%dma_wait3A_75] : memref<10000xf32, #tpu.memory_space<vmem_shared>> -> memref<128xf32, #tpu.memory_space<vmem_shared>>
        tpu.wait_dma2 semaphore(%run_scoped3A : memref<!tpu.dma_semaphore, #tpu.memory_space<semaphore_mem>>) src(%arg5 : memref<128xf32, #tpu.memory_space<vmem>>) dst(%dma_wait3A_76 : memref<128xf32, #tpu.memory_space<vmem_shared>>)
        tpu.yield
      }) : () -> ()
      "tpu.region"() ({
        %run_scoped3A = tpu.sem_alloc : memref<!tpu.dma_semaphore, #tpu.memory_space<semaphore_mem>>
        %dma_start3A = arith.constant 9728 : i32
        %dma_start3A_71 = tpu.memref_slice %arg7[%dma_start3A] : memref<10000xf32, #tpu.memory_space<vmem_shared>> -> memref<128xf32, #tpu.memory_space<vmem_shared>>
        %dma_start3A_72 = arith.constant 9728 : i32
        %dma_start3A_73 = tpu.memref_slice %arg7[%dma_start3A_72] : memref<10000xf32, #tpu.memory_space<vmem_shared>> -> memref<128xf32, #tpu.memory_space<vmem_shared>>
        tpu.enqueue_dma source(%arg5 : memref<128xf32, #tpu.memory_space<vmem>>) target(%dma_start3A_73 : memref<128xf32, #tpu.memory_space<vmem_shared>>) target_semaphore(%run_scoped3A : memref<!tpu.dma_semaphore, #tpu.memory_space<semaphore_mem>>)
        %dma_wait3A = arith.constant 9728 : i32
        %dma_wait3A_74 = tpu.memref_slice %arg7[%dma_wait3A] : memref<10000xf32, #tpu.memory_space<vmem_shared>> -> memref<128xf32, #tpu.memory_space<vmem_shared>>
        %dma_wait3A_75 = arith.constant 9728 : i32
        %dma_wait3A_76 = tpu.memref_slice %arg7[%dma_wait3A_75] : memref<10000xf32, #tpu.memory_space<vmem_shared>> -> memref<128xf32, #tpu.memory_space<vmem_shared>>
        tpu.wait_dma2 semaphore(%run_scoped3A : memref<!tpu.dma_semaphore, #tpu.memory_space<semaphore_mem>>) src(%arg5 : memref<128xf32, #tpu.memory_space<vmem>>) dst(%dma_wait3A_76 : memref<128xf32, #tpu.memory_space<vmem_shared>>)
        tpu.yield
      }) : () -> ()
      "tpu.region"() ({
        %run_scoped3A = tpu.sem_alloc : memref<!tpu.dma_semaphore, #tpu.memory_space<semaphore_mem>>
        %dma_start3A = arith.constant 9856 : i32
        %dma_start3A_71 = tpu.memref_slice %arg7[%dma_start3A] : memref<10000xf32, #tpu.memory_space<vmem_shared>> -> memref<128xf32, #tpu.memory_space<vmem_shared>>
        %dma_start3A_72 = arith.constant 9856 : i32
        %dma_start3A_73 = tpu.memref_slice %arg7[%dma_start3A_72] : memref<10000xf32, #tpu.memory_space<vmem_shared>> -> memref<128xf32, #tpu.memory_space<vmem_shared>>
        tpu.enqueue_dma source(%arg5 : memref<128xf32, #tpu.memory_space<vmem>>) target(%dma_start3A_73 : memref<128xf32, #tpu.memory_space<vmem_shared>>) target_semaphore(%run_scoped3A : memref<!tpu.dma_semaphore, #tpu.memory_space<semaphore_mem>>)
        %dma_wait3A = arith.constant 9856 : i32
        %dma_wait3A_74 = tpu.memref_slice %arg7[%dma_wait3A] : memref<10000xf32, #tpu.memory_space<vmem_shared>> -> memref<128xf32, #tpu.memory_space<vmem_shared>>
        %dma_wait3A_75 = arith.constant 9856 : i32
        %dma_wait3A_76 = tpu.memref_slice %arg7[%dma_wait3A_75] : memref<10000xf32, #tpu.memory_space<vmem_shared>> -> memref<128xf32, #tpu.memory_space<vmem_shared>>
        tpu.wait_dma2 semaphore(%run_scoped3A : memref<!tpu.dma_semaphore, #tpu.memory_space<semaphore_mem>>) src(%arg5 : memref<128xf32, #tpu.memory_space<vmem>>) dst(%dma_wait3A_76 : memref<128xf32, #tpu.memory_space<vmem_shared>>)
        tpu.yield
      }) : () -> ()
      "tpu.region"() ({
        %run_scoped3A = tpu.sem_alloc : memref<!tpu.dma_semaphore, #tpu.memory_space<semaphore_mem>>
        %dma_start3A = arith.constant 0 : i32
        %dma_start3A_71 = tpu.memref_slice %arg5[%dma_start3A] : memref<128xf32, #tpu.memory_space<vmem>> -> memref<16xf32, #tpu.memory_space<vmem>>
        %dma_start3A_72 = arith.constant 9984 : i32
        %dma_start3A_73 = tpu.memref_slice %arg7[%dma_start3A_72] : memref<10000xf32, #tpu.memory_space<vmem_shared>> -> memref<16xf32, #tpu.memory_space<vmem_shared>>
        %dma_start3A_74 = arith.constant 9984 : i32
        %dma_start3A_75 = tpu.memref_slice %arg7[%dma_start3A_74] : memref<10000xf32, #tpu.memory_space<vmem_shared>> -> memref<16xf32, #tpu.memory_space<vmem_shared>>
        %dma_start3A_76 = arith.constant 0 : i32
        %dma_start3A_77 = tpu.memref_slice %arg5[%dma_start3A_76] : memref<128xf32, #tpu.memory_space<vmem>> -> memref<16xf32, #tpu.memory_space<vmem>>
        tpu.enqueue_dma source(%dma_start3A_77 : memref<16xf32, #tpu.memory_space<vmem>>) target(%dma_start3A_75 : memref<16xf32, #tpu.memory_space<vmem_shared>>) target_semaphore(%run_scoped3A : memref<!tpu.dma_semaphore, #tpu.memory_space<semaphore_mem>>)
        %dma_wait3A = arith.constant 0 : i32
        %dma_wait3A_78 = tpu.memref_slice %arg5[%dma_wait3A] : memref<128xf32, #tpu.memory_space<vmem>> -> memref<16xf32, #tpu.memory_space<vmem>>
        %dma_wait3A_79 = arith.constant 9984 : i32
        %dma_wait3A_80 = tpu.memref_slice %arg7[%dma_wait3A_79] : memref<10000xf32, #tpu.memory_space<vmem_shared>> -> memref<16xf32, #tpu.memory_space<vmem_shared>>
        %dma_wait3A_81 = arith.constant 9984 : i32
        %dma_wait3A_82 = tpu.memref_slice %arg7[%dma_wait3A_81] : memref<10000xf32, #tpu.memory_space<vmem_shared>> -> memref<16xf32, #tpu.memory_space<vmem_shared>>
        %dma_wait3A_83 = arith.constant 0 : i32
        %dma_wait3A_84 = tpu.memref_slice %arg5[%dma_wait3A_83] : memref<128xf32, #tpu.memory_space<vmem>> -> memref<16xf32, #tpu.memory_space<vmem>>
        tpu.wait_dma2 semaphore(%run_scoped3A : memref<!tpu.dma_semaphore, #tpu.memory_space<semaphore_mem>>) src(%dma_wait3A_84 : memref<16xf32, #tpu.memory_space<vmem>>) dst(%dma_wait3A_82 : memref<16xf32, #tpu.memory_space<vmem_shared>>)
        tpu.yield
      }) : () -> ()
    } else {
    }
    %barrier3A = arith.constant 0 : index
    tpu.barrier barrier_id(%barrier3A)
    %mul3A = arith.constant 16 : i32
    %mul3A_52 = arith.muli %arg0, %mul3A : i32
    %add3A = arith.addi %mul3A_52, %arg1 : i32
    %mul3A_53 = arith.constant 40 : i32
    %mul3A_54 = arith.muli %add3A, %mul3A_53 : i32
    %scan3A = arith.constant 0 : i32
    %scan3A_55 = arith.constant 0 : i32
    %scan3A_56 = arith.constant 5 : i32
    %scan3A_57 = arith.addi %scan3A_55, %scan3A_56 : i32
    %scan3A_58 = arith.constant 1 : i32
    scf.for %scan3A_71 = %scan3A_55 to %scan3A_57 step %scan3A_58  : i32 {
      %mul3A_72 = arith.constant 8 : i32
      %mul3A_73 = arith.muli %scan3A_71, %mul3A_72 : i32
      %add3A_74 = arith.addi %mul3A_54, %mul3A_73 : i32
      %run_scoped3A = arith.constant 1 : i32
      "tpu.region"() ({
        %run_scoped3A_83 = tpu.sem_alloc : memref<!tpu.dma_semaphore, #tpu.memory_space<semaphore_mem>>
        %dma_start3A = arith.constant 0 : i32
        %dma_start3A_84 = tpu.memref_slice %arg2[%run_scoped3A, %add3A_74, %dma_start3A] : memref<2x1280x125xi32, #tpu.memory_space<hbm>> -> memref<1x8x125xi32, #tpu.memory_space<hbm>>
        %dma_start3A_85 = tpu.memref_squeeze %dma_start3A_84 : memref<1x8x125xi32, #tpu.memory_space<hbm>> -> memref<8x125xi32, #tpu.memory_space<hbm>>
        %dma_start3A_86 = arith.constant 0 : i32
        %dma_start3A_87 = tpu.memref_slice %arg2[%run_scoped3A, %add3A_74, %dma_start3A_86] : memref<2x1280x125xi32, #tpu.memory_space<hbm>> -> memref<1x8x125xi32, #tpu.memory_space<hbm>>
        %dma_start3A_88 = tpu.memref_squeeze %dma_start3A_87 : memref<1x8x125xi32, #tpu.memory_space<hbm>> -> memref<8x125xi32, #tpu.memory_space<hbm>>
        tpu.enqueue_dma source(%dma_start3A_88 : memref<8x125xi32, #tpu.memory_space<hbm>>) target(%arg4 : memref<8x125xi32, #tpu.memory_space<vmem>>) target_semaphore(%run_scoped3A_83 : memref<!tpu.dma_semaphore, #tpu.memory_space<semaphore_mem>>)
        %dma_wait3A = arith.constant 0 : i32
        %dma_wait3A_89 = tpu.memref_slice %arg2[%run_scoped3A, %add3A_74, %dma_wait3A] : memref<2x1280x125xi32, #tpu.memory_space<hbm>> -> memref<1x8x125xi32, #tpu.memory_space<hbm>>
        %dma_wait3A_90 = tpu.memref_squeeze %dma_wait3A_89 : memref<1x8x125xi32, #tpu.memory_space<hbm>> -> memref<8x125xi32, #tpu.memory_space<hbm>>
        %dma_wait3A_91 = arith.constant 0 : i32
        %dma_wait3A_92 = tpu.memref_slice %arg2[%run_scoped3A, %add3A_74, %dma_wait3A_91] : memref<2x1280x125xi32, #tpu.memory_space<hbm>> -> memref<1x8x125xi32, #tpu.memory_space<hbm>>
        %dma_wait3A_93 = tpu.memref_squeeze %dma_wait3A_92 : memref<1x8x125xi32, #tpu.memory_space<hbm>> -> memref<8x125xi32, #tpu.memory_space<hbm>>
        tpu.wait_dma2 semaphore(%run_scoped3A_83 : memref<!tpu.dma_semaphore, #tpu.memory_space<semaphore_mem>>) src(%dma_wait3A_93 : memref<8x125xi32, #tpu.memory_space<hbm>>) dst(%arg4 : memref<8x125xi32, #tpu.memory_space<vmem>>)
        tpu.yield
      }) : () -> ()
      %run_scoped3A_75 = arith.constant 0 : i32
      "tpu.region"() ({
        %run_scoped3A_83 = tpu.sem_alloc : memref<!tpu.dma_semaphore, #tpu.memory_space<semaphore_mem>>
        %dma_start3A = arith.constant 0 : i32
        %dma_start3A_84 = tpu.memref_slice %arg5[%dma_start3A] : memref<128xf32, #tpu.memory_space<vmem>> -> memref<125xf32, #tpu.memory_space<vmem>>
        %dma_start3A_85 = arith.constant 0 : i32
        %dma_start3A_86 = tpu.memref_slice %arg4[%run_scoped3A_75, %dma_start3A_85] : memref<8x125xi32, #tpu.memory_space<vmem>> -> memref<1x125xi32, #tpu.memory_space<vmem>>
        %dma_start3A_87 = tpu.memref_squeeze %dma_start3A_86 : memref<1x125xi32, #tpu.memory_space<vmem>> -> memref<125xi32, #tpu.memory_space<vmem>>
        %dma_start3A_88 = arith.constant 0 : i32
        %dma_start3A_89 = tpu.memref_slice %arg7[%dma_start3A_88] : memref<10000xf32, #tpu.memory_space<vmem_shared>> -> memref<10000xf32, #tpu.memory_space<vmem_shared>>
        tpu.enqueue_indirect_dma source(%dma_start3A_84 : memref<125xf32, #tpu.memory_space<vmem>>) target(%dma_start3A_89 : memref<10000xf32, #tpu.memory_space<vmem_shared>>) offsets(%dma_start3A_87 : memref<125xi32, #tpu.memory_space<vmem>>) semaphore(%run_scoped3A_83 : memref<!tpu.dma_semaphore, #tpu.memory_space<semaphore_mem>>) {add = true}
        %dma_wait3A = arith.constant 0 : i32
        %dma_wait3A_90 = tpu.memref_slice %arg5[%dma_wait3A] : memref<128xf32, #tpu.memory_space<vmem>> -> memref<125xf32, #tpu.memory_space<vmem>>
        %dma_wait3A_91 = arith.constant 0 : i32
        %dma_wait3A_92 = tpu.memref_slice %arg4[%run_scoped3A_75, %dma_wait3A_91] : memref<8x125xi32, #tpu.memory_space<vmem>> -> memref<1x125xi32, #tpu.memory_space<vmem>>
        %dma_wait3A_93 = tpu.memref_squeeze %dma_wait3A_92 : memref<1x125xi32, #tpu.memory_space<vmem>> -> memref<125xi32, #tpu.memory_space<vmem>>
        %dma_wait3A_94 = arith.constant 0 : i32
        %dma_wait3A_95 = tpu.memref_slice %arg7[%dma_wait3A_94] : memref<10000xf32, #tpu.memory_space<vmem_shared>> -> memref<10000xf32, #tpu.memory_space<vmem_shared>>
        tpu.wait_indirect_dma semaphore(%run_scoped3A_83 : memref<!tpu.dma_semaphore, #tpu.memory_space<semaphore_mem>>) src(%dma_wait3A_90 : memref<125xf32, #tpu.memory_space<vmem>>) dst(%dma_wait3A_95 : memref<10000xf32, #tpu.memory_space<vmem_shared>>)
        tpu.yield
      }) : () -> ()
      %run_scoped3A_76 = arith.constant 1 : i32
      "tpu.region"() ({
        %run_scoped3A_83 = tpu.sem_alloc : memref<!tpu.dma_semaphore, #tpu.memory_space<semaphore_mem>>
        %dma_start3A = arith.constant 0 : i32
        %dma_start3A_84 = tpu.memref_slice %arg5[%dma_start3A] : memref<128xf32, #tpu.memory_space<vmem>> -> memref<125xf32, #tpu.memory_space<vmem>>
        %dma_start3A_85 = arith.constant 0 : i32
        %dma_start3A_86 = tpu.memref_slice %arg4[%run_scoped3A_76, %dma_start3A_85] : memref<8x125xi32, #tpu.memory_space<vmem>> -> memref<1x125xi32, #tpu.memory_space<vmem>>
        %dma_start3A_87 = tpu.memref_squeeze %dma_start3A_86 : memref<1x125xi32, #tpu.memory_space<vmem>> -> memref<125xi32, #tpu.memory_space<vmem>>
        %dma_start3A_88 = arith.constant 0 : i32
        %dma_start3A_89 = tpu.memref_slice %arg7[%dma_start3A_88] : memref<10000xf32, #tpu.memory_space<vmem_shared>> -> memref<10000xf32, #tpu.memory_space<vmem_shared>>
        tpu.enqueue_indirect_dma source(%dma_start3A_84 : memref<125xf32, #tpu.memory_space<vmem>>) target(%dma_start3A_89 : memref<10000xf32, #tpu.memory_space<vmem_shared>>) offsets(%dma_start3A_87 : memref<125xi32, #tpu.memory_space<vmem>>) semaphore(%run_scoped3A_83 : memref<!tpu.dma_semaphore, #tpu.memory_space<semaphore_mem>>) {add = true}
        %dma_wait3A = arith.constant 0 : i32
        %dma_wait3A_90 = tpu.memref_slice %arg5[%dma_wait3A] : memref<128xf32, #tpu.memory_space<vmem>> -> memref<125xf32, #tpu.memory_space<vmem>>
        %dma_wait3A_91 = arith.constant 0 : i32
        %dma_wait3A_92 = tpu.memref_slice %arg4[%run_scoped3A_76, %dma_wait3A_91] : memref<8x125xi32, #tpu.memory_space<vmem>> -> memref<1x125xi32, #tpu.memory_space<vmem>>
        %dma_wait3A_93 = tpu.memref_squeeze %dma_wait3A_92 : memref<1x125xi32, #tpu.memory_space<vmem>> -> memref<125xi32, #tpu.memory_space<vmem>>
        %dma_wait3A_94 = arith.constant 0 : i32
        %dma_wait3A_95 = tpu.memref_slice %arg7[%dma_wait3A_94] : memref<10000xf32, #tpu.memory_space<vmem_shared>> -> memref<10000xf32, #tpu.memory_space<vmem_shared>>
        tpu.wait_indirect_dma semaphore(%run_scoped3A_83 : memref<!tpu.dma_semaphore, #tpu.memory_space<semaphore_mem>>) src(%dma_wait3A_90 : memref<125xf32, #tpu.memory_space<vmem>>) dst(%dma_wait3A_95 : memref<10000xf32, #tpu.memory_space<vmem_shared>>)
        tpu.yield
      }) : () -> ()
      %run_scoped3A_77 = arith.constant 2 : i32
      "tpu.region"() ({
        %run_scoped3A_83 = tpu.sem_alloc : memref<!tpu.dma_semaphore, #tpu.memory_space<semaphore_mem>>
        %dma_start3A = arith.constant 0 : i32
        %dma_start3A_84 = tpu.memref_slice %arg5[%dma_start3A] : memref<128xf32, #tpu.memory_space<vmem>> -> memref<125xf32, #tpu.memory_space<vmem>>
        %dma_start3A_85 = arith.constant 0 : i32
        %dma_start3A_86 = tpu.memref_slice %arg4[%run_scoped3A_77, %dma_start3A_85] : memref<8x125xi32, #tpu.memory_space<vmem>> -> memref<1x125xi32, #tpu.memory_space<vmem>>
        %dma_start3A_87 = tpu.memref_squeeze %dma_start3A_86 : memref<1x125xi32, #tpu.memory_space<vmem>> -> memref<125xi32, #tpu.memory_space<vmem>>
        %dma_start3A_88 = arith.constant 0 : i32
        %dma_start3A_89 = tpu.memref_slice %arg7[%dma_start3A_88] : memref<10000xf32, #tpu.memory_space<vmem_shared>> -> memref<10000xf32, #tpu.memory_space<vmem_shared>>
        tpu.enqueue_indirect_dma source(%dma_start3A_84 : memref<125xf32, #tpu.memory_space<vmem>>) target(%dma_start3A_89 : memref<10000xf32, #tpu.memory_space<vmem_shared>>) offsets(%dma_start3A_87 : memref<125xi32, #tpu.memory_space<vmem>>) semaphore(%run_scoped3A_83 : memref<!tpu.dma_semaphore, #tpu.memory_space<semaphore_mem>>) {add = true}
        %dma_wait3A = arith.constant 0 : i32
        %dma_wait3A_90 = tpu.memref_slice %arg5[%dma_wait3A] : memref<128xf32, #tpu.memory_space<vmem>> -> memref<125xf32, #tpu.memory_space<vmem>>
        %dma_wait3A_91 = arith.constant 0 : i32
        %dma_wait3A_92 = tpu.memref_slice %arg4[%run_scoped3A_77, %dma_wait3A_91] : memref<8x125xi32, #tpu.memory_space<vmem>> -> memref<1x125xi32, #tpu.memory_space<vmem>>
        %dma_wait3A_93 = tpu.memref_squeeze %dma_wait3A_92 : memref<1x125xi32, #tpu.memory_space<vmem>> -> memref<125xi32, #tpu.memory_space<vmem>>
        %dma_wait3A_94 = arith.constant 0 : i32
        %dma_wait3A_95 = tpu.memref_slice %arg7[%dma_wait3A_94] : memref<10000xf32, #tpu.memory_space<vmem_shared>> -> memref<10000xf32, #tpu.memory_space<vmem_shared>>
        tpu.wait_indirect_dma semaphore(%run_scoped3A_83 : memref<!tpu.dma_semaphore, #tpu.memory_space<semaphore_mem>>) src(%dma_wait3A_90 : memref<125xf32, #tpu.memory_space<vmem>>) dst(%dma_wait3A_95 : memref<10000xf32, #tpu.memory_space<vmem_shared>>)
        tpu.yield
      }) : () -> ()
      %run_scoped3A_78 = arith.constant 3 : i32
      "tpu.region"() ({
        %run_scoped3A_83 = tpu.sem_alloc : memref<!tpu.dma_semaphore, #tpu.memory_space<semaphore_mem>>
        %dma_start3A = arith.constant 0 : i32
        %dma_start3A_84 = tpu.memref_slice %arg5[%dma_start3A] : memref<128xf32, #tpu.memory_space<vmem>> -> memref<125xf32, #tpu.memory_space<vmem>>
        %dma_start3A_85 = arith.constant 0 : i32
        %dma_start3A_86 = tpu.memref_slice %arg4[%run_scoped3A_78, %dma_start3A_85] : memref<8x125xi32, #tpu.memory_space<vmem>> -> memref<1x125xi32, #tpu.memory_space<vmem>>
        %dma_start3A_87 = tpu.memref_squeeze %dma_start3A_86 : memref<1x125xi32, #tpu.memory_space<vmem>> -> memref<125xi32, #tpu.memory_space<vmem>>
        %dma_start3A_88 = arith.constant 0 : i32
        %dma_start3A_89 = tpu.memref_slice %arg7[%dma_start3A_88] : memref<10000xf32, #tpu.memory_space<vmem_shared>> -> memref<10000xf32, #tpu.memory_space<vmem_shared>>
        tpu.enqueue_indirect_dma source(%dma_start3A_84 : memref<125xf32, #tpu.memory_space<vmem>>) target(%dma_start3A_89 : memref<10000xf32, #tpu.memory_space<vmem_shared>>) offsets(%dma_start3A_87 : memref<125xi32, #tpu.memory_space<vmem>>) semaphore(%run_scoped3A_83 : memref<!tpu.dma_semaphore, #tpu.memory_space<semaphore_mem>>) {add = true}
        %dma_wait3A = arith.constant 0 : i32
        %dma_wait3A_90 = tpu.memref_slice %arg5[%dma_wait3A] : memref<128xf32, #tpu.memory_space<vmem>> -> memref<125xf32, #tpu.memory_space<vmem>>
        %dma_wait3A_91 = arith.constant 0 : i32
        %dma_wait3A_92 = tpu.memref_slice %arg4[%run_scoped3A_78, %dma_wait3A_91] : memref<8x125xi32, #tpu.memory_space<vmem>> -> memref<1x125xi32, #tpu.memory_space<vmem>>
        %dma_wait3A_93 = tpu.memref_squeeze %dma_wait3A_92 : memref<1x125xi32, #tpu.memory_space<vmem>> -> memref<125xi32, #tpu.memory_space<vmem>>
        %dma_wait3A_94 = arith.constant 0 : i32
        %dma_wait3A_95 = tpu.memref_slice %arg7[%dma_wait3A_94] : memref<10000xf32, #tpu.memory_space<vmem_shared>> -> memref<10000xf32, #tpu.memory_space<vmem_shared>>
        tpu.wait_indirect_dma semaphore(%run_scoped3A_83 : memref<!tpu.dma_semaphore, #tpu.memory_space<semaphore_mem>>) src(%dma_wait3A_90 : memref<125xf32, #tpu.memory_space<vmem>>) dst(%dma_wait3A_95 : memref<10000xf32, #tpu.memory_space<vmem_shared>>)
        tpu.yield
      }) : () -> ()
      %run_scoped3A_79 = arith.constant 4 : i32
      "tpu.region"() ({
        %run_scoped3A_83 = tpu.sem_alloc : memref<!tpu.dma_semaphore, #tpu.memory_space<semaphore_mem>>
        %dma_start3A = arith.constant 0 : i32
        %dma_start3A_84 = tpu.memref_slice %arg5[%dma_start3A] : memref<128xf32, #tpu.memory_space<vmem>> -> memref<125xf32, #tpu.memory_space<vmem>>
        %dma_start3A_85 = arith.constant 0 : i32
        %dma_start3A_86 = tpu.memref_slice %arg4[%run_scoped3A_79, %dma_start3A_85] : memref<8x125xi32, #tpu.memory_space<vmem>> -> memref<1x125xi32, #tpu.memory_space<vmem>>
        %dma_start3A_87 = tpu.memref_squeeze %dma_start3A_86 : memref<1x125xi32, #tpu.memory_space<vmem>> -> memref<125xi32, #tpu.memory_space<vmem>>
        %dma_start3A_88 = arith.constant 0 : i32
        %dma_start3A_89 = tpu.memref_slice %arg7[%dma_start3A_88] : memref<10000xf32, #tpu.memory_space<vmem_shared>> -> memref<10000xf32, #tpu.memory_space<vmem_shared>>
        tpu.enqueue_indirect_dma source(%dma_start3A_84 : memref<125xf32, #tpu.memory_space<vmem>>) target(%dma_start3A_89 : memref<10000xf32, #tpu.memory_space<vmem_shared>>) offsets(%dma_start3A_87 : memref<125xi32, #tpu.memory_space<vmem>>) semaphore(%run_scoped3A_83 : memref<!tpu.dma_semaphore, #tpu.memory_space<semaphore_mem>>) {add = true}
        %dma_wait3A = arith.constant 0 : i32
        %dma_wait3A_90 = tpu.memref_slice %arg5[%dma_wait3A] : memref<128xf32, #tpu.memory_space<vmem>> -> memref<125xf32, #tpu.memory_space<vmem>>
        %dma_wait3A_91 = arith.constant 0 : i32
        %dma_wait3A_92 = tpu.memref_slice %arg4[%run_scoped3A_79, %dma_wait3A_91] : memref<8x125xi32, #tpu.memory_space<vmem>> -> memref<1x125xi32, #tpu.memory_space<vmem>>
        %dma_wait3A_93 = tpu.memref_squeeze %dma_wait3A_92 : memref<1x125xi32, #tpu.memory_space<vmem>> -> memref<125xi32, #tpu.memory_space<vmem>>
        %dma_wait3A_94 = arith.constant 0 : i32
        %dma_wait3A_95 = tpu.memref_slice %arg7[%dma_wait3A_94] : memref<10000xf32, #tpu.memory_space<vmem_shared>> -> memref<10000xf32, #tpu.memory_space<vmem_shared>>
        tpu.wait_indirect_dma semaphore(%run_scoped3A_83 : memref<!tpu.dma_semaphore, #tpu.memory_space<semaphore_mem>>) src(%dma_wait3A_90 : memref<125xf32, #tpu.memory_space<vmem>>) dst(%dma_wait3A_95 : memref<10000xf32, #tpu.memory_space<vmem_shared>>)
        tpu.yield
      }) : () -> ()
      %run_scoped3A_80 = arith.constant 5 : i32
      "tpu.region"() ({
        %run_scoped3A_83 = tpu.sem_alloc : memref<!tpu.dma_semaphore, #tpu.memory_space<semaphore_mem>>
        %dma_start3A = arith.constant 0 : i32
        %dma_start3A_84 = tpu.memref_slice %arg5[%dma_start3A] : memref<128xf32, #tpu.memory_space<vmem>> -> memref<125xf32, #tpu.memory_space<vmem>>
        %dma_start3A_85 = arith.constant 0 : i32
        %dma_start3A_86 = tpu.memref_slice %arg4[%run_scoped3A_80, %dma_start3A_85] : memref<8x125xi32, #tpu.memory_space<vmem>> -> memref<1x125xi32, #tpu.memory_space<vmem>>
        %dma_start3A_87 = tpu.memref_squeeze %dma_start3A_86 : memref<1x125xi32, #tpu.memory_space<vmem>> -> memref<125xi32, #tpu.memory_space<vmem>>
        %dma_start3A_88 = arith.constant 0 : i32
        %dma_start3A_89 = tpu.memref_slice %arg7[%dma_start3A_88] : memref<10000xf32, #tpu.memory_space<vmem_shared>> -> memref<10000xf32, #tpu.memory_space<vmem_shared>>
        tpu.enqueue_indirect_dma source(%dma_start3A_84 : memref<125xf32, #tpu.memory_space<vmem>>) target(%dma_start3A_89 : memref<10000xf32, #tpu.memory_space<vmem_shared>>) offsets(%dma_start3A_87 : memref<125xi32, #tpu.memory_space<vmem>>) semaphore(%run_scoped3A_83 : memref<!tpu.dma_semaphore, #tpu.memory_space<semaphore_mem>>) {add = true}
        %dma_wait3A = arith.constant 0 : i32
        %dma_wait3A_90 = tpu.memref_slice %arg5[%dma_wait3A] : memref<128xf32, #tpu.memory_space<vmem>> -> memref<125xf32, #tpu.memory_space<vmem>>
        %dma_wait3A_91 = arith.constant 0 : i32
        %dma_wait3A_92 = tpu.memref_slice %arg4[%run_scoped3A_80, %dma_wait3A_91] : memref<8x125xi32, #tpu.memory_space<vmem>> -> memref<1x125xi32, #tpu.memory_space<vmem>>
        %dma_wait3A_93 = tpu.memref_squeeze %dma_wait3A_92 : memref<1x125xi32, #tpu.memory_space<vmem>> -> memref<125xi32, #tpu.memory_space<vmem>>
        %dma_wait3A_94 = arith.constant 0 : i32
        %dma_wait3A_95 = tpu.memref_slice %arg7[%dma_wait3A_94] : memref<10000xf32, #tpu.memory_space<vmem_shared>> -> memref<10000xf32, #tpu.memory_space<vmem_shared>>
        tpu.wait_indirect_dma semaphore(%run_scoped3A_83 : memref<!tpu.dma_semaphore, #tpu.memory_space<semaphore_mem>>) src(%dma_wait3A_90 : memref<125xf32, #tpu.memory_space<vmem>>) dst(%dma_wait3A_95 : memref<10000xf32, #tpu.memory_space<vmem_shared>>)
        tpu.yield
      }) : () -> ()
      %run_scoped3A_81 = arith.constant 6 : i32
      "tpu.region"() ({
        %run_scoped3A_83 = tpu.sem_alloc : memref<!tpu.dma_semaphore, #tpu.memory_space<semaphore_mem>>
        %dma_start3A = arith.constant 0 : i32
        %dma_start3A_84 = tpu.memref_slice %arg5[%dma_start3A] : memref<128xf32, #tpu.memory_space<vmem>> -> memref<125xf32, #tpu.memory_space<vmem>>
        %dma_start3A_85 = arith.constant 0 : i32
        %dma_start3A_86 = tpu.memref_slice %arg4[%run_scoped3A_81, %dma_start3A_85] : memref<8x125xi32, #tpu.memory_space<vmem>> -> memref<1x125xi32, #tpu.memory_space<vmem>>
        %dma_start3A_87 = tpu.memref_squeeze %dma_start3A_86 : memref<1x125xi32, #tpu.memory_space<vmem>> -> memref<125xi32, #tpu.memory_space<vmem>>
        %dma_start3A_88 = arith.constant 0 : i32
        %dma_start3A_89 = tpu.memref_slice %arg7[%dma_start3A_88] : memref<10000xf32, #tpu.memory_space<vmem_shared>> -> memref<10000xf32, #tpu.memory_space<vmem_shared>>
        tpu.enqueue_indirect_dma source(%dma_start3A_84 : memref<125xf32, #tpu.memory_space<vmem>>) target(%dma_start3A_89 : memref<10000xf32, #tpu.memory_space<vmem_shared>>) offsets(%dma_start3A_87 : memref<125xi32, #tpu.memory_space<vmem>>) semaphore(%run_scoped3A_83 : memref<!tpu.dma_semaphore, #tpu.memory_space<semaphore_mem>>) {add = true}
        %dma_wait3A = arith.constant 0 : i32
        %dma_wait3A_90 = tpu.memref_slice %arg5[%dma_wait3A] : memref<128xf32, #tpu.memory_space<vmem>> -> memref<125xf32, #tpu.memory_space<vmem>>
        %dma_wait3A_91 = arith.constant 0 : i32
        %dma_wait3A_92 = tpu.memref_slice %arg4[%run_scoped3A_81, %dma_wait3A_91] : memref<8x125xi32, #tpu.memory_space<vmem>> -> memref<1x125xi32, #tpu.memory_space<vmem>>
        %dma_wait3A_93 = tpu.memref_squeeze %dma_wait3A_92 : memref<1x125xi32, #tpu.memory_space<vmem>> -> memref<125xi32, #tpu.memory_space<vmem>>
        %dma_wait3A_94 = arith.constant 0 : i32
        %dma_wait3A_95 = tpu.memref_slice %arg7[%dma_wait3A_94] : memref<10000xf32, #tpu.memory_space<vmem_shared>> -> memref<10000xf32, #tpu.memory_space<vmem_shared>>
        tpu.wait_indirect_dma semaphore(%run_scoped3A_83 : memref<!tpu.dma_semaphore, #tpu.memory_space<semaphore_mem>>) src(%dma_wait3A_90 : memref<125xf32, #tpu.memory_space<vmem>>) dst(%dma_wait3A_95 : memref<10000xf32, #tpu.memory_space<vmem_shared>>)
        tpu.yield
      }) : () -> ()
      %run_scoped3A_82 = arith.constant 7 : i32
      "tpu.region"() ({
        %run_scoped3A_83 = tpu.sem_alloc : memref<!tpu.dma_semaphore, #tpu.memory_space<semaphore_mem>>
        %dma_start3A = arith.constant 0 : i32
        %dma_start3A_84 = tpu.memref_slice %arg5[%dma_start3A] : memref<128xf32, #tpu.memory_space<vmem>> -> memref<125xf32, #tpu.memory_space<vmem>>
        %dma_start3A_85 = arith.constant 0 : i32
        %dma_start3A_86 = tpu.memref_slice %arg4[%run_scoped3A_82, %dma_start3A_85] : memref<8x125xi32, #tpu.memory_space<vmem>> -> memref<1x125xi32, #tpu.memory_space<vmem>>
        %dma_start3A_87 = tpu.memref_squeeze %dma_start3A_86 : memref<1x125xi32, #tpu.memory_space<vmem>> -> memref<125xi32, #tpu.memory_space<vmem>>
        %dma_start3A_88 = arith.constant 0 : i32
        %dma_start3A_89 = tpu.memref_slice %arg7[%dma_start3A_88] : memref<10000xf32, #tpu.memory_space<vmem_shared>> -> memref<10000xf32, #tpu.memory_space<vmem_shared>>
        tpu.enqueue_indirect_dma source(%dma_start3A_84 : memref<125xf32, #tpu.memory_space<vmem>>) target(%dma_start3A_89 : memref<10000xf32, #tpu.memory_space<vmem_shared>>) offsets(%dma_start3A_87 : memref<125xi32, #tpu.memory_space<vmem>>) semaphore(%run_scoped3A_83 : memref<!tpu.dma_semaphore, #tpu.memory_space<semaphore_mem>>) {add = true}
        %dma_wait3A = arith.constant 0 : i32
        %dma_wait3A_90 = tpu.memref_slice %arg5[%dma_wait3A] : memref<128xf32, #tpu.memory_space<vmem>> -> memref<125xf32, #tpu.memory_space<vmem>>
        %dma_wait3A_91 = arith.constant 0 : i32
        %dma_wait3A_92 = tpu.memref_slice %arg4[%run_scoped3A_82, %dma_wait3A_91] : memref<8x125xi32, #tpu.memory_space<vmem>> -> memref<1x125xi32, #tpu.memory_space<vmem>>
        %dma_wait3A_93 = tpu.memref_squeeze %dma_wait3A_92 : memref<1x125xi32, #tpu.memory_space<vmem>> -> memref<125xi32, #tpu.memory_space<vmem>>
        %dma_wait3A_94 = arith.constant 0 : i32
        %dma_wait3A_95 = tpu.memref_slice %arg7[%dma_wait3A_94] : memref<10000xf32, #tpu.memory_space<vmem_shared>> -> memref<10000xf32, #tpu.memory_space<vmem_shared>>
        tpu.wait_indirect_dma semaphore(%run_scoped3A_83 : memref<!tpu.dma_semaphore, #tpu.memory_space<semaphore_mem>>) src(%dma_wait3A_90 : memref<125xf32, #tpu.memory_space<vmem>>) dst(%dma_wait3A_95 : memref<10000xf32, #tpu.memory_space<vmem_shared>>)
        tpu.yield
      }) : () -> ()
    }
    %scan3A_59 = arith.constant 5 : i32
    %barrier3A_60 = arith.constant 0 : index
    tpu.barrier barrier_id(%barrier3A_60)
    %lt3A_61 = arith.constant 15 : i32
    %lt3A_62 = arith.cmpi slt, %arg1, %lt3A_61 : i32
    %convert_element_type3A_63 = arith.extui %lt3A_62 : i1 to i32
    %cond3A_64 = arith.constant 0 : i32
    %cond3A_65 = arith.cmpi ne, %convert_element_type3A_63, %cond3A_64 : i32
    scf.if %cond3A_65 {
      %mul3A_71 = arith.constant 640 : i32
      %mul3A_72 = arith.muli %arg1, %mul3A_71 : i32
      %add3A_73 = arith.constant 0 : i32
      %add3A_74 = arith.addi %mul3A_72, %add3A_73 : i32
      "tpu.region"() ({
        %run_scoped3A = tpu.sem_alloc : memref<!tpu.dma_semaphore, #tpu.memory_space<semaphore_mem>>
        %dma_start3A = tpu.memref_slice %arg7[%add3A_74] : memref<10000xf32, #tpu.memory_space<vmem_shared>> -> memref<128xf32, #tpu.memory_space<vmem_shared>>
        %dma_start3A_126 = tpu.memref_slice %arg7[%add3A_74] : memref<10000xf32, #tpu.memory_space<vmem_shared>> -> memref<128xf32, #tpu.memory_space<vmem_shared>>
        tpu.enqueue_dma source(%dma_start3A_126 : memref<128xf32, #tpu.memory_space<vmem_shared>>) target(%arg6 : memref<128xf32, #tpu.memory_space<vmem>>) target_semaphore(%run_scoped3A : memref<!tpu.dma_semaphore, #tpu.memory_space<semaphore_mem>>)
        %dma_wait3A = tpu.memref_slice %arg7[%add3A_74] : memref<10000xf32, #tpu.memory_space<vmem_shared>> -> memref<128xf32, #tpu.memory_space<vmem_shared>>
        %dma_wait3A_127 = tpu.memref_slice %arg7[%add3A_74] : memref<10000xf32, #tpu.memory_space<vmem_shared>> -> memref<128xf32, #tpu.memory_space<vmem_shared>>
        tpu.wait_dma2 semaphore(%run_scoped3A : memref<!tpu.dma_semaphore, #tpu.memory_space<semaphore_mem>>) src(%dma_wait3A_127 : memref<128xf32, #tpu.memory_space<vmem_shared>>) dst(%arg6 : memref<128xf32, #tpu.memory_space<vmem>>)
        tpu.yield
      }) : () -> ()
      %mul3A_75 = arith.constant 10000 : i32
      %mul3A_76 = arith.muli %arg0, %mul3A_75 : i32
      %mul3A_77 = arith.constant 640 : i32
      %mul3A_78 = arith.muli %arg1, %mul3A_77 : i32
      %add3A_79 = arith.addi %mul3A_76, %mul3A_78 : i32
      %add3A_80 = arith.constant 0 : i32
      %add3A_81 = arith.addi %add3A_79, %add3A_80 : i32
      "tpu.region"() ({
        %run_scoped3A = tpu.sem_alloc : memref<!tpu.dma_semaphore, #tpu.memory_space<semaphore_mem>>
        %dma_start3A = tpu.memref_slice %arg3[%add3A_81] : memref<20000xf32, #tpu.memory_space<hbm>> -> memref<128xf32, #tpu.memory_space<hbm>>
        %dma_start3A_126 = tpu.memref_slice %arg3[%add3A_81] : memref<20000xf32, #tpu.memory_space<hbm>> -> memref<128xf32, #tpu.memory_space<hbm>>
        tpu.enqueue_dma source(%arg6 : memref<128xf32, #tpu.memory_space<vmem>>) target(%dma_start3A_126 : memref<128xf32, #tpu.memory_space<hbm>>) target_semaphore(%run_scoped3A : memref<!tpu.dma_semaphore, #tpu.memory_space<semaphore_mem>>)
        %dma_wait3A = tpu.memref_slice %arg3[%add3A_81] : memref<20000xf32, #tpu.memory_space<hbm>> -> memref<128xf32, #tpu.memory_space<hbm>>
        %dma_wait3A_127 = tpu.memref_slice %arg3[%add3A_81] : memref<20000xf32, #tpu.memory_space<hbm>> -> memref<128xf32, #tpu.memory_space<hbm>>
        tpu.wait_dma2 semaphore(%run_scoped3A : memref<!tpu.dma_semaphore, #tpu.memory_space<semaphore_mem>>) src(%arg6 : memref<128xf32, #tpu.memory_space<vmem>>) dst(%dma_wait3A_127 : memref<128xf32, #tpu.memory_space<hbm>>)
        tpu.yield
      }) : () -> ()
      %mul3A_82 = arith.constant 640 : i32
      %mul3A_83 = arith.muli %arg1, %mul3A_82 : i32
      %add3A_84 = arith.constant 128 : i32
      %add3A_85 = arith.addi %mul3A_83, %add3A_84 : i32
      "tpu.region"() ({
        %run_scoped3A = tpu.sem_alloc : memref<!tpu.dma_semaphore, #tpu.memory_space<semaphore_mem>>
        %dma_start3A = tpu.memref_slice %arg7[%add3A_85] : memref<10000xf32, #tpu.memory_space<vmem_shared>> -> memref<128xf32, #tpu.memory_space<vmem_shared>>
        %dma_start3A_126 = tpu.memref_slice %arg7[%add3A_85] : memref<10000xf32, #tpu.memory_space<vmem_shared>> -> memref<128xf32, #tpu.memory_space<vmem_shared>>
        tpu.enqueue_dma source(%dma_start3A_126 : memref<128xf32, #tpu.memory_space<vmem_shared>>) target(%arg6 : memref<128xf32, #tpu.memory_space<vmem>>) target_semaphore(%run_scoped3A : memref<!tpu.dma_semaphore, #tpu.memory_space<semaphore_mem>>)
        %dma_wait3A = tpu.memref_slice %arg7[%add3A_85] : memref<10000xf32, #tpu.memory_space<vmem_shared>> -> memref<128xf32, #tpu.memory_space<vmem_shared>>
        %dma_wait3A_127 = tpu.memref_slice %arg7[%add3A_85] : memref<10000xf32, #tpu.memory_space<vmem_shared>> -> memref<128xf32, #tpu.memory_space<vmem_shared>>
        tpu.wait_dma2 semaphore(%run_scoped3A : memref<!tpu.dma_semaphore, #tpu.memory_space<semaphore_mem>>) src(%dma_wait3A_127 : memref<128xf32, #tpu.memory_space<vmem_shared>>) dst(%arg6 : memref<128xf32, #tpu.memory_space<vmem>>)
        tpu.yield
      }) : () -> ()
      %mul3A_86 = arith.constant 10000 : i32
      %mul3A_87 = arith.muli %arg0, %mul3A_86 : i32
      %mul3A_88 = arith.constant 640 : i32
      %mul3A_89 = arith.muli %arg1, %mul3A_88 : i32
      %add3A_90 = arith.addi %mul3A_87, %mul3A_89 : i32
      %add3A_91 = arith.constant 128 : i32
      %add3A_92 = arith.addi %add3A_90, %add3A_91 : i32
      "tpu.region"() ({
        %run_scoped3A = tpu.sem_alloc : memref<!tpu.dma_semaphore, #tpu.memory_space<semaphore_mem>>
        %dma_start3A = tpu.memref_slice %arg3[%add3A_92] : memref<20000xf32, #tpu.memory_space<hbm>> -> memref<128xf32, #tpu.memory_space<hbm>>
        %dma_start3A_126 = tpu.memref_slice %arg3[%add3A_92] : memref<20000xf32, #tpu.memory_space<hbm>> -> memref<128xf32, #tpu.memory_space<hbm>>
        tpu.enqueue_dma source(%arg6 : memref<128xf32, #tpu.memory_space<vmem>>) target(%dma_start3A_126 : memref<128xf32, #tpu.memory_space<hbm>>) target_semaphore(%run_scoped3A : memref<!tpu.dma_semaphore, #tpu.memory_space<semaphore_mem>>)
        %dma_wait3A = tpu.memref_slice %arg3[%add3A_92] : memref<20000xf32, #tpu.memory_space<hbm>> -> memref<128xf32, #tpu.memory_space<hbm>>
        %dma_wait3A_127 = tpu.memref_slice %arg3[%add3A_92] : memref<20000xf32, #tpu.memory_space<hbm>> -> memref<128xf32, #tpu.memory_space<hbm>>
        tpu.wait_dma2 semaphore(%run_scoped3A : memref<!tpu.dma_semaphore, #tpu.memory_space<semaphore_mem>>) src(%arg6 : memref<128xf32, #tpu.memory_space<vmem>>) dst(%dma_wait3A_127 : memref<128xf32, #tpu.memory_space<hbm>>)
        tpu.yield
      }) : () -> ()
      %mul3A_93 = arith.constant 640 : i32
      %mul3A_94 = arith.muli %arg1, %mul3A_93 : i32
      %add3A_95 = arith.constant 256 : i32
      %add3A_96 = arith.addi %mul3A_94, %add3A_95 : i32
      "tpu.region"() ({
        %run_scoped3A = tpu.sem_alloc : memref<!tpu.dma_semaphore, #tpu.memory_space<semaphore_mem>>
        %dma_start3A = tpu.memref_slice %arg7[%add3A_96] : memref<10000xf32, #tpu.memory_space<vmem_shared>> -> memref<128xf32, #tpu.memory_space<vmem_shared>>
        %dma_start3A_126 = tpu.memref_slice %arg7[%add3A_96] : memref<10000xf32, #tpu.memory_space<vmem_shared>> -> memref<128xf32, #tpu.memory_space<vmem_shared>>
        tpu.enqueue_dma source(%dma_start3A_126 : memref<128xf32, #tpu.memory_space<vmem_shared>>) target(%arg6 : memref<128xf32, #tpu.memory_space<vmem>>) target_semaphore(%run_scoped3A : memref<!tpu.dma_semaphore, #tpu.memory_space<semaphore_mem>>)
        %dma_wait3A = tpu.memref_slice %arg7[%add3A_96] : memref<10000xf32, #tpu.memory_space<vmem_shared>> -> memref<128xf32, #tpu.memory_space<vmem_shared>>
        %dma_wait3A_127 = tpu.memref_slice %arg7[%add3A_96] : memref<10000xf32, #tpu.memory_space<vmem_shared>> -> memref<128xf32, #tpu.memory_space<vmem_shared>>
        tpu.wait_dma2 semaphore(%run_scoped3A : memref<!tpu.dma_semaphore, #tpu.memory_space<semaphore_mem>>) src(%dma_wait3A_127 : memref<128xf32, #tpu.memory_space<vmem_shared>>) dst(%arg6 : memref<128xf32, #tpu.memory_space<vmem>>)
        tpu.yield
      }) : () -> ()
      %mul3A_97 = arith.constant 10000 : i32
      %mul3A_98 = arith.muli %arg0, %mul3A_97 : i32
      %mul3A_99 = arith.constant 640 : i32
      %mul3A_100 = arith.muli %arg1, %mul3A_99 : i32
      %add3A_101 = arith.addi %mul3A_98, %mul3A_100 : i32
      %add3A_102 = arith.constant 256 : i32
      %add3A_103 = arith.addi %add3A_101, %add3A_102 : i32
      "tpu.region"() ({
        %run_scoped3A = tpu.sem_alloc : memref<!tpu.dma_semaphore, #tpu.memory_space<semaphore_mem>>
        %dma_start3A = tpu.memref_slice %arg3[%add3A_103] : memref<20000xf32, #tpu.memory_space<hbm>> -> memref<128xf32, #tpu.memory_space<hbm>>
        %dma_start3A_126 = tpu.memref_slice %arg3[%add3A_103] : memref<20000xf32, #tpu.memory_space<hbm>> -> memref<128xf32, #tpu.memory_space<hbm>>
        tpu.enqueue_dma source(%arg6 : memref<128xf32, #tpu.memory_space<vmem>>) target(%dma_start3A_126 : memref<128xf32, #tpu.memory_space<hbm>>) target_semaphore(%run_scoped3A : memref<!tpu.dma_semaphore, #tpu.memory_space<semaphore_mem>>)
        %dma_wait3A = tpu.memref_slice %arg3[%add3A_103] : memref<20000xf32, #tpu.memory_space<hbm>> -> memref<128xf32, #tpu.memory_space<hbm>>
        %dma_wait3A_127 = tpu.memref_slice %arg3[%add3A_103] : memref<20000xf32, #tpu.memory_space<hbm>> -> memref<128xf32, #tpu.memory_space<hbm>>
        tpu.wait_dma2 semaphore(%run_scoped3A : memref<!tpu.dma_semaphore, #tpu.memory_space<semaphore_mem>>) src(%arg6 : memref<128xf32, #tpu.memory_space<vmem>>) dst(%dma_wait3A_127 : memref<128xf32, #tpu.memory_space<hbm>>)
        tpu.yield
      }) : () -> ()
      %mul3A_104 = arith.constant 640 : i32
      %mul3A_105 = arith.muli %arg1, %mul3A_104 : i32
      %add3A_106 = arith.constant 384 : i32
      %add3A_107 = arith.addi %mul3A_105, %add3A_106 : i32
      "tpu.region"() ({
        %run_scoped3A = tpu.sem_alloc : memref<!tpu.dma_semaphore, #tpu.memory_space<semaphore_mem>>
        %dma_start3A = tpu.memref_slice %arg7[%add3A_107] : memref<10000xf32, #tpu.memory_space<vmem_shared>> -> memref<128xf32, #tpu.memory_space<vmem_shared>>
        %dma_start3A_126 = tpu.memref_slice %arg7[%add3A_107] : memref<10000xf32, #tpu.memory_space<vmem_shared>> -> memref<128xf32, #tpu.memory_space<vmem_shared>>
        tpu.enqueue_dma source(%dma_start3A_126 : memref<128xf32, #tpu.memory_space<vmem_shared>>) target(%arg6 : memref<128xf32, #tpu.memory_space<vmem>>) target_semaphore(%run_scoped3A : memref<!tpu.dma_semaphore, #tpu.memory_space<semaphore_mem>>)
        %dma_wait3A = tpu.memref_slice %arg7[%add3A_107] : memref<10000xf32, #tpu.memory_space<vmem_shared>> -> memref<128xf32, #tpu.memory_space<vmem_shared>>
        %dma_wait3A_127 = tpu.memref_slice %arg7[%add3A_107] : memref<10000xf32, #tpu.memory_space<vmem_shared>> -> memref<128xf32, #tpu.memory_space<vmem_shared>>
        tpu.wait_dma2 semaphore(%run_scoped3A : memref<!tpu.dma_semaphore, #tpu.memory_space<semaphore_mem>>) src(%dma_wait3A_127 : memref<128xf32, #tpu.memory_space<vmem_shared>>) dst(%arg6 : memref<128xf32, #tpu.memory_space<vmem>>)
        tpu.yield
      }) : () -> ()
      %mul3A_108 = arith.constant 10000 : i32
      %mul3A_109 = arith.muli %arg0, %mul3A_108 : i32
      %mul3A_110 = arith.constant 640 : i32
      %mul3A_111 = arith.muli %arg1, %mul3A_110 : i32
      %add3A_112 = arith.addi %mul3A_109, %mul3A_111 : i32
      %add3A_113 = arith.constant 384 : i32
      %add3A_114 = arith.addi %add3A_112, %add3A_113 : i32
      "tpu.region"() ({
        %run_scoped3A = tpu.sem_alloc : memref<!tpu.dma_semaphore, #tpu.memory_space<semaphore_mem>>
        %dma_start3A = tpu.memref_slice %arg3[%add3A_114] : memref<20000xf32, #tpu.memory_space<hbm>> -> memref<128xf32, #tpu.memory_space<hbm>>
        %dma_start3A_126 = tpu.memref_slice %arg3[%add3A_114] : memref<20000xf32, #tpu.memory_space<hbm>> -> memref<128xf32, #tpu.memory_space<hbm>>
        tpu.enqueue_dma source(%arg6 : memref<128xf32, #tpu.memory_space<vmem>>) target(%dma_start3A_126 : memref<128xf32, #tpu.memory_space<hbm>>) target_semaphore(%run_scoped3A : memref<!tpu.dma_semaphore, #tpu.memory_space<semaphore_mem>>)
        %dma_wait3A = tpu.memref_slice %arg3[%add3A_114] : memref<20000xf32, #tpu.memory_space<hbm>> -> memref<128xf32, #tpu.memory_space<hbm>>
        %dma_wait3A_127 = tpu.memref_slice %arg3[%add3A_114] : memref<20000xf32, #tpu.memory_space<hbm>> -> memref<128xf32, #tpu.memory_space<hbm>>
        tpu.wait_dma2 semaphore(%run_scoped3A : memref<!tpu.dma_semaphore, #tpu.memory_space<semaphore_mem>>) src(%arg6 : memref<128xf32, #tpu.memory_space<vmem>>) dst(%dma_wait3A_127 : memref<128xf32, #tpu.memory_space<hbm>>)
        tpu.yield
      }) : () -> ()
      %mul3A_115 = arith.constant 640 : i32
      %mul3A_116 = arith.muli %arg1, %mul3A_115 : i32
      %add3A_117 = arith.constant 512 : i32
      %add3A_118 = arith.addi %mul3A_116, %add3A_117 : i32
      "tpu.region"() ({
        %run_scoped3A = tpu.sem_alloc : memref<!tpu.dma_semaphore, #tpu.memory_space<semaphore_mem>>
        %dma_start3A = tpu.memref_slice %arg7[%add3A_118] : memref<10000xf32, #tpu.memory_space<vmem_shared>> -> memref<128xf32, #tpu.memory_space<vmem_shared>>
        %dma_start3A_126 = tpu.memref_slice %arg7[%add3A_118] : memref<10000xf32, #tpu.memory_space<vmem_shared>> -> memref<128xf32, #tpu.memory_space<vmem_shared>>
        tpu.enqueue_dma source(%dma_start3A_126 : memref<128xf32, #tpu.memory_space<vmem_shared>>) target(%arg6 : memref<128xf32, #tpu.memory_space<vmem>>) target_semaphore(%run_scoped3A : memref<!tpu.dma_semaphore, #tpu.memory_space<semaphore_mem>>)
        %dma_wait3A = tpu.memref_slice %arg7[%add3A_118] : memref<10000xf32, #tpu.memory_space<vmem_shared>> -> memref<128xf32, #tpu.memory_space<vmem_shared>>
        %dma_wait3A_127 = tpu.memref_slice %arg7[%add3A_118] : memref<10000xf32, #tpu.memory_space<vmem_shared>> -> memref<128xf32, #tpu.memory_space<vmem_shared>>
        tpu.wait_dma2 semaphore(%run_scoped3A : memref<!tpu.dma_semaphore, #tpu.memory_space<semaphore_mem>>) src(%dma_wait3A_127 : memref<128xf32, #tpu.memory_space<vmem_shared>>) dst(%arg6 : memref<128xf32, #tpu.memory_space<vmem>>)
        tpu.yield
      }) : () -> ()
      %mul3A_119 = arith.constant 10000 : i32
      %mul3A_120 = arith.muli %arg0, %mul3A_119 : i32
      %mul3A_121 = arith.constant 640 : i32
      %mul3A_122 = arith.muli %arg1, %mul3A_121 : i32
      %add3A_123 = arith.addi %mul3A_120, %mul3A_122 : i32
      %add3A_124 = arith.constant 512 : i32
      %add3A_125 = arith.addi %add3A_123, %add3A_124 : i32
      "tpu.region"() ({
        %run_scoped3A = tpu.sem_alloc : memref<!tpu.dma_semaphore, #tpu.memory_space<semaphore_mem>>
        %dma_start3A = tpu.memref_slice %arg3[%add3A_125] : memref<20000xf32, #tpu.memory_space<hbm>> -> memref<128xf32, #tpu.memory_space<hbm>>
        %dma_start3A_126 = tpu.memref_slice %arg3[%add3A_125] : memref<20000xf32, #tpu.memory_space<hbm>> -> memref<128xf32, #tpu.memory_space<hbm>>
        tpu.enqueue_dma source(%arg6 : memref<128xf32, #tpu.memory_space<vmem>>) target(%dma_start3A_126 : memref<128xf32, #tpu.memory_space<hbm>>) target_semaphore(%run_scoped3A : memref<!tpu.dma_semaphore, #tpu.memory_space<semaphore_mem>>)
        %dma_wait3A = tpu.memref_slice %arg3[%add3A_125] : memref<20000xf32, #tpu.memory_space<hbm>> -> memref<128xf32, #tpu.memory_space<hbm>>
        %dma_wait3A_127 = tpu.memref_slice %arg3[%add3A_125] : memref<20000xf32, #tpu.memory_space<hbm>> -> memref<128xf32, #tpu.memory_space<hbm>>
        tpu.wait_dma2 semaphore(%run_scoped3A : memref<!tpu.dma_semaphore, #tpu.memory_space<semaphore_mem>>) src(%arg6 : memref<128xf32, #tpu.memory_space<vmem>>) dst(%dma_wait3A_127 : memref<128xf32, #tpu.memory_space<hbm>>)
        tpu.yield
      }) : () -> ()
    } else {
    }
    %eq3A_66 = arith.constant 15 : i32
    %eq3A_67 = arith.cmpi eq, %arg1, %eq3A_66 : i32
    %convert_element_type3A_68 = arith.extui %eq3A_67 : i1 to i32
    %cond3A_69 = arith.constant 0 : i32
    %cond3A_70 = arith.cmpi ne, %convert_element_type3A_68, %cond3A_69 : i32
    scf.if %cond3A_70 {
      "tpu.region"() ({
        %run_scoped3A = tpu.sem_alloc : memref<!tpu.dma_semaphore, #tpu.memory_space<semaphore_mem>>
        %dma_start3A = arith.constant 9600 : i32
        %dma_start3A_93 = tpu.memref_slice %arg7[%dma_start3A] : memref<10000xf32, #tpu.memory_space<vmem_shared>> -> memref<128xf32, #tpu.memory_space<vmem_shared>>
        %dma_start3A_94 = arith.constant 9600 : i32
        %dma_start3A_95 = tpu.memref_slice %arg7[%dma_start3A_94] : memref<10000xf32, #tpu.memory_space<vmem_shared>> -> memref<128xf32, #tpu.memory_space<vmem_shared>>
        tpu.enqueue_dma source(%dma_start3A_95 : memref<128xf32, #tpu.memory_space<vmem_shared>>) target(%arg6 : memref<128xf32, #tpu.memory_space<vmem>>) target_semaphore(%run_scoped3A : memref<!tpu.dma_semaphore, #tpu.memory_space<semaphore_mem>>)
        %dma_wait3A = arith.constant 9600 : i32
        %dma_wait3A_96 = tpu.memref_slice %arg7[%dma_wait3A] : memref<10000xf32, #tpu.memory_space<vmem_shared>> -> memref<128xf32, #tpu.memory_space<vmem_shared>>
        %dma_wait3A_97 = arith.constant 9600 : i32
        %dma_wait3A_98 = tpu.memref_slice %arg7[%dma_wait3A_97] : memref<10000xf32, #tpu.memory_space<vmem_shared>> -> memref<128xf32, #tpu.memory_space<vmem_shared>>
        tpu.wait_dma2 semaphore(%run_scoped3A : memref<!tpu.dma_semaphore, #tpu.memory_space<semaphore_mem>>) src(%dma_wait3A_98 : memref<128xf32, #tpu.memory_space<vmem_shared>>) dst(%arg6 : memref<128xf32, #tpu.memory_space<vmem>>)
        tpu.yield
      }) : () -> ()
      %mul3A_71 = arith.constant 10000 : i32
      %mul3A_72 = arith.muli %arg0, %mul3A_71 : i32
      %add3A_73 = arith.constant 9600 : i32
      %add3A_74 = arith.addi %mul3A_72, %add3A_73 : i32
      %add3A_75 = arith.constant 0 : i32
      %add3A_76 = arith.addi %add3A_74, %add3A_75 : i32
      "tpu.region"() ({
        %run_scoped3A = tpu.sem_alloc : memref<!tpu.dma_semaphore, #tpu.memory_space<semaphore_mem>>
        %dma_start3A = tpu.memref_slice %arg3[%add3A_76] : memref<20000xf32, #tpu.memory_space<hbm>> -> memref<128xf32, #tpu.memory_space<hbm>>
        %dma_start3A_93 = tpu.memref_slice %arg3[%add3A_76] : memref<20000xf32, #tpu.memory_space<hbm>> -> memref<128xf32, #tpu.memory_space<hbm>>
        tpu.enqueue_dma source(%arg6 : memref<128xf32, #tpu.memory_space<vmem>>) target(%dma_start3A_93 : memref<128xf32, #tpu.memory_space<hbm>>) target_semaphore(%run_scoped3A : memref<!tpu.dma_semaphore, #tpu.memory_space<semaphore_mem>>)
        %dma_wait3A = tpu.memref_slice %arg3[%add3A_76] : memref<20000xf32, #tpu.memory_space<hbm>> -> memref<128xf32, #tpu.memory_space<hbm>>
        %dma_wait3A_94 = tpu.memref_slice %arg3[%add3A_76] : memref<20000xf32, #tpu.memory_space<hbm>> -> memref<128xf32, #tpu.memory_space<hbm>>
        tpu.wait_dma2 semaphore(%run_scoped3A : memref<!tpu.dma_semaphore, #tpu.memory_space<semaphore_mem>>) src(%arg6 : memref<128xf32, #tpu.memory_space<vmem>>) dst(%dma_wait3A_94 : memref<128xf32, #tpu.memory_space<hbm>>)
        tpu.yield
      }) : () -> ()
      "tpu.region"() ({
        %run_scoped3A = tpu.sem_alloc : memref<!tpu.dma_semaphore, #tpu.memory_space<semaphore_mem>>
        %dma_start3A = arith.constant 9728 : i32
        %dma_start3A_93 = tpu.memref_slice %arg7[%dma_start3A] : memref<10000xf32, #tpu.memory_space<vmem_shared>> -> memref<128xf32, #tpu.memory_space<vmem_shared>>
        %dma_start3A_94 = arith.constant 9728 : i32
        %dma_start3A_95 = tpu.memref_slice %arg7[%dma_start3A_94] : memref<10000xf32, #tpu.memory_space<vmem_shared>> -> memref<128xf32, #tpu.memory_space<vmem_shared>>
        tpu.enqueue_dma source(%dma_start3A_95 : memref<128xf32, #tpu.memory_space<vmem_shared>>) target(%arg6 : memref<128xf32, #tpu.memory_space<vmem>>) target_semaphore(%run_scoped3A : memref<!tpu.dma_semaphore, #tpu.memory_space<semaphore_mem>>)
        %dma_wait3A = arith.constant 9728 : i32
        %dma_wait3A_96 = tpu.memref_slice %arg7[%dma_wait3A] : memref<10000xf32, #tpu.memory_space<vmem_shared>> -> memref<128xf32, #tpu.memory_space<vmem_shared>>
        %dma_wait3A_97 = arith.constant 9728 : i32
        %dma_wait3A_98 = tpu.memref_slice %arg7[%dma_wait3A_97] : memref<10000xf32, #tpu.memory_space<vmem_shared>> -> memref<128xf32, #tpu.memory_space<vmem_shared>>
        tpu.wait_dma2 semaphore(%run_scoped3A : memref<!tpu.dma_semaphore, #tpu.memory_space<semaphore_mem>>) src(%dma_wait3A_98 : memref<128xf32, #tpu.memory_space<vmem_shared>>) dst(%arg6 : memref<128xf32, #tpu.memory_space<vmem>>)
        tpu.yield
      }) : () -> ()
      %mul3A_77 = arith.constant 10000 : i32
      %mul3A_78 = arith.muli %arg0, %mul3A_77 : i32
      %add3A_79 = arith.constant 9600 : i32
      %add3A_80 = arith.addi %mul3A_78, %add3A_79 : i32
      %add3A_81 = arith.constant 128 : i32
      %add3A_82 = arith.addi %add3A_80, %add3A_81 : i32
      "tpu.region"() ({
        %run_scoped3A = tpu.sem_alloc : memref<!tpu.dma_semaphore, #tpu.memory_space<semaphore_mem>>
        %dma_start3A = tpu.memref_slice %arg3[%add3A_82] : memref<20000xf32, #tpu.memory_space<hbm>> -> memref<128xf32, #tpu.memory_space<hbm>>
        %dma_start3A_93 = tpu.memref_slice %arg3[%add3A_82] : memref<20000xf32, #tpu.memory_space<hbm>> -> memref<128xf32, #tpu.memory_space<hbm>>
        tpu.enqueue_dma source(%arg6 : memref<128xf32, #tpu.memory_space<vmem>>) target(%dma_start3A_93 : memref<128xf32, #tpu.memory_space<hbm>>) target_semaphore(%run_scoped3A : memref<!tpu.dma_semaphore, #tpu.memory_space<semaphore_mem>>)
        %dma_wait3A = tpu.memref_slice %arg3[%add3A_82] : memref<20000xf32, #tpu.memory_space<hbm>> -> memref<128xf32, #tpu.memory_space<hbm>>
        %dma_wait3A_94 = tpu.memref_slice %arg3[%add3A_82] : memref<20000xf32, #tpu.memory_space<hbm>> -> memref<128xf32, #tpu.memory_space<hbm>>
        tpu.wait_dma2 semaphore(%run_scoped3A : memref<!tpu.dma_semaphore, #tpu.memory_space<semaphore_mem>>) src(%arg6 : memref<128xf32, #tpu.memory_space<vmem>>) dst(%dma_wait3A_94 : memref<128xf32, #tpu.memory_space<hbm>>)
        tpu.yield
      }) : () -> ()
      "tpu.region"() ({
        %run_scoped3A = tpu.sem_alloc : memref<!tpu.dma_semaphore, #tpu.memory_space<semaphore_mem>>
        %dma_start3A = arith.constant 9856 : i32
        %dma_start3A_93 = tpu.memref_slice %arg7[%dma_start3A] : memref<10000xf32, #tpu.memory_space<vmem_shared>> -> memref<128xf32, #tpu.memory_space<vmem_shared>>
        %dma_start3A_94 = arith.constant 9856 : i32
        %dma_start3A_95 = tpu.memref_slice %arg7[%dma_start3A_94] : memref<10000xf32, #tpu.memory_space<vmem_shared>> -> memref<128xf32, #tpu.memory_space<vmem_shared>>
        tpu.enqueue_dma source(%dma_start3A_95 : memref<128xf32, #tpu.memory_space<vmem_shared>>) target(%arg6 : memref<128xf32, #tpu.memory_space<vmem>>) target_semaphore(%run_scoped3A : memref<!tpu.dma_semaphore, #tpu.memory_space<semaphore_mem>>)
        %dma_wait3A = arith.constant 9856 : i32
        %dma_wait3A_96 = tpu.memref_slice %arg7[%dma_wait3A] : memref<10000xf32, #tpu.memory_space<vmem_shared>> -> memref<128xf32, #tpu.memory_space<vmem_shared>>
        %dma_wait3A_97 = arith.constant 9856 : i32
        %dma_wait3A_98 = tpu.memref_slice %arg7[%dma_wait3A_97] : memref<10000xf32, #tpu.memory_space<vmem_shared>> -> memref<128xf32, #tpu.memory_space<vmem_shared>>
        tpu.wait_dma2 semaphore(%run_scoped3A : memref<!tpu.dma_semaphore, #tpu.memory_space<semaphore_mem>>) src(%dma_wait3A_98 : memref<128xf32, #tpu.memory_space<vmem_shared>>) dst(%arg6 : memref<128xf32, #tpu.memory_space<vmem>>)
        tpu.yield
      }) : () -> ()
      %mul3A_83 = arith.constant 10000 : i32
      %mul3A_84 = arith.muli %arg0, %mul3A_83 : i32
      %add3A_85 = arith.constant 9600 : i32
      %add3A_86 = arith.addi %mul3A_84, %add3A_85 : i32
      %add3A_87 = arith.constant 256 : i32
      %add3A_88 = arith.addi %add3A_86, %add3A_87 : i32
      "tpu.region"() ({
        %run_scoped3A = tpu.sem_alloc : memref<!tpu.dma_semaphore, #tpu.memory_space<semaphore_mem>>
        %dma_start3A = tpu.memref_slice %arg3[%add3A_88] : memref<20000xf32, #tpu.memory_space<hbm>> -> memref<128xf32, #tpu.memory_space<hbm>>
        %dma_start3A_93 = tpu.memref_slice %arg3[%add3A_88] : memref<20000xf32, #tpu.memory_space<hbm>> -> memref<128xf32, #tpu.memory_space<hbm>>
        tpu.enqueue_dma source(%arg6 : memref<128xf32, #tpu.memory_space<vmem>>) target(%dma_start3A_93 : memref<128xf32, #tpu.memory_space<hbm>>) target_semaphore(%run_scoped3A : memref<!tpu.dma_semaphore, #tpu.memory_space<semaphore_mem>>)
        %dma_wait3A = tpu.memref_slice %arg3[%add3A_88] : memref<20000xf32, #tpu.memory_space<hbm>> -> memref<128xf32, #tpu.memory_space<hbm>>
        %dma_wait3A_94 = tpu.memref_slice %arg3[%add3A_88] : memref<20000xf32, #tpu.memory_space<hbm>> -> memref<128xf32, #tpu.memory_space<hbm>>
        tpu.wait_dma2 semaphore(%run_scoped3A : memref<!tpu.dma_semaphore, #tpu.memory_space<semaphore_mem>>) src(%arg6 : memref<128xf32, #tpu.memory_space<vmem>>) dst(%dma_wait3A_94 : memref<128xf32, #tpu.memory_space<hbm>>)
        tpu.yield
      }) : () -> ()
      "tpu.region"() ({
        %run_scoped3A = tpu.sem_alloc : memref<!tpu.dma_semaphore, #tpu.memory_space<semaphore_mem>>
        %dma_start3A = arith.constant 0 : i32
        %dma_start3A_93 = tpu.memref_slice %arg6[%dma_start3A] : memref<128xf32, #tpu.memory_space<vmem>> -> memref<16xf32, #tpu.memory_space<vmem>>
        %dma_start3A_94 = arith.constant 9984 : i32
        %dma_start3A_95 = tpu.memref_slice %arg7[%dma_start3A_94] : memref<10000xf32, #tpu.memory_space<vmem_shared>> -> memref<16xf32, #tpu.memory_space<vmem_shared>>
        %dma_start3A_96 = arith.constant 0 : i32
        %dma_start3A_97 = tpu.memref_slice %arg6[%dma_start3A_96] : memref<128xf32, #tpu.memory_space<vmem>> -> memref<16xf32, #tpu.memory_space<vmem>>
        %dma_start3A_98 = arith.constant 9984 : i32
        %dma_start3A_99 = tpu.memref_slice %arg7[%dma_start3A_98] : memref<10000xf32, #tpu.memory_space<vmem_shared>> -> memref<16xf32, #tpu.memory_space<vmem_shared>>
        tpu.enqueue_dma source(%dma_start3A_99 : memref<16xf32, #tpu.memory_space<vmem_shared>>) target(%dma_start3A_97 : memref<16xf32, #tpu.memory_space<vmem>>) target_semaphore(%run_scoped3A : memref<!tpu.dma_semaphore, #tpu.memory_space<semaphore_mem>>)
        %dma_wait3A = arith.constant 0 : i32
        %dma_wait3A_100 = tpu.memref_slice %arg6[%dma_wait3A] : memref<128xf32, #tpu.memory_space<vmem>> -> memref<16xf32, #tpu.memory_space<vmem>>
        %dma_wait3A_101 = arith.constant 9984 : i32
        %dma_wait3A_102 = tpu.memref_slice %arg7[%dma_wait3A_101] : memref<10000xf32, #tpu.memory_space<vmem_shared>> -> memref<16xf32, #tpu.memory_space<vmem_shared>>
        %dma_wait3A_103 = arith.constant 0 : i32
        %dma_wait3A_104 = tpu.memref_slice %arg6[%dma_wait3A_103] : memref<128xf32, #tpu.memory_space<vmem>> -> memref<16xf32, #tpu.memory_space<vmem>>
        %dma_wait3A_105 = arith.constant 9984 : i32
        %dma_wait3A_106 = tpu.memref_slice %arg7[%dma_wait3A_105] : memref<10000xf32, #tpu.memory_space<vmem_shared>> -> memref<16xf32, #tpu.memory_space<vmem_shared>>
        tpu.wait_dma2 semaphore(%run_scoped3A : memref<!tpu.dma_semaphore, #tpu.memory_space<semaphore_mem>>) src(%dma_wait3A_106 : memref<16xf32, #tpu.memory_space<vmem_shared>>) dst(%dma_wait3A_104 : memref<16xf32, #tpu.memory_space<vmem>>)
        tpu.yield
      }) : () -> ()
      %mul3A_89 = arith.constant 10000 : i32
      %mul3A_90 = arith.muli %arg0, %mul3A_89 : i32
      %add3A_91 = arith.constant 9984 : i32
      %add3A_92 = arith.addi %mul3A_90, %add3A_91 : i32
      "tpu.region"() ({
        %run_scoped3A = tpu.sem_alloc : memref<!tpu.dma_semaphore, #tpu.memory_space<semaphore_mem>>
        %dma_start3A = arith.constant 0 : i32
        %dma_start3A_93 = tpu.memref_slice %arg6[%dma_start3A] : memref<128xf32, #tpu.memory_space<vmem>> -> memref<16xf32, #tpu.memory_space<vmem>>
        %dma_start3A_94 = tpu.memref_slice %arg3[%add3A_92] : memref<20000xf32, #tpu.memory_space<hbm>> -> memref<16xf32, #tpu.memory_space<hbm>>
        %dma_start3A_95 = tpu.memref_slice %arg3[%add3A_92] : memref<20000xf32, #tpu.memory_space<hbm>> -> memref<16xf32, #tpu.memory_space<hbm>>
        %dma_start3A_96 = arith.constant 0 : i32
        %dma_start3A_97 = tpu.memref_slice %arg6[%dma_start3A_96] : memref<128xf32, #tpu.memory_space<vmem>> -> memref<16xf32, #tpu.memory_space<vmem>>
        tpu.enqueue_dma source(%dma_start3A_97 : memref<16xf32, #tpu.memory_space<vmem>>) target(%dma_start3A_95 : memref<16xf32, #tpu.memory_space<hbm>>) target_semaphore(%run_scoped3A : memref<!tpu.dma_semaphore, #tpu.memory_space<semaphore_mem>>)
        %dma_wait3A = arith.constant 0 : i32
        %dma_wait3A_98 = tpu.memref_slice %arg6[%dma_wait3A] : memref<128xf32, #tpu.memory_space<vmem>> -> memref<16xf32, #tpu.memory_space<vmem>>
        %dma_wait3A_99 = tpu.memref_slice %arg3[%add3A_92] : memref<20000xf32, #tpu.memory_space<hbm>> -> memref<16xf32, #tpu.memory_space<hbm>>
        %dma_wait3A_100 = tpu.memref_slice %arg3[%add3A_92] : memref<20000xf32, #tpu.memory_space<hbm>> -> memref<16xf32, #tpu.memory_space<hbm>>
        %dma_wait3A_101 = arith.constant 0 : i32
        %dma_wait3A_102 = tpu.memref_slice %arg6[%dma_wait3A_101] : memref<128xf32, #tpu.memory_space<vmem>> -> memref<16xf32, #tpu.memory_space<vmem>>
        tpu.wait_dma2 semaphore(%run_scoped3A : memref<!tpu.dma_semaphore, #tpu.memory_space<semaphore_mem>>) src(%dma_wait3A_102 : memref<16xf32, #tpu.memory_space<vmem>>) dst(%dma_wait3A_100 : memref<16xf32, #tpu.memory_space<hbm>>)
        tpu.yield
      }) : () -> ()
    } else {
    }
    return
  }
}

#map = affine_map<(d0, d1) -> (0, 0)>
#map1 = affine_map<(d0, d1) -> (0, 0, 0)>
module attributes {stable_mosaic.version = 14 : i64} {
  func.func @_agg_kernel_body(%arg0: i32, %arg1: i32, %arg2: memref<10000x128xf32, #tpu.memory_space<hbm>>, %arg3: memref<10000x128xf32, #tpu.memory_space<hbm>>, %arg4: memref<2x1280x125xi32, #tpu.memory_space<hbm>>, %arg5: memref<10000x128xf32, #tpu.memory_space<hbm>>, %arg6: memref<10000x128xf32, #tpu.memory_space<hbm>>, %arg7: memref<40x125xi32, #tpu.memory_space<vmem>>, %arg8: memref<40x125xi32, #tpu.memory_space<vmem>>, %arg9: memref<128x128xf32, #tpu.memory_space<vmem>>, %arg10: memref<128x128xf32, #tpu.memory_space<vmem>>, %arg11: memref<10000x128xf32, #tpu.memory_space<vmem_shared>>, %arg12: memref<!tpu.dma_semaphore, #tpu.memory_space<semaphore_mem>>, %arg13: memref<!tpu.dma_semaphore, #tpu.memory_space<semaphore_mem>>) attributes {dimension_semantics = [#tpu.dimension_semantics<core_parallel>, #tpu.dimension_semantics<subcore_parallel>], iteration_bounds = array<i64: 2, 16>, scalar_prefetch = 0 : i64, scratch_operands = 7 : i64, tpu.core_type = #tpu.core_type<sc_vector_subcore>, window_params = [{transform_indices = #map}, {transform_indices = #map}, {transform_indices = #map1}, {transform_indices = #map}, {transform_indices = #map}]} {
    %eq3A = arith.constant 0 : i32
    %eq3A_0 = arith.cmpi eq, %arg0, %eq3A : i32
    %convert_element_type3A = arith.extui %eq3A_0 : i1 to i32
    %cond3A = arith.constant 0 : i32
    %cond3A_1 = arith.cmpi ne, %convert_element_type3A, %cond3A : i32
    scf.if %cond3A_1 {
      %lt3A = arith.constant 15 : i32
      %lt3A_7 = arith.cmpi slt, %arg1, %lt3A : i32
      %convert_element_type3A_8 = arith.extui %lt3A_7 : i1 to i32
      %cond3A_9 = arith.constant 0 : i32
      %cond3A_10 = arith.cmpi ne, %convert_element_type3A_8, %cond3A_9 : i32
      scf.if %cond3A_10 {
        %mul3A_88 = arith.constant 640 : i32
        %mul3A_89 = arith.muli %arg1, %mul3A_88 : i32
        %add3A_90 = arith.constant 0 : i32
        %add3A_91 = arith.addi %mul3A_89, %add3A_90 : i32
        "tpu.region"() ({
          %run_scoped3A_108 = tpu.sem_alloc : memref<!tpu.dma_semaphore, #tpu.memory_space<semaphore_mem>>
          %dma_start3A_109 = arith.constant 0 : i32
          %dma_start3A_110 = tpu.memref_slice %arg2[%add3A_91, %dma_start3A_109] : memref<10000x128xf32, #tpu.memory_space<hbm>> -> memref<128x128xf32, #tpu.memory_space<hbm>>
          %dma_start3A_111 = arith.constant 0 : i32
          %dma_start3A_112 = tpu.memref_slice %arg2[%add3A_91, %dma_start3A_111] : memref<10000x128xf32, #tpu.memory_space<hbm>> -> memref<128x128xf32, #tpu.memory_space<hbm>>
          tpu.enqueue_dma source(%dma_start3A_112 : memref<128x128xf32, #tpu.memory_space<hbm>>) target(%arg9 : memref<128x128xf32, #tpu.memory_space<vmem>>) target_semaphore(%run_scoped3A_108 : memref<!tpu.dma_semaphore, #tpu.memory_space<semaphore_mem>>)
          %dma_wait3A = arith.constant 0 : i32
          %dma_wait3A_113 = tpu.memref_slice %arg2[%add3A_91, %dma_wait3A] : memref<10000x128xf32, #tpu.memory_space<hbm>> -> memref<128x128xf32, #tpu.memory_space<hbm>>
          %dma_wait3A_114 = arith.constant 0 : i32
          %dma_wait3A_115 = tpu.memref_slice %arg2[%add3A_91, %dma_wait3A_114] : memref<10000x128xf32, #tpu.memory_space<hbm>> -> memref<128x128xf32, #tpu.memory_space<hbm>>
          tpu.wait_dma2 semaphore(%run_scoped3A_108 : memref<!tpu.dma_semaphore, #tpu.memory_space<semaphore_mem>>) src(%dma_wait3A_115 : memref<128x128xf32, #tpu.memory_space<hbm>>) dst(%arg9 : memref<128x128xf32, #tpu.memory_space<vmem>>)
          tpu.yield
        }) : () -> ()
        "tpu.region"() ({
          %run_scoped3A_108 = tpu.sem_alloc : memref<!tpu.dma_semaphore, #tpu.memory_space<semaphore_mem>>
          %dma_start3A_109 = arith.constant 0 : i32
          %dma_start3A_110 = tpu.memref_slice %arg11[%add3A_91, %dma_start3A_109] : memref<10000x128xf32, #tpu.memory_space<vmem_shared>> -> memref<128x128xf32, #tpu.memory_space<vmem_shared>>
          %dma_start3A_111 = arith.constant 0 : i32
          %dma_start3A_112 = tpu.memref_slice %arg11[%add3A_91, %dma_start3A_111] : memref<10000x128xf32, #tpu.memory_space<vmem_shared>> -> memref<128x128xf32, #tpu.memory_space<vmem_shared>>
          tpu.enqueue_dma source(%arg9 : memref<128x128xf32, #tpu.memory_space<vmem>>) target(%dma_start3A_112 : memref<128x128xf32, #tpu.memory_space<vmem_shared>>) target_semaphore(%run_scoped3A_108 : memref<!tpu.dma_semaphore, #tpu.memory_space<semaphore_mem>>)
          %dma_wait3A = arith.constant 0 : i32
          %dma_wait3A_113 = tpu.memref_slice %arg11[%add3A_91, %dma_wait3A] : memref<10000x128xf32, #tpu.memory_space<vmem_shared>> -> memref<128x128xf32, #tpu.memory_space<vmem_shared>>
          %dma_wait3A_114 = arith.constant 0 : i32
          %dma_wait3A_115 = tpu.memref_slice %arg11[%add3A_91, %dma_wait3A_114] : memref<10000x128xf32, #tpu.memory_space<vmem_shared>> -> memref<128x128xf32, #tpu.memory_space<vmem_shared>>
          tpu.wait_dma2 semaphore(%run_scoped3A_108 : memref<!tpu.dma_semaphore, #tpu.memory_space<semaphore_mem>>) src(%arg9 : memref<128x128xf32, #tpu.memory_space<vmem>>) dst(%dma_wait3A_115 : memref<128x128xf32, #tpu.memory_space<vmem_shared>>)
          tpu.yield
        }) : () -> ()
        %mul3A_92 = arith.constant 640 : i32
        %mul3A_93 = arith.muli %arg1, %mul3A_92 : i32
        %add3A_94 = arith.constant 128 : i32
        %add3A_95 = arith.addi %mul3A_93, %add3A_94 : i32
        "tpu.region"() ({
          %run_scoped3A_108 = tpu.sem_alloc : memref<!tpu.dma_semaphore, #tpu.memory_space<semaphore_mem>>
          %dma_start3A_109 = arith.constant 0 : i32
          %dma_start3A_110 = tpu.memref_slice %arg2[%add3A_95, %dma_start3A_109] : memref<10000x128xf32, #tpu.memory_space<hbm>> -> memref<128x128xf32, #tpu.memory_space<hbm>>
          %dma_start3A_111 = arith.constant 0 : i32
          %dma_start3A_112 = tpu.memref_slice %arg2[%add3A_95, %dma_start3A_111] : memref<10000x128xf32, #tpu.memory_space<hbm>> -> memref<128x128xf32, #tpu.memory_space<hbm>>
          tpu.enqueue_dma source(%dma_start3A_112 : memref<128x128xf32, #tpu.memory_space<hbm>>) target(%arg9 : memref<128x128xf32, #tpu.memory_space<vmem>>) target_semaphore(%run_scoped3A_108 : memref<!tpu.dma_semaphore, #tpu.memory_space<semaphore_mem>>)
          %dma_wait3A = arith.constant 0 : i32
          %dma_wait3A_113 = tpu.memref_slice %arg2[%add3A_95, %dma_wait3A] : memref<10000x128xf32, #tpu.memory_space<hbm>> -> memref<128x128xf32, #tpu.memory_space<hbm>>
          %dma_wait3A_114 = arith.constant 0 : i32
          %dma_wait3A_115 = tpu.memref_slice %arg2[%add3A_95, %dma_wait3A_114] : memref<10000x128xf32, #tpu.memory_space<hbm>> -> memref<128x128xf32, #tpu.memory_space<hbm>>
          tpu.wait_dma2 semaphore(%run_scoped3A_108 : memref<!tpu.dma_semaphore, #tpu.memory_space<semaphore_mem>>) src(%dma_wait3A_115 : memref<128x128xf32, #tpu.memory_space<hbm>>) dst(%arg9 : memref<128x128xf32, #tpu.memory_space<vmem>>)
          tpu.yield
        }) : () -> ()
        "tpu.region"() ({
          %run_scoped3A_108 = tpu.sem_alloc : memref<!tpu.dma_semaphore, #tpu.memory_space<semaphore_mem>>
          %dma_start3A_109 = arith.constant 0 : i32
          %dma_start3A_110 = tpu.memref_slice %arg11[%add3A_95, %dma_start3A_109] : memref<10000x128xf32, #tpu.memory_space<vmem_shared>> -> memref<128x128xf32, #tpu.memory_space<vmem_shared>>
          %dma_start3A_111 = arith.constant 0 : i32
          %dma_start3A_112 = tpu.memref_slice %arg11[%add3A_95, %dma_start3A_111] : memref<10000x128xf32, #tpu.memory_space<vmem_shared>> -> memref<128x128xf32, #tpu.memory_space<vmem_shared>>
          tpu.enqueue_dma source(%arg9 : memref<128x128xf32, #tpu.memory_space<vmem>>) target(%dma_start3A_112 : memref<128x128xf32, #tpu.memory_space<vmem_shared>>) target_semaphore(%run_scoped3A_108 : memref<!tpu.dma_semaphore, #tpu.memory_space<semaphore_mem>>)
          %dma_wait3A = arith.constant 0 : i32
          %dma_wait3A_113 = tpu.memref_slice %arg11[%add3A_95, %dma_wait3A] : memref<10000x128xf32, #tpu.memory_space<vmem_shared>> -> memref<128x128xf32, #tpu.memory_space<vmem_shared>>
          %dma_wait3A_114 = arith.constant 0 : i32
          %dma_wait3A_115 = tpu.memref_slice %arg11[%add3A_95, %dma_wait3A_114] : memref<10000x128xf32, #tpu.memory_space<vmem_shared>> -> memref<128x128xf32, #tpu.memory_space<vmem_shared>>
          tpu.wait_dma2 semaphore(%run_scoped3A_108 : memref<!tpu.dma_semaphore, #tpu.memory_space<semaphore_mem>>) src(%arg9 : memref<128x128xf32, #tpu.memory_space<vmem>>) dst(%dma_wait3A_115 : memref<128x128xf32, #tpu.memory_space<vmem_shared>>)
          tpu.yield
        }) : () -> ()
        %mul3A_96 = arith.constant 640 : i32
        %mul3A_97 = arith.muli %arg1, %mul3A_96 : i32
        %add3A_98 = arith.constant 256 : i32
        %add3A_99 = arith.addi %mul3A_97, %add3A_98 : i32
        "tpu.region"() ({
          %run_scoped3A_108 = tpu.sem_alloc : memref<!tpu.dma_semaphore, #tpu.memory_space<semaphore_mem>>
          %dma_start3A_109 = arith.constant 0 : i32
          %dma_start3A_110 = tpu.memref_slice %arg2[%add3A_99, %dma_start3A_109] : memref<10000x128xf32, #tpu.memory_space<hbm>> -> memref<128x128xf32, #tpu.memory_space<hbm>>
          %dma_start3A_111 = arith.constant 0 : i32
          %dma_start3A_112 = tpu.memref_slice %arg2[%add3A_99, %dma_start3A_111] : memref<10000x128xf32, #tpu.memory_space<hbm>> -> memref<128x128xf32, #tpu.memory_space<hbm>>
          tpu.enqueue_dma source(%dma_start3A_112 : memref<128x128xf32, #tpu.memory_space<hbm>>) target(%arg9 : memref<128x128xf32, #tpu.memory_space<vmem>>) target_semaphore(%run_scoped3A_108 : memref<!tpu.dma_semaphore, #tpu.memory_space<semaphore_mem>>)
          %dma_wait3A = arith.constant 0 : i32
          %dma_wait3A_113 = tpu.memref_slice %arg2[%add3A_99, %dma_wait3A] : memref<10000x128xf32, #tpu.memory_space<hbm>> -> memref<128x128xf32, #tpu.memory_space<hbm>>
          %dma_wait3A_114 = arith.constant 0 : i32
          %dma_wait3A_115 = tpu.memref_slice %arg2[%add3A_99, %dma_wait3A_114] : memref<10000x128xf32, #tpu.memory_space<hbm>> -> memref<128x128xf32, #tpu.memory_space<hbm>>
          tpu.wait_dma2 semaphore(%run_scoped3A_108 : memref<!tpu.dma_semaphore, #tpu.memory_space<semaphore_mem>>) src(%dma_wait3A_115 : memref<128x128xf32, #tpu.memory_space<hbm>>) dst(%arg9 : memref<128x128xf32, #tpu.memory_space<vmem>>)
          tpu.yield
        }) : () -> ()
        "tpu.region"() ({
          %run_scoped3A_108 = tpu.sem_alloc : memref<!tpu.dma_semaphore, #tpu.memory_space<semaphore_mem>>
          %dma_start3A_109 = arith.constant 0 : i32
          %dma_start3A_110 = tpu.memref_slice %arg11[%add3A_99, %dma_start3A_109] : memref<10000x128xf32, #tpu.memory_space<vmem_shared>> -> memref<128x128xf32, #tpu.memory_space<vmem_shared>>
          %dma_start3A_111 = arith.constant 0 : i32
          %dma_start3A_112 = tpu.memref_slice %arg11[%add3A_99, %dma_start3A_111] : memref<10000x128xf32, #tpu.memory_space<vmem_shared>> -> memref<128x128xf32, #tpu.memory_space<vmem_shared>>
          tpu.enqueue_dma source(%arg9 : memref<128x128xf32, #tpu.memory_space<vmem>>) target(%dma_start3A_112 : memref<128x128xf32, #tpu.memory_space<vmem_shared>>) target_semaphore(%run_scoped3A_108 : memref<!tpu.dma_semaphore, #tpu.memory_space<semaphore_mem>>)
          %dma_wait3A = arith.constant 0 : i32
          %dma_wait3A_113 = tpu.memref_slice %arg11[%add3A_99, %dma_wait3A] : memref<10000x128xf32, #tpu.memory_space<vmem_shared>> -> memref<128x128xf32, #tpu.memory_space<vmem_shared>>
          %dma_wait3A_114 = arith.constant 0 : i32
          %dma_wait3A_115 = tpu.memref_slice %arg11[%add3A_99, %dma_wait3A_114] : memref<10000x128xf32, #tpu.memory_space<vmem_shared>> -> memref<128x128xf32, #tpu.memory_space<vmem_shared>>
          tpu.wait_dma2 semaphore(%run_scoped3A_108 : memref<!tpu.dma_semaphore, #tpu.memory_space<semaphore_mem>>) src(%arg9 : memref<128x128xf32, #tpu.memory_space<vmem>>) dst(%dma_wait3A_115 : memref<128x128xf32, #tpu.memory_space<vmem_shared>>)
          tpu.yield
        }) : () -> ()
        %mul3A_100 = arith.constant 640 : i32
        %mul3A_101 = arith.muli %arg1, %mul3A_100 : i32
        %add3A_102 = arith.constant 384 : i32
        %add3A_103 = arith.addi %mul3A_101, %add3A_102 : i32
        "tpu.region"() ({
          %run_scoped3A_108 = tpu.sem_alloc : memref<!tpu.dma_semaphore, #tpu.memory_space<semaphore_mem>>
          %dma_start3A_109 = arith.constant 0 : i32
          %dma_start3A_110 = tpu.memref_slice %arg2[%add3A_103, %dma_start3A_109] : memref<10000x128xf32, #tpu.memory_space<hbm>> -> memref<128x128xf32, #tpu.memory_space<hbm>>
          %dma_start3A_111 = arith.constant 0 : i32
          %dma_start3A_112 = tpu.memref_slice %arg2[%add3A_103, %dma_start3A_111] : memref<10000x128xf32, #tpu.memory_space<hbm>> -> memref<128x128xf32, #tpu.memory_space<hbm>>
          tpu.enqueue_dma source(%dma_start3A_112 : memref<128x128xf32, #tpu.memory_space<hbm>>) target(%arg9 : memref<128x128xf32, #tpu.memory_space<vmem>>) target_semaphore(%run_scoped3A_108 : memref<!tpu.dma_semaphore, #tpu.memory_space<semaphore_mem>>)
          %dma_wait3A = arith.constant 0 : i32
          %dma_wait3A_113 = tpu.memref_slice %arg2[%add3A_103, %dma_wait3A] : memref<10000x128xf32, #tpu.memory_space<hbm>> -> memref<128x128xf32, #tpu.memory_space<hbm>>
          %dma_wait3A_114 = arith.constant 0 : i32
          %dma_wait3A_115 = tpu.memref_slice %arg2[%add3A_103, %dma_wait3A_114] : memref<10000x128xf32, #tpu.memory_space<hbm>> -> memref<128x128xf32, #tpu.memory_space<hbm>>
          tpu.wait_dma2 semaphore(%run_scoped3A_108 : memref<!tpu.dma_semaphore, #tpu.memory_space<semaphore_mem>>) src(%dma_wait3A_115 : memref<128x128xf32, #tpu.memory_space<hbm>>) dst(%arg9 : memref<128x128xf32, #tpu.memory_space<vmem>>)
          tpu.yield
        }) : () -> ()
        "tpu.region"() ({
          %run_scoped3A_108 = tpu.sem_alloc : memref<!tpu.dma_semaphore, #tpu.memory_space<semaphore_mem>>
          %dma_start3A_109 = arith.constant 0 : i32
          %dma_start3A_110 = tpu.memref_slice %arg11[%add3A_103, %dma_start3A_109] : memref<10000x128xf32, #tpu.memory_space<vmem_shared>> -> memref<128x128xf32, #tpu.memory_space<vmem_shared>>
          %dma_start3A_111 = arith.constant 0 : i32
          %dma_start3A_112 = tpu.memref_slice %arg11[%add3A_103, %dma_start3A_111] : memref<10000x128xf32, #tpu.memory_space<vmem_shared>> -> memref<128x128xf32, #tpu.memory_space<vmem_shared>>
          tpu.enqueue_dma source(%arg9 : memref<128x128xf32, #tpu.memory_space<vmem>>) target(%dma_start3A_112 : memref<128x128xf32, #tpu.memory_space<vmem_shared>>) target_semaphore(%run_scoped3A_108 : memref<!tpu.dma_semaphore, #tpu.memory_space<semaphore_mem>>)
          %dma_wait3A = arith.constant 0 : i32
          %dma_wait3A_113 = tpu.memref_slice %arg11[%add3A_103, %dma_wait3A] : memref<10000x128xf32, #tpu.memory_space<vmem_shared>> -> memref<128x128xf32, #tpu.memory_space<vmem_shared>>
          %dma_wait3A_114 = arith.constant 0 : i32
          %dma_wait3A_115 = tpu.memref_slice %arg11[%add3A_103, %dma_wait3A_114] : memref<10000x128xf32, #tpu.memory_space<vmem_shared>> -> memref<128x128xf32, #tpu.memory_space<vmem_shared>>
          tpu.wait_dma2 semaphore(%run_scoped3A_108 : memref<!tpu.dma_semaphore, #tpu.memory_space<semaphore_mem>>) src(%arg9 : memref<128x128xf32, #tpu.memory_space<vmem>>) dst(%dma_wait3A_115 : memref<128x128xf32, #tpu.memory_space<vmem_shared>>)
          tpu.yield
        }) : () -> ()
        %mul3A_104 = arith.constant 640 : i32
        %mul3A_105 = arith.muli %arg1, %mul3A_104 : i32
        %add3A_106 = arith.constant 512 : i32
        %add3A_107 = arith.addi %mul3A_105, %add3A_106 : i32
        "tpu.region"() ({
          %run_scoped3A_108 = tpu.sem_alloc : memref<!tpu.dma_semaphore, #tpu.memory_space<semaphore_mem>>
          %dma_start3A_109 = arith.constant 0 : i32
          %dma_start3A_110 = tpu.memref_slice %arg2[%add3A_107, %dma_start3A_109] : memref<10000x128xf32, #tpu.memory_space<hbm>> -> memref<128x128xf32, #tpu.memory_space<hbm>>
          %dma_start3A_111 = arith.constant 0 : i32
          %dma_start3A_112 = tpu.memref_slice %arg2[%add3A_107, %dma_start3A_111] : memref<10000x128xf32, #tpu.memory_space<hbm>> -> memref<128x128xf32, #tpu.memory_space<hbm>>
          tpu.enqueue_dma source(%dma_start3A_112 : memref<128x128xf32, #tpu.memory_space<hbm>>) target(%arg9 : memref<128x128xf32, #tpu.memory_space<vmem>>) target_semaphore(%run_scoped3A_108 : memref<!tpu.dma_semaphore, #tpu.memory_space<semaphore_mem>>)
          %dma_wait3A = arith.constant 0 : i32
          %dma_wait3A_113 = tpu.memref_slice %arg2[%add3A_107, %dma_wait3A] : memref<10000x128xf32, #tpu.memory_space<hbm>> -> memref<128x128xf32, #tpu.memory_space<hbm>>
          %dma_wait3A_114 = arith.constant 0 : i32
          %dma_wait3A_115 = tpu.memref_slice %arg2[%add3A_107, %dma_wait3A_114] : memref<10000x128xf32, #tpu.memory_space<hbm>> -> memref<128x128xf32, #tpu.memory_space<hbm>>
          tpu.wait_dma2 semaphore(%run_scoped3A_108 : memref<!tpu.dma_semaphore, #tpu.memory_space<semaphore_mem>>) src(%dma_wait3A_115 : memref<128x128xf32, #tpu.memory_space<hbm>>) dst(%arg9 : memref<128x128xf32, #tpu.memory_space<vmem>>)
          tpu.yield
        }) : () -> ()
        "tpu.region"() ({
          %run_scoped3A_108 = tpu.sem_alloc : memref<!tpu.dma_semaphore, #tpu.memory_space<semaphore_mem>>
          %dma_start3A_109 = arith.constant 0 : i32
          %dma_start3A_110 = tpu.memref_slice %arg11[%add3A_107, %dma_start3A_109] : memref<10000x128xf32, #tpu.memory_space<vmem_shared>> -> memref<128x128xf32, #tpu.memory_space<vmem_shared>>
          %dma_start3A_111 = arith.constant 0 : i32
          %dma_start3A_112 = tpu.memref_slice %arg11[%add3A_107, %dma_start3A_111] : memref<10000x128xf32, #tpu.memory_space<vmem_shared>> -> memref<128x128xf32, #tpu.memory_space<vmem_shared>>
          tpu.enqueue_dma source(%arg9 : memref<128x128xf32, #tpu.memory_space<vmem>>) target(%dma_start3A_112 : memref<128x128xf32, #tpu.memory_space<vmem_shared>>) target_semaphore(%run_scoped3A_108 : memref<!tpu.dma_semaphore, #tpu.memory_space<semaphore_mem>>)
          %dma_wait3A = arith.constant 0 : i32
          %dma_wait3A_113 = tpu.memref_slice %arg11[%add3A_107, %dma_wait3A] : memref<10000x128xf32, #tpu.memory_space<vmem_shared>> -> memref<128x128xf32, #tpu.memory_space<vmem_shared>>
          %dma_wait3A_114 = arith.constant 0 : i32
          %dma_wait3A_115 = tpu.memref_slice %arg11[%add3A_107, %dma_wait3A_114] : memref<10000x128xf32, #tpu.memory_space<vmem_shared>> -> memref<128x128xf32, #tpu.memory_space<vmem_shared>>
          tpu.wait_dma2 semaphore(%run_scoped3A_108 : memref<!tpu.dma_semaphore, #tpu.memory_space<semaphore_mem>>) src(%arg9 : memref<128x128xf32, #tpu.memory_space<vmem>>) dst(%dma_wait3A_115 : memref<128x128xf32, #tpu.memory_space<vmem_shared>>)
          tpu.yield
        }) : () -> ()
      } else {
      }
      %eq3A_11 = arith.constant 15 : i32
      %eq3A_12 = arith.cmpi eq, %arg1, %eq3A_11 : i32
      %convert_element_type3A_13 = arith.extui %eq3A_12 : i1 to i32
      %cond3A_14 = arith.constant 0 : i32
      %cond3A_15 = arith.cmpi ne, %convert_element_type3A_13, %cond3A_14 : i32
      scf.if %cond3A_15 {
        "tpu.region"() ({
          %run_scoped3A_88 = tpu.sem_alloc : memref<!tpu.dma_semaphore, #tpu.memory_space<semaphore_mem>>
          %dma_start3A_89 = arith.constant 9600 : i32
          %dma_start3A_90 = arith.constant 0 : i32
          %dma_start3A_91 = tpu.memref_slice %arg2[%dma_start3A_89, %dma_start3A_90] : memref<10000x128xf32, #tpu.memory_space<hbm>> -> memref<128x128xf32, #tpu.memory_space<hbm>>
          %dma_start3A_92 = arith.constant 9600 : i32
          %dma_start3A_93 = arith.constant 0 : i32
          %dma_start3A_94 = tpu.memref_slice %arg2[%dma_start3A_92, %dma_start3A_93] : memref<10000x128xf32, #tpu.memory_space<hbm>> -> memref<128x128xf32, #tpu.memory_space<hbm>>
          tpu.enqueue_dma source(%dma_start3A_94 : memref<128x128xf32, #tpu.memory_space<hbm>>) target(%arg9 : memref<128x128xf32, #tpu.memory_space<vmem>>) target_semaphore(%run_scoped3A_88 : memref<!tpu.dma_semaphore, #tpu.memory_space<semaphore_mem>>)
          %dma_wait3A = arith.constant 9600 : i32
          %dma_wait3A_95 = arith.constant 0 : i32
          %dma_wait3A_96 = tpu.memref_slice %arg2[%dma_wait3A, %dma_wait3A_95] : memref<10000x128xf32, #tpu.memory_space<hbm>> -> memref<128x128xf32, #tpu.memory_space<hbm>>
          %dma_wait3A_97 = arith.constant 9600 : i32
          %dma_wait3A_98 = arith.constant 0 : i32
          %dma_wait3A_99 = tpu.memref_slice %arg2[%dma_wait3A_97, %dma_wait3A_98] : memref<10000x128xf32, #tpu.memory_space<hbm>> -> memref<128x128xf32, #tpu.memory_space<hbm>>
          tpu.wait_dma2 semaphore(%run_scoped3A_88 : memref<!tpu.dma_semaphore, #tpu.memory_space<semaphore_mem>>) src(%dma_wait3A_99 : memref<128x128xf32, #tpu.memory_space<hbm>>) dst(%arg9 : memref<128x128xf32, #tpu.memory_space<vmem>>)
          tpu.yield
        }) : () -> ()
        "tpu.region"() ({
          %run_scoped3A_88 = tpu.sem_alloc : memref<!tpu.dma_semaphore, #tpu.memory_space<semaphore_mem>>
          %dma_start3A_89 = arith.constant 9600 : i32
          %dma_start3A_90 = arith.constant 0 : i32
          %dma_start3A_91 = tpu.memref_slice %arg11[%dma_start3A_89, %dma_start3A_90] : memref<10000x128xf32, #tpu.memory_space<vmem_shared>> -> memref<128x128xf32, #tpu.memory_space<vmem_shared>>
          %dma_start3A_92 = arith.constant 9600 : i32
          %dma_start3A_93 = arith.constant 0 : i32
          %dma_start3A_94 = tpu.memref_slice %arg11[%dma_start3A_92, %dma_start3A_93] : memref<10000x128xf32, #tpu.memory_space<vmem_shared>> -> memref<128x128xf32, #tpu.memory_space<vmem_shared>>
          tpu.enqueue_dma source(%arg9 : memref<128x128xf32, #tpu.memory_space<vmem>>) target(%dma_start3A_94 : memref<128x128xf32, #tpu.memory_space<vmem_shared>>) target_semaphore(%run_scoped3A_88 : memref<!tpu.dma_semaphore, #tpu.memory_space<semaphore_mem>>)
          %dma_wait3A = arith.constant 9600 : i32
          %dma_wait3A_95 = arith.constant 0 : i32
          %dma_wait3A_96 = tpu.memref_slice %arg11[%dma_wait3A, %dma_wait3A_95] : memref<10000x128xf32, #tpu.memory_space<vmem_shared>> -> memref<128x128xf32, #tpu.memory_space<vmem_shared>>
          %dma_wait3A_97 = arith.constant 9600 : i32
          %dma_wait3A_98 = arith.constant 0 : i32
          %dma_wait3A_99 = tpu.memref_slice %arg11[%dma_wait3A_97, %dma_wait3A_98] : memref<10000x128xf32, #tpu.memory_space<vmem_shared>> -> memref<128x128xf32, #tpu.memory_space<vmem_shared>>
          tpu.wait_dma2 semaphore(%run_scoped3A_88 : memref<!tpu.dma_semaphore, #tpu.memory_space<semaphore_mem>>) src(%arg9 : memref<128x128xf32, #tpu.memory_space<vmem>>) dst(%dma_wait3A_99 : memref<128x128xf32, #tpu.memory_space<vmem_shared>>)
          tpu.yield
        }) : () -> ()
        "tpu.region"() ({
          %run_scoped3A_88 = tpu.sem_alloc : memref<!tpu.dma_semaphore, #tpu.memory_space<semaphore_mem>>
          %dma_start3A_89 = arith.constant 9728 : i32
          %dma_start3A_90 = arith.constant 0 : i32
          %dma_start3A_91 = tpu.memref_slice %arg2[%dma_start3A_89, %dma_start3A_90] : memref<10000x128xf32, #tpu.memory_space<hbm>> -> memref<128x128xf32, #tpu.memory_space<hbm>>
          %dma_start3A_92 = arith.constant 9728 : i32
          %dma_start3A_93 = arith.constant 0 : i32
          %dma_start3A_94 = tpu.memref_slice %arg2[%dma_start3A_92, %dma_start3A_93] : memref<10000x128xf32, #tpu.memory_space<hbm>> -> memref<128x128xf32, #tpu.memory_space<hbm>>
          tpu.enqueue_dma source(%dma_start3A_94 : memref<128x128xf32, #tpu.memory_space<hbm>>) target(%arg9 : memref<128x128xf32, #tpu.memory_space<vmem>>) target_semaphore(%run_scoped3A_88 : memref<!tpu.dma_semaphore, #tpu.memory_space<semaphore_mem>>)
          %dma_wait3A = arith.constant 9728 : i32
          %dma_wait3A_95 = arith.constant 0 : i32
          %dma_wait3A_96 = tpu.memref_slice %arg2[%dma_wait3A, %dma_wait3A_95] : memref<10000x128xf32, #tpu.memory_space<hbm>> -> memref<128x128xf32, #tpu.memory_space<hbm>>
          %dma_wait3A_97 = arith.constant 9728 : i32
          %dma_wait3A_98 = arith.constant 0 : i32
          %dma_wait3A_99 = tpu.memref_slice %arg2[%dma_wait3A_97, %dma_wait3A_98] : memref<10000x128xf32, #tpu.memory_space<hbm>> -> memref<128x128xf32, #tpu.memory_space<hbm>>
          tpu.wait_dma2 semaphore(%run_scoped3A_88 : memref<!tpu.dma_semaphore, #tpu.memory_space<semaphore_mem>>) src(%dma_wait3A_99 : memref<128x128xf32, #tpu.memory_space<hbm>>) dst(%arg9 : memref<128x128xf32, #tpu.memory_space<vmem>>)
          tpu.yield
        }) : () -> ()
        "tpu.region"() ({
          %run_scoped3A_88 = tpu.sem_alloc : memref<!tpu.dma_semaphore, #tpu.memory_space<semaphore_mem>>
          %dma_start3A_89 = arith.constant 9728 : i32
          %dma_start3A_90 = arith.constant 0 : i32
          %dma_start3A_91 = tpu.memref_slice %arg11[%dma_start3A_89, %dma_start3A_90] : memref<10000x128xf32, #tpu.memory_space<vmem_shared>> -> memref<128x128xf32, #tpu.memory_space<vmem_shared>>
          %dma_start3A_92 = arith.constant 9728 : i32
          %dma_start3A_93 = arith.constant 0 : i32
          %dma_start3A_94 = tpu.memref_slice %arg11[%dma_start3A_92, %dma_start3A_93] : memref<10000x128xf32, #tpu.memory_space<vmem_shared>> -> memref<128x128xf32, #tpu.memory_space<vmem_shared>>
          tpu.enqueue_dma source(%arg9 : memref<128x128xf32, #tpu.memory_space<vmem>>) target(%dma_start3A_94 : memref<128x128xf32, #tpu.memory_space<vmem_shared>>) target_semaphore(%run_scoped3A_88 : memref<!tpu.dma_semaphore, #tpu.memory_space<semaphore_mem>>)
          %dma_wait3A = arith.constant 9728 : i32
          %dma_wait3A_95 = arith.constant 0 : i32
          %dma_wait3A_96 = tpu.memref_slice %arg11[%dma_wait3A, %dma_wait3A_95] : memref<10000x128xf32, #tpu.memory_space<vmem_shared>> -> memref<128x128xf32, #tpu.memory_space<vmem_shared>>
          %dma_wait3A_97 = arith.constant 9728 : i32
          %dma_wait3A_98 = arith.constant 0 : i32
          %dma_wait3A_99 = tpu.memref_slice %arg11[%dma_wait3A_97, %dma_wait3A_98] : memref<10000x128xf32, #tpu.memory_space<vmem_shared>> -> memref<128x128xf32, #tpu.memory_space<vmem_shared>>
          tpu.wait_dma2 semaphore(%run_scoped3A_88 : memref<!tpu.dma_semaphore, #tpu.memory_space<semaphore_mem>>) src(%arg9 : memref<128x128xf32, #tpu.memory_space<vmem>>) dst(%dma_wait3A_99 : memref<128x128xf32, #tpu.memory_space<vmem_shared>>)
          tpu.yield
        }) : () -> ()
        "tpu.region"() ({
          %run_scoped3A_88 = tpu.sem_alloc : memref<!tpu.dma_semaphore, #tpu.memory_space<semaphore_mem>>
          %dma_start3A_89 = arith.constant 9856 : i32
          %dma_start3A_90 = arith.constant 0 : i32
          %dma_start3A_91 = tpu.memref_slice %arg2[%dma_start3A_89, %dma_start3A_90] : memref<10000x128xf32, #tpu.memory_space<hbm>> -> memref<128x128xf32, #tpu.memory_space<hbm>>
          %dma_start3A_92 = arith.constant 9856 : i32
          %dma_start3A_93 = arith.constant 0 : i32
          %dma_start3A_94 = tpu.memref_slice %arg2[%dma_start3A_92, %dma_start3A_93] : memref<10000x128xf32, #tpu.memory_space<hbm>> -> memref<128x128xf32, #tpu.memory_space<hbm>>
          tpu.enqueue_dma source(%dma_start3A_94 : memref<128x128xf32, #tpu.memory_space<hbm>>) target(%arg9 : memref<128x128xf32, #tpu.memory_space<vmem>>) target_semaphore(%run_scoped3A_88 : memref<!tpu.dma_semaphore, #tpu.memory_space<semaphore_mem>>)
          %dma_wait3A = arith.constant 9856 : i32
          %dma_wait3A_95 = arith.constant 0 : i32
          %dma_wait3A_96 = tpu.memref_slice %arg2[%dma_wait3A, %dma_wait3A_95] : memref<10000x128xf32, #tpu.memory_space<hbm>> -> memref<128x128xf32, #tpu.memory_space<hbm>>
          %dma_wait3A_97 = arith.constant 9856 : i32
          %dma_wait3A_98 = arith.constant 0 : i32
          %dma_wait3A_99 = tpu.memref_slice %arg2[%dma_wait3A_97, %dma_wait3A_98] : memref<10000x128xf32, #tpu.memory_space<hbm>> -> memref<128x128xf32, #tpu.memory_space<hbm>>
          tpu.wait_dma2 semaphore(%run_scoped3A_88 : memref<!tpu.dma_semaphore, #tpu.memory_space<semaphore_mem>>) src(%dma_wait3A_99 : memref<128x128xf32, #tpu.memory_space<hbm>>) dst(%arg9 : memref<128x128xf32, #tpu.memory_space<vmem>>)
          tpu.yield
        }) : () -> ()
        "tpu.region"() ({
          %run_scoped3A_88 = tpu.sem_alloc : memref<!tpu.dma_semaphore, #tpu.memory_space<semaphore_mem>>
          %dma_start3A_89 = arith.constant 9856 : i32
          %dma_start3A_90 = arith.constant 0 : i32
          %dma_start3A_91 = tpu.memref_slice %arg11[%dma_start3A_89, %dma_start3A_90] : memref<10000x128xf32, #tpu.memory_space<vmem_shared>> -> memref<128x128xf32, #tpu.memory_space<vmem_shared>>
          %dma_start3A_92 = arith.constant 9856 : i32
          %dma_start3A_93 = arith.constant 0 : i32
          %dma_start3A_94 = tpu.memref_slice %arg11[%dma_start3A_92, %dma_start3A_93] : memref<10000x128xf32, #tpu.memory_space<vmem_shared>> -> memref<128x128xf32, #tpu.memory_space<vmem_shared>>
          tpu.enqueue_dma source(%arg9 : memref<128x128xf32, #tpu.memory_space<vmem>>) target(%dma_start3A_94 : memref<128x128xf32, #tpu.memory_space<vmem_shared>>) target_semaphore(%run_scoped3A_88 : memref<!tpu.dma_semaphore, #tpu.memory_space<semaphore_mem>>)
          %dma_wait3A = arith.constant 9856 : i32
          %dma_wait3A_95 = arith.constant 0 : i32
          %dma_wait3A_96 = tpu.memref_slice %arg11[%dma_wait3A, %dma_wait3A_95] : memref<10000x128xf32, #tpu.memory_space<vmem_shared>> -> memref<128x128xf32, #tpu.memory_space<vmem_shared>>
          %dma_wait3A_97 = arith.constant 9856 : i32
          %dma_wait3A_98 = arith.constant 0 : i32
          %dma_wait3A_99 = tpu.memref_slice %arg11[%dma_wait3A_97, %dma_wait3A_98] : memref<10000x128xf32, #tpu.memory_space<vmem_shared>> -> memref<128x128xf32, #tpu.memory_space<vmem_shared>>
          tpu.wait_dma2 semaphore(%run_scoped3A_88 : memref<!tpu.dma_semaphore, #tpu.memory_space<semaphore_mem>>) src(%arg9 : memref<128x128xf32, #tpu.memory_space<vmem>>) dst(%dma_wait3A_99 : memref<128x128xf32, #tpu.memory_space<vmem_shared>>)
          tpu.yield
        }) : () -> ()
        "tpu.region"() ({
          %run_scoped3A_88 = tpu.sem_alloc : memref<!tpu.dma_semaphore, #tpu.memory_space<semaphore_mem>>
          %dma_start3A_89 = arith.constant 0 : i32
          %dma_start3A_90 = arith.constant 0 : i32
          %dma_start3A_91 = tpu.memref_slice %arg9[%dma_start3A_89, %dma_start3A_90] : memref<128x128xf32, #tpu.memory_space<vmem>> -> memref<16x128xf32, #tpu.memory_space<vmem>>
          %dma_start3A_92 = arith.constant 9984 : i32
          %dma_start3A_93 = arith.constant 0 : i32
          %dma_start3A_94 = tpu.memref_slice %arg2[%dma_start3A_92, %dma_start3A_93] : memref<10000x128xf32, #tpu.memory_space<hbm>> -> memref<16x128xf32, #tpu.memory_space<hbm>>
          %dma_start3A_95 = arith.constant 0 : i32
          %dma_start3A_96 = arith.constant 0 : i32
          %dma_start3A_97 = tpu.memref_slice %arg9[%dma_start3A_95, %dma_start3A_96] : memref<128x128xf32, #tpu.memory_space<vmem>> -> memref<16x128xf32, #tpu.memory_space<vmem>>
          %dma_start3A_98 = arith.constant 9984 : i32
          %dma_start3A_99 = arith.constant 0 : i32
          %dma_start3A_100 = tpu.memref_slice %arg2[%dma_start3A_98, %dma_start3A_99] : memref<10000x128xf32, #tpu.memory_space<hbm>> -> memref<16x128xf32, #tpu.memory_space<hbm>>
          tpu.enqueue_dma source(%dma_start3A_100 : memref<16x128xf32, #tpu.memory_space<hbm>>) target(%dma_start3A_97 : memref<16x128xf32, #tpu.memory_space<vmem>>) target_semaphore(%run_scoped3A_88 : memref<!tpu.dma_semaphore, #tpu.memory_space<semaphore_mem>>)
          %dma_wait3A = arith.constant 0 : i32
          %dma_wait3A_101 = arith.constant 0 : i32
          %dma_wait3A_102 = tpu.memref_slice %arg9[%dma_wait3A, %dma_wait3A_101] : memref<128x128xf32, #tpu.memory_space<vmem>> -> memref<16x128xf32, #tpu.memory_space<vmem>>
          %dma_wait3A_103 = arith.constant 9984 : i32
          %dma_wait3A_104 = arith.constant 0 : i32
          %dma_wait3A_105 = tpu.memref_slice %arg2[%dma_wait3A_103, %dma_wait3A_104] : memref<10000x128xf32, #tpu.memory_space<hbm>> -> memref<16x128xf32, #tpu.memory_space<hbm>>
          %dma_wait3A_106 = arith.constant 0 : i32
          %dma_wait3A_107 = arith.constant 0 : i32
          %dma_wait3A_108 = tpu.memref_slice %arg9[%dma_wait3A_106, %dma_wait3A_107] : memref<128x128xf32, #tpu.memory_space<vmem>> -> memref<16x128xf32, #tpu.memory_space<vmem>>
          %dma_wait3A_109 = arith.constant 9984 : i32
          %dma_wait3A_110 = arith.constant 0 : i32
          %dma_wait3A_111 = tpu.memref_slice %arg2[%dma_wait3A_109, %dma_wait3A_110] : memref<10000x128xf32, #tpu.memory_space<hbm>> -> memref<16x128xf32, #tpu.memory_space<hbm>>
          tpu.wait_dma2 semaphore(%run_scoped3A_88 : memref<!tpu.dma_semaphore, #tpu.memory_space<semaphore_mem>>) src(%dma_wait3A_111 : memref<16x128xf32, #tpu.memory_space<hbm>>) dst(%dma_wait3A_108 : memref<16x128xf32, #tpu.memory_space<vmem>>)
          tpu.yield
        }) : () -> ()
        "tpu.region"() ({
          %run_scoped3A_88 = tpu.sem_alloc : memref<!tpu.dma_semaphore, #tpu.memory_space<semaphore_mem>>
          %dma_start3A_89 = arith.constant 0 : i32
          %dma_start3A_90 = arith.constant 0 : i32
          %dma_start3A_91 = tpu.memref_slice %arg9[%dma_start3A_89, %dma_start3A_90] : memref<128x128xf32, #tpu.memory_space<vmem>> -> memref<16x128xf32, #tpu.memory_space<vmem>>
          %dma_start3A_92 = arith.constant 9984 : i32
          %dma_start3A_93 = arith.constant 0 : i32
          %dma_start3A_94 = tpu.memref_slice %arg11[%dma_start3A_92, %dma_start3A_93] : memref<10000x128xf32, #tpu.memory_space<vmem_shared>> -> memref<16x128xf32, #tpu.memory_space<vmem_shared>>
          %dma_start3A_95 = arith.constant 9984 : i32
          %dma_start3A_96 = arith.constant 0 : i32
          %dma_start3A_97 = tpu.memref_slice %arg11[%dma_start3A_95, %dma_start3A_96] : memref<10000x128xf32, #tpu.memory_space<vmem_shared>> -> memref<16x128xf32, #tpu.memory_space<vmem_shared>>
          %dma_start3A_98 = arith.constant 0 : i32
          %dma_start3A_99 = arith.constant 0 : i32
          %dma_start3A_100 = tpu.memref_slice %arg9[%dma_start3A_98, %dma_start3A_99] : memref<128x128xf32, #tpu.memory_space<vmem>> -> memref<16x128xf32, #tpu.memory_space<vmem>>
          tpu.enqueue_dma source(%dma_start3A_100 : memref<16x128xf32, #tpu.memory_space<vmem>>) target(%dma_start3A_97 : memref<16x128xf32, #tpu.memory_space<vmem_shared>>) target_semaphore(%run_scoped3A_88 : memref<!tpu.dma_semaphore, #tpu.memory_space<semaphore_mem>>)
          %dma_wait3A = arith.constant 0 : i32
          %dma_wait3A_101 = arith.constant 0 : i32
          %dma_wait3A_102 = tpu.memref_slice %arg9[%dma_wait3A, %dma_wait3A_101] : memref<128x128xf32, #tpu.memory_space<vmem>> -> memref<16x128xf32, #tpu.memory_space<vmem>>
          %dma_wait3A_103 = arith.constant 9984 : i32
          %dma_wait3A_104 = arith.constant 0 : i32
          %dma_wait3A_105 = tpu.memref_slice %arg11[%dma_wait3A_103, %dma_wait3A_104] : memref<10000x128xf32, #tpu.memory_space<vmem_shared>> -> memref<16x128xf32, #tpu.memory_space<vmem_shared>>
          %dma_wait3A_106 = arith.constant 9984 : i32
          %dma_wait3A_107 = arith.constant 0 : i32
          %dma_wait3A_108 = tpu.memref_slice %arg11[%dma_wait3A_106, %dma_wait3A_107] : memref<10000x128xf32, #tpu.memory_space<vmem_shared>> -> memref<16x128xf32, #tpu.memory_space<vmem_shared>>
          %dma_wait3A_109 = arith.constant 0 : i32
          %dma_wait3A_110 = arith.constant 0 : i32
          %dma_wait3A_111 = tpu.memref_slice %arg9[%dma_wait3A_109, %dma_wait3A_110] : memref<128x128xf32, #tpu.memory_space<vmem>> -> memref<16x128xf32, #tpu.memory_space<vmem>>
          tpu.wait_dma2 semaphore(%run_scoped3A_88 : memref<!tpu.dma_semaphore, #tpu.memory_space<semaphore_mem>>) src(%dma_wait3A_111 : memref<16x128xf32, #tpu.memory_space<vmem>>) dst(%dma_wait3A_108 : memref<16x128xf32, #tpu.memory_space<vmem_shared>>)
          tpu.yield
        }) : () -> ()
      } else {
      }
      %barrier3A = arith.constant 0 : index
      tpu.barrier barrier_id(%barrier3A)
      %mul3A = arith.constant 80 : i32
      %mul3A_16 = arith.muli %arg1, %mul3A : i32
      %add3A = arith.constant 0 : i32
      %add3A_17 = arith.addi %mul3A_16, %add3A : i32
      %run_scoped3A = arith.constant 0 : i32
      "tpu.region"() ({
        %run_scoped3A_88 = tpu.sem_alloc : memref<!tpu.dma_semaphore, #tpu.memory_space<semaphore_mem>>
        %dma_start3A_89 = arith.constant 0 : i32
        %dma_start3A_90 = tpu.memref_slice %arg4[%run_scoped3A, %add3A_17, %dma_start3A_89] : memref<2x1280x125xi32, #tpu.memory_space<hbm>> -> memref<1x40x125xi32, #tpu.memory_space<hbm>>
        %dma_start3A_91 = tpu.memref_squeeze %dma_start3A_90 : memref<1x40x125xi32, #tpu.memory_space<hbm>> -> memref<40x125xi32, #tpu.memory_space<hbm>>
        %dma_start3A_92 = arith.constant 0 : i32
        %dma_start3A_93 = tpu.memref_slice %arg4[%run_scoped3A, %add3A_17, %dma_start3A_92] : memref<2x1280x125xi32, #tpu.memory_space<hbm>> -> memref<1x40x125xi32, #tpu.memory_space<hbm>>
        %dma_start3A_94 = tpu.memref_squeeze %dma_start3A_93 : memref<1x40x125xi32, #tpu.memory_space<hbm>> -> memref<40x125xi32, #tpu.memory_space<hbm>>
        tpu.enqueue_dma source(%dma_start3A_94 : memref<40x125xi32, #tpu.memory_space<hbm>>) target(%arg7 : memref<40x125xi32, #tpu.memory_space<vmem>>) target_semaphore(%run_scoped3A_88 : memref<!tpu.dma_semaphore, #tpu.memory_space<semaphore_mem>>)
        %dma_wait3A = arith.constant 0 : i32
        %dma_wait3A_95 = tpu.memref_slice %arg4[%run_scoped3A, %add3A_17, %dma_wait3A] : memref<2x1280x125xi32, #tpu.memory_space<hbm>> -> memref<1x40x125xi32, #tpu.memory_space<hbm>>
        %dma_wait3A_96 = tpu.memref_squeeze %dma_wait3A_95 : memref<1x40x125xi32, #tpu.memory_space<hbm>> -> memref<40x125xi32, #tpu.memory_space<hbm>>
        %dma_wait3A_97 = arith.constant 0 : i32
        %dma_wait3A_98 = tpu.memref_slice %arg4[%run_scoped3A, %add3A_17, %dma_wait3A_97] : memref<2x1280x125xi32, #tpu.memory_space<hbm>> -> memref<1x40x125xi32, #tpu.memory_space<hbm>>
        %dma_wait3A_99 = tpu.memref_squeeze %dma_wait3A_98 : memref<1x40x125xi32, #tpu.memory_space<hbm>> -> memref<40x125xi32, #tpu.memory_space<hbm>>
        tpu.wait_dma2 semaphore(%run_scoped3A_88 : memref<!tpu.dma_semaphore, #tpu.memory_space<semaphore_mem>>) src(%dma_wait3A_99 : memref<40x125xi32, #tpu.memory_space<hbm>>) dst(%arg7 : memref<40x125xi32, #tpu.memory_space<vmem>>)
        tpu.yield
      }) : () -> ()
      %run_scoped3A_18 = arith.constant 1 : i32
      "tpu.region"() ({
        %run_scoped3A_88 = tpu.sem_alloc : memref<!tpu.dma_semaphore, #tpu.memory_space<semaphore_mem>>
        %dma_start3A_89 = arith.constant 0 : i32
        %dma_start3A_90 = tpu.memref_slice %arg4[%run_scoped3A_18, %add3A_17, %dma_start3A_89] : memref<2x1280x125xi32, #tpu.memory_space<hbm>> -> memref<1x40x125xi32, #tpu.memory_space<hbm>>
        %dma_start3A_91 = tpu.memref_squeeze %dma_start3A_90 : memref<1x40x125xi32, #tpu.memory_space<hbm>> -> memref<40x125xi32, #tpu.memory_space<hbm>>
        %dma_start3A_92 = arith.constant 0 : i32
        %dma_start3A_93 = tpu.memref_slice %arg4[%run_scoped3A_18, %add3A_17, %dma_start3A_92] : memref<2x1280x125xi32, #tpu.memory_space<hbm>> -> memref<1x40x125xi32, #tpu.memory_space<hbm>>
        %dma_start3A_94 = tpu.memref_squeeze %dma_start3A_93 : memref<1x40x125xi32, #tpu.memory_space<hbm>> -> memref<40x125xi32, #tpu.memory_space<hbm>>
        tpu.enqueue_dma source(%dma_start3A_94 : memref<40x125xi32, #tpu.memory_space<hbm>>) target(%arg8 : memref<40x125xi32, #tpu.memory_space<vmem>>) target_semaphore(%run_scoped3A_88 : memref<!tpu.dma_semaphore, #tpu.memory_space<semaphore_mem>>)
        %dma_wait3A = arith.constant 0 : i32
        %dma_wait3A_95 = tpu.memref_slice %arg4[%run_scoped3A_18, %add3A_17, %dma_wait3A] : memref<2x1280x125xi32, #tpu.memory_space<hbm>> -> memref<1x40x125xi32, #tpu.memory_space<hbm>>
        %dma_wait3A_96 = tpu.memref_squeeze %dma_wait3A_95 : memref<1x40x125xi32, #tpu.memory_space<hbm>> -> memref<40x125xi32, #tpu.memory_space<hbm>>
        %dma_wait3A_97 = arith.constant 0 : i32
        %dma_wait3A_98 = tpu.memref_slice %arg4[%run_scoped3A_18, %add3A_17, %dma_wait3A_97] : memref<2x1280x125xi32, #tpu.memory_space<hbm>> -> memref<1x40x125xi32, #tpu.memory_space<hbm>>
        %dma_wait3A_99 = tpu.memref_squeeze %dma_wait3A_98 : memref<1x40x125xi32, #tpu.memory_space<hbm>> -> memref<40x125xi32, #tpu.memory_space<hbm>>
        tpu.wait_dma2 semaphore(%run_scoped3A_88 : memref<!tpu.dma_semaphore, #tpu.memory_space<semaphore_mem>>) src(%dma_wait3A_99 : memref<40x125xi32, #tpu.memory_space<hbm>>) dst(%arg8 : memref<40x125xi32, #tpu.memory_space<vmem>>)
        tpu.yield
      }) : () -> ()
      %dma_start3A = arith.constant 0 : i32
      %dma_start3A_19 = arith.constant 0 : i32
      %dma_start3A_20 = arith.constant 0 : i32
      %dma_start3A_21 = tpu.memref_slice %arg9[%dma_start3A_19, %dma_start3A_20] : memref<128x128xf32, #tpu.memory_space<vmem>> -> memref<125x128xf32, #tpu.memory_space<vmem>>
      %dma_start3A_22 = arith.constant 0 : i32
      %dma_start3A_23 = tpu.memref_slice %arg7[%dma_start3A, %dma_start3A_22] : memref<40x125xi32, #tpu.memory_space<vmem>> -> memref<1x125xi32, #tpu.memory_space<vmem>>
      %dma_start3A_24 = tpu.memref_squeeze %dma_start3A_23 : memref<1x125xi32, #tpu.memory_space<vmem>> -> memref<125xi32, #tpu.memory_space<vmem>>
      %dma_start3A_25 = arith.constant 0 : i32
      %dma_start3A_26 = arith.constant 0 : i32
      %dma_start3A_27 = tpu.memref_slice %arg2[%dma_start3A_25, %dma_start3A_26] : memref<10000x128xf32, #tpu.memory_space<hbm>> -> memref<10000x128xf32, #tpu.memory_space<hbm>>
      tpu.enqueue_indirect_dma source(%dma_start3A_27 : memref<10000x128xf32, #tpu.memory_space<hbm>>) target(%dma_start3A_21 : memref<125x128xf32, #tpu.memory_space<vmem>>) offsets(%dma_start3A_24 : memref<125xi32, #tpu.memory_space<vmem>>) semaphore(%arg12 : memref<!tpu.dma_semaphore, #tpu.memory_space<semaphore_mem>>)
      %dma_start3A_28 = arith.constant 1 : i32
      %dma_start3A_29 = arith.constant 0 : i32
      %dma_start3A_30 = arith.constant 0 : i32
      %dma_start3A_31 = tpu.memref_slice %arg10[%dma_start3A_29, %dma_start3A_30] : memref<128x128xf32, #tpu.memory_space<vmem>> -> memref<125x128xf32, #tpu.memory_space<vmem>>
      %dma_start3A_32 = arith.constant 0 : i32
      %dma_start3A_33 = tpu.memref_slice %arg7[%dma_start3A_28, %dma_start3A_32] : memref<40x125xi32, #tpu.memory_space<vmem>> -> memref<1x125xi32, #tpu.memory_space<vmem>>
      %dma_start3A_34 = tpu.memref_squeeze %dma_start3A_33 : memref<1x125xi32, #tpu.memory_space<vmem>> -> memref<125xi32, #tpu.memory_space<vmem>>
      %dma_start3A_35 = arith.constant 0 : i32
      %dma_start3A_36 = arith.constant 0 : i32
      %dma_start3A_37 = tpu.memref_slice %arg2[%dma_start3A_35, %dma_start3A_36] : memref<10000x128xf32, #tpu.memory_space<hbm>> -> memref<10000x128xf32, #tpu.memory_space<hbm>>
      tpu.enqueue_indirect_dma source(%dma_start3A_37 : memref<10000x128xf32, #tpu.memory_space<hbm>>) target(%dma_start3A_31 : memref<125x128xf32, #tpu.memory_space<vmem>>) offsets(%dma_start3A_34 : memref<125xi32, #tpu.memory_space<vmem>>) semaphore(%arg13 : memref<!tpu.dma_semaphore, #tpu.memory_space<semaphore_mem>>)
      %scan3A = arith.constant 0 : i32
      %scan3A_38 = arith.constant 0 : i32
      %scan3A_39 = arith.constant 1 : i32
      %scan3A_40 = arith.constant 0 : i32
      %scan3A_41 = arith.constant 20 : i32
      %scan3A_42 = arith.addi %scan3A_40, %scan3A_41 : i32
      %scan3A_43 = arith.constant 1 : i32
      scf.for %scan3A_88 = %scan3A_40 to %scan3A_42 step %scan3A_43  : i32 {
        %mul3A_89 = arith.constant 2 : i32
        %mul3A_90 = arith.muli %scan3A_88, %mul3A_89 : i32
        %dma_wait3A = arith.constant 0 : i32
        %dma_wait3A_91 = arith.constant 0 : i32
        %dma_wait3A_92 = tpu.memref_slice %arg9[%dma_wait3A, %dma_wait3A_91] : memref<128x128xf32, #tpu.memory_space<vmem>> -> memref<125x128xf32, #tpu.memory_space<vmem>>
        %dma_wait3A_93 = arith.constant 0 : i32
        %dma_wait3A_94 = tpu.memref_slice %arg7[%scan3A_38, %dma_wait3A_93] : memref<40x125xi32, #tpu.memory_space<vmem>> -> memref<1x125xi32, #tpu.memory_space<vmem>>
        %dma_wait3A_95 = tpu.memref_squeeze %dma_wait3A_94 : memref<1x125xi32, #tpu.memory_space<vmem>> -> memref<125xi32, #tpu.memory_space<vmem>>
        %dma_wait3A_96 = arith.constant 0 : i32
        %dma_wait3A_97 = arith.constant 0 : i32
        %dma_wait3A_98 = tpu.memref_slice %arg2[%dma_wait3A_96, %dma_wait3A_97] : memref<10000x128xf32, #tpu.memory_space<hbm>> -> memref<10000x128xf32, #tpu.memory_space<hbm>>
        tpu.wait_indirect_dma semaphore(%arg12 : memref<!tpu.dma_semaphore, #tpu.memory_space<semaphore_mem>>) src(%dma_wait3A_98 : memref<10000x128xf32, #tpu.memory_space<hbm>>) dst(%dma_wait3A_92 : memref<125x128xf32, #tpu.memory_space<vmem>>)
        "tpu.region"() ({
          %run_scoped3A_120 = tpu.sem_alloc : memref<!tpu.dma_semaphore, #tpu.memory_space<semaphore_mem>>
          %dma_start3A_121 = arith.constant 0 : i32
          %dma_start3A_122 = arith.constant 0 : i32
          %dma_start3A_123 = tpu.memref_slice %arg9[%dma_start3A_121, %dma_start3A_122] : memref<128x128xf32, #tpu.memory_space<vmem>> -> memref<125x128xf32, #tpu.memory_space<vmem>>
          %dma_start3A_124 = arith.constant 0 : i32
          %dma_start3A_125 = tpu.memref_slice %arg8[%mul3A_90, %dma_start3A_124] : memref<40x125xi32, #tpu.memory_space<vmem>> -> memref<1x125xi32, #tpu.memory_space<vmem>>
          %dma_start3A_126 = tpu.memref_squeeze %dma_start3A_125 : memref<1x125xi32, #tpu.memory_space<vmem>> -> memref<125xi32, #tpu.memory_space<vmem>>
          %dma_start3A_127 = arith.constant 0 : i32
          %dma_start3A_128 = arith.constant 0 : i32
          %dma_start3A_129 = tpu.memref_slice %arg11[%dma_start3A_127, %dma_start3A_128] : memref<10000x128xf32, #tpu.memory_space<vmem_shared>> -> memref<10000x128xf32, #tpu.memory_space<vmem_shared>>
          tpu.enqueue_indirect_dma source(%dma_start3A_123 : memref<125x128xf32, #tpu.memory_space<vmem>>) target(%dma_start3A_129 : memref<10000x128xf32, #tpu.memory_space<vmem_shared>>) offsets(%dma_start3A_126 : memref<125xi32, #tpu.memory_space<vmem>>) semaphore(%run_scoped3A_120 : memref<!tpu.dma_semaphore, #tpu.memory_space<semaphore_mem>>) {add = true}
          %dma_wait3A_130 = arith.constant 0 : i32
          %dma_wait3A_131 = arith.constant 0 : i32
          %dma_wait3A_132 = tpu.memref_slice %arg9[%dma_wait3A_130, %dma_wait3A_131] : memref<128x128xf32, #tpu.memory_space<vmem>> -> memref<125x128xf32, #tpu.memory_space<vmem>>
          %dma_wait3A_133 = arith.constant 0 : i32
          %dma_wait3A_134 = tpu.memref_slice %arg8[%mul3A_90, %dma_wait3A_133] : memref<40x125xi32, #tpu.memory_space<vmem>> -> memref<1x125xi32, #tpu.memory_space<vmem>>
          %dma_wait3A_135 = tpu.memref_squeeze %dma_wait3A_134 : memref<1x125xi32, #tpu.memory_space<vmem>> -> memref<125xi32, #tpu.memory_space<vmem>>
          %dma_wait3A_136 = arith.constant 0 : i32
          %dma_wait3A_137 = arith.constant 0 : i32
          %dma_wait3A_138 = tpu.memref_slice %arg11[%dma_wait3A_136, %dma_wait3A_137] : memref<10000x128xf32, #tpu.memory_space<vmem_shared>> -> memref<10000x128xf32, #tpu.memory_space<vmem_shared>>
          tpu.wait_indirect_dma semaphore(%run_scoped3A_120 : memref<!tpu.dma_semaphore, #tpu.memory_space<semaphore_mem>>) src(%dma_wait3A_132 : memref<125x128xf32, #tpu.memory_space<vmem>>) dst(%dma_wait3A_138 : memref<10000x128xf32, #tpu.memory_space<vmem_shared>>)
          tpu.yield
        }) : () -> ()
        %lt3A_99 = arith.constant 19 : i32
        %lt3A_100 = arith.cmpi slt, %scan3A_88, %lt3A_99 : i32
        %convert_element_type3A_101 = arith.extui %lt3A_100 : i1 to i32
        %cond3A_102 = arith.constant 0 : i32
        %cond3A_103 = arith.cmpi ne, %convert_element_type3A_101, %cond3A_102 : i32
        scf.if %cond3A_103 {
          %add3A_120 = arith.constant 2 : i32
          %add3A_121 = arith.addi %mul3A_90, %add3A_120 : i32
          %dma_start3A_122 = arith.constant 0 : i32
          %dma_start3A_123 = arith.constant 0 : i32
          %dma_start3A_124 = tpu.memref_slice %arg9[%dma_start3A_122, %dma_start3A_123] : memref<128x128xf32, #tpu.memory_space<vmem>> -> memref<125x128xf32, #tpu.memory_space<vmem>>
          %dma_start3A_125 = arith.constant 0 : i32
          %dma_start3A_126 = tpu.memref_slice %arg7[%add3A_121, %dma_start3A_125] : memref<40x125xi32, #tpu.memory_space<vmem>> -> memref<1x125xi32, #tpu.memory_space<vmem>>
          %dma_start3A_127 = tpu.memref_squeeze %dma_start3A_126 : memref<1x125xi32, #tpu.memory_space<vmem>> -> memref<125xi32, #tpu.memory_space<vmem>>
          %dma_start3A_128 = arith.constant 0 : i32
          %dma_start3A_129 = arith.constant 0 : i32
          %dma_start3A_130 = tpu.memref_slice %arg2[%dma_start3A_128, %dma_start3A_129] : memref<10000x128xf32, #tpu.memory_space<hbm>> -> memref<10000x128xf32, #tpu.memory_space<hbm>>
          tpu.enqueue_indirect_dma source(%dma_start3A_130 : memref<10000x128xf32, #tpu.memory_space<hbm>>) target(%dma_start3A_124 : memref<125x128xf32, #tpu.memory_space<vmem>>) offsets(%dma_start3A_127 : memref<125xi32, #tpu.memory_space<vmem>>) semaphore(%arg12 : memref<!tpu.dma_semaphore, #tpu.memory_space<semaphore_mem>>)
        } else {
        }
        %dma_wait3A_104 = arith.constant 0 : i32
        %dma_wait3A_105 = arith.constant 0 : i32
        %dma_wait3A_106 = tpu.memref_slice %arg10[%dma_wait3A_104, %dma_wait3A_105] : memref<128x128xf32, #tpu.memory_space<vmem>> -> memref<125x128xf32, #tpu.memory_space<vmem>>
        %dma_wait3A_107 = arith.constant 0 : i32
        %dma_wait3A_108 = tpu.memref_slice %arg7[%scan3A_39, %dma_wait3A_107] : memref<40x125xi32, #tpu.memory_space<vmem>> -> memref<1x125xi32, #tpu.memory_space<vmem>>
        %dma_wait3A_109 = tpu.memref_squeeze %dma_wait3A_108 : memref<1x125xi32, #tpu.memory_space<vmem>> -> memref<125xi32, #tpu.memory_space<vmem>>
        %dma_wait3A_110 = arith.constant 0 : i32
        %dma_wait3A_111 = arith.constant 0 : i32
        %dma_wait3A_112 = tpu.memref_slice %arg2[%dma_wait3A_110, %dma_wait3A_111] : memref<10000x128xf32, #tpu.memory_space<hbm>> -> memref<10000x128xf32, #tpu.memory_space<hbm>>
        tpu.wait_indirect_dma semaphore(%arg13 : memref<!tpu.dma_semaphore, #tpu.memory_space<semaphore_mem>>) src(%dma_wait3A_112 : memref<10000x128xf32, #tpu.memory_space<hbm>>) dst(%dma_wait3A_106 : memref<125x128xf32, #tpu.memory_space<vmem>>)
        %add3A_113 = arith.constant 1 : i32
        %add3A_114 = arith.addi %mul3A_90, %add3A_113 : i32
        "tpu.region"() ({
          %run_scoped3A_120 = tpu.sem_alloc : memref<!tpu.dma_semaphore, #tpu.memory_space<semaphore_mem>>
          %dma_start3A_121 = arith.constant 0 : i32
          %dma_start3A_122 = arith.constant 0 : i32
          %dma_start3A_123 = tpu.memref_slice %arg10[%dma_start3A_121, %dma_start3A_122] : memref<128x128xf32, #tpu.memory_space<vmem>> -> memref<125x128xf32, #tpu.memory_space<vmem>>
          %dma_start3A_124 = arith.constant 0 : i32
          %dma_start3A_125 = tpu.memref_slice %arg8[%add3A_114, %dma_start3A_124] : memref<40x125xi32, #tpu.memory_space<vmem>> -> memref<1x125xi32, #tpu.memory_space<vmem>>
          %dma_start3A_126 = tpu.memref_squeeze %dma_start3A_125 : memref<1x125xi32, #tpu.memory_space<vmem>> -> memref<125xi32, #tpu.memory_space<vmem>>
          %dma_start3A_127 = arith.constant 0 : i32
          %dma_start3A_128 = arith.constant 0 : i32
          %dma_start3A_129 = tpu.memref_slice %arg11[%dma_start3A_127, %dma_start3A_128] : memref<10000x128xf32, #tpu.memory_space<vmem_shared>> -> memref<10000x128xf32, #tpu.memory_space<vmem_shared>>
          tpu.enqueue_indirect_dma source(%dma_start3A_123 : memref<125x128xf32, #tpu.memory_space<vmem>>) target(%dma_start3A_129 : memref<10000x128xf32, #tpu.memory_space<vmem_shared>>) offsets(%dma_start3A_126 : memref<125xi32, #tpu.memory_space<vmem>>) semaphore(%run_scoped3A_120 : memref<!tpu.dma_semaphore, #tpu.memory_space<semaphore_mem>>) {add = true}
          %dma_wait3A_130 = arith.constant 0 : i32
          %dma_wait3A_131 = arith.constant 0 : i32
          %dma_wait3A_132 = tpu.memref_slice %arg10[%dma_wait3A_130, %dma_wait3A_131] : memref<128x128xf32, #tpu.memory_space<vmem>> -> memref<125x128xf32, #tpu.memory_space<vmem>>
          %dma_wait3A_133 = arith.constant 0 : i32
          %dma_wait3A_134 = tpu.memref_slice %arg8[%add3A_114, %dma_wait3A_133] : memref<40x125xi32, #tpu.memory_space<vmem>> -> memref<1x125xi32, #tpu.memory_space<vmem>>
          %dma_wait3A_135 = tpu.memref_squeeze %dma_wait3A_134 : memref<1x125xi32, #tpu.memory_space<vmem>> -> memref<125xi32, #tpu.memory_space<vmem>>
          %dma_wait3A_136 = arith.constant 0 : i32
          %dma_wait3A_137 = arith.constant 0 : i32
          %dma_wait3A_138 = tpu.memref_slice %arg11[%dma_wait3A_136, %dma_wait3A_137] : memref<10000x128xf32, #tpu.memory_space<vmem_shared>> -> memref<10000x128xf32, #tpu.memory_space<vmem_shared>>
          tpu.wait_indirect_dma semaphore(%run_scoped3A_120 : memref<!tpu.dma_semaphore, #tpu.memory_space<semaphore_mem>>) src(%dma_wait3A_132 : memref<125x128xf32, #tpu.memory_space<vmem>>) dst(%dma_wait3A_138 : memref<10000x128xf32, #tpu.memory_space<vmem_shared>>)
          tpu.yield
        }) : () -> ()
        %lt3A_115 = arith.constant 19 : i32
        %lt3A_116 = arith.cmpi slt, %scan3A_88, %lt3A_115 : i32
        %convert_element_type3A_117 = arith.extui %lt3A_116 : i1 to i32
        %cond3A_118 = arith.constant 0 : i32
        %cond3A_119 = arith.cmpi ne, %convert_element_type3A_117, %cond3A_118 : i32
        scf.if %cond3A_119 {
          %add3A_120 = arith.constant 3 : i32
          %add3A_121 = arith.addi %mul3A_90, %add3A_120 : i32
          %dma_start3A_122 = arith.constant 0 : i32
          %dma_start3A_123 = arith.constant 0 : i32
          %dma_start3A_124 = tpu.memref_slice %arg10[%dma_start3A_122, %dma_start3A_123] : memref<128x128xf32, #tpu.memory_space<vmem>> -> memref<125x128xf32, #tpu.memory_space<vmem>>
          %dma_start3A_125 = arith.constant 0 : i32
          %dma_start3A_126 = tpu.memref_slice %arg7[%add3A_121, %dma_start3A_125] : memref<40x125xi32, #tpu.memory_space<vmem>> -> memref<1x125xi32, #tpu.memory_space<vmem>>
          %dma_start3A_127 = tpu.memref_squeeze %dma_start3A_126 : memref<1x125xi32, #tpu.memory_space<vmem>> -> memref<125xi32, #tpu.memory_space<vmem>>
          %dma_start3A_128 = arith.constant 0 : i32
          %dma_start3A_129 = arith.constant 0 : i32
          %dma_start3A_130 = tpu.memref_slice %arg2[%dma_start3A_128, %dma_start3A_129] : memref<10000x128xf32, #tpu.memory_space<hbm>> -> memref<10000x128xf32, #tpu.memory_space<hbm>>
          tpu.enqueue_indirect_dma source(%dma_start3A_130 : memref<10000x128xf32, #tpu.memory_space<hbm>>) target(%dma_start3A_124 : memref<125x128xf32, #tpu.memory_space<vmem>>) offsets(%dma_start3A_127 : memref<125xi32, #tpu.memory_space<vmem>>) semaphore(%arg13 : memref<!tpu.dma_semaphore, #tpu.memory_space<semaphore_mem>>)
        } else {
        }
      }
      %scan3A_44 = arith.constant 20 : i32
      %add3A_45 = arith.constant 40 : i32
      %add3A_46 = arith.addi %mul3A_16, %add3A_45 : i32
      %run_scoped3A_47 = arith.constant 0 : i32
      "tpu.region"() ({
        %run_scoped3A_88 = tpu.sem_alloc : memref<!tpu.dma_semaphore, #tpu.memory_space<semaphore_mem>>
        %dma_start3A_89 = arith.constant 0 : i32
        %dma_start3A_90 = tpu.memref_slice %arg4[%run_scoped3A_47, %add3A_46, %dma_start3A_89] : memref<2x1280x125xi32, #tpu.memory_space<hbm>> -> memref<1x40x125xi32, #tpu.memory_space<hbm>>
        %dma_start3A_91 = tpu.memref_squeeze %dma_start3A_90 : memref<1x40x125xi32, #tpu.memory_space<hbm>> -> memref<40x125xi32, #tpu.memory_space<hbm>>
        %dma_start3A_92 = arith.constant 0 : i32
        %dma_start3A_93 = tpu.memref_slice %arg4[%run_scoped3A_47, %add3A_46, %dma_start3A_92] : memref<2x1280x125xi32, #tpu.memory_space<hbm>> -> memref<1x40x125xi32, #tpu.memory_space<hbm>>
        %dma_start3A_94 = tpu.memref_squeeze %dma_start3A_93 : memref<1x40x125xi32, #tpu.memory_space<hbm>> -> memref<40x125xi32, #tpu.memory_space<hbm>>
        tpu.enqueue_dma source(%dma_start3A_94 : memref<40x125xi32, #tpu.memory_space<hbm>>) target(%arg7 : memref<40x125xi32, #tpu.memory_space<vmem>>) target_semaphore(%run_scoped3A_88 : memref<!tpu.dma_semaphore, #tpu.memory_space<semaphore_mem>>)
        %dma_wait3A = arith.constant 0 : i32
        %dma_wait3A_95 = tpu.memref_slice %arg4[%run_scoped3A_47, %add3A_46, %dma_wait3A] : memref<2x1280x125xi32, #tpu.memory_space<hbm>> -> memref<1x40x125xi32, #tpu.memory_space<hbm>>
        %dma_wait3A_96 = tpu.memref_squeeze %dma_wait3A_95 : memref<1x40x125xi32, #tpu.memory_space<hbm>> -> memref<40x125xi32, #tpu.memory_space<hbm>>
        %dma_wait3A_97 = arith.constant 0 : i32
        %dma_wait3A_98 = tpu.memref_slice %arg4[%run_scoped3A_47, %add3A_46, %dma_wait3A_97] : memref<2x1280x125xi32, #tpu.memory_space<hbm>> -> memref<1x40x125xi32, #tpu.memory_space<hbm>>
        %dma_wait3A_99 = tpu.memref_squeeze %dma_wait3A_98 : memref<1x40x125xi32, #tpu.memory_space<hbm>> -> memref<40x125xi32, #tpu.memory_space<hbm>>
        tpu.wait_dma2 semaphore(%run_scoped3A_88 : memref<!tpu.dma_semaphore, #tpu.memory_space<semaphore_mem>>) src(%dma_wait3A_99 : memref<40x125xi32, #tpu.memory_space<hbm>>) dst(%arg7 : memref<40x125xi32, #tpu.memory_space<vmem>>)
        tpu.yield
      }) : () -> ()
      %run_scoped3A_48 = arith.constant 1 : i32
      "tpu.region"() ({
        %run_scoped3A_88 = tpu.sem_alloc : memref<!tpu.dma_semaphore, #tpu.memory_space<semaphore_mem>>
        %dma_start3A_89 = arith.constant 0 : i32
        %dma_start3A_90 = tpu.memref_slice %arg4[%run_scoped3A_48, %add3A_46, %dma_start3A_89] : memref<2x1280x125xi32, #tpu.memory_space<hbm>> -> memref<1x40x125xi32, #tpu.memory_space<hbm>>
        %dma_start3A_91 = tpu.memref_squeeze %dma_start3A_90 : memref<1x40x125xi32, #tpu.memory_space<hbm>> -> memref<40x125xi32, #tpu.memory_space<hbm>>
        %dma_start3A_92 = arith.constant 0 : i32
        %dma_start3A_93 = tpu.memref_slice %arg4[%run_scoped3A_48, %add3A_46, %dma_start3A_92] : memref<2x1280x125xi32, #tpu.memory_space<hbm>> -> memref<1x40x125xi32, #tpu.memory_space<hbm>>
        %dma_start3A_94 = tpu.memref_squeeze %dma_start3A_93 : memref<1x40x125xi32, #tpu.memory_space<hbm>> -> memref<40x125xi32, #tpu.memory_space<hbm>>
        tpu.enqueue_dma source(%dma_start3A_94 : memref<40x125xi32, #tpu.memory_space<hbm>>) target(%arg8 : memref<40x125xi32, #tpu.memory_space<vmem>>) target_semaphore(%run_scoped3A_88 : memref<!tpu.dma_semaphore, #tpu.memory_space<semaphore_mem>>)
        %dma_wait3A = arith.constant 0 : i32
        %dma_wait3A_95 = tpu.memref_slice %arg4[%run_scoped3A_48, %add3A_46, %dma_wait3A] : memref<2x1280x125xi32, #tpu.memory_space<hbm>> -> memref<1x40x125xi32, #tpu.memory_space<hbm>>
        %dma_wait3A_96 = tpu.memref_squeeze %dma_wait3A_95 : memref<1x40x125xi32, #tpu.memory_space<hbm>> -> memref<40x125xi32, #tpu.memory_space<hbm>>
        %dma_wait3A_97 = arith.constant 0 : i32
        %dma_wait3A_98 = tpu.memref_slice %arg4[%run_scoped3A_48, %add3A_46, %dma_wait3A_97] : memref<2x1280x125xi32, #tpu.memory_space<hbm>> -> memref<1x40x125xi32, #tpu.memory_space<hbm>>
        %dma_wait3A_99 = tpu.memref_squeeze %dma_wait3A_98 : memref<1x40x125xi32, #tpu.memory_space<hbm>> -> memref<40x125xi32, #tpu.memory_space<hbm>>
        tpu.wait_dma2 semaphore(%run_scoped3A_88 : memref<!tpu.dma_semaphore, #tpu.memory_space<semaphore_mem>>) src(%dma_wait3A_99 : memref<40x125xi32, #tpu.memory_space<hbm>>) dst(%arg8 : memref<40x125xi32, #tpu.memory_space<vmem>>)
        tpu.yield
      }) : () -> ()
      %dma_start3A_49 = arith.constant 0 : i32
      %dma_start3A_50 = arith.constant 0 : i32
      %dma_start3A_51 = arith.constant 0 : i32
      %dma_start3A_52 = tpu.memref_slice %arg9[%dma_start3A_50, %dma_start3A_51] : memref<128x128xf32, #tpu.memory_space<vmem>> -> memref<125x128xf32, #tpu.memory_space<vmem>>
      %dma_start3A_53 = arith.constant 0 : i32
      %dma_start3A_54 = tpu.memref_slice %arg7[%dma_start3A_49, %dma_start3A_53] : memref<40x125xi32, #tpu.memory_space<vmem>> -> memref<1x125xi32, #tpu.memory_space<vmem>>
      %dma_start3A_55 = tpu.memref_squeeze %dma_start3A_54 : memref<1x125xi32, #tpu.memory_space<vmem>> -> memref<125xi32, #tpu.memory_space<vmem>>
      %dma_start3A_56 = arith.constant 0 : i32
      %dma_start3A_57 = arith.constant 0 : i32
      %dma_start3A_58 = tpu.memref_slice %arg2[%dma_start3A_56, %dma_start3A_57] : memref<10000x128xf32, #tpu.memory_space<hbm>> -> memref<10000x128xf32, #tpu.memory_space<hbm>>
      tpu.enqueue_indirect_dma source(%dma_start3A_58 : memref<10000x128xf32, #tpu.memory_space<hbm>>) target(%dma_start3A_52 : memref<125x128xf32, #tpu.memory_space<vmem>>) offsets(%dma_start3A_55 : memref<125xi32, #tpu.memory_space<vmem>>) semaphore(%arg12 : memref<!tpu.dma_semaphore, #tpu.memory_space<semaphore_mem>>)
      %dma_start3A_59 = arith.constant 1 : i32
      %dma_start3A_60 = arith.constant 0 : i32
      %dma_start3A_61 = arith.constant 0 : i32
      %dma_start3A_62 = tpu.memref_slice %arg10[%dma_start3A_60, %dma_start3A_61] : memref<128x128xf32, #tpu.memory_space<vmem>> -> memref<125x128xf32, #tpu.memory_space<vmem>>
      %dma_start3A_63 = arith.constant 0 : i32
      %dma_start3A_64 = tpu.memref_slice %arg7[%dma_start3A_59, %dma_start3A_63] : memref<40x125xi32, #tpu.memory_space<vmem>> -> memref<1x125xi32, #tpu.memory_space<vmem>>
      %dma_start3A_65 = tpu.memref_squeeze %dma_start3A_64 : memref<1x125xi32, #tpu.memory_space<vmem>> -> memref<125xi32, #tpu.memory_space<vmem>>
      %dma_start3A_66 = arith.constant 0 : i32
      %dma_start3A_67 = arith.constant 0 : i32
      %dma_start3A_68 = tpu.memref_slice %arg2[%dma_start3A_66, %dma_start3A_67] : memref<10000x128xf32, #tpu.memory_space<hbm>> -> memref<10000x128xf32, #tpu.memory_space<hbm>>
      tpu.enqueue_indirect_dma source(%dma_start3A_68 : memref<10000x128xf32, #tpu.memory_space<hbm>>) target(%dma_start3A_62 : memref<125x128xf32, #tpu.memory_space<vmem>>) offsets(%dma_start3A_65 : memref<125xi32, #tpu.memory_space<vmem>>) semaphore(%arg13 : memref<!tpu.dma_semaphore, #tpu.memory_space<semaphore_mem>>)
      %scan3A_69 = arith.constant 0 : i32
      %scan3A_70 = arith.constant 0 : i32
      %scan3A_71 = arith.constant 1 : i32
      %scan3A_72 = arith.constant 0 : i32
      %scan3A_73 = arith.constant 20 : i32
      %scan3A_74 = arith.addi %scan3A_72, %scan3A_73 : i32
      %scan3A_75 = arith.constant 1 : i32
      scf.for %scan3A_88 = %scan3A_72 to %scan3A_74 step %scan3A_75  : i32 {
        %mul3A_89 = arith.constant 2 : i32
        %mul3A_90 = arith.muli %scan3A_88, %mul3A_89 : i32
        %dma_wait3A = arith.constant 0 : i32
        %dma_wait3A_91 = arith.constant 0 : i32
        %dma_wait3A_92 = tpu.memref_slice %arg9[%dma_wait3A, %dma_wait3A_91] : memref<128x128xf32, #tpu.memory_space<vmem>> -> memref<125x128xf32, #tpu.memory_space<vmem>>
        %dma_wait3A_93 = arith.constant 0 : i32
        %dma_wait3A_94 = tpu.memref_slice %arg7[%scan3A_70, %dma_wait3A_93] : memref<40x125xi32, #tpu.memory_space<vmem>> -> memref<1x125xi32, #tpu.memory_space<vmem>>
        %dma_wait3A_95 = tpu.memref_squeeze %dma_wait3A_94 : memref<1x125xi32, #tpu.memory_space<vmem>> -> memref<125xi32, #tpu.memory_space<vmem>>
        %dma_wait3A_96 = arith.constant 0 : i32
        %dma_wait3A_97 = arith.constant 0 : i32
        %dma_wait3A_98 = tpu.memref_slice %arg2[%dma_wait3A_96, %dma_wait3A_97] : memref<10000x128xf32, #tpu.memory_space<hbm>> -> memref<10000x128xf32, #tpu.memory_space<hbm>>
        tpu.wait_indirect_dma semaphore(%arg12 : memref<!tpu.dma_semaphore, #tpu.memory_space<semaphore_mem>>) src(%dma_wait3A_98 : memref<10000x128xf32, #tpu.memory_space<hbm>>) dst(%dma_wait3A_92 : memref<125x128xf32, #tpu.memory_space<vmem>>)
        "tpu.region"() ({
          %run_scoped3A_120 = tpu.sem_alloc : memref<!tpu.dma_semaphore, #tpu.memory_space<semaphore_mem>>
          %dma_start3A_121 = arith.constant 0 : i32
          %dma_start3A_122 = arith.constant 0 : i32
          %dma_start3A_123 = tpu.memref_slice %arg9[%dma_start3A_121, %dma_start3A_122] : memref<128x128xf32, #tpu.memory_space<vmem>> -> memref<125x128xf32, #tpu.memory_space<vmem>>
          %dma_start3A_124 = arith.constant 0 : i32
          %dma_start3A_125 = tpu.memref_slice %arg8[%mul3A_90, %dma_start3A_124] : memref<40x125xi32, #tpu.memory_space<vmem>> -> memref<1x125xi32, #tpu.memory_space<vmem>>
          %dma_start3A_126 = tpu.memref_squeeze %dma_start3A_125 : memref<1x125xi32, #tpu.memory_space<vmem>> -> memref<125xi32, #tpu.memory_space<vmem>>
          %dma_start3A_127 = arith.constant 0 : i32
          %dma_start3A_128 = arith.constant 0 : i32
          %dma_start3A_129 = tpu.memref_slice %arg11[%dma_start3A_127, %dma_start3A_128] : memref<10000x128xf32, #tpu.memory_space<vmem_shared>> -> memref<10000x128xf32, #tpu.memory_space<vmem_shared>>
          tpu.enqueue_indirect_dma source(%dma_start3A_123 : memref<125x128xf32, #tpu.memory_space<vmem>>) target(%dma_start3A_129 : memref<10000x128xf32, #tpu.memory_space<vmem_shared>>) offsets(%dma_start3A_126 : memref<125xi32, #tpu.memory_space<vmem>>) semaphore(%run_scoped3A_120 : memref<!tpu.dma_semaphore, #tpu.memory_space<semaphore_mem>>) {add = true}
          %dma_wait3A_130 = arith.constant 0 : i32
          %dma_wait3A_131 = arith.constant 0 : i32
          %dma_wait3A_132 = tpu.memref_slice %arg9[%dma_wait3A_130, %dma_wait3A_131] : memref<128x128xf32, #tpu.memory_space<vmem>> -> memref<125x128xf32, #tpu.memory_space<vmem>>
          %dma_wait3A_133 = arith.constant 0 : i32
          %dma_wait3A_134 = tpu.memref_slice %arg8[%mul3A_90, %dma_wait3A_133] : memref<40x125xi32, #tpu.memory_space<vmem>> -> memref<1x125xi32, #tpu.memory_space<vmem>>
          %dma_wait3A_135 = tpu.memref_squeeze %dma_wait3A_134 : memref<1x125xi32, #tpu.memory_space<vmem>> -> memref<125xi32, #tpu.memory_space<vmem>>
          %dma_wait3A_136 = arith.constant 0 : i32
          %dma_wait3A_137 = arith.constant 0 : i32
          %dma_wait3A_138 = tpu.memref_slice %arg11[%dma_wait3A_136, %dma_wait3A_137] : memref<10000x128xf32, #tpu.memory_space<vmem_shared>> -> memref<10000x128xf32, #tpu.memory_space<vmem_shared>>
          tpu.wait_indirect_dma semaphore(%run_scoped3A_120 : memref<!tpu.dma_semaphore, #tpu.memory_space<semaphore_mem>>) src(%dma_wait3A_132 : memref<125x128xf32, #tpu.memory_space<vmem>>) dst(%dma_wait3A_138 : memref<10000x128xf32, #tpu.memory_space<vmem_shared>>)
          tpu.yield
        }) : () -> ()
        %lt3A_99 = arith.constant 19 : i32
        %lt3A_100 = arith.cmpi slt, %scan3A_88, %lt3A_99 : i32
        %convert_element_type3A_101 = arith.extui %lt3A_100 : i1 to i32
        %cond3A_102 = arith.constant 0 : i32
        %cond3A_103 = arith.cmpi ne, %convert_element_type3A_101, %cond3A_102 : i32
        scf.if %cond3A_103 {
          %add3A_120 = arith.constant 2 : i32
          %add3A_121 = arith.addi %mul3A_90, %add3A_120 : i32
          %dma_start3A_122 = arith.constant 0 : i32
          %dma_start3A_123 = arith.constant 0 : i32
          %dma_start3A_124 = tpu.memref_slice %arg9[%dma_start3A_122, %dma_start3A_123] : memref<128x128xf32, #tpu.memory_space<vmem>> -> memref<125x128xf32, #tpu.memory_space<vmem>>
          %dma_start3A_125 = arith.constant 0 : i32
          %dma_start3A_126 = tpu.memref_slice %arg7[%add3A_121, %dma_start3A_125] : memref<40x125xi32, #tpu.memory_space<vmem>> -> memref<1x125xi32, #tpu.memory_space<vmem>>
          %dma_start3A_127 = tpu.memref_squeeze %dma_start3A_126 : memref<1x125xi32, #tpu.memory_space<vmem>> -> memref<125xi32, #tpu.memory_space<vmem>>
          %dma_start3A_128 = arith.constant 0 : i32
          %dma_start3A_129 = arith.constant 0 : i32
          %dma_start3A_130 = tpu.memref_slice %arg2[%dma_start3A_128, %dma_start3A_129] : memref<10000x128xf32, #tpu.memory_space<hbm>> -> memref<10000x128xf32, #tpu.memory_space<hbm>>
          tpu.enqueue_indirect_dma source(%dma_start3A_130 : memref<10000x128xf32, #tpu.memory_space<hbm>>) target(%dma_start3A_124 : memref<125x128xf32, #tpu.memory_space<vmem>>) offsets(%dma_start3A_127 : memref<125xi32, #tpu.memory_space<vmem>>) semaphore(%arg12 : memref<!tpu.dma_semaphore, #tpu.memory_space<semaphore_mem>>)
        } else {
        }
        %dma_wait3A_104 = arith.constant 0 : i32
        %dma_wait3A_105 = arith.constant 0 : i32
        %dma_wait3A_106 = tpu.memref_slice %arg10[%dma_wait3A_104, %dma_wait3A_105] : memref<128x128xf32, #tpu.memory_space<vmem>> -> memref<125x128xf32, #tpu.memory_space<vmem>>
        %dma_wait3A_107 = arith.constant 0 : i32
        %dma_wait3A_108 = tpu.memref_slice %arg7[%scan3A_71, %dma_wait3A_107] : memref<40x125xi32, #tpu.memory_space<vmem>> -> memref<1x125xi32, #tpu.memory_space<vmem>>
        %dma_wait3A_109 = tpu.memref_squeeze %dma_wait3A_108 : memref<1x125xi32, #tpu.memory_space<vmem>> -> memref<125xi32, #tpu.memory_space<vmem>>
        %dma_wait3A_110 = arith.constant 0 : i32
        %dma_wait3A_111 = arith.constant 0 : i32
        %dma_wait3A_112 = tpu.memref_slice %arg2[%dma_wait3A_110, %dma_wait3A_111] : memref<10000x128xf32, #tpu.memory_space<hbm>> -> memref<10000x128xf32, #tpu.memory_space<hbm>>
        tpu.wait_indirect_dma semaphore(%arg13 : memref<!tpu.dma_semaphore, #tpu.memory_space<semaphore_mem>>) src(%dma_wait3A_112 : memref<10000x128xf32, #tpu.memory_space<hbm>>) dst(%dma_wait3A_106 : memref<125x128xf32, #tpu.memory_space<vmem>>)
        %add3A_113 = arith.constant 1 : i32
        %add3A_114 = arith.addi %mul3A_90, %add3A_113 : i32
        "tpu.region"() ({
          %run_scoped3A_120 = tpu.sem_alloc : memref<!tpu.dma_semaphore, #tpu.memory_space<semaphore_mem>>
          %dma_start3A_121 = arith.constant 0 : i32
          %dma_start3A_122 = arith.constant 0 : i32
          %dma_start3A_123 = tpu.memref_slice %arg10[%dma_start3A_121, %dma_start3A_122] : memref<128x128xf32, #tpu.memory_space<vmem>> -> memref<125x128xf32, #tpu.memory_space<vmem>>
          %dma_start3A_124 = arith.constant 0 : i32
          %dma_start3A_125 = tpu.memref_slice %arg8[%add3A_114, %dma_start3A_124] : memref<40x125xi32, #tpu.memory_space<vmem>> -> memref<1x125xi32, #tpu.memory_space<vmem>>
          %dma_start3A_126 = tpu.memref_squeeze %dma_start3A_125 : memref<1x125xi32, #tpu.memory_space<vmem>> -> memref<125xi32, #tpu.memory_space<vmem>>
          %dma_start3A_127 = arith.constant 0 : i32
          %dma_start3A_128 = arith.constant 0 : i32
          %dma_start3A_129 = tpu.memref_slice %arg11[%dma_start3A_127, %dma_start3A_128] : memref<10000x128xf32, #tpu.memory_space<vmem_shared>> -> memref<10000x128xf32, #tpu.memory_space<vmem_shared>>
          tpu.enqueue_indirect_dma source(%dma_start3A_123 : memref<125x128xf32, #tpu.memory_space<vmem>>) target(%dma_start3A_129 : memref<10000x128xf32, #tpu.memory_space<vmem_shared>>) offsets(%dma_start3A_126 : memref<125xi32, #tpu.memory_space<vmem>>) semaphore(%run_scoped3A_120 : memref<!tpu.dma_semaphore, #tpu.memory_space<semaphore_mem>>) {add = true}
          %dma_wait3A_130 = arith.constant 0 : i32
          %dma_wait3A_131 = arith.constant 0 : i32
          %dma_wait3A_132 = tpu.memref_slice %arg10[%dma_wait3A_130, %dma_wait3A_131] : memref<128x128xf32, #tpu.memory_space<vmem>> -> memref<125x128xf32, #tpu.memory_space<vmem>>
          %dma_wait3A_133 = arith.constant 0 : i32
          %dma_wait3A_134 = tpu.memref_slice %arg8[%add3A_114, %dma_wait3A_133] : memref<40x125xi32, #tpu.memory_space<vmem>> -> memref<1x125xi32, #tpu.memory_space<vmem>>
          %dma_wait3A_135 = tpu.memref_squeeze %dma_wait3A_134 : memref<1x125xi32, #tpu.memory_space<vmem>> -> memref<125xi32, #tpu.memory_space<vmem>>
          %dma_wait3A_136 = arith.constant 0 : i32
          %dma_wait3A_137 = arith.constant 0 : i32
          %dma_wait3A_138 = tpu.memref_slice %arg11[%dma_wait3A_136, %dma_wait3A_137] : memref<10000x128xf32, #tpu.memory_space<vmem_shared>> -> memref<10000x128xf32, #tpu.memory_space<vmem_shared>>
          tpu.wait_indirect_dma semaphore(%run_scoped3A_120 : memref<!tpu.dma_semaphore, #tpu.memory_space<semaphore_mem>>) src(%dma_wait3A_132 : memref<125x128xf32, #tpu.memory_space<vmem>>) dst(%dma_wait3A_138 : memref<10000x128xf32, #tpu.memory_space<vmem_shared>>)
          tpu.yield
        }) : () -> ()
        %lt3A_115 = arith.constant 19 : i32
        %lt3A_116 = arith.cmpi slt, %scan3A_88, %lt3A_115 : i32
        %convert_element_type3A_117 = arith.extui %lt3A_116 : i1 to i32
        %cond3A_118 = arith.constant 0 : i32
        %cond3A_119 = arith.cmpi ne, %convert_element_type3A_117, %cond3A_118 : i32
        scf.if %cond3A_119 {
          %add3A_120 = arith.constant 3 : i32
          %add3A_121 = arith.addi %mul3A_90, %add3A_120 : i32
          %dma_start3A_122 = arith.constant 0 : i32
          %dma_start3A_123 = arith.constant 0 : i32
          %dma_start3A_124 = tpu.memref_slice %arg10[%dma_start3A_122, %dma_start3A_123] : memref<128x128xf32, #tpu.memory_space<vmem>> -> memref<125x128xf32, #tpu.memory_space<vmem>>
          %dma_start3A_125 = arith.constant 0 : i32
          %dma_start3A_126 = tpu.memref_slice %arg7[%add3A_121, %dma_start3A_125] : memref<40x125xi32, #tpu.memory_space<vmem>> -> memref<1x125xi32, #tpu.memory_space<vmem>>
          %dma_start3A_127 = tpu.memref_squeeze %dma_start3A_126 : memref<1x125xi32, #tpu.memory_space<vmem>> -> memref<125xi32, #tpu.memory_space<vmem>>
          %dma_start3A_128 = arith.constant 0 : i32
          %dma_start3A_129 = arith.constant 0 : i32
          %dma_start3A_130 = tpu.memref_slice %arg2[%dma_start3A_128, %dma_start3A_129] : memref<10000x128xf32, #tpu.memory_space<hbm>> -> memref<10000x128xf32, #tpu.memory_space<hbm>>
          tpu.enqueue_indirect_dma source(%dma_start3A_130 : memref<10000x128xf32, #tpu.memory_space<hbm>>) target(%dma_start3A_124 : memref<125x128xf32, #tpu.memory_space<vmem>>) offsets(%dma_start3A_127 : memref<125xi32, #tpu.memory_space<vmem>>) semaphore(%arg13 : memref<!tpu.dma_semaphore, #tpu.memory_space<semaphore_mem>>)
        } else {
        }
      }
      %scan3A_76 = arith.constant 20 : i32
      %barrier3A_77 = arith.constant 0 : index
      tpu.barrier barrier_id(%barrier3A_77)
      %lt3A_78 = arith.constant 15 : i32
      %lt3A_79 = arith.cmpi slt, %arg1, %lt3A_78 : i32
      %convert_element_type3A_80 = arith.extui %lt3A_79 : i1 to i32
      %cond3A_81 = arith.constant 0 : i32
      %cond3A_82 = arith.cmpi ne, %convert_element_type3A_80, %cond3A_81 : i32
      scf.if %cond3A_82 {
        %mul3A_88 = arith.constant 640 : i32
        %mul3A_89 = arith.muli %arg1, %mul3A_88 : i32
        %add3A_90 = arith.constant 0 : i32
        %add3A_91 = arith.addi %mul3A_89, %add3A_90 : i32
        "tpu.region"() ({
          %run_scoped3A_108 = tpu.sem_alloc : memref<!tpu.dma_semaphore, #tpu.memory_space<semaphore_mem>>
          %dma_start3A_109 = arith.constant 0 : i32
          %dma_start3A_110 = tpu.memref_slice %arg11[%add3A_91, %dma_start3A_109] : memref<10000x128xf32, #tpu.memory_space<vmem_shared>> -> memref<128x128xf32, #tpu.memory_space<vmem_shared>>
          %dma_start3A_111 = arith.constant 0 : i32
          %dma_start3A_112 = tpu.memref_slice %arg11[%add3A_91, %dma_start3A_111] : memref<10000x128xf32, #tpu.memory_space<vmem_shared>> -> memref<128x128xf32, #tpu.memory_space<vmem_shared>>
          tpu.enqueue_dma source(%dma_start3A_112 : memref<128x128xf32, #tpu.memory_space<vmem_shared>>) target(%arg9 : memref<128x128xf32, #tpu.memory_space<vmem>>) target_semaphore(%run_scoped3A_108 : memref<!tpu.dma_semaphore, #tpu.memory_space<semaphore_mem>>)
          %dma_wait3A = arith.constant 0 : i32
          %dma_wait3A_113 = tpu.memref_slice %arg11[%add3A_91, %dma_wait3A] : memref<10000x128xf32, #tpu.memory_space<vmem_shared>> -> memref<128x128xf32, #tpu.memory_space<vmem_shared>>
          %dma_wait3A_114 = arith.constant 0 : i32
          %dma_wait3A_115 = tpu.memref_slice %arg11[%add3A_91, %dma_wait3A_114] : memref<10000x128xf32, #tpu.memory_space<vmem_shared>> -> memref<128x128xf32, #tpu.memory_space<vmem_shared>>
          tpu.wait_dma2 semaphore(%run_scoped3A_108 : memref<!tpu.dma_semaphore, #tpu.memory_space<semaphore_mem>>) src(%dma_wait3A_115 : memref<128x128xf32, #tpu.memory_space<vmem_shared>>) dst(%arg9 : memref<128x128xf32, #tpu.memory_space<vmem>>)
          tpu.yield
        }) : () -> ()
        "tpu.region"() ({
          %run_scoped3A_108 = tpu.sem_alloc : memref<!tpu.dma_semaphore, #tpu.memory_space<semaphore_mem>>
          %dma_start3A_109 = arith.constant 0 : i32
          %dma_start3A_110 = tpu.memref_slice %arg5[%add3A_91, %dma_start3A_109] : memref<10000x128xf32, #tpu.memory_space<hbm>> -> memref<128x128xf32, #tpu.memory_space<hbm>>
          %dma_start3A_111 = arith.constant 0 : i32
          %dma_start3A_112 = tpu.memref_slice %arg5[%add3A_91, %dma_start3A_111] : memref<10000x128xf32, #tpu.memory_space<hbm>> -> memref<128x128xf32, #tpu.memory_space<hbm>>
          tpu.enqueue_dma source(%arg9 : memref<128x128xf32, #tpu.memory_space<vmem>>) target(%dma_start3A_112 : memref<128x128xf32, #tpu.memory_space<hbm>>) target_semaphore(%run_scoped3A_108 : memref<!tpu.dma_semaphore, #tpu.memory_space<semaphore_mem>>)
          %dma_wait3A = arith.constant 0 : i32
          %dma_wait3A_113 = tpu.memref_slice %arg5[%add3A_91, %dma_wait3A] : memref<10000x128xf32, #tpu.memory_space<hbm>> -> memref<128x128xf32, #tpu.memory_space<hbm>>
          %dma_wait3A_114 = arith.constant 0 : i32
          %dma_wait3A_115 = tpu.memref_slice %arg5[%add3A_91, %dma_wait3A_114] : memref<10000x128xf32, #tpu.memory_space<hbm>> -> memref<128x128xf32, #tpu.memory_space<hbm>>
          tpu.wait_dma2 semaphore(%run_scoped3A_108 : memref<!tpu.dma_semaphore, #tpu.memory_space<semaphore_mem>>) src(%arg9 : memref<128x128xf32, #tpu.memory_space<vmem>>) dst(%dma_wait3A_115 : memref<128x128xf32, #tpu.memory_space<hbm>>)
          tpu.yield
        }) : () -> ()
        %mul3A_92 = arith.constant 640 : i32
        %mul3A_93 = arith.muli %arg1, %mul3A_92 : i32
        %add3A_94 = arith.constant 128 : i32
        %add3A_95 = arith.addi %mul3A_93, %add3A_94 : i32
        "tpu.region"() ({
          %run_scoped3A_108 = tpu.sem_alloc : memref<!tpu.dma_semaphore, #tpu.memory_space<semaphore_mem>>
          %dma_start3A_109 = arith.constant 0 : i32
          %dma_start3A_110 = tpu.memref_slice %arg11[%add3A_95, %dma_start3A_109] : memref<10000x128xf32, #tpu.memory_space<vmem_shared>> -> memref<128x128xf32, #tpu.memory_space<vmem_shared>>
          %dma_start3A_111 = arith.constant 0 : i32
          %dma_start3A_112 = tpu.memref_slice %arg11[%add3A_95, %dma_start3A_111] : memref<10000x128xf32, #tpu.memory_space<vmem_shared>> -> memref<128x128xf32, #tpu.memory_space<vmem_shared>>
          tpu.enqueue_dma source(%dma_start3A_112 : memref<128x128xf32, #tpu.memory_space<vmem_shared>>) target(%arg9 : memref<128x128xf32, #tpu.memory_space<vmem>>) target_semaphore(%run_scoped3A_108 : memref<!tpu.dma_semaphore, #tpu.memory_space<semaphore_mem>>)
          %dma_wait3A = arith.constant 0 : i32
          %dma_wait3A_113 = tpu.memref_slice %arg11[%add3A_95, %dma_wait3A] : memref<10000x128xf32, #tpu.memory_space<vmem_shared>> -> memref<128x128xf32, #tpu.memory_space<vmem_shared>>
          %dma_wait3A_114 = arith.constant 0 : i32
          %dma_wait3A_115 = tpu.memref_slice %arg11[%add3A_95, %dma_wait3A_114] : memref<10000x128xf32, #tpu.memory_space<vmem_shared>> -> memref<128x128xf32, #tpu.memory_space<vmem_shared>>
          tpu.wait_dma2 semaphore(%run_scoped3A_108 : memref<!tpu.dma_semaphore, #tpu.memory_space<semaphore_mem>>) src(%dma_wait3A_115 : memref<128x128xf32, #tpu.memory_space<vmem_shared>>) dst(%arg9 : memref<128x128xf32, #tpu.memory_space<vmem>>)
          tpu.yield
        }) : () -> ()
        "tpu.region"() ({
          %run_scoped3A_108 = tpu.sem_alloc : memref<!tpu.dma_semaphore, #tpu.memory_space<semaphore_mem>>
          %dma_start3A_109 = arith.constant 0 : i32
          %dma_start3A_110 = tpu.memref_slice %arg5[%add3A_95, %dma_start3A_109] : memref<10000x128xf32, #tpu.memory_space<hbm>> -> memref<128x128xf32, #tpu.memory_space<hbm>>
          %dma_start3A_111 = arith.constant 0 : i32
          %dma_start3A_112 = tpu.memref_slice %arg5[%add3A_95, %dma_start3A_111] : memref<10000x128xf32, #tpu.memory_space<hbm>> -> memref<128x128xf32, #tpu.memory_space<hbm>>
          tpu.enqueue_dma source(%arg9 : memref<128x128xf32, #tpu.memory_space<vmem>>) target(%dma_start3A_112 : memref<128x128xf32, #tpu.memory_space<hbm>>) target_semaphore(%run_scoped3A_108 : memref<!tpu.dma_semaphore, #tpu.memory_space<semaphore_mem>>)
          %dma_wait3A = arith.constant 0 : i32
          %dma_wait3A_113 = tpu.memref_slice %arg5[%add3A_95, %dma_wait3A] : memref<10000x128xf32, #tpu.memory_space<hbm>> -> memref<128x128xf32, #tpu.memory_space<hbm>>
          %dma_wait3A_114 = arith.constant 0 : i32
          %dma_wait3A_115 = tpu.memref_slice %arg5[%add3A_95, %dma_wait3A_114] : memref<10000x128xf32, #tpu.memory_space<hbm>> -> memref<128x128xf32, #tpu.memory_space<hbm>>
          tpu.wait_dma2 semaphore(%run_scoped3A_108 : memref<!tpu.dma_semaphore, #tpu.memory_space<semaphore_mem>>) src(%arg9 : memref<128x128xf32, #tpu.memory_space<vmem>>) dst(%dma_wait3A_115 : memref<128x128xf32, #tpu.memory_space<hbm>>)
          tpu.yield
        }) : () -> ()
        %mul3A_96 = arith.constant 640 : i32
        %mul3A_97 = arith.muli %arg1, %mul3A_96 : i32
        %add3A_98 = arith.constant 256 : i32
        %add3A_99 = arith.addi %mul3A_97, %add3A_98 : i32
        "tpu.region"() ({
          %run_scoped3A_108 = tpu.sem_alloc : memref<!tpu.dma_semaphore, #tpu.memory_space<semaphore_mem>>
          %dma_start3A_109 = arith.constant 0 : i32
          %dma_start3A_110 = tpu.memref_slice %arg11[%add3A_99, %dma_start3A_109] : memref<10000x128xf32, #tpu.memory_space<vmem_shared>> -> memref<128x128xf32, #tpu.memory_space<vmem_shared>>
          %dma_start3A_111 = arith.constant 0 : i32
          %dma_start3A_112 = tpu.memref_slice %arg11[%add3A_99, %dma_start3A_111] : memref<10000x128xf32, #tpu.memory_space<vmem_shared>> -> memref<128x128xf32, #tpu.memory_space<vmem_shared>>
          tpu.enqueue_dma source(%dma_start3A_112 : memref<128x128xf32, #tpu.memory_space<vmem_shared>>) target(%arg9 : memref<128x128xf32, #tpu.memory_space<vmem>>) target_semaphore(%run_scoped3A_108 : memref<!tpu.dma_semaphore, #tpu.memory_space<semaphore_mem>>)
          %dma_wait3A = arith.constant 0 : i32
          %dma_wait3A_113 = tpu.memref_slice %arg11[%add3A_99, %dma_wait3A] : memref<10000x128xf32, #tpu.memory_space<vmem_shared>> -> memref<128x128xf32, #tpu.memory_space<vmem_shared>>
          %dma_wait3A_114 = arith.constant 0 : i32
          %dma_wait3A_115 = tpu.memref_slice %arg11[%add3A_99, %dma_wait3A_114] : memref<10000x128xf32, #tpu.memory_space<vmem_shared>> -> memref<128x128xf32, #tpu.memory_space<vmem_shared>>
          tpu.wait_dma2 semaphore(%run_scoped3A_108 : memref<!tpu.dma_semaphore, #tpu.memory_space<semaphore_mem>>) src(%dma_wait3A_115 : memref<128x128xf32, #tpu.memory_space<vmem_shared>>) dst(%arg9 : memref<128x128xf32, #tpu.memory_space<vmem>>)
          tpu.yield
        }) : () -> ()
        "tpu.region"() ({
          %run_scoped3A_108 = tpu.sem_alloc : memref<!tpu.dma_semaphore, #tpu.memory_space<semaphore_mem>>
          %dma_start3A_109 = arith.constant 0 : i32
          %dma_start3A_110 = tpu.memref_slice %arg5[%add3A_99, %dma_start3A_109] : memref<10000x128xf32, #tpu.memory_space<hbm>> -> memref<128x128xf32, #tpu.memory_space<hbm>>
          %dma_start3A_111 = arith.constant 0 : i32
          %dma_start3A_112 = tpu.memref_slice %arg5[%add3A_99, %dma_start3A_111] : memref<10000x128xf32, #tpu.memory_space<hbm>> -> memref<128x128xf32, #tpu.memory_space<hbm>>
          tpu.enqueue_dma source(%arg9 : memref<128x128xf32, #tpu.memory_space<vmem>>) target(%dma_start3A_112 : memref<128x128xf32, #tpu.memory_space<hbm>>) target_semaphore(%run_scoped3A_108 : memref<!tpu.dma_semaphore, #tpu.memory_space<semaphore_mem>>)
          %dma_wait3A = arith.constant 0 : i32
          %dma_wait3A_113 = tpu.memref_slice %arg5[%add3A_99, %dma_wait3A] : memref<10000x128xf32, #tpu.memory_space<hbm>> -> memref<128x128xf32, #tpu.memory_space<hbm>>
          %dma_wait3A_114 = arith.constant 0 : i32
          %dma_wait3A_115 = tpu.memref_slice %arg5[%add3A_99, %dma_wait3A_114] : memref<10000x128xf32, #tpu.memory_space<hbm>> -> memref<128x128xf32, #tpu.memory_space<hbm>>
          tpu.wait_dma2 semaphore(%run_scoped3A_108 : memref<!tpu.dma_semaphore, #tpu.memory_space<semaphore_mem>>) src(%arg9 : memref<128x128xf32, #tpu.memory_space<vmem>>) dst(%dma_wait3A_115 : memref<128x128xf32, #tpu.memory_space<hbm>>)
          tpu.yield
        }) : () -> ()
        %mul3A_100 = arith.constant 640 : i32
        %mul3A_101 = arith.muli %arg1, %mul3A_100 : i32
        %add3A_102 = arith.constant 384 : i32
        %add3A_103 = arith.addi %mul3A_101, %add3A_102 : i32
        "tpu.region"() ({
          %run_scoped3A_108 = tpu.sem_alloc : memref<!tpu.dma_semaphore, #tpu.memory_space<semaphore_mem>>
          %dma_start3A_109 = arith.constant 0 : i32
          %dma_start3A_110 = tpu.memref_slice %arg11[%add3A_103, %dma_start3A_109] : memref<10000x128xf32, #tpu.memory_space<vmem_shared>> -> memref<128x128xf32, #tpu.memory_space<vmem_shared>>
          %dma_start3A_111 = arith.constant 0 : i32
          %dma_start3A_112 = tpu.memref_slice %arg11[%add3A_103, %dma_start3A_111] : memref<10000x128xf32, #tpu.memory_space<vmem_shared>> -> memref<128x128xf32, #tpu.memory_space<vmem_shared>>
          tpu.enqueue_dma source(%dma_start3A_112 : memref<128x128xf32, #tpu.memory_space<vmem_shared>>) target(%arg9 : memref<128x128xf32, #tpu.memory_space<vmem>>) target_semaphore(%run_scoped3A_108 : memref<!tpu.dma_semaphore, #tpu.memory_space<semaphore_mem>>)
          %dma_wait3A = arith.constant 0 : i32
          %dma_wait3A_113 = tpu.memref_slice %arg11[%add3A_103, %dma_wait3A] : memref<10000x128xf32, #tpu.memory_space<vmem_shared>> -> memref<128x128xf32, #tpu.memory_space<vmem_shared>>
          %dma_wait3A_114 = arith.constant 0 : i32
          %dma_wait3A_115 = tpu.memref_slice %arg11[%add3A_103, %dma_wait3A_114] : memref<10000x128xf32, #tpu.memory_space<vmem_shared>> -> memref<128x128xf32, #tpu.memory_space<vmem_shared>>
          tpu.wait_dma2 semaphore(%run_scoped3A_108 : memref<!tpu.dma_semaphore, #tpu.memory_space<semaphore_mem>>) src(%dma_wait3A_115 : memref<128x128xf32, #tpu.memory_space<vmem_shared>>) dst(%arg9 : memref<128x128xf32, #tpu.memory_space<vmem>>)
          tpu.yield
        }) : () -> ()
        "tpu.region"() ({
          %run_scoped3A_108 = tpu.sem_alloc : memref<!tpu.dma_semaphore, #tpu.memory_space<semaphore_mem>>
          %dma_start3A_109 = arith.constant 0 : i32
          %dma_start3A_110 = tpu.memref_slice %arg5[%add3A_103, %dma_start3A_109] : memref<10000x128xf32, #tpu.memory_space<hbm>> -> memref<128x128xf32, #tpu.memory_space<hbm>>
          %dma_start3A_111 = arith.constant 0 : i32
          %dma_start3A_112 = tpu.memref_slice %arg5[%add3A_103, %dma_start3A_111] : memref<10000x128xf32, #tpu.memory_space<hbm>> -> memref<128x128xf32, #tpu.memory_space<hbm>>
          tpu.enqueue_dma source(%arg9 : memref<128x128xf32, #tpu.memory_space<vmem>>) target(%dma_start3A_112 : memref<128x128xf32, #tpu.memory_space<hbm>>) target_semaphore(%run_scoped3A_108 : memref<!tpu.dma_semaphore, #tpu.memory_space<semaphore_mem>>)
          %dma_wait3A = arith.constant 0 : i32
          %dma_wait3A_113 = tpu.memref_slice %arg5[%add3A_103, %dma_wait3A] : memref<10000x128xf32, #tpu.memory_space<hbm>> -> memref<128x128xf32, #tpu.memory_space<hbm>>
          %dma_wait3A_114 = arith.constant 0 : i32
          %dma_wait3A_115 = tpu.memref_slice %arg5[%add3A_103, %dma_wait3A_114] : memref<10000x128xf32, #tpu.memory_space<hbm>> -> memref<128x128xf32, #tpu.memory_space<hbm>>
          tpu.wait_dma2 semaphore(%run_scoped3A_108 : memref<!tpu.dma_semaphore, #tpu.memory_space<semaphore_mem>>) src(%arg9 : memref<128x128xf32, #tpu.memory_space<vmem>>) dst(%dma_wait3A_115 : memref<128x128xf32, #tpu.memory_space<hbm>>)
          tpu.yield
        }) : () -> ()
        %mul3A_104 = arith.constant 640 : i32
        %mul3A_105 = arith.muli %arg1, %mul3A_104 : i32
        %add3A_106 = arith.constant 512 : i32
        %add3A_107 = arith.addi %mul3A_105, %add3A_106 : i32
        "tpu.region"() ({
          %run_scoped3A_108 = tpu.sem_alloc : memref<!tpu.dma_semaphore, #tpu.memory_space<semaphore_mem>>
          %dma_start3A_109 = arith.constant 0 : i32
          %dma_start3A_110 = tpu.memref_slice %arg11[%add3A_107, %dma_start3A_109] : memref<10000x128xf32, #tpu.memory_space<vmem_shared>> -> memref<128x128xf32, #tpu.memory_space<vmem_shared>>
          %dma_start3A_111 = arith.constant 0 : i32
          %dma_start3A_112 = tpu.memref_slice %arg11[%add3A_107, %dma_start3A_111] : memref<10000x128xf32, #tpu.memory_space<vmem_shared>> -> memref<128x128xf32, #tpu.memory_space<vmem_shared>>
          tpu.enqueue_dma source(%dma_start3A_112 : memref<128x128xf32, #tpu.memory_space<vmem_shared>>) target(%arg9 : memref<128x128xf32, #tpu.memory_space<vmem>>) target_semaphore(%run_scoped3A_108 : memref<!tpu.dma_semaphore, #tpu.memory_space<semaphore_mem>>)
          %dma_wait3A = arith.constant 0 : i32
          %dma_wait3A_113 = tpu.memref_slice %arg11[%add3A_107, %dma_wait3A] : memref<10000x128xf32, #tpu.memory_space<vmem_shared>> -> memref<128x128xf32, #tpu.memory_space<vmem_shared>>
          %dma_wait3A_114 = arith.constant 0 : i32
          %dma_wait3A_115 = tpu.memref_slice %arg11[%add3A_107, %dma_wait3A_114] : memref<10000x128xf32, #tpu.memory_space<vmem_shared>> -> memref<128x128xf32, #tpu.memory_space<vmem_shared>>
          tpu.wait_dma2 semaphore(%run_scoped3A_108 : memref<!tpu.dma_semaphore, #tpu.memory_space<semaphore_mem>>) src(%dma_wait3A_115 : memref<128x128xf32, #tpu.memory_space<vmem_shared>>) dst(%arg9 : memref<128x128xf32, #tpu.memory_space<vmem>>)
          tpu.yield
        }) : () -> ()
        "tpu.region"() ({
          %run_scoped3A_108 = tpu.sem_alloc : memref<!tpu.dma_semaphore, #tpu.memory_space<semaphore_mem>>
          %dma_start3A_109 = arith.constant 0 : i32
          %dma_start3A_110 = tpu.memref_slice %arg5[%add3A_107, %dma_start3A_109] : memref<10000x128xf32, #tpu.memory_space<hbm>> -> memref<128x128xf32, #tpu.memory_space<hbm>>
          %dma_start3A_111 = arith.constant 0 : i32
          %dma_start3A_112 = tpu.memref_slice %arg5[%add3A_107, %dma_start3A_111] : memref<10000x128xf32, #tpu.memory_space<hbm>> -> memref<128x128xf32, #tpu.memory_space<hbm>>
          tpu.enqueue_dma source(%arg9 : memref<128x128xf32, #tpu.memory_space<vmem>>) target(%dma_start3A_112 : memref<128x128xf32, #tpu.memory_space<hbm>>) target_semaphore(%run_scoped3A_108 : memref<!tpu.dma_semaphore, #tpu.memory_space<semaphore_mem>>)
          %dma_wait3A = arith.constant 0 : i32
          %dma_wait3A_113 = tpu.memref_slice %arg5[%add3A_107, %dma_wait3A] : memref<10000x128xf32, #tpu.memory_space<hbm>> -> memref<128x128xf32, #tpu.memory_space<hbm>>
          %dma_wait3A_114 = arith.constant 0 : i32
          %dma_wait3A_115 = tpu.memref_slice %arg5[%add3A_107, %dma_wait3A_114] : memref<10000x128xf32, #tpu.memory_space<hbm>> -> memref<128x128xf32, #tpu.memory_space<hbm>>
          tpu.wait_dma2 semaphore(%run_scoped3A_108 : memref<!tpu.dma_semaphore, #tpu.memory_space<semaphore_mem>>) src(%arg9 : memref<128x128xf32, #tpu.memory_space<vmem>>) dst(%dma_wait3A_115 : memref<128x128xf32, #tpu.memory_space<hbm>>)
          tpu.yield
        }) : () -> ()
      } else {
      }
      %eq3A_83 = arith.constant 15 : i32
      %eq3A_84 = arith.cmpi eq, %arg1, %eq3A_83 : i32
      %convert_element_type3A_85 = arith.extui %eq3A_84 : i1 to i32
      %cond3A_86 = arith.constant 0 : i32
      %cond3A_87 = arith.cmpi ne, %convert_element_type3A_85, %cond3A_86 : i32
      scf.if %cond3A_87 {
        "tpu.region"() ({
          %run_scoped3A_88 = tpu.sem_alloc : memref<!tpu.dma_semaphore, #tpu.memory_space<semaphore_mem>>
          %dma_start3A_89 = arith.constant 9600 : i32
          %dma_start3A_90 = arith.constant 0 : i32
          %dma_start3A_91 = tpu.memref_slice %arg11[%dma_start3A_89, %dma_start3A_90] : memref<10000x128xf32, #tpu.memory_space<vmem_shared>> -> memref<128x128xf32, #tpu.memory_space<vmem_shared>>
          %dma_start3A_92 = arith.constant 9600 : i32
          %dma_start3A_93 = arith.constant 0 : i32
          %dma_start3A_94 = tpu.memref_slice %arg11[%dma_start3A_92, %dma_start3A_93] : memref<10000x128xf32, #tpu.memory_space<vmem_shared>> -> memref<128x128xf32, #tpu.memory_space<vmem_shared>>
          tpu.enqueue_dma source(%dma_start3A_94 : memref<128x128xf32, #tpu.memory_space<vmem_shared>>) target(%arg9 : memref<128x128xf32, #tpu.memory_space<vmem>>) target_semaphore(%run_scoped3A_88 : memref<!tpu.dma_semaphore, #tpu.memory_space<semaphore_mem>>)
          %dma_wait3A = arith.constant 9600 : i32
          %dma_wait3A_95 = arith.constant 0 : i32
          %dma_wait3A_96 = tpu.memref_slice %arg11[%dma_wait3A, %dma_wait3A_95] : memref<10000x128xf32, #tpu.memory_space<vmem_shared>> -> memref<128x128xf32, #tpu.memory_space<vmem_shared>>
          %dma_wait3A_97 = arith.constant 9600 : i32
          %dma_wait3A_98 = arith.constant 0 : i32
          %dma_wait3A_99 = tpu.memref_slice %arg11[%dma_wait3A_97, %dma_wait3A_98] : memref<10000x128xf32, #tpu.memory_space<vmem_shared>> -> memref<128x128xf32, #tpu.memory_space<vmem_shared>>
          tpu.wait_dma2 semaphore(%run_scoped3A_88 : memref<!tpu.dma_semaphore, #tpu.memory_space<semaphore_mem>>) src(%dma_wait3A_99 : memref<128x128xf32, #tpu.memory_space<vmem_shared>>) dst(%arg9 : memref<128x128xf32, #tpu.memory_space<vmem>>)
          tpu.yield
        }) : () -> ()
        "tpu.region"() ({
          %run_scoped3A_88 = tpu.sem_alloc : memref<!tpu.dma_semaphore, #tpu.memory_space<semaphore_mem>>
          %dma_start3A_89 = arith.constant 9600 : i32
          %dma_start3A_90 = arith.constant 0 : i32
          %dma_start3A_91 = tpu.memref_slice %arg5[%dma_start3A_89, %dma_start3A_90] : memref<10000x128xf32, #tpu.memory_space<hbm>> -> memref<128x128xf32, #tpu.memory_space<hbm>>
          %dma_start3A_92 = arith.constant 9600 : i32
          %dma_start3A_93 = arith.constant 0 : i32
          %dma_start3A_94 = tpu.memref_slice %arg5[%dma_start3A_92, %dma_start3A_93] : memref<10000x128xf32, #tpu.memory_space<hbm>> -> memref<128x128xf32, #tpu.memory_space<hbm>>
          tpu.enqueue_dma source(%arg9 : memref<128x128xf32, #tpu.memory_space<vmem>>) target(%dma_start3A_94 : memref<128x128xf32, #tpu.memory_space<hbm>>) target_semaphore(%run_scoped3A_88 : memref<!tpu.dma_semaphore, #tpu.memory_space<semaphore_mem>>)
          %dma_wait3A = arith.constant 9600 : i32
          %dma_wait3A_95 = arith.constant 0 : i32
          %dma_wait3A_96 = tpu.memref_slice %arg5[%dma_wait3A, %dma_wait3A_95] : memref<10000x128xf32, #tpu.memory_space<hbm>> -> memref<128x128xf32, #tpu.memory_space<hbm>>
          %dma_wait3A_97 = arith.constant 9600 : i32
          %dma_wait3A_98 = arith.constant 0 : i32
          %dma_wait3A_99 = tpu.memref_slice %arg5[%dma_wait3A_97, %dma_wait3A_98] : memref<10000x128xf32, #tpu.memory_space<hbm>> -> memref<128x128xf32, #tpu.memory_space<hbm>>
          tpu.wait_dma2 semaphore(%run_scoped3A_88 : memref<!tpu.dma_semaphore, #tpu.memory_space<semaphore_mem>>) src(%arg9 : memref<128x128xf32, #tpu.memory_space<vmem>>) dst(%dma_wait3A_99 : memref<128x128xf32, #tpu.memory_space<hbm>>)
          tpu.yield
        }) : () -> ()
        "tpu.region"() ({
          %run_scoped3A_88 = tpu.sem_alloc : memref<!tpu.dma_semaphore, #tpu.memory_space<semaphore_mem>>
          %dma_start3A_89 = arith.constant 9728 : i32
          %dma_start3A_90 = arith.constant 0 : i32
          %dma_start3A_91 = tpu.memref_slice %arg11[%dma_start3A_89, %dma_start3A_90] : memref<10000x128xf32, #tpu.memory_space<vmem_shared>> -> memref<128x128xf32, #tpu.memory_space<vmem_shared>>
          %dma_start3A_92 = arith.constant 9728 : i32
          %dma_start3A_93 = arith.constant 0 : i32
          %dma_start3A_94 = tpu.memref_slice %arg11[%dma_start3A_92, %dma_start3A_93] : memref<10000x128xf32, #tpu.memory_space<vmem_shared>> -> memref<128x128xf32, #tpu.memory_space<vmem_shared>>
          tpu.enqueue_dma source(%dma_start3A_94 : memref<128x128xf32, #tpu.memory_space<vmem_shared>>) target(%arg9 : memref<128x128xf32, #tpu.memory_space<vmem>>) target_semaphore(%run_scoped3A_88 : memref<!tpu.dma_semaphore, #tpu.memory_space<semaphore_mem>>)
          %dma_wait3A = arith.constant 9728 : i32
          %dma_wait3A_95 = arith.constant 0 : i32
          %dma_wait3A_96 = tpu.memref_slice %arg11[%dma_wait3A, %dma_wait3A_95] : memref<10000x128xf32, #tpu.memory_space<vmem_shared>> -> memref<128x128xf32, #tpu.memory_space<vmem_shared>>
          %dma_wait3A_97 = arith.constant 9728 : i32
          %dma_wait3A_98 = arith.constant 0 : i32
          %dma_wait3A_99 = tpu.memref_slice %arg11[%dma_wait3A_97, %dma_wait3A_98] : memref<10000x128xf32, #tpu.memory_space<vmem_shared>> -> memref<128x128xf32, #tpu.memory_space<vmem_shared>>
          tpu.wait_dma2 semaphore(%run_scoped3A_88 : memref<!tpu.dma_semaphore, #tpu.memory_space<semaphore_mem>>) src(%dma_wait3A_99 : memref<128x128xf32, #tpu.memory_space<vmem_shared>>) dst(%arg9 : memref<128x128xf32, #tpu.memory_space<vmem>>)
          tpu.yield
        }) : () -> ()
        "tpu.region"() ({
          %run_scoped3A_88 = tpu.sem_alloc : memref<!tpu.dma_semaphore, #tpu.memory_space<semaphore_mem>>
          %dma_start3A_89 = arith.constant 9728 : i32
          %dma_start3A_90 = arith.constant 0 : i32
          %dma_start3A_91 = tpu.memref_slice %arg5[%dma_start3A_89, %dma_start3A_90] : memref<10000x128xf32, #tpu.memory_space<hbm>> -> memref<128x128xf32, #tpu.memory_space<hbm>>
          %dma_start3A_92 = arith.constant 9728 : i32
          %dma_start3A_93 = arith.constant 0 : i32
          %dma_start3A_94 = tpu.memref_slice %arg5[%dma_start3A_92, %dma_start3A_93] : memref<10000x128xf32, #tpu.memory_space<hbm>> -> memref<128x128xf32, #tpu.memory_space<hbm>>
          tpu.enqueue_dma source(%arg9 : memref<128x128xf32, #tpu.memory_space<vmem>>) target(%dma_start3A_94 : memref<128x128xf32, #tpu.memory_space<hbm>>) target_semaphore(%run_scoped3A_88 : memref<!tpu.dma_semaphore, #tpu.memory_space<semaphore_mem>>)
          %dma_wait3A = arith.constant 9728 : i32
          %dma_wait3A_95 = arith.constant 0 : i32
          %dma_wait3A_96 = tpu.memref_slice %arg5[%dma_wait3A, %dma_wait3A_95] : memref<10000x128xf32, #tpu.memory_space<hbm>> -> memref<128x128xf32, #tpu.memory_space<hbm>>
          %dma_wait3A_97 = arith.constant 9728 : i32
          %dma_wait3A_98 = arith.constant 0 : i32
          %dma_wait3A_99 = tpu.memref_slice %arg5[%dma_wait3A_97, %dma_wait3A_98] : memref<10000x128xf32, #tpu.memory_space<hbm>> -> memref<128x128xf32, #tpu.memory_space<hbm>>
          tpu.wait_dma2 semaphore(%run_scoped3A_88 : memref<!tpu.dma_semaphore, #tpu.memory_space<semaphore_mem>>) src(%arg9 : memref<128x128xf32, #tpu.memory_space<vmem>>) dst(%dma_wait3A_99 : memref<128x128xf32, #tpu.memory_space<hbm>>)
          tpu.yield
        }) : () -> ()
        "tpu.region"() ({
          %run_scoped3A_88 = tpu.sem_alloc : memref<!tpu.dma_semaphore, #tpu.memory_space<semaphore_mem>>
          %dma_start3A_89 = arith.constant 9856 : i32
          %dma_start3A_90 = arith.constant 0 : i32
          %dma_start3A_91 = tpu.memref_slice %arg11[%dma_start3A_89, %dma_start3A_90] : memref<10000x128xf32, #tpu.memory_space<vmem_shared>> -> memref<128x128xf32, #tpu.memory_space<vmem_shared>>
          %dma_start3A_92 = arith.constant 9856 : i32
          %dma_start3A_93 = arith.constant 0 : i32
          %dma_start3A_94 = tpu.memref_slice %arg11[%dma_start3A_92, %dma_start3A_93] : memref<10000x128xf32, #tpu.memory_space<vmem_shared>> -> memref<128x128xf32, #tpu.memory_space<vmem_shared>>
          tpu.enqueue_dma source(%dma_start3A_94 : memref<128x128xf32, #tpu.memory_space<vmem_shared>>) target(%arg9 : memref<128x128xf32, #tpu.memory_space<vmem>>) target_semaphore(%run_scoped3A_88 : memref<!tpu.dma_semaphore, #tpu.memory_space<semaphore_mem>>)
          %dma_wait3A = arith.constant 9856 : i32
          %dma_wait3A_95 = arith.constant 0 : i32
          %dma_wait3A_96 = tpu.memref_slice %arg11[%dma_wait3A, %dma_wait3A_95] : memref<10000x128xf32, #tpu.memory_space<vmem_shared>> -> memref<128x128xf32, #tpu.memory_space<vmem_shared>>
          %dma_wait3A_97 = arith.constant 9856 : i32
          %dma_wait3A_98 = arith.constant 0 : i32
          %dma_wait3A_99 = tpu.memref_slice %arg11[%dma_wait3A_97, %dma_wait3A_98] : memref<10000x128xf32, #tpu.memory_space<vmem_shared>> -> memref<128x128xf32, #tpu.memory_space<vmem_shared>>
          tpu.wait_dma2 semaphore(%run_scoped3A_88 : memref<!tpu.dma_semaphore, #tpu.memory_space<semaphore_mem>>) src(%dma_wait3A_99 : memref<128x128xf32, #tpu.memory_space<vmem_shared>>) dst(%arg9 : memref<128x128xf32, #tpu.memory_space<vmem>>)
          tpu.yield
        }) : () -> ()
        "tpu.region"() ({
          %run_scoped3A_88 = tpu.sem_alloc : memref<!tpu.dma_semaphore, #tpu.memory_space<semaphore_mem>>
          %dma_start3A_89 = arith.constant 9856 : i32
          %dma_start3A_90 = arith.constant 0 : i32
          %dma_start3A_91 = tpu.memref_slice %arg5[%dma_start3A_89, %dma_start3A_90] : memref<10000x128xf32, #tpu.memory_space<hbm>> -> memref<128x128xf32, #tpu.memory_space<hbm>>
          %dma_start3A_92 = arith.constant 9856 : i32
          %dma_start3A_93 = arith.constant 0 : i32
          %dma_start3A_94 = tpu.memref_slice %arg5[%dma_start3A_92, %dma_start3A_93] : memref<10000x128xf32, #tpu.memory_space<hbm>> -> memref<128x128xf32, #tpu.memory_space<hbm>>
          tpu.enqueue_dma source(%arg9 : memref<128x128xf32, #tpu.memory_space<vmem>>) target(%dma_start3A_94 : memref<128x128xf32, #tpu.memory_space<hbm>>) target_semaphore(%run_scoped3A_88 : memref<!tpu.dma_semaphore, #tpu.memory_space<semaphore_mem>>)
          %dma_wait3A = arith.constant 9856 : i32
          %dma_wait3A_95 = arith.constant 0 : i32
          %dma_wait3A_96 = tpu.memref_slice %arg5[%dma_wait3A, %dma_wait3A_95] : memref<10000x128xf32, #tpu.memory_space<hbm>> -> memref<128x128xf32, #tpu.memory_space<hbm>>
          %dma_wait3A_97 = arith.constant 9856 : i32
          %dma_wait3A_98 = arith.constant 0 : i32
          %dma_wait3A_99 = tpu.memref_slice %arg5[%dma_wait3A_97, %dma_wait3A_98] : memref<10000x128xf32, #tpu.memory_space<hbm>> -> memref<128x128xf32, #tpu.memory_space<hbm>>
          tpu.wait_dma2 semaphore(%run_scoped3A_88 : memref<!tpu.dma_semaphore, #tpu.memory_space<semaphore_mem>>) src(%arg9 : memref<128x128xf32, #tpu.memory_space<vmem>>) dst(%dma_wait3A_99 : memref<128x128xf32, #tpu.memory_space<hbm>>)
          tpu.yield
        }) : () -> ()
        "tpu.region"() ({
          %run_scoped3A_88 = tpu.sem_alloc : memref<!tpu.dma_semaphore, #tpu.memory_space<semaphore_mem>>
          %dma_start3A_89 = arith.constant 0 : i32
          %dma_start3A_90 = arith.constant 0 : i32
          %dma_start3A_91 = tpu.memref_slice %arg9[%dma_start3A_89, %dma_start3A_90] : memref<128x128xf32, #tpu.memory_space<vmem>> -> memref<16x128xf32, #tpu.memory_space<vmem>>
          %dma_start3A_92 = arith.constant 9984 : i32
          %dma_start3A_93 = arith.constant 0 : i32
          %dma_start3A_94 = tpu.memref_slice %arg11[%dma_start3A_92, %dma_start3A_93] : memref<10000x128xf32, #tpu.memory_space<vmem_shared>> -> memref<16x128xf32, #tpu.memory_space<vmem_shared>>
          %dma_start3A_95 = arith.constant 0 : i32
          %dma_start3A_96 = arith.constant 0 : i32
          %dma_start3A_97 = tpu.memref_slice %arg9[%dma_start3A_95, %dma_start3A_96] : memref<128x128xf32, #tpu.memory_space<vmem>> -> memref<16x128xf32, #tpu.memory_space<vmem>>
          %dma_start3A_98 = arith.constant 9984 : i32
          %dma_start3A_99 = arith.constant 0 : i32
          %dma_start3A_100 = tpu.memref_slice %arg11[%dma_start3A_98, %dma_start3A_99] : memref<10000x128xf32, #tpu.memory_space<vmem_shared>> -> memref<16x128xf32, #tpu.memory_space<vmem_shared>>
          tpu.enqueue_dma source(%dma_start3A_100 : memref<16x128xf32, #tpu.memory_space<vmem_shared>>) target(%dma_start3A_97 : memref<16x128xf32, #tpu.memory_space<vmem>>) target_semaphore(%run_scoped3A_88 : memref<!tpu.dma_semaphore, #tpu.memory_space<semaphore_mem>>)
          %dma_wait3A = arith.constant 0 : i32
          %dma_wait3A_101 = arith.constant 0 : i32
          %dma_wait3A_102 = tpu.memref_slice %arg9[%dma_wait3A, %dma_wait3A_101] : memref<128x128xf32, #tpu.memory_space<vmem>> -> memref<16x128xf32, #tpu.memory_space<vmem>>
          %dma_wait3A_103 = arith.constant 9984 : i32
          %dma_wait3A_104 = arith.constant 0 : i32
          %dma_wait3A_105 = tpu.memref_slice %arg11[%dma_wait3A_103, %dma_wait3A_104] : memref<10000x128xf32, #tpu.memory_space<vmem_shared>> -> memref<16x128xf32, #tpu.memory_space<vmem_shared>>
          %dma_wait3A_106 = arith.constant 0 : i32
          %dma_wait3A_107 = arith.constant 0 : i32
          %dma_wait3A_108 = tpu.memref_slice %arg9[%dma_wait3A_106, %dma_wait3A_107] : memref<128x128xf32, #tpu.memory_space<vmem>> -> memref<16x128xf32, #tpu.memory_space<vmem>>
          %dma_wait3A_109 = arith.constant 9984 : i32
          %dma_wait3A_110 = arith.constant 0 : i32
          %dma_wait3A_111 = tpu.memref_slice %arg11[%dma_wait3A_109, %dma_wait3A_110] : memref<10000x128xf32, #tpu.memory_space<vmem_shared>> -> memref<16x128xf32, #tpu.memory_space<vmem_shared>>
          tpu.wait_dma2 semaphore(%run_scoped3A_88 : memref<!tpu.dma_semaphore, #tpu.memory_space<semaphore_mem>>) src(%dma_wait3A_111 : memref<16x128xf32, #tpu.memory_space<vmem_shared>>) dst(%dma_wait3A_108 : memref<16x128xf32, #tpu.memory_space<vmem>>)
          tpu.yield
        }) : () -> ()
        "tpu.region"() ({
          %run_scoped3A_88 = tpu.sem_alloc : memref<!tpu.dma_semaphore, #tpu.memory_space<semaphore_mem>>
          %dma_start3A_89 = arith.constant 0 : i32
          %dma_start3A_90 = arith.constant 0 : i32
          %dma_start3A_91 = tpu.memref_slice %arg9[%dma_start3A_89, %dma_start3A_90] : memref<128x128xf32, #tpu.memory_space<vmem>> -> memref<16x128xf32, #tpu.memory_space<vmem>>
          %dma_start3A_92 = arith.constant 9984 : i32
          %dma_start3A_93 = arith.constant 0 : i32
          %dma_start3A_94 = tpu.memref_slice %arg5[%dma_start3A_92, %dma_start3A_93] : memref<10000x128xf32, #tpu.memory_space<hbm>> -> memref<16x128xf32, #tpu.memory_space<hbm>>
          %dma_start3A_95 = arith.constant 9984 : i32
          %dma_start3A_96 = arith.constant 0 : i32
          %dma_start3A_97 = tpu.memref_slice %arg5[%dma_start3A_95, %dma_start3A_96] : memref<10000x128xf32, #tpu.memory_space<hbm>> -> memref<16x128xf32, #tpu.memory_space<hbm>>
          %dma_start3A_98 = arith.constant 0 : i32
          %dma_start3A_99 = arith.constant 0 : i32
          %dma_start3A_100 = tpu.memref_slice %arg9[%dma_start3A_98, %dma_start3A_99] : memref<128x128xf32, #tpu.memory_space<vmem>> -> memref<16x128xf32, #tpu.memory_space<vmem>>
          tpu.enqueue_dma source(%dma_start3A_100 : memref<16x128xf32, #tpu.memory_space<vmem>>) target(%dma_start3A_97 : memref<16x128xf32, #tpu.memory_space<hbm>>) target_semaphore(%run_scoped3A_88 : memref<!tpu.dma_semaphore, #tpu.memory_space<semaphore_mem>>)
          %dma_wait3A = arith.constant 0 : i32
          %dma_wait3A_101 = arith.constant 0 : i32
          %dma_wait3A_102 = tpu.memref_slice %arg9[%dma_wait3A, %dma_wait3A_101] : memref<128x128xf32, #tpu.memory_space<vmem>> -> memref<16x128xf32, #tpu.memory_space<vmem>>
          %dma_wait3A_103 = arith.constant 9984 : i32
          %dma_wait3A_104 = arith.constant 0 : i32
          %dma_wait3A_105 = tpu.memref_slice %arg5[%dma_wait3A_103, %dma_wait3A_104] : memref<10000x128xf32, #tpu.memory_space<hbm>> -> memref<16x128xf32, #tpu.memory_space<hbm>>
          %dma_wait3A_106 = arith.constant 9984 : i32
          %dma_wait3A_107 = arith.constant 0 : i32
          %dma_wait3A_108 = tpu.memref_slice %arg5[%dma_wait3A_106, %dma_wait3A_107] : memref<10000x128xf32, #tpu.memory_space<hbm>> -> memref<16x128xf32, #tpu.memory_space<hbm>>
          %dma_wait3A_109 = arith.constant 0 : i32
          %dma_wait3A_110 = arith.constant 0 : i32
          %dma_wait3A_111 = tpu.memref_slice %arg9[%dma_wait3A_109, %dma_wait3A_110] : memref<128x128xf32, #tpu.memory_space<vmem>> -> memref<16x128xf32, #tpu.memory_space<vmem>>
          tpu.wait_dma2 semaphore(%run_scoped3A_88 : memref<!tpu.dma_semaphore, #tpu.memory_space<semaphore_mem>>) src(%dma_wait3A_111 : memref<16x128xf32, #tpu.memory_space<vmem>>) dst(%dma_wait3A_108 : memref<16x128xf32, #tpu.memory_space<hbm>>)
          tpu.yield
        }) : () -> ()
      } else {
      }
    } else {
    }
    %eq3A_2 = arith.constant 1 : i32
    %eq3A_3 = arith.cmpi eq, %arg0, %eq3A_2 : i32
    %convert_element_type3A_4 = arith.extui %eq3A_3 : i1 to i32
    %cond3A_5 = arith.constant 0 : i32
    %cond3A_6 = arith.cmpi ne, %convert_element_type3A_4, %cond3A_5 : i32
    scf.if %cond3A_6 {
      %lt3A = arith.constant 15 : i32
      %lt3A_7 = arith.cmpi slt, %arg1, %lt3A : i32
      %convert_element_type3A_8 = arith.extui %lt3A_7 : i1 to i32
      %cond3A_9 = arith.constant 0 : i32
      %cond3A_10 = arith.cmpi ne, %convert_element_type3A_8, %cond3A_9 : i32
      scf.if %cond3A_10 {
        %mul3A_88 = arith.constant 640 : i32
        %mul3A_89 = arith.muli %arg1, %mul3A_88 : i32
        %add3A_90 = arith.constant 0 : i32
        %add3A_91 = arith.addi %mul3A_89, %add3A_90 : i32
        "tpu.region"() ({
          %run_scoped3A_108 = tpu.sem_alloc : memref<!tpu.dma_semaphore, #tpu.memory_space<semaphore_mem>>
          %dma_start3A_109 = arith.constant 0 : i32
          %dma_start3A_110 = tpu.memref_slice %arg3[%add3A_91, %dma_start3A_109] : memref<10000x128xf32, #tpu.memory_space<hbm>> -> memref<128x128xf32, #tpu.memory_space<hbm>>
          %dma_start3A_111 = arith.constant 0 : i32
          %dma_start3A_112 = tpu.memref_slice %arg3[%add3A_91, %dma_start3A_111] : memref<10000x128xf32, #tpu.memory_space<hbm>> -> memref<128x128xf32, #tpu.memory_space<hbm>>
          tpu.enqueue_dma source(%dma_start3A_112 : memref<128x128xf32, #tpu.memory_space<hbm>>) target(%arg9 : memref<128x128xf32, #tpu.memory_space<vmem>>) target_semaphore(%run_scoped3A_108 : memref<!tpu.dma_semaphore, #tpu.memory_space<semaphore_mem>>)
          %dma_wait3A = arith.constant 0 : i32
          %dma_wait3A_113 = tpu.memref_slice %arg3[%add3A_91, %dma_wait3A] : memref<10000x128xf32, #tpu.memory_space<hbm>> -> memref<128x128xf32, #tpu.memory_space<hbm>>
          %dma_wait3A_114 = arith.constant 0 : i32
          %dma_wait3A_115 = tpu.memref_slice %arg3[%add3A_91, %dma_wait3A_114] : memref<10000x128xf32, #tpu.memory_space<hbm>> -> memref<128x128xf32, #tpu.memory_space<hbm>>
          tpu.wait_dma2 semaphore(%run_scoped3A_108 : memref<!tpu.dma_semaphore, #tpu.memory_space<semaphore_mem>>) src(%dma_wait3A_115 : memref<128x128xf32, #tpu.memory_space<hbm>>) dst(%arg9 : memref<128x128xf32, #tpu.memory_space<vmem>>)
          tpu.yield
        }) : () -> ()
        "tpu.region"() ({
          %run_scoped3A_108 = tpu.sem_alloc : memref<!tpu.dma_semaphore, #tpu.memory_space<semaphore_mem>>
          %dma_start3A_109 = arith.constant 0 : i32
          %dma_start3A_110 = tpu.memref_slice %arg11[%add3A_91, %dma_start3A_109] : memref<10000x128xf32, #tpu.memory_space<vmem_shared>> -> memref<128x128xf32, #tpu.memory_space<vmem_shared>>
          %dma_start3A_111 = arith.constant 0 : i32
          %dma_start3A_112 = tpu.memref_slice %arg11[%add3A_91, %dma_start3A_111] : memref<10000x128xf32, #tpu.memory_space<vmem_shared>> -> memref<128x128xf32, #tpu.memory_space<vmem_shared>>
          tpu.enqueue_dma source(%arg9 : memref<128x128xf32, #tpu.memory_space<vmem>>) target(%dma_start3A_112 : memref<128x128xf32, #tpu.memory_space<vmem_shared>>) target_semaphore(%run_scoped3A_108 : memref<!tpu.dma_semaphore, #tpu.memory_space<semaphore_mem>>)
          %dma_wait3A = arith.constant 0 : i32
          %dma_wait3A_113 = tpu.memref_slice %arg11[%add3A_91, %dma_wait3A] : memref<10000x128xf32, #tpu.memory_space<vmem_shared>> -> memref<128x128xf32, #tpu.memory_space<vmem_shared>>
          %dma_wait3A_114 = arith.constant 0 : i32
          %dma_wait3A_115 = tpu.memref_slice %arg11[%add3A_91, %dma_wait3A_114] : memref<10000x128xf32, #tpu.memory_space<vmem_shared>> -> memref<128x128xf32, #tpu.memory_space<vmem_shared>>
          tpu.wait_dma2 semaphore(%run_scoped3A_108 : memref<!tpu.dma_semaphore, #tpu.memory_space<semaphore_mem>>) src(%arg9 : memref<128x128xf32, #tpu.memory_space<vmem>>) dst(%dma_wait3A_115 : memref<128x128xf32, #tpu.memory_space<vmem_shared>>)
          tpu.yield
        }) : () -> ()
        %mul3A_92 = arith.constant 640 : i32
        %mul3A_93 = arith.muli %arg1, %mul3A_92 : i32
        %add3A_94 = arith.constant 128 : i32
        %add3A_95 = arith.addi %mul3A_93, %add3A_94 : i32
        "tpu.region"() ({
          %run_scoped3A_108 = tpu.sem_alloc : memref<!tpu.dma_semaphore, #tpu.memory_space<semaphore_mem>>
          %dma_start3A_109 = arith.constant 0 : i32
          %dma_start3A_110 = tpu.memref_slice %arg3[%add3A_95, %dma_start3A_109] : memref<10000x128xf32, #tpu.memory_space<hbm>> -> memref<128x128xf32, #tpu.memory_space<hbm>>
          %dma_start3A_111 = arith.constant 0 : i32
          %dma_start3A_112 = tpu.memref_slice %arg3[%add3A_95, %dma_start3A_111] : memref<10000x128xf32, #tpu.memory_space<hbm>> -> memref<128x128xf32, #tpu.memory_space<hbm>>
          tpu.enqueue_dma source(%dma_start3A_112 : memref<128x128xf32, #tpu.memory_space<hbm>>) target(%arg9 : memref<128x128xf32, #tpu.memory_space<vmem>>) target_semaphore(%run_scoped3A_108 : memref<!tpu.dma_semaphore, #tpu.memory_space<semaphore_mem>>)
          %dma_wait3A = arith.constant 0 : i32
          %dma_wait3A_113 = tpu.memref_slice %arg3[%add3A_95, %dma_wait3A] : memref<10000x128xf32, #tpu.memory_space<hbm>> -> memref<128x128xf32, #tpu.memory_space<hbm>>
          %dma_wait3A_114 = arith.constant 0 : i32
          %dma_wait3A_115 = tpu.memref_slice %arg3[%add3A_95, %dma_wait3A_114] : memref<10000x128xf32, #tpu.memory_space<hbm>> -> memref<128x128xf32, #tpu.memory_space<hbm>>
          tpu.wait_dma2 semaphore(%run_scoped3A_108 : memref<!tpu.dma_semaphore, #tpu.memory_space<semaphore_mem>>) src(%dma_wait3A_115 : memref<128x128xf32, #tpu.memory_space<hbm>>) dst(%arg9 : memref<128x128xf32, #tpu.memory_space<vmem>>)
          tpu.yield
        }) : () -> ()
        "tpu.region"() ({
          %run_scoped3A_108 = tpu.sem_alloc : memref<!tpu.dma_semaphore, #tpu.memory_space<semaphore_mem>>
          %dma_start3A_109 = arith.constant 0 : i32
          %dma_start3A_110 = tpu.memref_slice %arg11[%add3A_95, %dma_start3A_109] : memref<10000x128xf32, #tpu.memory_space<vmem_shared>> -> memref<128x128xf32, #tpu.memory_space<vmem_shared>>
          %dma_start3A_111 = arith.constant 0 : i32
          %dma_start3A_112 = tpu.memref_slice %arg11[%add3A_95, %dma_start3A_111] : memref<10000x128xf32, #tpu.memory_space<vmem_shared>> -> memref<128x128xf32, #tpu.memory_space<vmem_shared>>
          tpu.enqueue_dma source(%arg9 : memref<128x128xf32, #tpu.memory_space<vmem>>) target(%dma_start3A_112 : memref<128x128xf32, #tpu.memory_space<vmem_shared>>) target_semaphore(%run_scoped3A_108 : memref<!tpu.dma_semaphore, #tpu.memory_space<semaphore_mem>>)
          %dma_wait3A = arith.constant 0 : i32
          %dma_wait3A_113 = tpu.memref_slice %arg11[%add3A_95, %dma_wait3A] : memref<10000x128xf32, #tpu.memory_space<vmem_shared>> -> memref<128x128xf32, #tpu.memory_space<vmem_shared>>
          %dma_wait3A_114 = arith.constant 0 : i32
          %dma_wait3A_115 = tpu.memref_slice %arg11[%add3A_95, %dma_wait3A_114] : memref<10000x128xf32, #tpu.memory_space<vmem_shared>> -> memref<128x128xf32, #tpu.memory_space<vmem_shared>>
          tpu.wait_dma2 semaphore(%run_scoped3A_108 : memref<!tpu.dma_semaphore, #tpu.memory_space<semaphore_mem>>) src(%arg9 : memref<128x128xf32, #tpu.memory_space<vmem>>) dst(%dma_wait3A_115 : memref<128x128xf32, #tpu.memory_space<vmem_shared>>)
          tpu.yield
        }) : () -> ()
        %mul3A_96 = arith.constant 640 : i32
        %mul3A_97 = arith.muli %arg1, %mul3A_96 : i32
        %add3A_98 = arith.constant 256 : i32
        %add3A_99 = arith.addi %mul3A_97, %add3A_98 : i32
        "tpu.region"() ({
          %run_scoped3A_108 = tpu.sem_alloc : memref<!tpu.dma_semaphore, #tpu.memory_space<semaphore_mem>>
          %dma_start3A_109 = arith.constant 0 : i32
          %dma_start3A_110 = tpu.memref_slice %arg3[%add3A_99, %dma_start3A_109] : memref<10000x128xf32, #tpu.memory_space<hbm>> -> memref<128x128xf32, #tpu.memory_space<hbm>>
          %dma_start3A_111 = arith.constant 0 : i32
          %dma_start3A_112 = tpu.memref_slice %arg3[%add3A_99, %dma_start3A_111] : memref<10000x128xf32, #tpu.memory_space<hbm>> -> memref<128x128xf32, #tpu.memory_space<hbm>>
          tpu.enqueue_dma source(%dma_start3A_112 : memref<128x128xf32, #tpu.memory_space<hbm>>) target(%arg9 : memref<128x128xf32, #tpu.memory_space<vmem>>) target_semaphore(%run_scoped3A_108 : memref<!tpu.dma_semaphore, #tpu.memory_space<semaphore_mem>>)
          %dma_wait3A = arith.constant 0 : i32
          %dma_wait3A_113 = tpu.memref_slice %arg3[%add3A_99, %dma_wait3A] : memref<10000x128xf32, #tpu.memory_space<hbm>> -> memref<128x128xf32, #tpu.memory_space<hbm>>
          %dma_wait3A_114 = arith.constant 0 : i32
          %dma_wait3A_115 = tpu.memref_slice %arg3[%add3A_99, %dma_wait3A_114] : memref<10000x128xf32, #tpu.memory_space<hbm>> -> memref<128x128xf32, #tpu.memory_space<hbm>>
          tpu.wait_dma2 semaphore(%run_scoped3A_108 : memref<!tpu.dma_semaphore, #tpu.memory_space<semaphore_mem>>) src(%dma_wait3A_115 : memref<128x128xf32, #tpu.memory_space<hbm>>) dst(%arg9 : memref<128x128xf32, #tpu.memory_space<vmem>>)
          tpu.yield
        }) : () -> ()
        "tpu.region"() ({
          %run_scoped3A_108 = tpu.sem_alloc : memref<!tpu.dma_semaphore, #tpu.memory_space<semaphore_mem>>
          %dma_start3A_109 = arith.constant 0 : i32
          %dma_start3A_110 = tpu.memref_slice %arg11[%add3A_99, %dma_start3A_109] : memref<10000x128xf32, #tpu.memory_space<vmem_shared>> -> memref<128x128xf32, #tpu.memory_space<vmem_shared>>
          %dma_start3A_111 = arith.constant 0 : i32
          %dma_start3A_112 = tpu.memref_slice %arg11[%add3A_99, %dma_start3A_111] : memref<10000x128xf32, #tpu.memory_space<vmem_shared>> -> memref<128x128xf32, #tpu.memory_space<vmem_shared>>
          tpu.enqueue_dma source(%arg9 : memref<128x128xf32, #tpu.memory_space<vmem>>) target(%dma_start3A_112 : memref<128x128xf32, #tpu.memory_space<vmem_shared>>) target_semaphore(%run_scoped3A_108 : memref<!tpu.dma_semaphore, #tpu.memory_space<semaphore_mem>>)
          %dma_wait3A = arith.constant 0 : i32
          %dma_wait3A_113 = tpu.memref_slice %arg11[%add3A_99, %dma_wait3A] : memref<10000x128xf32, #tpu.memory_space<vmem_shared>> -> memref<128x128xf32, #tpu.memory_space<vmem_shared>>
          %dma_wait3A_114 = arith.constant 0 : i32
          %dma_wait3A_115 = tpu.memref_slice %arg11[%add3A_99, %dma_wait3A_114] : memref<10000x128xf32, #tpu.memory_space<vmem_shared>> -> memref<128x128xf32, #tpu.memory_space<vmem_shared>>
          tpu.wait_dma2 semaphore(%run_scoped3A_108 : memref<!tpu.dma_semaphore, #tpu.memory_space<semaphore_mem>>) src(%arg9 : memref<128x128xf32, #tpu.memory_space<vmem>>) dst(%dma_wait3A_115 : memref<128x128xf32, #tpu.memory_space<vmem_shared>>)
          tpu.yield
        }) : () -> ()
        %mul3A_100 = arith.constant 640 : i32
        %mul3A_101 = arith.muli %arg1, %mul3A_100 : i32
        %add3A_102 = arith.constant 384 : i32
        %add3A_103 = arith.addi %mul3A_101, %add3A_102 : i32
        "tpu.region"() ({
          %run_scoped3A_108 = tpu.sem_alloc : memref<!tpu.dma_semaphore, #tpu.memory_space<semaphore_mem>>
          %dma_start3A_109 = arith.constant 0 : i32
          %dma_start3A_110 = tpu.memref_slice %arg3[%add3A_103, %dma_start3A_109] : memref<10000x128xf32, #tpu.memory_space<hbm>> -> memref<128x128xf32, #tpu.memory_space<hbm>>
          %dma_start3A_111 = arith.constant 0 : i32
          %dma_start3A_112 = tpu.memref_slice %arg3[%add3A_103, %dma_start3A_111] : memref<10000x128xf32, #tpu.memory_space<hbm>> -> memref<128x128xf32, #tpu.memory_space<hbm>>
          tpu.enqueue_dma source(%dma_start3A_112 : memref<128x128xf32, #tpu.memory_space<hbm>>) target(%arg9 : memref<128x128xf32, #tpu.memory_space<vmem>>) target_semaphore(%run_scoped3A_108 : memref<!tpu.dma_semaphore, #tpu.memory_space<semaphore_mem>>)
          %dma_wait3A = arith.constant 0 : i32
          %dma_wait3A_113 = tpu.memref_slice %arg3[%add3A_103, %dma_wait3A] : memref<10000x128xf32, #tpu.memory_space<hbm>> -> memref<128x128xf32, #tpu.memory_space<hbm>>
          %dma_wait3A_114 = arith.constant 0 : i32
          %dma_wait3A_115 = tpu.memref_slice %arg3[%add3A_103, %dma_wait3A_114] : memref<10000x128xf32, #tpu.memory_space<hbm>> -> memref<128x128xf32, #tpu.memory_space<hbm>>
          tpu.wait_dma2 semaphore(%run_scoped3A_108 : memref<!tpu.dma_semaphore, #tpu.memory_space<semaphore_mem>>) src(%dma_wait3A_115 : memref<128x128xf32, #tpu.memory_space<hbm>>) dst(%arg9 : memref<128x128xf32, #tpu.memory_space<vmem>>)
          tpu.yield
        }) : () -> ()
        "tpu.region"() ({
          %run_scoped3A_108 = tpu.sem_alloc : memref<!tpu.dma_semaphore, #tpu.memory_space<semaphore_mem>>
          %dma_start3A_109 = arith.constant 0 : i32
          %dma_start3A_110 = tpu.memref_slice %arg11[%add3A_103, %dma_start3A_109] : memref<10000x128xf32, #tpu.memory_space<vmem_shared>> -> memref<128x128xf32, #tpu.memory_space<vmem_shared>>
          %dma_start3A_111 = arith.constant 0 : i32
          %dma_start3A_112 = tpu.memref_slice %arg11[%add3A_103, %dma_start3A_111] : memref<10000x128xf32, #tpu.memory_space<vmem_shared>> -> memref<128x128xf32, #tpu.memory_space<vmem_shared>>
          tpu.enqueue_dma source(%arg9 : memref<128x128xf32, #tpu.memory_space<vmem>>) target(%dma_start3A_112 : memref<128x128xf32, #tpu.memory_space<vmem_shared>>) target_semaphore(%run_scoped3A_108 : memref<!tpu.dma_semaphore, #tpu.memory_space<semaphore_mem>>)
          %dma_wait3A = arith.constant 0 : i32
          %dma_wait3A_113 = tpu.memref_slice %arg11[%add3A_103, %dma_wait3A] : memref<10000x128xf32, #tpu.memory_space<vmem_shared>> -> memref<128x128xf32, #tpu.memory_space<vmem_shared>>
          %dma_wait3A_114 = arith.constant 0 : i32
          %dma_wait3A_115 = tpu.memref_slice %arg11[%add3A_103, %dma_wait3A_114] : memref<10000x128xf32, #tpu.memory_space<vmem_shared>> -> memref<128x128xf32, #tpu.memory_space<vmem_shared>>
          tpu.wait_dma2 semaphore(%run_scoped3A_108 : memref<!tpu.dma_semaphore, #tpu.memory_space<semaphore_mem>>) src(%arg9 : memref<128x128xf32, #tpu.memory_space<vmem>>) dst(%dma_wait3A_115 : memref<128x128xf32, #tpu.memory_space<vmem_shared>>)
          tpu.yield
        }) : () -> ()
        %mul3A_104 = arith.constant 640 : i32
        %mul3A_105 = arith.muli %arg1, %mul3A_104 : i32
        %add3A_106 = arith.constant 512 : i32
        %add3A_107 = arith.addi %mul3A_105, %add3A_106 : i32
        "tpu.region"() ({
          %run_scoped3A_108 = tpu.sem_alloc : memref<!tpu.dma_semaphore, #tpu.memory_space<semaphore_mem>>
          %dma_start3A_109 = arith.constant 0 : i32
          %dma_start3A_110 = tpu.memref_slice %arg3[%add3A_107, %dma_start3A_109] : memref<10000x128xf32, #tpu.memory_space<hbm>> -> memref<128x128xf32, #tpu.memory_space<hbm>>
          %dma_start3A_111 = arith.constant 0 : i32
          %dma_start3A_112 = tpu.memref_slice %arg3[%add3A_107, %dma_start3A_111] : memref<10000x128xf32, #tpu.memory_space<hbm>> -> memref<128x128xf32, #tpu.memory_space<hbm>>
          tpu.enqueue_dma source(%dma_start3A_112 : memref<128x128xf32, #tpu.memory_space<hbm>>) target(%arg9 : memref<128x128xf32, #tpu.memory_space<vmem>>) target_semaphore(%run_scoped3A_108 : memref<!tpu.dma_semaphore, #tpu.memory_space<semaphore_mem>>)
          %dma_wait3A = arith.constant 0 : i32
          %dma_wait3A_113 = tpu.memref_slice %arg3[%add3A_107, %dma_wait3A] : memref<10000x128xf32, #tpu.memory_space<hbm>> -> memref<128x128xf32, #tpu.memory_space<hbm>>
          %dma_wait3A_114 = arith.constant 0 : i32
          %dma_wait3A_115 = tpu.memref_slice %arg3[%add3A_107, %dma_wait3A_114] : memref<10000x128xf32, #tpu.memory_space<hbm>> -> memref<128x128xf32, #tpu.memory_space<hbm>>
          tpu.wait_dma2 semaphore(%run_scoped3A_108 : memref<!tpu.dma_semaphore, #tpu.memory_space<semaphore_mem>>) src(%dma_wait3A_115 : memref<128x128xf32, #tpu.memory_space<hbm>>) dst(%arg9 : memref<128x128xf32, #tpu.memory_space<vmem>>)
          tpu.yield
        }) : () -> ()
        "tpu.region"() ({
          %run_scoped3A_108 = tpu.sem_alloc : memref<!tpu.dma_semaphore, #tpu.memory_space<semaphore_mem>>
          %dma_start3A_109 = arith.constant 0 : i32
          %dma_start3A_110 = tpu.memref_slice %arg11[%add3A_107, %dma_start3A_109] : memref<10000x128xf32, #tpu.memory_space<vmem_shared>> -> memref<128x128xf32, #tpu.memory_space<vmem_shared>>
          %dma_start3A_111 = arith.constant 0 : i32
          %dma_start3A_112 = tpu.memref_slice %arg11[%add3A_107, %dma_start3A_111] : memref<10000x128xf32, #tpu.memory_space<vmem_shared>> -> memref<128x128xf32, #tpu.memory_space<vmem_shared>>
          tpu.enqueue_dma source(%arg9 : memref<128x128xf32, #tpu.memory_space<vmem>>) target(%dma_start3A_112 : memref<128x128xf32, #tpu.memory_space<vmem_shared>>) target_semaphore(%run_scoped3A_108 : memref<!tpu.dma_semaphore, #tpu.memory_space<semaphore_mem>>)
          %dma_wait3A = arith.constant 0 : i32
          %dma_wait3A_113 = tpu.memref_slice %arg11[%add3A_107, %dma_wait3A] : memref<10000x128xf32, #tpu.memory_space<vmem_shared>> -> memref<128x128xf32, #tpu.memory_space<vmem_shared>>
          %dma_wait3A_114 = arith.constant 0 : i32
          %dma_wait3A_115 = tpu.memref_slice %arg11[%add3A_107, %dma_wait3A_114] : memref<10000x128xf32, #tpu.memory_space<vmem_shared>> -> memref<128x128xf32, #tpu.memory_space<vmem_shared>>
          tpu.wait_dma2 semaphore(%run_scoped3A_108 : memref<!tpu.dma_semaphore, #tpu.memory_space<semaphore_mem>>) src(%arg9 : memref<128x128xf32, #tpu.memory_space<vmem>>) dst(%dma_wait3A_115 : memref<128x128xf32, #tpu.memory_space<vmem_shared>>)
          tpu.yield
        }) : () -> ()
      } else {
      }
      %eq3A_11 = arith.constant 15 : i32
      %eq3A_12 = arith.cmpi eq, %arg1, %eq3A_11 : i32
      %convert_element_type3A_13 = arith.extui %eq3A_12 : i1 to i32
      %cond3A_14 = arith.constant 0 : i32
      %cond3A_15 = arith.cmpi ne, %convert_element_type3A_13, %cond3A_14 : i32
      scf.if %cond3A_15 {
        "tpu.region"() ({
          %run_scoped3A_88 = tpu.sem_alloc : memref<!tpu.dma_semaphore, #tpu.memory_space<semaphore_mem>>
          %dma_start3A_89 = arith.constant 9600 : i32
          %dma_start3A_90 = arith.constant 0 : i32
          %dma_start3A_91 = tpu.memref_slice %arg3[%dma_start3A_89, %dma_start3A_90] : memref<10000x128xf32, #tpu.memory_space<hbm>> -> memref<128x128xf32, #tpu.memory_space<hbm>>
          %dma_start3A_92 = arith.constant 9600 : i32
          %dma_start3A_93 = arith.constant 0 : i32
          %dma_start3A_94 = tpu.memref_slice %arg3[%dma_start3A_92, %dma_start3A_93] : memref<10000x128xf32, #tpu.memory_space<hbm>> -> memref<128x128xf32, #tpu.memory_space<hbm>>
          tpu.enqueue_dma source(%dma_start3A_94 : memref<128x128xf32, #tpu.memory_space<hbm>>) target(%arg9 : memref<128x128xf32, #tpu.memory_space<vmem>>) target_semaphore(%run_scoped3A_88 : memref<!tpu.dma_semaphore, #tpu.memory_space<semaphore_mem>>)
          %dma_wait3A = arith.constant 9600 : i32
          %dma_wait3A_95 = arith.constant 0 : i32
          %dma_wait3A_96 = tpu.memref_slice %arg3[%dma_wait3A, %dma_wait3A_95] : memref<10000x128xf32, #tpu.memory_space<hbm>> -> memref<128x128xf32, #tpu.memory_space<hbm>>
          %dma_wait3A_97 = arith.constant 9600 : i32
          %dma_wait3A_98 = arith.constant 0 : i32
          %dma_wait3A_99 = tpu.memref_slice %arg3[%dma_wait3A_97, %dma_wait3A_98] : memref<10000x128xf32, #tpu.memory_space<hbm>> -> memref<128x128xf32, #tpu.memory_space<hbm>>
          tpu.wait_dma2 semaphore(%run_scoped3A_88 : memref<!tpu.dma_semaphore, #tpu.memory_space<semaphore_mem>>) src(%dma_wait3A_99 : memref<128x128xf32, #tpu.memory_space<hbm>>) dst(%arg9 : memref<128x128xf32, #tpu.memory_space<vmem>>)
          tpu.yield
        }) : () -> ()
        "tpu.region"() ({
          %run_scoped3A_88 = tpu.sem_alloc : memref<!tpu.dma_semaphore, #tpu.memory_space<semaphore_mem>>
          %dma_start3A_89 = arith.constant 9600 : i32
          %dma_start3A_90 = arith.constant 0 : i32
          %dma_start3A_91 = tpu.memref_slice %arg11[%dma_start3A_89, %dma_start3A_90] : memref<10000x128xf32, #tpu.memory_space<vmem_shared>> -> memref<128x128xf32, #tpu.memory_space<vmem_shared>>
          %dma_start3A_92 = arith.constant 9600 : i32
          %dma_start3A_93 = arith.constant 0 : i32
          %dma_start3A_94 = tpu.memref_slice %arg11[%dma_start3A_92, %dma_start3A_93] : memref<10000x128xf32, #tpu.memory_space<vmem_shared>> -> memref<128x128xf32, #tpu.memory_space<vmem_shared>>
          tpu.enqueue_dma source(%arg9 : memref<128x128xf32, #tpu.memory_space<vmem>>) target(%dma_start3A_94 : memref<128x128xf32, #tpu.memory_space<vmem_shared>>) target_semaphore(%run_scoped3A_88 : memref<!tpu.dma_semaphore, #tpu.memory_space<semaphore_mem>>)
          %dma_wait3A = arith.constant 9600 : i32
          %dma_wait3A_95 = arith.constant 0 : i32
          %dma_wait3A_96 = tpu.memref_slice %arg11[%dma_wait3A, %dma_wait3A_95] : memref<10000x128xf32, #tpu.memory_space<vmem_shared>> -> memref<128x128xf32, #tpu.memory_space<vmem_shared>>
          %dma_wait3A_97 = arith.constant 9600 : i32
          %dma_wait3A_98 = arith.constant 0 : i32
          %dma_wait3A_99 = tpu.memref_slice %arg11[%dma_wait3A_97, %dma_wait3A_98] : memref<10000x128xf32, #tpu.memory_space<vmem_shared>> -> memref<128x128xf32, #tpu.memory_space<vmem_shared>>
          tpu.wait_dma2 semaphore(%run_scoped3A_88 : memref<!tpu.dma_semaphore, #tpu.memory_space<semaphore_mem>>) src(%arg9 : memref<128x128xf32, #tpu.memory_space<vmem>>) dst(%dma_wait3A_99 : memref<128x128xf32, #tpu.memory_space<vmem_shared>>)
          tpu.yield
        }) : () -> ()
        "tpu.region"() ({
          %run_scoped3A_88 = tpu.sem_alloc : memref<!tpu.dma_semaphore, #tpu.memory_space<semaphore_mem>>
          %dma_start3A_89 = arith.constant 9728 : i32
          %dma_start3A_90 = arith.constant 0 : i32
          %dma_start3A_91 = tpu.memref_slice %arg3[%dma_start3A_89, %dma_start3A_90] : memref<10000x128xf32, #tpu.memory_space<hbm>> -> memref<128x128xf32, #tpu.memory_space<hbm>>
          %dma_start3A_92 = arith.constant 9728 : i32
          %dma_start3A_93 = arith.constant 0 : i32
          %dma_start3A_94 = tpu.memref_slice %arg3[%dma_start3A_92, %dma_start3A_93] : memref<10000x128xf32, #tpu.memory_space<hbm>> -> memref<128x128xf32, #tpu.memory_space<hbm>>
          tpu.enqueue_dma source(%dma_start3A_94 : memref<128x128xf32, #tpu.memory_space<hbm>>) target(%arg9 : memref<128x128xf32, #tpu.memory_space<vmem>>) target_semaphore(%run_scoped3A_88 : memref<!tpu.dma_semaphore, #tpu.memory_space<semaphore_mem>>)
          %dma_wait3A = arith.constant 9728 : i32
          %dma_wait3A_95 = arith.constant 0 : i32
          %dma_wait3A_96 = tpu.memref_slice %arg3[%dma_wait3A, %dma_wait3A_95] : memref<10000x128xf32, #tpu.memory_space<hbm>> -> memref<128x128xf32, #tpu.memory_space<hbm>>
          %dma_wait3A_97 = arith.constant 9728 : i32
          %dma_wait3A_98 = arith.constant 0 : i32
          %dma_wait3A_99 = tpu.memref_slice %arg3[%dma_wait3A_97, %dma_wait3A_98] : memref<10000x128xf32, #tpu.memory_space<hbm>> -> memref<128x128xf32, #tpu.memory_space<hbm>>
          tpu.wait_dma2 semaphore(%run_scoped3A_88 : memref<!tpu.dma_semaphore, #tpu.memory_space<semaphore_mem>>) src(%dma_wait3A_99 : memref<128x128xf32, #tpu.memory_space<hbm>>) dst(%arg9 : memref<128x128xf32, #tpu.memory_space<vmem>>)
          tpu.yield
        }) : () -> ()
        "tpu.region"() ({
          %run_scoped3A_88 = tpu.sem_alloc : memref<!tpu.dma_semaphore, #tpu.memory_space<semaphore_mem>>
          %dma_start3A_89 = arith.constant 9728 : i32
          %dma_start3A_90 = arith.constant 0 : i32
          %dma_start3A_91 = tpu.memref_slice %arg11[%dma_start3A_89, %dma_start3A_90] : memref<10000x128xf32, #tpu.memory_space<vmem_shared>> -> memref<128x128xf32, #tpu.memory_space<vmem_shared>>
          %dma_start3A_92 = arith.constant 9728 : i32
          %dma_start3A_93 = arith.constant 0 : i32
          %dma_start3A_94 = tpu.memref_slice %arg11[%dma_start3A_92, %dma_start3A_93] : memref<10000x128xf32, #tpu.memory_space<vmem_shared>> -> memref<128x128xf32, #tpu.memory_space<vmem_shared>>
          tpu.enqueue_dma source(%arg9 : memref<128x128xf32, #tpu.memory_space<vmem>>) target(%dma_start3A_94 : memref<128x128xf32, #tpu.memory_space<vmem_shared>>) target_semaphore(%run_scoped3A_88 : memref<!tpu.dma_semaphore, #tpu.memory_space<semaphore_mem>>)
          %dma_wait3A = arith.constant 9728 : i32
          %dma_wait3A_95 = arith.constant 0 : i32
          %dma_wait3A_96 = tpu.memref_slice %arg11[%dma_wait3A, %dma_wait3A_95] : memref<10000x128xf32, #tpu.memory_space<vmem_shared>> -> memref<128x128xf32, #tpu.memory_space<vmem_shared>>
          %dma_wait3A_97 = arith.constant 9728 : i32
          %dma_wait3A_98 = arith.constant 0 : i32
          %dma_wait3A_99 = tpu.memref_slice %arg11[%dma_wait3A_97, %dma_wait3A_98] : memref<10000x128xf32, #tpu.memory_space<vmem_shared>> -> memref<128x128xf32, #tpu.memory_space<vmem_shared>>
          tpu.wait_dma2 semaphore(%run_scoped3A_88 : memref<!tpu.dma_semaphore, #tpu.memory_space<semaphore_mem>>) src(%arg9 : memref<128x128xf32, #tpu.memory_space<vmem>>) dst(%dma_wait3A_99 : memref<128x128xf32, #tpu.memory_space<vmem_shared>>)
          tpu.yield
        }) : () -> ()
        "tpu.region"() ({
          %run_scoped3A_88 = tpu.sem_alloc : memref<!tpu.dma_semaphore, #tpu.memory_space<semaphore_mem>>
          %dma_start3A_89 = arith.constant 9856 : i32
          %dma_start3A_90 = arith.constant 0 : i32
          %dma_start3A_91 = tpu.memref_slice %arg3[%dma_start3A_89, %dma_start3A_90] : memref<10000x128xf32, #tpu.memory_space<hbm>> -> memref<128x128xf32, #tpu.memory_space<hbm>>
          %dma_start3A_92 = arith.constant 9856 : i32
          %dma_start3A_93 = arith.constant 0 : i32
          %dma_start3A_94 = tpu.memref_slice %arg3[%dma_start3A_92, %dma_start3A_93] : memref<10000x128xf32, #tpu.memory_space<hbm>> -> memref<128x128xf32, #tpu.memory_space<hbm>>
          tpu.enqueue_dma source(%dma_start3A_94 : memref<128x128xf32, #tpu.memory_space<hbm>>) target(%arg9 : memref<128x128xf32, #tpu.memory_space<vmem>>) target_semaphore(%run_scoped3A_88 : memref<!tpu.dma_semaphore, #tpu.memory_space<semaphore_mem>>)
          %dma_wait3A = arith.constant 9856 : i32
          %dma_wait3A_95 = arith.constant 0 : i32
          %dma_wait3A_96 = tpu.memref_slice %arg3[%dma_wait3A, %dma_wait3A_95] : memref<10000x128xf32, #tpu.memory_space<hbm>> -> memref<128x128xf32, #tpu.memory_space<hbm>>
          %dma_wait3A_97 = arith.constant 9856 : i32
          %dma_wait3A_98 = arith.constant 0 : i32
          %dma_wait3A_99 = tpu.memref_slice %arg3[%dma_wait3A_97, %dma_wait3A_98] : memref<10000x128xf32, #tpu.memory_space<hbm>> -> memref<128x128xf32, #tpu.memory_space<hbm>>
          tpu.wait_dma2 semaphore(%run_scoped3A_88 : memref<!tpu.dma_semaphore, #tpu.memory_space<semaphore_mem>>) src(%dma_wait3A_99 : memref<128x128xf32, #tpu.memory_space<hbm>>) dst(%arg9 : memref<128x128xf32, #tpu.memory_space<vmem>>)
          tpu.yield
        }) : () -> ()
        "tpu.region"() ({
          %run_scoped3A_88 = tpu.sem_alloc : memref<!tpu.dma_semaphore, #tpu.memory_space<semaphore_mem>>
          %dma_start3A_89 = arith.constant 9856 : i32
          %dma_start3A_90 = arith.constant 0 : i32
          %dma_start3A_91 = tpu.memref_slice %arg11[%dma_start3A_89, %dma_start3A_90] : memref<10000x128xf32, #tpu.memory_space<vmem_shared>> -> memref<128x128xf32, #tpu.memory_space<vmem_shared>>
          %dma_start3A_92 = arith.constant 9856 : i32
          %dma_start3A_93 = arith.constant 0 : i32
          %dma_start3A_94 = tpu.memref_slice %arg11[%dma_start3A_92, %dma_start3A_93] : memref<10000x128xf32, #tpu.memory_space<vmem_shared>> -> memref<128x128xf32, #tpu.memory_space<vmem_shared>>
          tpu.enqueue_dma source(%arg9 : memref<128x128xf32, #tpu.memory_space<vmem>>) target(%dma_start3A_94 : memref<128x128xf32, #tpu.memory_space<vmem_shared>>) target_semaphore(%run_scoped3A_88 : memref<!tpu.dma_semaphore, #tpu.memory_space<semaphore_mem>>)
          %dma_wait3A = arith.constant 9856 : i32
          %dma_wait3A_95 = arith.constant 0 : i32
          %dma_wait3A_96 = tpu.memref_slice %arg11[%dma_wait3A, %dma_wait3A_95] : memref<10000x128xf32, #tpu.memory_space<vmem_shared>> -> memref<128x128xf32, #tpu.memory_space<vmem_shared>>
          %dma_wait3A_97 = arith.constant 9856 : i32
          %dma_wait3A_98 = arith.constant 0 : i32
          %dma_wait3A_99 = tpu.memref_slice %arg11[%dma_wait3A_97, %dma_wait3A_98] : memref<10000x128xf32, #tpu.memory_space<vmem_shared>> -> memref<128x128xf32, #tpu.memory_space<vmem_shared>>
          tpu.wait_dma2 semaphore(%run_scoped3A_88 : memref<!tpu.dma_semaphore, #tpu.memory_space<semaphore_mem>>) src(%arg9 : memref<128x128xf32, #tpu.memory_space<vmem>>) dst(%dma_wait3A_99 : memref<128x128xf32, #tpu.memory_space<vmem_shared>>)
          tpu.yield
        }) : () -> ()
        "tpu.region"() ({
          %run_scoped3A_88 = tpu.sem_alloc : memref<!tpu.dma_semaphore, #tpu.memory_space<semaphore_mem>>
          %dma_start3A_89 = arith.constant 0 : i32
          %dma_start3A_90 = arith.constant 0 : i32
          %dma_start3A_91 = tpu.memref_slice %arg9[%dma_start3A_89, %dma_start3A_90] : memref<128x128xf32, #tpu.memory_space<vmem>> -> memref<16x128xf32, #tpu.memory_space<vmem>>
          %dma_start3A_92 = arith.constant 9984 : i32
          %dma_start3A_93 = arith.constant 0 : i32
          %dma_start3A_94 = tpu.memref_slice %arg3[%dma_start3A_92, %dma_start3A_93] : memref<10000x128xf32, #tpu.memory_space<hbm>> -> memref<16x128xf32, #tpu.memory_space<hbm>>
          %dma_start3A_95 = arith.constant 0 : i32
          %dma_start3A_96 = arith.constant 0 : i32
          %dma_start3A_97 = tpu.memref_slice %arg9[%dma_start3A_95, %dma_start3A_96] : memref<128x128xf32, #tpu.memory_space<vmem>> -> memref<16x128xf32, #tpu.memory_space<vmem>>
          %dma_start3A_98 = arith.constant 9984 : i32
          %dma_start3A_99 = arith.constant 0 : i32
          %dma_start3A_100 = tpu.memref_slice %arg3[%dma_start3A_98, %dma_start3A_99] : memref<10000x128xf32, #tpu.memory_space<hbm>> -> memref<16x128xf32, #tpu.memory_space<hbm>>
          tpu.enqueue_dma source(%dma_start3A_100 : memref<16x128xf32, #tpu.memory_space<hbm>>) target(%dma_start3A_97 : memref<16x128xf32, #tpu.memory_space<vmem>>) target_semaphore(%run_scoped3A_88 : memref<!tpu.dma_semaphore, #tpu.memory_space<semaphore_mem>>)
          %dma_wait3A = arith.constant 0 : i32
          %dma_wait3A_101 = arith.constant 0 : i32
          %dma_wait3A_102 = tpu.memref_slice %arg9[%dma_wait3A, %dma_wait3A_101] : memref<128x128xf32, #tpu.memory_space<vmem>> -> memref<16x128xf32, #tpu.memory_space<vmem>>
          %dma_wait3A_103 = arith.constant 9984 : i32
          %dma_wait3A_104 = arith.constant 0 : i32
          %dma_wait3A_105 = tpu.memref_slice %arg3[%dma_wait3A_103, %dma_wait3A_104] : memref<10000x128xf32, #tpu.memory_space<hbm>> -> memref<16x128xf32, #tpu.memory_space<hbm>>
          %dma_wait3A_106 = arith.constant 0 : i32
          %dma_wait3A_107 = arith.constant 0 : i32
          %dma_wait3A_108 = tpu.memref_slice %arg9[%dma_wait3A_106, %dma_wait3A_107] : memref<128x128xf32, #tpu.memory_space<vmem>> -> memref<16x128xf32, #tpu.memory_space<vmem>>
          %dma_wait3A_109 = arith.constant 9984 : i32
          %dma_wait3A_110 = arith.constant 0 : i32
          %dma_wait3A_111 = tpu.memref_slice %arg3[%dma_wait3A_109, %dma_wait3A_110] : memref<10000x128xf32, #tpu.memory_space<hbm>> -> memref<16x128xf32, #tpu.memory_space<hbm>>
          tpu.wait_dma2 semaphore(%run_scoped3A_88 : memref<!tpu.dma_semaphore, #tpu.memory_space<semaphore_mem>>) src(%dma_wait3A_111 : memref<16x128xf32, #tpu.memory_space<hbm>>) dst(%dma_wait3A_108 : memref<16x128xf32, #tpu.memory_space<vmem>>)
          tpu.yield
        }) : () -> ()
        "tpu.region"() ({
          %run_scoped3A_88 = tpu.sem_alloc : memref<!tpu.dma_semaphore, #tpu.memory_space<semaphore_mem>>
          %dma_start3A_89 = arith.constant 0 : i32
          %dma_start3A_90 = arith.constant 0 : i32
          %dma_start3A_91 = tpu.memref_slice %arg9[%dma_start3A_89, %dma_start3A_90] : memref<128x128xf32, #tpu.memory_space<vmem>> -> memref<16x128xf32, #tpu.memory_space<vmem>>
          %dma_start3A_92 = arith.constant 9984 : i32
          %dma_start3A_93 = arith.constant 0 : i32
          %dma_start3A_94 = tpu.memref_slice %arg11[%dma_start3A_92, %dma_start3A_93] : memref<10000x128xf32, #tpu.memory_space<vmem_shared>> -> memref<16x128xf32, #tpu.memory_space<vmem_shared>>
          %dma_start3A_95 = arith.constant 9984 : i32
          %dma_start3A_96 = arith.constant 0 : i32
          %dma_start3A_97 = tpu.memref_slice %arg11[%dma_start3A_95, %dma_start3A_96] : memref<10000x128xf32, #tpu.memory_space<vmem_shared>> -> memref<16x128xf32, #tpu.memory_space<vmem_shared>>
          %dma_start3A_98 = arith.constant 0 : i32
          %dma_start3A_99 = arith.constant 0 : i32
          %dma_start3A_100 = tpu.memref_slice %arg9[%dma_start3A_98, %dma_start3A_99] : memref<128x128xf32, #tpu.memory_space<vmem>> -> memref<16x128xf32, #tpu.memory_space<vmem>>
          tpu.enqueue_dma source(%dma_start3A_100 : memref<16x128xf32, #tpu.memory_space<vmem>>) target(%dma_start3A_97 : memref<16x128xf32, #tpu.memory_space<vmem_shared>>) target_semaphore(%run_scoped3A_88 : memref<!tpu.dma_semaphore, #tpu.memory_space<semaphore_mem>>)
          %dma_wait3A = arith.constant 0 : i32
          %dma_wait3A_101 = arith.constant 0 : i32
          %dma_wait3A_102 = tpu.memref_slice %arg9[%dma_wait3A, %dma_wait3A_101] : memref<128x128xf32, #tpu.memory_space<vmem>> -> memref<16x128xf32, #tpu.memory_space<vmem>>
          %dma_wait3A_103 = arith.constant 9984 : i32
          %dma_wait3A_104 = arith.constant 0 : i32
          %dma_wait3A_105 = tpu.memref_slice %arg11[%dma_wait3A_103, %dma_wait3A_104] : memref<10000x128xf32, #tpu.memory_space<vmem_shared>> -> memref<16x128xf32, #tpu.memory_space<vmem_shared>>
          %dma_wait3A_106 = arith.constant 9984 : i32
          %dma_wait3A_107 = arith.constant 0 : i32
          %dma_wait3A_108 = tpu.memref_slice %arg11[%dma_wait3A_106, %dma_wait3A_107] : memref<10000x128xf32, #tpu.memory_space<vmem_shared>> -> memref<16x128xf32, #tpu.memory_space<vmem_shared>>
          %dma_wait3A_109 = arith.constant 0 : i32
          %dma_wait3A_110 = arith.constant 0 : i32
          %dma_wait3A_111 = tpu.memref_slice %arg9[%dma_wait3A_109, %dma_wait3A_110] : memref<128x128xf32, #tpu.memory_space<vmem>> -> memref<16x128xf32, #tpu.memory_space<vmem>>
          tpu.wait_dma2 semaphore(%run_scoped3A_88 : memref<!tpu.dma_semaphore, #tpu.memory_space<semaphore_mem>>) src(%dma_wait3A_111 : memref<16x128xf32, #tpu.memory_space<vmem>>) dst(%dma_wait3A_108 : memref<16x128xf32, #tpu.memory_space<vmem_shared>>)
          tpu.yield
        }) : () -> ()
      } else {
      }
      %barrier3A = arith.constant 0 : index
      tpu.barrier barrier_id(%barrier3A)
      %mul3A = arith.constant 80 : i32
      %mul3A_16 = arith.muli %arg1, %mul3A : i32
      %add3A = arith.constant 0 : i32
      %add3A_17 = arith.addi %mul3A_16, %add3A : i32
      %run_scoped3A = arith.constant 0 : i32
      "tpu.region"() ({
        %run_scoped3A_88 = tpu.sem_alloc : memref<!tpu.dma_semaphore, #tpu.memory_space<semaphore_mem>>
        %dma_start3A_89 = arith.constant 0 : i32
        %dma_start3A_90 = tpu.memref_slice %arg4[%run_scoped3A, %add3A_17, %dma_start3A_89] : memref<2x1280x125xi32, #tpu.memory_space<hbm>> -> memref<1x40x125xi32, #tpu.memory_space<hbm>>
        %dma_start3A_91 = tpu.memref_squeeze %dma_start3A_90 : memref<1x40x125xi32, #tpu.memory_space<hbm>> -> memref<40x125xi32, #tpu.memory_space<hbm>>
        %dma_start3A_92 = arith.constant 0 : i32
        %dma_start3A_93 = tpu.memref_slice %arg4[%run_scoped3A, %add3A_17, %dma_start3A_92] : memref<2x1280x125xi32, #tpu.memory_space<hbm>> -> memref<1x40x125xi32, #tpu.memory_space<hbm>>
        %dma_start3A_94 = tpu.memref_squeeze %dma_start3A_93 : memref<1x40x125xi32, #tpu.memory_space<hbm>> -> memref<40x125xi32, #tpu.memory_space<hbm>>
        tpu.enqueue_dma source(%dma_start3A_94 : memref<40x125xi32, #tpu.memory_space<hbm>>) target(%arg7 : memref<40x125xi32, #tpu.memory_space<vmem>>) target_semaphore(%run_scoped3A_88 : memref<!tpu.dma_semaphore, #tpu.memory_space<semaphore_mem>>)
        %dma_wait3A = arith.constant 0 : i32
        %dma_wait3A_95 = tpu.memref_slice %arg4[%run_scoped3A, %add3A_17, %dma_wait3A] : memref<2x1280x125xi32, #tpu.memory_space<hbm>> -> memref<1x40x125xi32, #tpu.memory_space<hbm>>
        %dma_wait3A_96 = tpu.memref_squeeze %dma_wait3A_95 : memref<1x40x125xi32, #tpu.memory_space<hbm>> -> memref<40x125xi32, #tpu.memory_space<hbm>>
        %dma_wait3A_97 = arith.constant 0 : i32
        %dma_wait3A_98 = tpu.memref_slice %arg4[%run_scoped3A, %add3A_17, %dma_wait3A_97] : memref<2x1280x125xi32, #tpu.memory_space<hbm>> -> memref<1x40x125xi32, #tpu.memory_space<hbm>>
        %dma_wait3A_99 = tpu.memref_squeeze %dma_wait3A_98 : memref<1x40x125xi32, #tpu.memory_space<hbm>> -> memref<40x125xi32, #tpu.memory_space<hbm>>
        tpu.wait_dma2 semaphore(%run_scoped3A_88 : memref<!tpu.dma_semaphore, #tpu.memory_space<semaphore_mem>>) src(%dma_wait3A_99 : memref<40x125xi32, #tpu.memory_space<hbm>>) dst(%arg7 : memref<40x125xi32, #tpu.memory_space<vmem>>)
        tpu.yield
      }) : () -> ()
      %run_scoped3A_18 = arith.constant 1 : i32
      "tpu.region"() ({
        %run_scoped3A_88 = tpu.sem_alloc : memref<!tpu.dma_semaphore, #tpu.memory_space<semaphore_mem>>
        %dma_start3A_89 = arith.constant 0 : i32
        %dma_start3A_90 = tpu.memref_slice %arg4[%run_scoped3A_18, %add3A_17, %dma_start3A_89] : memref<2x1280x125xi32, #tpu.memory_space<hbm>> -> memref<1x40x125xi32, #tpu.memory_space<hbm>>
        %dma_start3A_91 = tpu.memref_squeeze %dma_start3A_90 : memref<1x40x125xi32, #tpu.memory_space<hbm>> -> memref<40x125xi32, #tpu.memory_space<hbm>>
        %dma_start3A_92 = arith.constant 0 : i32
        %dma_start3A_93 = tpu.memref_slice %arg4[%run_scoped3A_18, %add3A_17, %dma_start3A_92] : memref<2x1280x125xi32, #tpu.memory_space<hbm>> -> memref<1x40x125xi32, #tpu.memory_space<hbm>>
        %dma_start3A_94 = tpu.memref_squeeze %dma_start3A_93 : memref<1x40x125xi32, #tpu.memory_space<hbm>> -> memref<40x125xi32, #tpu.memory_space<hbm>>
        tpu.enqueue_dma source(%dma_start3A_94 : memref<40x125xi32, #tpu.memory_space<hbm>>) target(%arg8 : memref<40x125xi32, #tpu.memory_space<vmem>>) target_semaphore(%run_scoped3A_88 : memref<!tpu.dma_semaphore, #tpu.memory_space<semaphore_mem>>)
        %dma_wait3A = arith.constant 0 : i32
        %dma_wait3A_95 = tpu.memref_slice %arg4[%run_scoped3A_18, %add3A_17, %dma_wait3A] : memref<2x1280x125xi32, #tpu.memory_space<hbm>> -> memref<1x40x125xi32, #tpu.memory_space<hbm>>
        %dma_wait3A_96 = tpu.memref_squeeze %dma_wait3A_95 : memref<1x40x125xi32, #tpu.memory_space<hbm>> -> memref<40x125xi32, #tpu.memory_space<hbm>>
        %dma_wait3A_97 = arith.constant 0 : i32
        %dma_wait3A_98 = tpu.memref_slice %arg4[%run_scoped3A_18, %add3A_17, %dma_wait3A_97] : memref<2x1280x125xi32, #tpu.memory_space<hbm>> -> memref<1x40x125xi32, #tpu.memory_space<hbm>>
        %dma_wait3A_99 = tpu.memref_squeeze %dma_wait3A_98 : memref<1x40x125xi32, #tpu.memory_space<hbm>> -> memref<40x125xi32, #tpu.memory_space<hbm>>
        tpu.wait_dma2 semaphore(%run_scoped3A_88 : memref<!tpu.dma_semaphore, #tpu.memory_space<semaphore_mem>>) src(%dma_wait3A_99 : memref<40x125xi32, #tpu.memory_space<hbm>>) dst(%arg8 : memref<40x125xi32, #tpu.memory_space<vmem>>)
        tpu.yield
      }) : () -> ()
      %dma_start3A = arith.constant 0 : i32
      %dma_start3A_19 = arith.constant 0 : i32
      %dma_start3A_20 = arith.constant 0 : i32
      %dma_start3A_21 = tpu.memref_slice %arg9[%dma_start3A_19, %dma_start3A_20] : memref<128x128xf32, #tpu.memory_space<vmem>> -> memref<125x128xf32, #tpu.memory_space<vmem>>
      %dma_start3A_22 = arith.constant 0 : i32
      %dma_start3A_23 = tpu.memref_slice %arg7[%dma_start3A, %dma_start3A_22] : memref<40x125xi32, #tpu.memory_space<vmem>> -> memref<1x125xi32, #tpu.memory_space<vmem>>
      %dma_start3A_24 = tpu.memref_squeeze %dma_start3A_23 : memref<1x125xi32, #tpu.memory_space<vmem>> -> memref<125xi32, #tpu.memory_space<vmem>>
      %dma_start3A_25 = arith.constant 0 : i32
      %dma_start3A_26 = arith.constant 0 : i32
      %dma_start3A_27 = tpu.memref_slice %arg3[%dma_start3A_25, %dma_start3A_26] : memref<10000x128xf32, #tpu.memory_space<hbm>> -> memref<10000x128xf32, #tpu.memory_space<hbm>>
      tpu.enqueue_indirect_dma source(%dma_start3A_27 : memref<10000x128xf32, #tpu.memory_space<hbm>>) target(%dma_start3A_21 : memref<125x128xf32, #tpu.memory_space<vmem>>) offsets(%dma_start3A_24 : memref<125xi32, #tpu.memory_space<vmem>>) semaphore(%arg12 : memref<!tpu.dma_semaphore, #tpu.memory_space<semaphore_mem>>)
      %dma_start3A_28 = arith.constant 1 : i32
      %dma_start3A_29 = arith.constant 0 : i32
      %dma_start3A_30 = arith.constant 0 : i32
      %dma_start3A_31 = tpu.memref_slice %arg10[%dma_start3A_29, %dma_start3A_30] : memref<128x128xf32, #tpu.memory_space<vmem>> -> memref<125x128xf32, #tpu.memory_space<vmem>>
      %dma_start3A_32 = arith.constant 0 : i32
      %dma_start3A_33 = tpu.memref_slice %arg7[%dma_start3A_28, %dma_start3A_32] : memref<40x125xi32, #tpu.memory_space<vmem>> -> memref<1x125xi32, #tpu.memory_space<vmem>>
      %dma_start3A_34 = tpu.memref_squeeze %dma_start3A_33 : memref<1x125xi32, #tpu.memory_space<vmem>> -> memref<125xi32, #tpu.memory_space<vmem>>
      %dma_start3A_35 = arith.constant 0 : i32
      %dma_start3A_36 = arith.constant 0 : i32
      %dma_start3A_37 = tpu.memref_slice %arg3[%dma_start3A_35, %dma_start3A_36] : memref<10000x128xf32, #tpu.memory_space<hbm>> -> memref<10000x128xf32, #tpu.memory_space<hbm>>
      tpu.enqueue_indirect_dma source(%dma_start3A_37 : memref<10000x128xf32, #tpu.memory_space<hbm>>) target(%dma_start3A_31 : memref<125x128xf32, #tpu.memory_space<vmem>>) offsets(%dma_start3A_34 : memref<125xi32, #tpu.memory_space<vmem>>) semaphore(%arg13 : memref<!tpu.dma_semaphore, #tpu.memory_space<semaphore_mem>>)
      %scan3A = arith.constant 0 : i32
      %scan3A_38 = arith.constant 0 : i32
      %scan3A_39 = arith.constant 1 : i32
      %scan3A_40 = arith.constant 0 : i32
      %scan3A_41 = arith.constant 20 : i32
      %scan3A_42 = arith.addi %scan3A_40, %scan3A_41 : i32
      %scan3A_43 = arith.constant 1 : i32
      scf.for %scan3A_88 = %scan3A_40 to %scan3A_42 step %scan3A_43  : i32 {
        %mul3A_89 = arith.constant 2 : i32
        %mul3A_90 = arith.muli %scan3A_88, %mul3A_89 : i32
        %dma_wait3A = arith.constant 0 : i32
        %dma_wait3A_91 = arith.constant 0 : i32
        %dma_wait3A_92 = tpu.memref_slice %arg9[%dma_wait3A, %dma_wait3A_91] : memref<128x128xf32, #tpu.memory_space<vmem>> -> memref<125x128xf32, #tpu.memory_space<vmem>>
        %dma_wait3A_93 = arith.constant 0 : i32
        %dma_wait3A_94 = tpu.memref_slice %arg7[%scan3A_38, %dma_wait3A_93] : memref<40x125xi32, #tpu.memory_space<vmem>> -> memref<1x125xi32, #tpu.memory_space<vmem>>
        %dma_wait3A_95 = tpu.memref_squeeze %dma_wait3A_94 : memref<1x125xi32, #tpu.memory_space<vmem>> -> memref<125xi32, #tpu.memory_space<vmem>>
        %dma_wait3A_96 = arith.constant 0 : i32
        %dma_wait3A_97 = arith.constant 0 : i32
        %dma_wait3A_98 = tpu.memref_slice %arg3[%dma_wait3A_96, %dma_wait3A_97] : memref<10000x128xf32, #tpu.memory_space<hbm>> -> memref<10000x128xf32, #tpu.memory_space<hbm>>
        tpu.wait_indirect_dma semaphore(%arg12 : memref<!tpu.dma_semaphore, #tpu.memory_space<semaphore_mem>>) src(%dma_wait3A_98 : memref<10000x128xf32, #tpu.memory_space<hbm>>) dst(%dma_wait3A_92 : memref<125x128xf32, #tpu.memory_space<vmem>>)
        "tpu.region"() ({
          %run_scoped3A_120 = tpu.sem_alloc : memref<!tpu.dma_semaphore, #tpu.memory_space<semaphore_mem>>
          %dma_start3A_121 = arith.constant 0 : i32
          %dma_start3A_122 = arith.constant 0 : i32
          %dma_start3A_123 = tpu.memref_slice %arg9[%dma_start3A_121, %dma_start3A_122] : memref<128x128xf32, #tpu.memory_space<vmem>> -> memref<125x128xf32, #tpu.memory_space<vmem>>
          %dma_start3A_124 = arith.constant 0 : i32
          %dma_start3A_125 = tpu.memref_slice %arg8[%mul3A_90, %dma_start3A_124] : memref<40x125xi32, #tpu.memory_space<vmem>> -> memref<1x125xi32, #tpu.memory_space<vmem>>
          %dma_start3A_126 = tpu.memref_squeeze %dma_start3A_125 : memref<1x125xi32, #tpu.memory_space<vmem>> -> memref<125xi32, #tpu.memory_space<vmem>>
          %dma_start3A_127 = arith.constant 0 : i32
          %dma_start3A_128 = arith.constant 0 : i32
          %dma_start3A_129 = tpu.memref_slice %arg11[%dma_start3A_127, %dma_start3A_128] : memref<10000x128xf32, #tpu.memory_space<vmem_shared>> -> memref<10000x128xf32, #tpu.memory_space<vmem_shared>>
          tpu.enqueue_indirect_dma source(%dma_start3A_123 : memref<125x128xf32, #tpu.memory_space<vmem>>) target(%dma_start3A_129 : memref<10000x128xf32, #tpu.memory_space<vmem_shared>>) offsets(%dma_start3A_126 : memref<125xi32, #tpu.memory_space<vmem>>) semaphore(%run_scoped3A_120 : memref<!tpu.dma_semaphore, #tpu.memory_space<semaphore_mem>>) {add = true}
          %dma_wait3A_130 = arith.constant 0 : i32
          %dma_wait3A_131 = arith.constant 0 : i32
          %dma_wait3A_132 = tpu.memref_slice %arg9[%dma_wait3A_130, %dma_wait3A_131] : memref<128x128xf32, #tpu.memory_space<vmem>> -> memref<125x128xf32, #tpu.memory_space<vmem>>
          %dma_wait3A_133 = arith.constant 0 : i32
          %dma_wait3A_134 = tpu.memref_slice %arg8[%mul3A_90, %dma_wait3A_133] : memref<40x125xi32, #tpu.memory_space<vmem>> -> memref<1x125xi32, #tpu.memory_space<vmem>>
          %dma_wait3A_135 = tpu.memref_squeeze %dma_wait3A_134 : memref<1x125xi32, #tpu.memory_space<vmem>> -> memref<125xi32, #tpu.memory_space<vmem>>
          %dma_wait3A_136 = arith.constant 0 : i32
          %dma_wait3A_137 = arith.constant 0 : i32
          %dma_wait3A_138 = tpu.memref_slice %arg11[%dma_wait3A_136, %dma_wait3A_137] : memref<10000x128xf32, #tpu.memory_space<vmem_shared>> -> memref<10000x128xf32, #tpu.memory_space<vmem_shared>>
          tpu.wait_indirect_dma semaphore(%run_scoped3A_120 : memref<!tpu.dma_semaphore, #tpu.memory_space<semaphore_mem>>) src(%dma_wait3A_132 : memref<125x128xf32, #tpu.memory_space<vmem>>) dst(%dma_wait3A_138 : memref<10000x128xf32, #tpu.memory_space<vmem_shared>>)
          tpu.yield
        }) : () -> ()
        %lt3A_99 = arith.constant 19 : i32
        %lt3A_100 = arith.cmpi slt, %scan3A_88, %lt3A_99 : i32
        %convert_element_type3A_101 = arith.extui %lt3A_100 : i1 to i32
        %cond3A_102 = arith.constant 0 : i32
        %cond3A_103 = arith.cmpi ne, %convert_element_type3A_101, %cond3A_102 : i32
        scf.if %cond3A_103 {
          %add3A_120 = arith.constant 2 : i32
          %add3A_121 = arith.addi %mul3A_90, %add3A_120 : i32
          %dma_start3A_122 = arith.constant 0 : i32
          %dma_start3A_123 = arith.constant 0 : i32
          %dma_start3A_124 = tpu.memref_slice %arg9[%dma_start3A_122, %dma_start3A_123] : memref<128x128xf32, #tpu.memory_space<vmem>> -> memref<125x128xf32, #tpu.memory_space<vmem>>
          %dma_start3A_125 = arith.constant 0 : i32
          %dma_start3A_126 = tpu.memref_slice %arg7[%add3A_121, %dma_start3A_125] : memref<40x125xi32, #tpu.memory_space<vmem>> -> memref<1x125xi32, #tpu.memory_space<vmem>>
          %dma_start3A_127 = tpu.memref_squeeze %dma_start3A_126 : memref<1x125xi32, #tpu.memory_space<vmem>> -> memref<125xi32, #tpu.memory_space<vmem>>
          %dma_start3A_128 = arith.constant 0 : i32
          %dma_start3A_129 = arith.constant 0 : i32
          %dma_start3A_130 = tpu.memref_slice %arg3[%dma_start3A_128, %dma_start3A_129] : memref<10000x128xf32, #tpu.memory_space<hbm>> -> memref<10000x128xf32, #tpu.memory_space<hbm>>
          tpu.enqueue_indirect_dma source(%dma_start3A_130 : memref<10000x128xf32, #tpu.memory_space<hbm>>) target(%dma_start3A_124 : memref<125x128xf32, #tpu.memory_space<vmem>>) offsets(%dma_start3A_127 : memref<125xi32, #tpu.memory_space<vmem>>) semaphore(%arg12 : memref<!tpu.dma_semaphore, #tpu.memory_space<semaphore_mem>>)
        } else {
        }
        %dma_wait3A_104 = arith.constant 0 : i32
        %dma_wait3A_105 = arith.constant 0 : i32
        %dma_wait3A_106 = tpu.memref_slice %arg10[%dma_wait3A_104, %dma_wait3A_105] : memref<128x128xf32, #tpu.memory_space<vmem>> -> memref<125x128xf32, #tpu.memory_space<vmem>>
        %dma_wait3A_107 = arith.constant 0 : i32
        %dma_wait3A_108 = tpu.memref_slice %arg7[%scan3A_39, %dma_wait3A_107] : memref<40x125xi32, #tpu.memory_space<vmem>> -> memref<1x125xi32, #tpu.memory_space<vmem>>
        %dma_wait3A_109 = tpu.memref_squeeze %dma_wait3A_108 : memref<1x125xi32, #tpu.memory_space<vmem>> -> memref<125xi32, #tpu.memory_space<vmem>>
        %dma_wait3A_110 = arith.constant 0 : i32
        %dma_wait3A_111 = arith.constant 0 : i32
        %dma_wait3A_112 = tpu.memref_slice %arg3[%dma_wait3A_110, %dma_wait3A_111] : memref<10000x128xf32, #tpu.memory_space<hbm>> -> memref<10000x128xf32, #tpu.memory_space<hbm>>
        tpu.wait_indirect_dma semaphore(%arg13 : memref<!tpu.dma_semaphore, #tpu.memory_space<semaphore_mem>>) src(%dma_wait3A_112 : memref<10000x128xf32, #tpu.memory_space<hbm>>) dst(%dma_wait3A_106 : memref<125x128xf32, #tpu.memory_space<vmem>>)
        %add3A_113 = arith.constant 1 : i32
        %add3A_114 = arith.addi %mul3A_90, %add3A_113 : i32
        "tpu.region"() ({
          %run_scoped3A_120 = tpu.sem_alloc : memref<!tpu.dma_semaphore, #tpu.memory_space<semaphore_mem>>
          %dma_start3A_121 = arith.constant 0 : i32
          %dma_start3A_122 = arith.constant 0 : i32
          %dma_start3A_123 = tpu.memref_slice %arg10[%dma_start3A_121, %dma_start3A_122] : memref<128x128xf32, #tpu.memory_space<vmem>> -> memref<125x128xf32, #tpu.memory_space<vmem>>
          %dma_start3A_124 = arith.constant 0 : i32
          %dma_start3A_125 = tpu.memref_slice %arg8[%add3A_114, %dma_start3A_124] : memref<40x125xi32, #tpu.memory_space<vmem>> -> memref<1x125xi32, #tpu.memory_space<vmem>>
          %dma_start3A_126 = tpu.memref_squeeze %dma_start3A_125 : memref<1x125xi32, #tpu.memory_space<vmem>> -> memref<125xi32, #tpu.memory_space<vmem>>
          %dma_start3A_127 = arith.constant 0 : i32
          %dma_start3A_128 = arith.constant 0 : i32
          %dma_start3A_129 = tpu.memref_slice %arg11[%dma_start3A_127, %dma_start3A_128] : memref<10000x128xf32, #tpu.memory_space<vmem_shared>> -> memref<10000x128xf32, #tpu.memory_space<vmem_shared>>
          tpu.enqueue_indirect_dma source(%dma_start3A_123 : memref<125x128xf32, #tpu.memory_space<vmem>>) target(%dma_start3A_129 : memref<10000x128xf32, #tpu.memory_space<vmem_shared>>) offsets(%dma_start3A_126 : memref<125xi32, #tpu.memory_space<vmem>>) semaphore(%run_scoped3A_120 : memref<!tpu.dma_semaphore, #tpu.memory_space<semaphore_mem>>) {add = true}
          %dma_wait3A_130 = arith.constant 0 : i32
          %dma_wait3A_131 = arith.constant 0 : i32
          %dma_wait3A_132 = tpu.memref_slice %arg10[%dma_wait3A_130, %dma_wait3A_131] : memref<128x128xf32, #tpu.memory_space<vmem>> -> memref<125x128xf32, #tpu.memory_space<vmem>>
          %dma_wait3A_133 = arith.constant 0 : i32
          %dma_wait3A_134 = tpu.memref_slice %arg8[%add3A_114, %dma_wait3A_133] : memref<40x125xi32, #tpu.memory_space<vmem>> -> memref<1x125xi32, #tpu.memory_space<vmem>>
          %dma_wait3A_135 = tpu.memref_squeeze %dma_wait3A_134 : memref<1x125xi32, #tpu.memory_space<vmem>> -> memref<125xi32, #tpu.memory_space<vmem>>
          %dma_wait3A_136 = arith.constant 0 : i32
          %dma_wait3A_137 = arith.constant 0 : i32
          %dma_wait3A_138 = tpu.memref_slice %arg11[%dma_wait3A_136, %dma_wait3A_137] : memref<10000x128xf32, #tpu.memory_space<vmem_shared>> -> memref<10000x128xf32, #tpu.memory_space<vmem_shared>>
          tpu.wait_indirect_dma semaphore(%run_scoped3A_120 : memref<!tpu.dma_semaphore, #tpu.memory_space<semaphore_mem>>) src(%dma_wait3A_132 : memref<125x128xf32, #tpu.memory_space<vmem>>) dst(%dma_wait3A_138 : memref<10000x128xf32, #tpu.memory_space<vmem_shared>>)
          tpu.yield
        }) : () -> ()
        %lt3A_115 = arith.constant 19 : i32
        %lt3A_116 = arith.cmpi slt, %scan3A_88, %lt3A_115 : i32
        %convert_element_type3A_117 = arith.extui %lt3A_116 : i1 to i32
        %cond3A_118 = arith.constant 0 : i32
        %cond3A_119 = arith.cmpi ne, %convert_element_type3A_117, %cond3A_118 : i32
        scf.if %cond3A_119 {
          %add3A_120 = arith.constant 3 : i32
          %add3A_121 = arith.addi %mul3A_90, %add3A_120 : i32
          %dma_start3A_122 = arith.constant 0 : i32
          %dma_start3A_123 = arith.constant 0 : i32
          %dma_start3A_124 = tpu.memref_slice %arg10[%dma_start3A_122, %dma_start3A_123] : memref<128x128xf32, #tpu.memory_space<vmem>> -> memref<125x128xf32, #tpu.memory_space<vmem>>
          %dma_start3A_125 = arith.constant 0 : i32
          %dma_start3A_126 = tpu.memref_slice %arg7[%add3A_121, %dma_start3A_125] : memref<40x125xi32, #tpu.memory_space<vmem>> -> memref<1x125xi32, #tpu.memory_space<vmem>>
          %dma_start3A_127 = tpu.memref_squeeze %dma_start3A_126 : memref<1x125xi32, #tpu.memory_space<vmem>> -> memref<125xi32, #tpu.memory_space<vmem>>
          %dma_start3A_128 = arith.constant 0 : i32
          %dma_start3A_129 = arith.constant 0 : i32
          %dma_start3A_130 = tpu.memref_slice %arg3[%dma_start3A_128, %dma_start3A_129] : memref<10000x128xf32, #tpu.memory_space<hbm>> -> memref<10000x128xf32, #tpu.memory_space<hbm>>
          tpu.enqueue_indirect_dma source(%dma_start3A_130 : memref<10000x128xf32, #tpu.memory_space<hbm>>) target(%dma_start3A_124 : memref<125x128xf32, #tpu.memory_space<vmem>>) offsets(%dma_start3A_127 : memref<125xi32, #tpu.memory_space<vmem>>) semaphore(%arg13 : memref<!tpu.dma_semaphore, #tpu.memory_space<semaphore_mem>>)
        } else {
        }
      }
      %scan3A_44 = arith.constant 20 : i32
      %add3A_45 = arith.constant 40 : i32
      %add3A_46 = arith.addi %mul3A_16, %add3A_45 : i32
      %run_scoped3A_47 = arith.constant 0 : i32
      "tpu.region"() ({
        %run_scoped3A_88 = tpu.sem_alloc : memref<!tpu.dma_semaphore, #tpu.memory_space<semaphore_mem>>
        %dma_start3A_89 = arith.constant 0 : i32
        %dma_start3A_90 = tpu.memref_slice %arg4[%run_scoped3A_47, %add3A_46, %dma_start3A_89] : memref<2x1280x125xi32, #tpu.memory_space<hbm>> -> memref<1x40x125xi32, #tpu.memory_space<hbm>>
        %dma_start3A_91 = tpu.memref_squeeze %dma_start3A_90 : memref<1x40x125xi32, #tpu.memory_space<hbm>> -> memref<40x125xi32, #tpu.memory_space<hbm>>
        %dma_start3A_92 = arith.constant 0 : i32
        %dma_start3A_93 = tpu.memref_slice %arg4[%run_scoped3A_47, %add3A_46, %dma_start3A_92] : memref<2x1280x125xi32, #tpu.memory_space<hbm>> -> memref<1x40x125xi32, #tpu.memory_space<hbm>>
        %dma_start3A_94 = tpu.memref_squeeze %dma_start3A_93 : memref<1x40x125xi32, #tpu.memory_space<hbm>> -> memref<40x125xi32, #tpu.memory_space<hbm>>
        tpu.enqueue_dma source(%dma_start3A_94 : memref<40x125xi32, #tpu.memory_space<hbm>>) target(%arg7 : memref<40x125xi32, #tpu.memory_space<vmem>>) target_semaphore(%run_scoped3A_88 : memref<!tpu.dma_semaphore, #tpu.memory_space<semaphore_mem>>)
        %dma_wait3A = arith.constant 0 : i32
        %dma_wait3A_95 = tpu.memref_slice %arg4[%run_scoped3A_47, %add3A_46, %dma_wait3A] : memref<2x1280x125xi32, #tpu.memory_space<hbm>> -> memref<1x40x125xi32, #tpu.memory_space<hbm>>
        %dma_wait3A_96 = tpu.memref_squeeze %dma_wait3A_95 : memref<1x40x125xi32, #tpu.memory_space<hbm>> -> memref<40x125xi32, #tpu.memory_space<hbm>>
        %dma_wait3A_97 = arith.constant 0 : i32
        %dma_wait3A_98 = tpu.memref_slice %arg4[%run_scoped3A_47, %add3A_46, %dma_wait3A_97] : memref<2x1280x125xi32, #tpu.memory_space<hbm>> -> memref<1x40x125xi32, #tpu.memory_space<hbm>>
        %dma_wait3A_99 = tpu.memref_squeeze %dma_wait3A_98 : memref<1x40x125xi32, #tpu.memory_space<hbm>> -> memref<40x125xi32, #tpu.memory_space<hbm>>
        tpu.wait_dma2 semaphore(%run_scoped3A_88 : memref<!tpu.dma_semaphore, #tpu.memory_space<semaphore_mem>>) src(%dma_wait3A_99 : memref<40x125xi32, #tpu.memory_space<hbm>>) dst(%arg7 : memref<40x125xi32, #tpu.memory_space<vmem>>)
        tpu.yield
      }) : () -> ()
      %run_scoped3A_48 = arith.constant 1 : i32
      "tpu.region"() ({
        %run_scoped3A_88 = tpu.sem_alloc : memref<!tpu.dma_semaphore, #tpu.memory_space<semaphore_mem>>
        %dma_start3A_89 = arith.constant 0 : i32
        %dma_start3A_90 = tpu.memref_slice %arg4[%run_scoped3A_48, %add3A_46, %dma_start3A_89] : memref<2x1280x125xi32, #tpu.memory_space<hbm>> -> memref<1x40x125xi32, #tpu.memory_space<hbm>>
        %dma_start3A_91 = tpu.memref_squeeze %dma_start3A_90 : memref<1x40x125xi32, #tpu.memory_space<hbm>> -> memref<40x125xi32, #tpu.memory_space<hbm>>
        %dma_start3A_92 = arith.constant 0 : i32
        %dma_start3A_93 = tpu.memref_slice %arg4[%run_scoped3A_48, %add3A_46, %dma_start3A_92] : memref<2x1280x125xi32, #tpu.memory_space<hbm>> -> memref<1x40x125xi32, #tpu.memory_space<hbm>>
        %dma_start3A_94 = tpu.memref_squeeze %dma_start3A_93 : memref<1x40x125xi32, #tpu.memory_space<hbm>> -> memref<40x125xi32, #tpu.memory_space<hbm>>
        tpu.enqueue_dma source(%dma_start3A_94 : memref<40x125xi32, #tpu.memory_space<hbm>>) target(%arg8 : memref<40x125xi32, #tpu.memory_space<vmem>>) target_semaphore(%run_scoped3A_88 : memref<!tpu.dma_semaphore, #tpu.memory_space<semaphore_mem>>)
        %dma_wait3A = arith.constant 0 : i32
        %dma_wait3A_95 = tpu.memref_slice %arg4[%run_scoped3A_48, %add3A_46, %dma_wait3A] : memref<2x1280x125xi32, #tpu.memory_space<hbm>> -> memref<1x40x125xi32, #tpu.memory_space<hbm>>
        %dma_wait3A_96 = tpu.memref_squeeze %dma_wait3A_95 : memref<1x40x125xi32, #tpu.memory_space<hbm>> -> memref<40x125xi32, #tpu.memory_space<hbm>>
        %dma_wait3A_97 = arith.constant 0 : i32
        %dma_wait3A_98 = tpu.memref_slice %arg4[%run_scoped3A_48, %add3A_46, %dma_wait3A_97] : memref<2x1280x125xi32, #tpu.memory_space<hbm>> -> memref<1x40x125xi32, #tpu.memory_space<hbm>>
        %dma_wait3A_99 = tpu.memref_squeeze %dma_wait3A_98 : memref<1x40x125xi32, #tpu.memory_space<hbm>> -> memref<40x125xi32, #tpu.memory_space<hbm>>
        tpu.wait_dma2 semaphore(%run_scoped3A_88 : memref<!tpu.dma_semaphore, #tpu.memory_space<semaphore_mem>>) src(%dma_wait3A_99 : memref<40x125xi32, #tpu.memory_space<hbm>>) dst(%arg8 : memref<40x125xi32, #tpu.memory_space<vmem>>)
        tpu.yield
      }) : () -> ()
      %dma_start3A_49 = arith.constant 0 : i32
      %dma_start3A_50 = arith.constant 0 : i32
      %dma_start3A_51 = arith.constant 0 : i32
      %dma_start3A_52 = tpu.memref_slice %arg9[%dma_start3A_50, %dma_start3A_51] : memref<128x128xf32, #tpu.memory_space<vmem>> -> memref<125x128xf32, #tpu.memory_space<vmem>>
      %dma_start3A_53 = arith.constant 0 : i32
      %dma_start3A_54 = tpu.memref_slice %arg7[%dma_start3A_49, %dma_start3A_53] : memref<40x125xi32, #tpu.memory_space<vmem>> -> memref<1x125xi32, #tpu.memory_space<vmem>>
      %dma_start3A_55 = tpu.memref_squeeze %dma_start3A_54 : memref<1x125xi32, #tpu.memory_space<vmem>> -> memref<125xi32, #tpu.memory_space<vmem>>
      %dma_start3A_56 = arith.constant 0 : i32
      %dma_start3A_57 = arith.constant 0 : i32
      %dma_start3A_58 = tpu.memref_slice %arg3[%dma_start3A_56, %dma_start3A_57] : memref<10000x128xf32, #tpu.memory_space<hbm>> -> memref<10000x128xf32, #tpu.memory_space<hbm>>
      tpu.enqueue_indirect_dma source(%dma_start3A_58 : memref<10000x128xf32, #tpu.memory_space<hbm>>) target(%dma_start3A_52 : memref<125x128xf32, #tpu.memory_space<vmem>>) offsets(%dma_start3A_55 : memref<125xi32, #tpu.memory_space<vmem>>) semaphore(%arg12 : memref<!tpu.dma_semaphore, #tpu.memory_space<semaphore_mem>>)
      %dma_start3A_59 = arith.constant 1 : i32
      %dma_start3A_60 = arith.constant 0 : i32
      %dma_start3A_61 = arith.constant 0 : i32
      %dma_start3A_62 = tpu.memref_slice %arg10[%dma_start3A_60, %dma_start3A_61] : memref<128x128xf32, #tpu.memory_space<vmem>> -> memref<125x128xf32, #tpu.memory_space<vmem>>
      %dma_start3A_63 = arith.constant 0 : i32
      %dma_start3A_64 = tpu.memref_slice %arg7[%dma_start3A_59, %dma_start3A_63] : memref<40x125xi32, #tpu.memory_space<vmem>> -> memref<1x125xi32, #tpu.memory_space<vmem>>
      %dma_start3A_65 = tpu.memref_squeeze %dma_start3A_64 : memref<1x125xi32, #tpu.memory_space<vmem>> -> memref<125xi32, #tpu.memory_space<vmem>>
      %dma_start3A_66 = arith.constant 0 : i32
      %dma_start3A_67 = arith.constant 0 : i32
      %dma_start3A_68 = tpu.memref_slice %arg3[%dma_start3A_66, %dma_start3A_67] : memref<10000x128xf32, #tpu.memory_space<hbm>> -> memref<10000x128xf32, #tpu.memory_space<hbm>>
      tpu.enqueue_indirect_dma source(%dma_start3A_68 : memref<10000x128xf32, #tpu.memory_space<hbm>>) target(%dma_start3A_62 : memref<125x128xf32, #tpu.memory_space<vmem>>) offsets(%dma_start3A_65 : memref<125xi32, #tpu.memory_space<vmem>>) semaphore(%arg13 : memref<!tpu.dma_semaphore, #tpu.memory_space<semaphore_mem>>)
      %scan3A_69 = arith.constant 0 : i32
      %scan3A_70 = arith.constant 0 : i32
      %scan3A_71 = arith.constant 1 : i32
      %scan3A_72 = arith.constant 0 : i32
      %scan3A_73 = arith.constant 20 : i32
      %scan3A_74 = arith.addi %scan3A_72, %scan3A_73 : i32
      %scan3A_75 = arith.constant 1 : i32
      scf.for %scan3A_88 = %scan3A_72 to %scan3A_74 step %scan3A_75  : i32 {
        %mul3A_89 = arith.constant 2 : i32
        %mul3A_90 = arith.muli %scan3A_88, %mul3A_89 : i32
        %dma_wait3A = arith.constant 0 : i32
        %dma_wait3A_91 = arith.constant 0 : i32
        %dma_wait3A_92 = tpu.memref_slice %arg9[%dma_wait3A, %dma_wait3A_91] : memref<128x128xf32, #tpu.memory_space<vmem>> -> memref<125x128xf32, #tpu.memory_space<vmem>>
        %dma_wait3A_93 = arith.constant 0 : i32
        %dma_wait3A_94 = tpu.memref_slice %arg7[%scan3A_70, %dma_wait3A_93] : memref<40x125xi32, #tpu.memory_space<vmem>> -> memref<1x125xi32, #tpu.memory_space<vmem>>
        %dma_wait3A_95 = tpu.memref_squeeze %dma_wait3A_94 : memref<1x125xi32, #tpu.memory_space<vmem>> -> memref<125xi32, #tpu.memory_space<vmem>>
        %dma_wait3A_96 = arith.constant 0 : i32
        %dma_wait3A_97 = arith.constant 0 : i32
        %dma_wait3A_98 = tpu.memref_slice %arg3[%dma_wait3A_96, %dma_wait3A_97] : memref<10000x128xf32, #tpu.memory_space<hbm>> -> memref<10000x128xf32, #tpu.memory_space<hbm>>
        tpu.wait_indirect_dma semaphore(%arg12 : memref<!tpu.dma_semaphore, #tpu.memory_space<semaphore_mem>>) src(%dma_wait3A_98 : memref<10000x128xf32, #tpu.memory_space<hbm>>) dst(%dma_wait3A_92 : memref<125x128xf32, #tpu.memory_space<vmem>>)
        "tpu.region"() ({
          %run_scoped3A_120 = tpu.sem_alloc : memref<!tpu.dma_semaphore, #tpu.memory_space<semaphore_mem>>
          %dma_start3A_121 = arith.constant 0 : i32
          %dma_start3A_122 = arith.constant 0 : i32
          %dma_start3A_123 = tpu.memref_slice %arg9[%dma_start3A_121, %dma_start3A_122] : memref<128x128xf32, #tpu.memory_space<vmem>> -> memref<125x128xf32, #tpu.memory_space<vmem>>
          %dma_start3A_124 = arith.constant 0 : i32
          %dma_start3A_125 = tpu.memref_slice %arg8[%mul3A_90, %dma_start3A_124] : memref<40x125xi32, #tpu.memory_space<vmem>> -> memref<1x125xi32, #tpu.memory_space<vmem>>
          %dma_start3A_126 = tpu.memref_squeeze %dma_start3A_125 : memref<1x125xi32, #tpu.memory_space<vmem>> -> memref<125xi32, #tpu.memory_space<vmem>>
          %dma_start3A_127 = arith.constant 0 : i32
          %dma_start3A_128 = arith.constant 0 : i32
          %dma_start3A_129 = tpu.memref_slice %arg11[%dma_start3A_127, %dma_start3A_128] : memref<10000x128xf32, #tpu.memory_space<vmem_shared>> -> memref<10000x128xf32, #tpu.memory_space<vmem_shared>>
          tpu.enqueue_indirect_dma source(%dma_start3A_123 : memref<125x128xf32, #tpu.memory_space<vmem>>) target(%dma_start3A_129 : memref<10000x128xf32, #tpu.memory_space<vmem_shared>>) offsets(%dma_start3A_126 : memref<125xi32, #tpu.memory_space<vmem>>) semaphore(%run_scoped3A_120 : memref<!tpu.dma_semaphore, #tpu.memory_space<semaphore_mem>>) {add = true}
          %dma_wait3A_130 = arith.constant 0 : i32
          %dma_wait3A_131 = arith.constant 0 : i32
          %dma_wait3A_132 = tpu.memref_slice %arg9[%dma_wait3A_130, %dma_wait3A_131] : memref<128x128xf32, #tpu.memory_space<vmem>> -> memref<125x128xf32, #tpu.memory_space<vmem>>
          %dma_wait3A_133 = arith.constant 0 : i32
          %dma_wait3A_134 = tpu.memref_slice %arg8[%mul3A_90, %dma_wait3A_133] : memref<40x125xi32, #tpu.memory_space<vmem>> -> memref<1x125xi32, #tpu.memory_space<vmem>>
          %dma_wait3A_135 = tpu.memref_squeeze %dma_wait3A_134 : memref<1x125xi32, #tpu.memory_space<vmem>> -> memref<125xi32, #tpu.memory_space<vmem>>
          %dma_wait3A_136 = arith.constant 0 : i32
          %dma_wait3A_137 = arith.constant 0 : i32
          %dma_wait3A_138 = tpu.memref_slice %arg11[%dma_wait3A_136, %dma_wait3A_137] : memref<10000x128xf32, #tpu.memory_space<vmem_shared>> -> memref<10000x128xf32, #tpu.memory_space<vmem_shared>>
          tpu.wait_indirect_dma semaphore(%run_scoped3A_120 : memref<!tpu.dma_semaphore, #tpu.memory_space<semaphore_mem>>) src(%dma_wait3A_132 : memref<125x128xf32, #tpu.memory_space<vmem>>) dst(%dma_wait3A_138 : memref<10000x128xf32, #tpu.memory_space<vmem_shared>>)
          tpu.yield
        }) : () -> ()
        %lt3A_99 = arith.constant 19 : i32
        %lt3A_100 = arith.cmpi slt, %scan3A_88, %lt3A_99 : i32
        %convert_element_type3A_101 = arith.extui %lt3A_100 : i1 to i32
        %cond3A_102 = arith.constant 0 : i32
        %cond3A_103 = arith.cmpi ne, %convert_element_type3A_101, %cond3A_102 : i32
        scf.if %cond3A_103 {
          %add3A_120 = arith.constant 2 : i32
          %add3A_121 = arith.addi %mul3A_90, %add3A_120 : i32
          %dma_start3A_122 = arith.constant 0 : i32
          %dma_start3A_123 = arith.constant 0 : i32
          %dma_start3A_124 = tpu.memref_slice %arg9[%dma_start3A_122, %dma_start3A_123] : memref<128x128xf32, #tpu.memory_space<vmem>> -> memref<125x128xf32, #tpu.memory_space<vmem>>
          %dma_start3A_125 = arith.constant 0 : i32
          %dma_start3A_126 = tpu.memref_slice %arg7[%add3A_121, %dma_start3A_125] : memref<40x125xi32, #tpu.memory_space<vmem>> -> memref<1x125xi32, #tpu.memory_space<vmem>>
          %dma_start3A_127 = tpu.memref_squeeze %dma_start3A_126 : memref<1x125xi32, #tpu.memory_space<vmem>> -> memref<125xi32, #tpu.memory_space<vmem>>
          %dma_start3A_128 = arith.constant 0 : i32
          %dma_start3A_129 = arith.constant 0 : i32
          %dma_start3A_130 = tpu.memref_slice %arg3[%dma_start3A_128, %dma_start3A_129] : memref<10000x128xf32, #tpu.memory_space<hbm>> -> memref<10000x128xf32, #tpu.memory_space<hbm>>
          tpu.enqueue_indirect_dma source(%dma_start3A_130 : memref<10000x128xf32, #tpu.memory_space<hbm>>) target(%dma_start3A_124 : memref<125x128xf32, #tpu.memory_space<vmem>>) offsets(%dma_start3A_127 : memref<125xi32, #tpu.memory_space<vmem>>) semaphore(%arg12 : memref<!tpu.dma_semaphore, #tpu.memory_space<semaphore_mem>>)
        } else {
        }
        %dma_wait3A_104 = arith.constant 0 : i32
        %dma_wait3A_105 = arith.constant 0 : i32
        %dma_wait3A_106 = tpu.memref_slice %arg10[%dma_wait3A_104, %dma_wait3A_105] : memref<128x128xf32, #tpu.memory_space<vmem>> -> memref<125x128xf32, #tpu.memory_space<vmem>>
        %dma_wait3A_107 = arith.constant 0 : i32
        %dma_wait3A_108 = tpu.memref_slice %arg7[%scan3A_71, %dma_wait3A_107] : memref<40x125xi32, #tpu.memory_space<vmem>> -> memref<1x125xi32, #tpu.memory_space<vmem>>
        %dma_wait3A_109 = tpu.memref_squeeze %dma_wait3A_108 : memref<1x125xi32, #tpu.memory_space<vmem>> -> memref<125xi32, #tpu.memory_space<vmem>>
        %dma_wait3A_110 = arith.constant 0 : i32
        %dma_wait3A_111 = arith.constant 0 : i32
        %dma_wait3A_112 = tpu.memref_slice %arg3[%dma_wait3A_110, %dma_wait3A_111] : memref<10000x128xf32, #tpu.memory_space<hbm>> -> memref<10000x128xf32, #tpu.memory_space<hbm>>
        tpu.wait_indirect_dma semaphore(%arg13 : memref<!tpu.dma_semaphore, #tpu.memory_space<semaphore_mem>>) src(%dma_wait3A_112 : memref<10000x128xf32, #tpu.memory_space<hbm>>) dst(%dma_wait3A_106 : memref<125x128xf32, #tpu.memory_space<vmem>>)
        %add3A_113 = arith.constant 1 : i32
        %add3A_114 = arith.addi %mul3A_90, %add3A_113 : i32
        "tpu.region"() ({
          %run_scoped3A_120 = tpu.sem_alloc : memref<!tpu.dma_semaphore, #tpu.memory_space<semaphore_mem>>
          %dma_start3A_121 = arith.constant 0 : i32
          %dma_start3A_122 = arith.constant 0 : i32
          %dma_start3A_123 = tpu.memref_slice %arg10[%dma_start3A_121, %dma_start3A_122] : memref<128x128xf32, #tpu.memory_space<vmem>> -> memref<125x128xf32, #tpu.memory_space<vmem>>
          %dma_start3A_124 = arith.constant 0 : i32
          %dma_start3A_125 = tpu.memref_slice %arg8[%add3A_114, %dma_start3A_124] : memref<40x125xi32, #tpu.memory_space<vmem>> -> memref<1x125xi32, #tpu.memory_space<vmem>>
          %dma_start3A_126 = tpu.memref_squeeze %dma_start3A_125 : memref<1x125xi32, #tpu.memory_space<vmem>> -> memref<125xi32, #tpu.memory_space<vmem>>
          %dma_start3A_127 = arith.constant 0 : i32
          %dma_start3A_128 = arith.constant 0 : i32
          %dma_start3A_129 = tpu.memref_slice %arg11[%dma_start3A_127, %dma_start3A_128] : memref<10000x128xf32, #tpu.memory_space<vmem_shared>> -> memref<10000x128xf32, #tpu.memory_space<vmem_shared>>
          tpu.enqueue_indirect_dma source(%dma_start3A_123 : memref<125x128xf32, #tpu.memory_space<vmem>>) target(%dma_start3A_129 : memref<10000x128xf32, #tpu.memory_space<vmem_shared>>) offsets(%dma_start3A_126 : memref<125xi32, #tpu.memory_space<vmem>>) semaphore(%run_scoped3A_120 : memref<!tpu.dma_semaphore, #tpu.memory_space<semaphore_mem>>) {add = true}
          %dma_wait3A_130 = arith.constant 0 : i32
          %dma_wait3A_131 = arith.constant 0 : i32
          %dma_wait3A_132 = tpu.memref_slice %arg10[%dma_wait3A_130, %dma_wait3A_131] : memref<128x128xf32, #tpu.memory_space<vmem>> -> memref<125x128xf32, #tpu.memory_space<vmem>>
          %dma_wait3A_133 = arith.constant 0 : i32
          %dma_wait3A_134 = tpu.memref_slice %arg8[%add3A_114, %dma_wait3A_133] : memref<40x125xi32, #tpu.memory_space<vmem>> -> memref<1x125xi32, #tpu.memory_space<vmem>>
          %dma_wait3A_135 = tpu.memref_squeeze %dma_wait3A_134 : memref<1x125xi32, #tpu.memory_space<vmem>> -> memref<125xi32, #tpu.memory_space<vmem>>
          %dma_wait3A_136 = arith.constant 0 : i32
          %dma_wait3A_137 = arith.constant 0 : i32
          %dma_wait3A_138 = tpu.memref_slice %arg11[%dma_wait3A_136, %dma_wait3A_137] : memref<10000x128xf32, #tpu.memory_space<vmem_shared>> -> memref<10000x128xf32, #tpu.memory_space<vmem_shared>>
          tpu.wait_indirect_dma semaphore(%run_scoped3A_120 : memref<!tpu.dma_semaphore, #tpu.memory_space<semaphore_mem>>) src(%dma_wait3A_132 : memref<125x128xf32, #tpu.memory_space<vmem>>) dst(%dma_wait3A_138 : memref<10000x128xf32, #tpu.memory_space<vmem_shared>>)
          tpu.yield
        }) : () -> ()
        %lt3A_115 = arith.constant 19 : i32
        %lt3A_116 = arith.cmpi slt, %scan3A_88, %lt3A_115 : i32
        %convert_element_type3A_117 = arith.extui %lt3A_116 : i1 to i32
        %cond3A_118 = arith.constant 0 : i32
        %cond3A_119 = arith.cmpi ne, %convert_element_type3A_117, %cond3A_118 : i32
        scf.if %cond3A_119 {
          %add3A_120 = arith.constant 3 : i32
          %add3A_121 = arith.addi %mul3A_90, %add3A_120 : i32
          %dma_start3A_122 = arith.constant 0 : i32
          %dma_start3A_123 = arith.constant 0 : i32
          %dma_start3A_124 = tpu.memref_slice %arg10[%dma_start3A_122, %dma_start3A_123] : memref<128x128xf32, #tpu.memory_space<vmem>> -> memref<125x128xf32, #tpu.memory_space<vmem>>
          %dma_start3A_125 = arith.constant 0 : i32
          %dma_start3A_126 = tpu.memref_slice %arg7[%add3A_121, %dma_start3A_125] : memref<40x125xi32, #tpu.memory_space<vmem>> -> memref<1x125xi32, #tpu.memory_space<vmem>>
          %dma_start3A_127 = tpu.memref_squeeze %dma_start3A_126 : memref<1x125xi32, #tpu.memory_space<vmem>> -> memref<125xi32, #tpu.memory_space<vmem>>
          %dma_start3A_128 = arith.constant 0 : i32
          %dma_start3A_129 = arith.constant 0 : i32
          %dma_start3A_130 = tpu.memref_slice %arg3[%dma_start3A_128, %dma_start3A_129] : memref<10000x128xf32, #tpu.memory_space<hbm>> -> memref<10000x128xf32, #tpu.memory_space<hbm>>
          tpu.enqueue_indirect_dma source(%dma_start3A_130 : memref<10000x128xf32, #tpu.memory_space<hbm>>) target(%dma_start3A_124 : memref<125x128xf32, #tpu.memory_space<vmem>>) offsets(%dma_start3A_127 : memref<125xi32, #tpu.memory_space<vmem>>) semaphore(%arg13 : memref<!tpu.dma_semaphore, #tpu.memory_space<semaphore_mem>>)
        } else {
        }
      }
      %scan3A_76 = arith.constant 20 : i32
      %barrier3A_77 = arith.constant 0 : index
      tpu.barrier barrier_id(%barrier3A_77)
      %lt3A_78 = arith.constant 15 : i32
      %lt3A_79 = arith.cmpi slt, %arg1, %lt3A_78 : i32
      %convert_element_type3A_80 = arith.extui %lt3A_79 : i1 to i32
      %cond3A_81 = arith.constant 0 : i32
      %cond3A_82 = arith.cmpi ne, %convert_element_type3A_80, %cond3A_81 : i32
      scf.if %cond3A_82 {
        %mul3A_88 = arith.constant 640 : i32
        %mul3A_89 = arith.muli %arg1, %mul3A_88 : i32
        %add3A_90 = arith.constant 0 : i32
        %add3A_91 = arith.addi %mul3A_89, %add3A_90 : i32
        "tpu.region"() ({
          %run_scoped3A_108 = tpu.sem_alloc : memref<!tpu.dma_semaphore, #tpu.memory_space<semaphore_mem>>
          %dma_start3A_109 = arith.constant 0 : i32
          %dma_start3A_110 = tpu.memref_slice %arg11[%add3A_91, %dma_start3A_109] : memref<10000x128xf32, #tpu.memory_space<vmem_shared>> -> memref<128x128xf32, #tpu.memory_space<vmem_shared>>
          %dma_start3A_111 = arith.constant 0 : i32
          %dma_start3A_112 = tpu.memref_slice %arg11[%add3A_91, %dma_start3A_111] : memref<10000x128xf32, #tpu.memory_space<vmem_shared>> -> memref<128x128xf32, #tpu.memory_space<vmem_shared>>
          tpu.enqueue_dma source(%dma_start3A_112 : memref<128x128xf32, #tpu.memory_space<vmem_shared>>) target(%arg9 : memref<128x128xf32, #tpu.memory_space<vmem>>) target_semaphore(%run_scoped3A_108 : memref<!tpu.dma_semaphore, #tpu.memory_space<semaphore_mem>>)
          %dma_wait3A = arith.constant 0 : i32
          %dma_wait3A_113 = tpu.memref_slice %arg11[%add3A_91, %dma_wait3A] : memref<10000x128xf32, #tpu.memory_space<vmem_shared>> -> memref<128x128xf32, #tpu.memory_space<vmem_shared>>
          %dma_wait3A_114 = arith.constant 0 : i32
          %dma_wait3A_115 = tpu.memref_slice %arg11[%add3A_91, %dma_wait3A_114] : memref<10000x128xf32, #tpu.memory_space<vmem_shared>> -> memref<128x128xf32, #tpu.memory_space<vmem_shared>>
          tpu.wait_dma2 semaphore(%run_scoped3A_108 : memref<!tpu.dma_semaphore, #tpu.memory_space<semaphore_mem>>) src(%dma_wait3A_115 : memref<128x128xf32, #tpu.memory_space<vmem_shared>>) dst(%arg9 : memref<128x128xf32, #tpu.memory_space<vmem>>)
          tpu.yield
        }) : () -> ()
        "tpu.region"() ({
          %run_scoped3A_108 = tpu.sem_alloc : memref<!tpu.dma_semaphore, #tpu.memory_space<semaphore_mem>>
          %dma_start3A_109 = arith.constant 0 : i32
          %dma_start3A_110 = tpu.memref_slice %arg6[%add3A_91, %dma_start3A_109] : memref<10000x128xf32, #tpu.memory_space<hbm>> -> memref<128x128xf32, #tpu.memory_space<hbm>>
          %dma_start3A_111 = arith.constant 0 : i32
          %dma_start3A_112 = tpu.memref_slice %arg6[%add3A_91, %dma_start3A_111] : memref<10000x128xf32, #tpu.memory_space<hbm>> -> memref<128x128xf32, #tpu.memory_space<hbm>>
          tpu.enqueue_dma source(%arg9 : memref<128x128xf32, #tpu.memory_space<vmem>>) target(%dma_start3A_112 : memref<128x128xf32, #tpu.memory_space<hbm>>) target_semaphore(%run_scoped3A_108 : memref<!tpu.dma_semaphore, #tpu.memory_space<semaphore_mem>>)
          %dma_wait3A = arith.constant 0 : i32
          %dma_wait3A_113 = tpu.memref_slice %arg6[%add3A_91, %dma_wait3A] : memref<10000x128xf32, #tpu.memory_space<hbm>> -> memref<128x128xf32, #tpu.memory_space<hbm>>
          %dma_wait3A_114 = arith.constant 0 : i32
          %dma_wait3A_115 = tpu.memref_slice %arg6[%add3A_91, %dma_wait3A_114] : memref<10000x128xf32, #tpu.memory_space<hbm>> -> memref<128x128xf32, #tpu.memory_space<hbm>>
          tpu.wait_dma2 semaphore(%run_scoped3A_108 : memref<!tpu.dma_semaphore, #tpu.memory_space<semaphore_mem>>) src(%arg9 : memref<128x128xf32, #tpu.memory_space<vmem>>) dst(%dma_wait3A_115 : memref<128x128xf32, #tpu.memory_space<hbm>>)
          tpu.yield
        }) : () -> ()
        %mul3A_92 = arith.constant 640 : i32
        %mul3A_93 = arith.muli %arg1, %mul3A_92 : i32
        %add3A_94 = arith.constant 128 : i32
        %add3A_95 = arith.addi %mul3A_93, %add3A_94 : i32
        "tpu.region"() ({
          %run_scoped3A_108 = tpu.sem_alloc : memref<!tpu.dma_semaphore, #tpu.memory_space<semaphore_mem>>
          %dma_start3A_109 = arith.constant 0 : i32
          %dma_start3A_110 = tpu.memref_slice %arg11[%add3A_95, %dma_start3A_109] : memref<10000x128xf32, #tpu.memory_space<vmem_shared>> -> memref<128x128xf32, #tpu.memory_space<vmem_shared>>
          %dma_start3A_111 = arith.constant 0 : i32
          %dma_start3A_112 = tpu.memref_slice %arg11[%add3A_95, %dma_start3A_111] : memref<10000x128xf32, #tpu.memory_space<vmem_shared>> -> memref<128x128xf32, #tpu.memory_space<vmem_shared>>
          tpu.enqueue_dma source(%dma_start3A_112 : memref<128x128xf32, #tpu.memory_space<vmem_shared>>) target(%arg9 : memref<128x128xf32, #tpu.memory_space<vmem>>) target_semaphore(%run_scoped3A_108 : memref<!tpu.dma_semaphore, #tpu.memory_space<semaphore_mem>>)
          %dma_wait3A = arith.constant 0 : i32
          %dma_wait3A_113 = tpu.memref_slice %arg11[%add3A_95, %dma_wait3A] : memref<10000x128xf32, #tpu.memory_space<vmem_shared>> -> memref<128x128xf32, #tpu.memory_space<vmem_shared>>
          %dma_wait3A_114 = arith.constant 0 : i32
          %dma_wait3A_115 = tpu.memref_slice %arg11[%add3A_95, %dma_wait3A_114] : memref<10000x128xf32, #tpu.memory_space<vmem_shared>> -> memref<128x128xf32, #tpu.memory_space<vmem_shared>>
          tpu.wait_dma2 semaphore(%run_scoped3A_108 : memref<!tpu.dma_semaphore, #tpu.memory_space<semaphore_mem>>) src(%dma_wait3A_115 : memref<128x128xf32, #tpu.memory_space<vmem_shared>>) dst(%arg9 : memref<128x128xf32, #tpu.memory_space<vmem>>)
          tpu.yield
        }) : () -> ()
        "tpu.region"() ({
          %run_scoped3A_108 = tpu.sem_alloc : memref<!tpu.dma_semaphore, #tpu.memory_space<semaphore_mem>>
          %dma_start3A_109 = arith.constant 0 : i32
          %dma_start3A_110 = tpu.memref_slice %arg6[%add3A_95, %dma_start3A_109] : memref<10000x128xf32, #tpu.memory_space<hbm>> -> memref<128x128xf32, #tpu.memory_space<hbm>>
          %dma_start3A_111 = arith.constant 0 : i32
          %dma_start3A_112 = tpu.memref_slice %arg6[%add3A_95, %dma_start3A_111] : memref<10000x128xf32, #tpu.memory_space<hbm>> -> memref<128x128xf32, #tpu.memory_space<hbm>>
          tpu.enqueue_dma source(%arg9 : memref<128x128xf32, #tpu.memory_space<vmem>>) target(%dma_start3A_112 : memref<128x128xf32, #tpu.memory_space<hbm>>) target_semaphore(%run_scoped3A_108 : memref<!tpu.dma_semaphore, #tpu.memory_space<semaphore_mem>>)
          %dma_wait3A = arith.constant 0 : i32
          %dma_wait3A_113 = tpu.memref_slice %arg6[%add3A_95, %dma_wait3A] : memref<10000x128xf32, #tpu.memory_space<hbm>> -> memref<128x128xf32, #tpu.memory_space<hbm>>
          %dma_wait3A_114 = arith.constant 0 : i32
          %dma_wait3A_115 = tpu.memref_slice %arg6[%add3A_95, %dma_wait3A_114] : memref<10000x128xf32, #tpu.memory_space<hbm>> -> memref<128x128xf32, #tpu.memory_space<hbm>>
          tpu.wait_dma2 semaphore(%run_scoped3A_108 : memref<!tpu.dma_semaphore, #tpu.memory_space<semaphore_mem>>) src(%arg9 : memref<128x128xf32, #tpu.memory_space<vmem>>) dst(%dma_wait3A_115 : memref<128x128xf32, #tpu.memory_space<hbm>>)
          tpu.yield
        }) : () -> ()
        %mul3A_96 = arith.constant 640 : i32
        %mul3A_97 = arith.muli %arg1, %mul3A_96 : i32
        %add3A_98 = arith.constant 256 : i32
        %add3A_99 = arith.addi %mul3A_97, %add3A_98 : i32
        "tpu.region"() ({
          %run_scoped3A_108 = tpu.sem_alloc : memref<!tpu.dma_semaphore, #tpu.memory_space<semaphore_mem>>
          %dma_start3A_109 = arith.constant 0 : i32
          %dma_start3A_110 = tpu.memref_slice %arg11[%add3A_99, %dma_start3A_109] : memref<10000x128xf32, #tpu.memory_space<vmem_shared>> -> memref<128x128xf32, #tpu.memory_space<vmem_shared>>
          %dma_start3A_111 = arith.constant 0 : i32
          %dma_start3A_112 = tpu.memref_slice %arg11[%add3A_99, %dma_start3A_111] : memref<10000x128xf32, #tpu.memory_space<vmem_shared>> -> memref<128x128xf32, #tpu.memory_space<vmem_shared>>
          tpu.enqueue_dma source(%dma_start3A_112 : memref<128x128xf32, #tpu.memory_space<vmem_shared>>) target(%arg9 : memref<128x128xf32, #tpu.memory_space<vmem>>) target_semaphore(%run_scoped3A_108 : memref<!tpu.dma_semaphore, #tpu.memory_space<semaphore_mem>>)
          %dma_wait3A = arith.constant 0 : i32
          %dma_wait3A_113 = tpu.memref_slice %arg11[%add3A_99, %dma_wait3A] : memref<10000x128xf32, #tpu.memory_space<vmem_shared>> -> memref<128x128xf32, #tpu.memory_space<vmem_shared>>
          %dma_wait3A_114 = arith.constant 0 : i32
          %dma_wait3A_115 = tpu.memref_slice %arg11[%add3A_99, %dma_wait3A_114] : memref<10000x128xf32, #tpu.memory_space<vmem_shared>> -> memref<128x128xf32, #tpu.memory_space<vmem_shared>>
          tpu.wait_dma2 semaphore(%run_scoped3A_108 : memref<!tpu.dma_semaphore, #tpu.memory_space<semaphore_mem>>) src(%dma_wait3A_115 : memref<128x128xf32, #tpu.memory_space<vmem_shared>>) dst(%arg9 : memref<128x128xf32, #tpu.memory_space<vmem>>)
          tpu.yield
        }) : () -> ()
        "tpu.region"() ({
          %run_scoped3A_108 = tpu.sem_alloc : memref<!tpu.dma_semaphore, #tpu.memory_space<semaphore_mem>>
          %dma_start3A_109 = arith.constant 0 : i32
          %dma_start3A_110 = tpu.memref_slice %arg6[%add3A_99, %dma_start3A_109] : memref<10000x128xf32, #tpu.memory_space<hbm>> -> memref<128x128xf32, #tpu.memory_space<hbm>>
          %dma_start3A_111 = arith.constant 0 : i32
          %dma_start3A_112 = tpu.memref_slice %arg6[%add3A_99, %dma_start3A_111] : memref<10000x128xf32, #tpu.memory_space<hbm>> -> memref<128x128xf32, #tpu.memory_space<hbm>>
          tpu.enqueue_dma source(%arg9 : memref<128x128xf32, #tpu.memory_space<vmem>>) target(%dma_start3A_112 : memref<128x128xf32, #tpu.memory_space<hbm>>) target_semaphore(%run_scoped3A_108 : memref<!tpu.dma_semaphore, #tpu.memory_space<semaphore_mem>>)
          %dma_wait3A = arith.constant 0 : i32
          %dma_wait3A_113 = tpu.memref_slice %arg6[%add3A_99, %dma_wait3A] : memref<10000x128xf32, #tpu.memory_space<hbm>> -> memref<128x128xf32, #tpu.memory_space<hbm>>
          %dma_wait3A_114 = arith.constant 0 : i32
          %dma_wait3A_115 = tpu.memref_slice %arg6[%add3A_99, %dma_wait3A_114] : memref<10000x128xf32, #tpu.memory_space<hbm>> -> memref<128x128xf32, #tpu.memory_space<hbm>>
          tpu.wait_dma2 semaphore(%run_scoped3A_108 : memref<!tpu.dma_semaphore, #tpu.memory_space<semaphore_mem>>) src(%arg9 : memref<128x128xf32, #tpu.memory_space<vmem>>) dst(%dma_wait3A_115 : memref<128x128xf32, #tpu.memory_space<hbm>>)
          tpu.yield
        }) : () -> ()
        %mul3A_100 = arith.constant 640 : i32
        %mul3A_101 = arith.muli %arg1, %mul3A_100 : i32
        %add3A_102 = arith.constant 384 : i32
        %add3A_103 = arith.addi %mul3A_101, %add3A_102 : i32
        "tpu.region"() ({
          %run_scoped3A_108 = tpu.sem_alloc : memref<!tpu.dma_semaphore, #tpu.memory_space<semaphore_mem>>
          %dma_start3A_109 = arith.constant 0 : i32
          %dma_start3A_110 = tpu.memref_slice %arg11[%add3A_103, %dma_start3A_109] : memref<10000x128xf32, #tpu.memory_space<vmem_shared>> -> memref<128x128xf32, #tpu.memory_space<vmem_shared>>
          %dma_start3A_111 = arith.constant 0 : i32
          %dma_start3A_112 = tpu.memref_slice %arg11[%add3A_103, %dma_start3A_111] : memref<10000x128xf32, #tpu.memory_space<vmem_shared>> -> memref<128x128xf32, #tpu.memory_space<vmem_shared>>
          tpu.enqueue_dma source(%dma_start3A_112 : memref<128x128xf32, #tpu.memory_space<vmem_shared>>) target(%arg9 : memref<128x128xf32, #tpu.memory_space<vmem>>) target_semaphore(%run_scoped3A_108 : memref<!tpu.dma_semaphore, #tpu.memory_space<semaphore_mem>>)
          %dma_wait3A = arith.constant 0 : i32
          %dma_wait3A_113 = tpu.memref_slice %arg11[%add3A_103, %dma_wait3A] : memref<10000x128xf32, #tpu.memory_space<vmem_shared>> -> memref<128x128xf32, #tpu.memory_space<vmem_shared>>
          %dma_wait3A_114 = arith.constant 0 : i32
          %dma_wait3A_115 = tpu.memref_slice %arg11[%add3A_103, %dma_wait3A_114] : memref<10000x128xf32, #tpu.memory_space<vmem_shared>> -> memref<128x128xf32, #tpu.memory_space<vmem_shared>>
          tpu.wait_dma2 semaphore(%run_scoped3A_108 : memref<!tpu.dma_semaphore, #tpu.memory_space<semaphore_mem>>) src(%dma_wait3A_115 : memref<128x128xf32, #tpu.memory_space<vmem_shared>>) dst(%arg9 : memref<128x128xf32, #tpu.memory_space<vmem>>)
          tpu.yield
        }) : () -> ()
        "tpu.region"() ({
          %run_scoped3A_108 = tpu.sem_alloc : memref<!tpu.dma_semaphore, #tpu.memory_space<semaphore_mem>>
          %dma_start3A_109 = arith.constant 0 : i32
          %dma_start3A_110 = tpu.memref_slice %arg6[%add3A_103, %dma_start3A_109] : memref<10000x128xf32, #tpu.memory_space<hbm>> -> memref<128x128xf32, #tpu.memory_space<hbm>>
          %dma_start3A_111 = arith.constant 0 : i32
          %dma_start3A_112 = tpu.memref_slice %arg6[%add3A_103, %dma_start3A_111] : memref<10000x128xf32, #tpu.memory_space<hbm>> -> memref<128x128xf32, #tpu.memory_space<hbm>>
          tpu.enqueue_dma source(%arg9 : memref<128x128xf32, #tpu.memory_space<vmem>>) target(%dma_start3A_112 : memref<128x128xf32, #tpu.memory_space<hbm>>) target_semaphore(%run_scoped3A_108 : memref<!tpu.dma_semaphore, #tpu.memory_space<semaphore_mem>>)
          %dma_wait3A = arith.constant 0 : i32
          %dma_wait3A_113 = tpu.memref_slice %arg6[%add3A_103, %dma_wait3A] : memref<10000x128xf32, #tpu.memory_space<hbm>> -> memref<128x128xf32, #tpu.memory_space<hbm>>
          %dma_wait3A_114 = arith.constant 0 : i32
          %dma_wait3A_115 = tpu.memref_slice %arg6[%add3A_103, %dma_wait3A_114] : memref<10000x128xf32, #tpu.memory_space<hbm>> -> memref<128x128xf32, #tpu.memory_space<hbm>>
          tpu.wait_dma2 semaphore(%run_scoped3A_108 : memref<!tpu.dma_semaphore, #tpu.memory_space<semaphore_mem>>) src(%arg9 : memref<128x128xf32, #tpu.memory_space<vmem>>) dst(%dma_wait3A_115 : memref<128x128xf32, #tpu.memory_space<hbm>>)
          tpu.yield
        }) : () -> ()
        %mul3A_104 = arith.constant 640 : i32
        %mul3A_105 = arith.muli %arg1, %mul3A_104 : i32
        %add3A_106 = arith.constant 512 : i32
        %add3A_107 = arith.addi %mul3A_105, %add3A_106 : i32
        "tpu.region"() ({
          %run_scoped3A_108 = tpu.sem_alloc : memref<!tpu.dma_semaphore, #tpu.memory_space<semaphore_mem>>
          %dma_start3A_109 = arith.constant 0 : i32
          %dma_start3A_110 = tpu.memref_slice %arg11[%add3A_107, %dma_start3A_109] : memref<10000x128xf32, #tpu.memory_space<vmem_shared>> -> memref<128x128xf32, #tpu.memory_space<vmem_shared>>
          %dma_start3A_111 = arith.constant 0 : i32
          %dma_start3A_112 = tpu.memref_slice %arg11[%add3A_107, %dma_start3A_111] : memref<10000x128xf32, #tpu.memory_space<vmem_shared>> -> memref<128x128xf32, #tpu.memory_space<vmem_shared>>
          tpu.enqueue_dma source(%dma_start3A_112 : memref<128x128xf32, #tpu.memory_space<vmem_shared>>) target(%arg9 : memref<128x128xf32, #tpu.memory_space<vmem>>) target_semaphore(%run_scoped3A_108 : memref<!tpu.dma_semaphore, #tpu.memory_space<semaphore_mem>>)
          %dma_wait3A = arith.constant 0 : i32
          %dma_wait3A_113 = tpu.memref_slice %arg11[%add3A_107, %dma_wait3A] : memref<10000x128xf32, #tpu.memory_space<vmem_shared>> -> memref<128x128xf32, #tpu.memory_space<vmem_shared>>
          %dma_wait3A_114 = arith.constant 0 : i32
          %dma_wait3A_115 = tpu.memref_slice %arg11[%add3A_107, %dma_wait3A_114] : memref<10000x128xf32, #tpu.memory_space<vmem_shared>> -> memref<128x128xf32, #tpu.memory_space<vmem_shared>>
          tpu.wait_dma2 semaphore(%run_scoped3A_108 : memref<!tpu.dma_semaphore, #tpu.memory_space<semaphore_mem>>) src(%dma_wait3A_115 : memref<128x128xf32, #tpu.memory_space<vmem_shared>>) dst(%arg9 : memref<128x128xf32, #tpu.memory_space<vmem>>)
          tpu.yield
        }) : () -> ()
        "tpu.region"() ({
          %run_scoped3A_108 = tpu.sem_alloc : memref<!tpu.dma_semaphore, #tpu.memory_space<semaphore_mem>>
          %dma_start3A_109 = arith.constant 0 : i32
          %dma_start3A_110 = tpu.memref_slice %arg6[%add3A_107, %dma_start3A_109] : memref<10000x128xf32, #tpu.memory_space<hbm>> -> memref<128x128xf32, #tpu.memory_space<hbm>>
          %dma_start3A_111 = arith.constant 0 : i32
          %dma_start3A_112 = tpu.memref_slice %arg6[%add3A_107, %dma_start3A_111] : memref<10000x128xf32, #tpu.memory_space<hbm>> -> memref<128x128xf32, #tpu.memory_space<hbm>>
          tpu.enqueue_dma source(%arg9 : memref<128x128xf32, #tpu.memory_space<vmem>>) target(%dma_start3A_112 : memref<128x128xf32, #tpu.memory_space<hbm>>) target_semaphore(%run_scoped3A_108 : memref<!tpu.dma_semaphore, #tpu.memory_space<semaphore_mem>>)
          %dma_wait3A = arith.constant 0 : i32
          %dma_wait3A_113 = tpu.memref_slice %arg6[%add3A_107, %dma_wait3A] : memref<10000x128xf32, #tpu.memory_space<hbm>> -> memref<128x128xf32, #tpu.memory_space<hbm>>
          %dma_wait3A_114 = arith.constant 0 : i32
          %dma_wait3A_115 = tpu.memref_slice %arg6[%add3A_107, %dma_wait3A_114] : memref<10000x128xf32, #tpu.memory_space<hbm>> -> memref<128x128xf32, #tpu.memory_space<hbm>>
          tpu.wait_dma2 semaphore(%run_scoped3A_108 : memref<!tpu.dma_semaphore, #tpu.memory_space<semaphore_mem>>) src(%arg9 : memref<128x128xf32, #tpu.memory_space<vmem>>) dst(%dma_wait3A_115 : memref<128x128xf32, #tpu.memory_space<hbm>>)
          tpu.yield
        }) : () -> ()
      } else {
      }
      %eq3A_83 = arith.constant 15 : i32
      %eq3A_84 = arith.cmpi eq, %arg1, %eq3A_83 : i32
      %convert_element_type3A_85 = arith.extui %eq3A_84 : i1 to i32
      %cond3A_86 = arith.constant 0 : i32
      %cond3A_87 = arith.cmpi ne, %convert_element_type3A_85, %cond3A_86 : i32
      scf.if %cond3A_87 {
        "tpu.region"() ({
          %run_scoped3A_88 = tpu.sem_alloc : memref<!tpu.dma_semaphore, #tpu.memory_space<semaphore_mem>>
          %dma_start3A_89 = arith.constant 9600 : i32
          %dma_start3A_90 = arith.constant 0 : i32
          %dma_start3A_91 = tpu.memref_slice %arg11[%dma_start3A_89, %dma_start3A_90] : memref<10000x128xf32, #tpu.memory_space<vmem_shared>> -> memref<128x128xf32, #tpu.memory_space<vmem_shared>>
          %dma_start3A_92 = arith.constant 9600 : i32
          %dma_start3A_93 = arith.constant 0 : i32
          %dma_start3A_94 = tpu.memref_slice %arg11[%dma_start3A_92, %dma_start3A_93] : memref<10000x128xf32, #tpu.memory_space<vmem_shared>> -> memref<128x128xf32, #tpu.memory_space<vmem_shared>>
          tpu.enqueue_dma source(%dma_start3A_94 : memref<128x128xf32, #tpu.memory_space<vmem_shared>>) target(%arg9 : memref<128x128xf32, #tpu.memory_space<vmem>>) target_semaphore(%run_scoped3A_88 : memref<!tpu.dma_semaphore, #tpu.memory_space<semaphore_mem>>)
          %dma_wait3A = arith.constant 9600 : i32
          %dma_wait3A_95 = arith.constant 0 : i32
          %dma_wait3A_96 = tpu.memref_slice %arg11[%dma_wait3A, %dma_wait3A_95] : memref<10000x128xf32, #tpu.memory_space<vmem_shared>> -> memref<128x128xf32, #tpu.memory_space<vmem_shared>>
          %dma_wait3A_97 = arith.constant 9600 : i32
          %dma_wait3A_98 = arith.constant 0 : i32
          %dma_wait3A_99 = tpu.memref_slice %arg11[%dma_wait3A_97, %dma_wait3A_98] : memref<10000x128xf32, #tpu.memory_space<vmem_shared>> -> memref<128x128xf32, #tpu.memory_space<vmem_shared>>
          tpu.wait_dma2 semaphore(%run_scoped3A_88 : memref<!tpu.dma_semaphore, #tpu.memory_space<semaphore_mem>>) src(%dma_wait3A_99 : memref<128x128xf32, #tpu.memory_space<vmem_shared>>) dst(%arg9 : memref<128x128xf32, #tpu.memory_space<vmem>>)
          tpu.yield
        }) : () -> ()
        "tpu.region"() ({
          %run_scoped3A_88 = tpu.sem_alloc : memref<!tpu.dma_semaphore, #tpu.memory_space<semaphore_mem>>
          %dma_start3A_89 = arith.constant 9600 : i32
          %dma_start3A_90 = arith.constant 0 : i32
          %dma_start3A_91 = tpu.memref_slice %arg6[%dma_start3A_89, %dma_start3A_90] : memref<10000x128xf32, #tpu.memory_space<hbm>> -> memref<128x128xf32, #tpu.memory_space<hbm>>
          %dma_start3A_92 = arith.constant 9600 : i32
          %dma_start3A_93 = arith.constant 0 : i32
          %dma_start3A_94 = tpu.memref_slice %arg6[%dma_start3A_92, %dma_start3A_93] : memref<10000x128xf32, #tpu.memory_space<hbm>> -> memref<128x128xf32, #tpu.memory_space<hbm>>
          tpu.enqueue_dma source(%arg9 : memref<128x128xf32, #tpu.memory_space<vmem>>) target(%dma_start3A_94 : memref<128x128xf32, #tpu.memory_space<hbm>>) target_semaphore(%run_scoped3A_88 : memref<!tpu.dma_semaphore, #tpu.memory_space<semaphore_mem>>)
          %dma_wait3A = arith.constant 9600 : i32
          %dma_wait3A_95 = arith.constant 0 : i32
          %dma_wait3A_96 = tpu.memref_slice %arg6[%dma_wait3A, %dma_wait3A_95] : memref<10000x128xf32, #tpu.memory_space<hbm>> -> memref<128x128xf32, #tpu.memory_space<hbm>>
          %dma_wait3A_97 = arith.constant 9600 : i32
          %dma_wait3A_98 = arith.constant 0 : i32
          %dma_wait3A_99 = tpu.memref_slice %arg6[%dma_wait3A_97, %dma_wait3A_98] : memref<10000x128xf32, #tpu.memory_space<hbm>> -> memref<128x128xf32, #tpu.memory_space<hbm>>
          tpu.wait_dma2 semaphore(%run_scoped3A_88 : memref<!tpu.dma_semaphore, #tpu.memory_space<semaphore_mem>>) src(%arg9 : memref<128x128xf32, #tpu.memory_space<vmem>>) dst(%dma_wait3A_99 : memref<128x128xf32, #tpu.memory_space<hbm>>)
          tpu.yield
        }) : () -> ()
        "tpu.region"() ({
          %run_scoped3A_88 = tpu.sem_alloc : memref<!tpu.dma_semaphore, #tpu.memory_space<semaphore_mem>>
          %dma_start3A_89 = arith.constant 9728 : i32
          %dma_start3A_90 = arith.constant 0 : i32
          %dma_start3A_91 = tpu.memref_slice %arg11[%dma_start3A_89, %dma_start3A_90] : memref<10000x128xf32, #tpu.memory_space<vmem_shared>> -> memref<128x128xf32, #tpu.memory_space<vmem_shared>>
          %dma_start3A_92 = arith.constant 9728 : i32
          %dma_start3A_93 = arith.constant 0 : i32
          %dma_start3A_94 = tpu.memref_slice %arg11[%dma_start3A_92, %dma_start3A_93] : memref<10000x128xf32, #tpu.memory_space<vmem_shared>> -> memref<128x128xf32, #tpu.memory_space<vmem_shared>>
          tpu.enqueue_dma source(%dma_start3A_94 : memref<128x128xf32, #tpu.memory_space<vmem_shared>>) target(%arg9 : memref<128x128xf32, #tpu.memory_space<vmem>>) target_semaphore(%run_scoped3A_88 : memref<!tpu.dma_semaphore, #tpu.memory_space<semaphore_mem>>)
          %dma_wait3A = arith.constant 9728 : i32
          %dma_wait3A_95 = arith.constant 0 : i32
          %dma_wait3A_96 = tpu.memref_slice %arg11[%dma_wait3A, %dma_wait3A_95] : memref<10000x128xf32, #tpu.memory_space<vmem_shared>> -> memref<128x128xf32, #tpu.memory_space<vmem_shared>>
          %dma_wait3A_97 = arith.constant 9728 : i32
          %dma_wait3A_98 = arith.constant 0 : i32
          %dma_wait3A_99 = tpu.memref_slice %arg11[%dma_wait3A_97, %dma_wait3A_98] : memref<10000x128xf32, #tpu.memory_space<vmem_shared>> -> memref<128x128xf32, #tpu.memory_space<vmem_shared>>
          tpu.wait_dma2 semaphore(%run_scoped3A_88 : memref<!tpu.dma_semaphore, #tpu.memory_space<semaphore_mem>>) src(%dma_wait3A_99 : memref<128x128xf32, #tpu.memory_space<vmem_shared>>) dst(%arg9 : memref<128x128xf32, #tpu.memory_space<vmem>>)
          tpu.yield
        }) : () -> ()
        "tpu.region"() ({
          %run_scoped3A_88 = tpu.sem_alloc : memref<!tpu.dma_semaphore, #tpu.memory_space<semaphore_mem>>
          %dma_start3A_89 = arith.constant 9728 : i32
          %dma_start3A_90 = arith.constant 0 : i32
          %dma_start3A_91 = tpu.memref_slice %arg6[%dma_start3A_89, %dma_start3A_90] : memref<10000x128xf32, #tpu.memory_space<hbm>> -> memref<128x128xf32, #tpu.memory_space<hbm>>
          %dma_start3A_92 = arith.constant 9728 : i32
          %dma_start3A_93 = arith.constant 0 : i32
          %dma_start3A_94 = tpu.memref_slice %arg6[%dma_start3A_92, %dma_start3A_93] : memref<10000x128xf32, #tpu.memory_space<hbm>> -> memref<128x128xf32, #tpu.memory_space<hbm>>
          tpu.enqueue_dma source(%arg9 : memref<128x128xf32, #tpu.memory_space<vmem>>) target(%dma_start3A_94 : memref<128x128xf32, #tpu.memory_space<hbm>>) target_semaphore(%run_scoped3A_88 : memref<!tpu.dma_semaphore, #tpu.memory_space<semaphore_mem>>)
          %dma_wait3A = arith.constant 9728 : i32
          %dma_wait3A_95 = arith.constant 0 : i32
          %dma_wait3A_96 = tpu.memref_slice %arg6[%dma_wait3A, %dma_wait3A_95] : memref<10000x128xf32, #tpu.memory_space<hbm>> -> memref<128x128xf32, #tpu.memory_space<hbm>>
          %dma_wait3A_97 = arith.constant 9728 : i32
          %dma_wait3A_98 = arith.constant 0 : i32
          %dma_wait3A_99 = tpu.memref_slice %arg6[%dma_wait3A_97, %dma_wait3A_98] : memref<10000x128xf32, #tpu.memory_space<hbm>> -> memref<128x128xf32, #tpu.memory_space<hbm>>
          tpu.wait_dma2 semaphore(%run_scoped3A_88 : memref<!tpu.dma_semaphore, #tpu.memory_space<semaphore_mem>>) src(%arg9 : memref<128x128xf32, #tpu.memory_space<vmem>>) dst(%dma_wait3A_99 : memref<128x128xf32, #tpu.memory_space<hbm>>)
          tpu.yield
        }) : () -> ()
        "tpu.region"() ({
          %run_scoped3A_88 = tpu.sem_alloc : memref<!tpu.dma_semaphore, #tpu.memory_space<semaphore_mem>>
          %dma_start3A_89 = arith.constant 9856 : i32
          %dma_start3A_90 = arith.constant 0 : i32
          %dma_start3A_91 = tpu.memref_slice %arg11[%dma_start3A_89, %dma_start3A_90] : memref<10000x128xf32, #tpu.memory_space<vmem_shared>> -> memref<128x128xf32, #tpu.memory_space<vmem_shared>>
          %dma_start3A_92 = arith.constant 9856 : i32
          %dma_start3A_93 = arith.constant 0 : i32
          %dma_start3A_94 = tpu.memref_slice %arg11[%dma_start3A_92, %dma_start3A_93] : memref<10000x128xf32, #tpu.memory_space<vmem_shared>> -> memref<128x128xf32, #tpu.memory_space<vmem_shared>>
          tpu.enqueue_dma source(%dma_start3A_94 : memref<128x128xf32, #tpu.memory_space<vmem_shared>>) target(%arg9 : memref<128x128xf32, #tpu.memory_space<vmem>>) target_semaphore(%run_scoped3A_88 : memref<!tpu.dma_semaphore, #tpu.memory_space<semaphore_mem>>)
          %dma_wait3A = arith.constant 9856 : i32
          %dma_wait3A_95 = arith.constant 0 : i32
          %dma_wait3A_96 = tpu.memref_slice %arg11[%dma_wait3A, %dma_wait3A_95] : memref<10000x128xf32, #tpu.memory_space<vmem_shared>> -> memref<128x128xf32, #tpu.memory_space<vmem_shared>>
          %dma_wait3A_97 = arith.constant 9856 : i32
          %dma_wait3A_98 = arith.constant 0 : i32
          %dma_wait3A_99 = tpu.memref_slice %arg11[%dma_wait3A_97, %dma_wait3A_98] : memref<10000x128xf32, #tpu.memory_space<vmem_shared>> -> memref<128x128xf32, #tpu.memory_space<vmem_shared>>
          tpu.wait_dma2 semaphore(%run_scoped3A_88 : memref<!tpu.dma_semaphore, #tpu.memory_space<semaphore_mem>>) src(%dma_wait3A_99 : memref<128x128xf32, #tpu.memory_space<vmem_shared>>) dst(%arg9 : memref<128x128xf32, #tpu.memory_space<vmem>>)
          tpu.yield
        }) : () -> ()
        "tpu.region"() ({
          %run_scoped3A_88 = tpu.sem_alloc : memref<!tpu.dma_semaphore, #tpu.memory_space<semaphore_mem>>
          %dma_start3A_89 = arith.constant 9856 : i32
          %dma_start3A_90 = arith.constant 0 : i32
          %dma_start3A_91 = tpu.memref_slice %arg6[%dma_start3A_89, %dma_start3A_90] : memref<10000x128xf32, #tpu.memory_space<hbm>> -> memref<128x128xf32, #tpu.memory_space<hbm>>
          %dma_start3A_92 = arith.constant 9856 : i32
          %dma_start3A_93 = arith.constant 0 : i32
          %dma_start3A_94 = tpu.memref_slice %arg6[%dma_start3A_92, %dma_start3A_93] : memref<10000x128xf32, #tpu.memory_space<hbm>> -> memref<128x128xf32, #tpu.memory_space<hbm>>
          tpu.enqueue_dma source(%arg9 : memref<128x128xf32, #tpu.memory_space<vmem>>) target(%dma_start3A_94 : memref<128x128xf32, #tpu.memory_space<hbm>>) target_semaphore(%run_scoped3A_88 : memref<!tpu.dma_semaphore, #tpu.memory_space<semaphore_mem>>)
          %dma_wait3A = arith.constant 9856 : i32
          %dma_wait3A_95 = arith.constant 0 : i32
          %dma_wait3A_96 = tpu.memref_slice %arg6[%dma_wait3A, %dma_wait3A_95] : memref<10000x128xf32, #tpu.memory_space<hbm>> -> memref<128x128xf32, #tpu.memory_space<hbm>>
          %dma_wait3A_97 = arith.constant 9856 : i32
          %dma_wait3A_98 = arith.constant 0 : i32
          %dma_wait3A_99 = tpu.memref_slice %arg6[%dma_wait3A_97, %dma_wait3A_98] : memref<10000x128xf32, #tpu.memory_space<hbm>> -> memref<128x128xf32, #tpu.memory_space<hbm>>
          tpu.wait_dma2 semaphore(%run_scoped3A_88 : memref<!tpu.dma_semaphore, #tpu.memory_space<semaphore_mem>>) src(%arg9 : memref<128x128xf32, #tpu.memory_space<vmem>>) dst(%dma_wait3A_99 : memref<128x128xf32, #tpu.memory_space<hbm>>)
          tpu.yield
        }) : () -> ()
        "tpu.region"() ({
          %run_scoped3A_88 = tpu.sem_alloc : memref<!tpu.dma_semaphore, #tpu.memory_space<semaphore_mem>>
          %dma_start3A_89 = arith.constant 0 : i32
          %dma_start3A_90 = arith.constant 0 : i32
          %dma_start3A_91 = tpu.memref_slice %arg9[%dma_start3A_89, %dma_start3A_90] : memref<128x128xf32, #tpu.memory_space<vmem>> -> memref<16x128xf32, #tpu.memory_space<vmem>>
          %dma_start3A_92 = arith.constant 9984 : i32
          %dma_start3A_93 = arith.constant 0 : i32
          %dma_start3A_94 = tpu.memref_slice %arg11[%dma_start3A_92, %dma_start3A_93] : memref<10000x128xf32, #tpu.memory_space<vmem_shared>> -> memref<16x128xf32, #tpu.memory_space<vmem_shared>>
          %dma_start3A_95 = arith.constant 0 : i32
          %dma_start3A_96 = arith.constant 0 : i32
          %dma_start3A_97 = tpu.memref_slice %arg9[%dma_start3A_95, %dma_start3A_96] : memref<128x128xf32, #tpu.memory_space<vmem>> -> memref<16x128xf32, #tpu.memory_space<vmem>>
          %dma_start3A_98 = arith.constant 9984 : i32
          %dma_start3A_99 = arith.constant 0 : i32
          %dma_start3A_100 = tpu.memref_slice %arg11[%dma_start3A_98, %dma_start3A_99] : memref<10000x128xf32, #tpu.memory_space<vmem_shared>> -> memref<16x128xf32, #tpu.memory_space<vmem_shared>>
          tpu.enqueue_dma source(%dma_start3A_100 : memref<16x128xf32, #tpu.memory_space<vmem_shared>>) target(%dma_start3A_97 : memref<16x128xf32, #tpu.memory_space<vmem>>) target_semaphore(%run_scoped3A_88 : memref<!tpu.dma_semaphore, #tpu.memory_space<semaphore_mem>>)
          %dma_wait3A = arith.constant 0 : i32
          %dma_wait3A_101 = arith.constant 0 : i32
          %dma_wait3A_102 = tpu.memref_slice %arg9[%dma_wait3A, %dma_wait3A_101] : memref<128x128xf32, #tpu.memory_space<vmem>> -> memref<16x128xf32, #tpu.memory_space<vmem>>
          %dma_wait3A_103 = arith.constant 9984 : i32
          %dma_wait3A_104 = arith.constant 0 : i32
          %dma_wait3A_105 = tpu.memref_slice %arg11[%dma_wait3A_103, %dma_wait3A_104] : memref<10000x128xf32, #tpu.memory_space<vmem_shared>> -> memref<16x128xf32, #tpu.memory_space<vmem_shared>>
          %dma_wait3A_106 = arith.constant 0 : i32
          %dma_wait3A_107 = arith.constant 0 : i32
          %dma_wait3A_108 = tpu.memref_slice %arg9[%dma_wait3A_106, %dma_wait3A_107] : memref<128x128xf32, #tpu.memory_space<vmem>> -> memref<16x128xf32, #tpu.memory_space<vmem>>
          %dma_wait3A_109 = arith.constant 9984 : i32
          %dma_wait3A_110 = arith.constant 0 : i32
          %dma_wait3A_111 = tpu.memref_slice %arg11[%dma_wait3A_109, %dma_wait3A_110] : memref<10000x128xf32, #tpu.memory_space<vmem_shared>> -> memref<16x128xf32, #tpu.memory_space<vmem_shared>>
          tpu.wait_dma2 semaphore(%run_scoped3A_88 : memref<!tpu.dma_semaphore, #tpu.memory_space<semaphore_mem>>) src(%dma_wait3A_111 : memref<16x128xf32, #tpu.memory_space<vmem_shared>>) dst(%dma_wait3A_108 : memref<16x128xf32, #tpu.memory_space<vmem>>)
          tpu.yield
        }) : () -> ()
        "tpu.region"() ({
          %run_scoped3A_88 = tpu.sem_alloc : memref<!tpu.dma_semaphore, #tpu.memory_space<semaphore_mem>>
          %dma_start3A_89 = arith.constant 0 : i32
          %dma_start3A_90 = arith.constant 0 : i32
          %dma_start3A_91 = tpu.memref_slice %arg9[%dma_start3A_89, %dma_start3A_90] : memref<128x128xf32, #tpu.memory_space<vmem>> -> memref<16x128xf32, #tpu.memory_space<vmem>>
          %dma_start3A_92 = arith.constant 9984 : i32
          %dma_start3A_93 = arith.constant 0 : i32
          %dma_start3A_94 = tpu.memref_slice %arg6[%dma_start3A_92, %dma_start3A_93] : memref<10000x128xf32, #tpu.memory_space<hbm>> -> memref<16x128xf32, #tpu.memory_space<hbm>>
          %dma_start3A_95 = arith.constant 9984 : i32
          %dma_start3A_96 = arith.constant 0 : i32
          %dma_start3A_97 = tpu.memref_slice %arg6[%dma_start3A_95, %dma_start3A_96] : memref<10000x128xf32, #tpu.memory_space<hbm>> -> memref<16x128xf32, #tpu.memory_space<hbm>>
          %dma_start3A_98 = arith.constant 0 : i32
          %dma_start3A_99 = arith.constant 0 : i32
          %dma_start3A_100 = tpu.memref_slice %arg9[%dma_start3A_98, %dma_start3A_99] : memref<128x128xf32, #tpu.memory_space<vmem>> -> memref<16x128xf32, #tpu.memory_space<vmem>>
          tpu.enqueue_dma source(%dma_start3A_100 : memref<16x128xf32, #tpu.memory_space<vmem>>) target(%dma_start3A_97 : memref<16x128xf32, #tpu.memory_space<hbm>>) target_semaphore(%run_scoped3A_88 : memref<!tpu.dma_semaphore, #tpu.memory_space<semaphore_mem>>)
          %dma_wait3A = arith.constant 0 : i32
          %dma_wait3A_101 = arith.constant 0 : i32
          %dma_wait3A_102 = tpu.memref_slice %arg9[%dma_wait3A, %dma_wait3A_101] : memref<128x128xf32, #tpu.memory_space<vmem>> -> memref<16x128xf32, #tpu.memory_space<vmem>>
          %dma_wait3A_103 = arith.constant 9984 : i32
          %dma_wait3A_104 = arith.constant 0 : i32
          %dma_wait3A_105 = tpu.memref_slice %arg6[%dma_wait3A_103, %dma_wait3A_104] : memref<10000x128xf32, #tpu.memory_space<hbm>> -> memref<16x128xf32, #tpu.memory_space<hbm>>
          %dma_wait3A_106 = arith.constant 9984 : i32
          %dma_wait3A_107 = arith.constant 0 : i32
          %dma_wait3A_108 = tpu.memref_slice %arg6[%dma_wait3A_106, %dma_wait3A_107] : memref<10000x128xf32, #tpu.memory_space<hbm>> -> memref<16x128xf32, #tpu.memory_space<hbm>>
          %dma_wait3A_109 = arith.constant 0 : i32
          %dma_wait3A_110 = arith.constant 0 : i32
          %dma_wait3A_111 = tpu.memref_slice %arg9[%dma_wait3A_109, %dma_wait3A_110] : memref<128x128xf32, #tpu.memory_space<vmem>> -> memref<16x128xf32, #tpu.memory_space<vmem>>
          tpu.wait_dma2 semaphore(%run_scoped3A_88 : memref<!tpu.dma_semaphore, #tpu.memory_space<semaphore_mem>>) src(%dma_wait3A_111 : memref<16x128xf32, #tpu.memory_space<vmem>>) dst(%dma_wait3A_108 : memref<16x128xf32, #tpu.memory_space<hbm>>)
          tpu.yield
        }) : () -> ()
      } else {
      }
    } else {
    }
    return
  }
}

module attributes {stable_mosaic.version = 14 : i64} {
  func.func @_k2_body(%arg0: i32, %arg1: memref<2000x256xf32, #tpu.memory_space<vmem>>, %arg2: memref<256x256xf32, #tpu.memory_space<vmem>>, %arg3: memref<2000x1xf32, #tpu.memory_space<vmem>>, %arg4: memref<2000x128xf32, #tpu.memory_space<vmem>>, %arg5: memref<2000x128xf32, #tpu.memory_space<vmem>>) attributes {dimension_semantics = [#tpu.dimension_semantics<arbitrary>], iteration_bounds = array<i64: 5>, scalar_prefetch = 0 : i64, scratch_operands = 0 : i64, tpu.core_type = #tpu.core_type<tc>, window_params = [{transform_indices = @transform_0, window_bounds = array<i64: 2000, 256>}, {pipeline_mode = #tpu.pipeline_mode<synchronous>, transform_indices = @transform_1, window_bounds = array<i64: 256, 256>}, {transform_indices = @transform_2, window_bounds = array<i64: 2000, 1>}, {transform_indices = @transform_3, window_bounds = array<i64: 2000, 128>}, {transform_indices = @transform_4, window_bounds = array<i64: 2000, 128>}]} {
    %get3A = arith.constant 0 : index
    %get3A_0 = arith.constant 0 : index
    %get3A_1 = vector.load %arg1[%get3A, %get3A_0] : memref<2000x256xf32, #tpu.memory_space<vmem>>, vector<2000x256xf32>
    %get3A_2 = arith.constant 0 : index
    %get3A_3 = arith.constant 0 : index
    %get3A_4 = vector.load %arg2[%get3A_2, %get3A_3] : memref<256x256xf32, #tpu.memory_space<vmem>>, vector<256x256xf32>
    %convert_element_type3A = arith.truncf %get3A_1 : vector<2000x256xf32> to vector<2000x256xbf16>
    %convert_element_type3A_5 = arith.truncf %get3A_4 : vector<256x256xf32> to vector<256x256xbf16>
    %dot_general3A = arith.constant dense<0.000000e+00> : vector<2000x256xf32>
    %dot_general3A_6 = tpu.matmul %convert_element_type3A, %convert_element_type3A_5, %dot_general3A {dimension_numbers = #tpu.dot_dimension_numbers<[1], [0], [0], [1], [0, 0, 1, 1], [], []>, transpose_lhs_hint = false} : vector<2000x256xbf16>, vector<256x256xbf16>, vector<2000x256xf32> -> vector<2000x256xf32>
    %get3A_7 = arith.constant 0 : index
    %get3A_8 = arith.constant 0 : index
    %get3A_9 = vector.load %arg3[%get3A_7, %get3A_8] : memref<2000x1xf32, #tpu.memory_space<vmem>>, vector<2000x1xf32>
    %rsqrt3A = math.rsqrt %get3A_9 : vector<2000x1xf32>
    %mul3A = vector.broadcast %rsqrt3A : vector<2000x1xf32> to vector<2000x256xf32>
    %mul3A_10 = arith.mulf %dot_general3A_6, %mul3A : vector<2000x256xf32>
    %slice3A = vector.extract_strided_slice %mul3A_10 {offsets = [0, 0], sizes = [2000, 128], strides = [1, 1]} : vector<2000x256xf32> to vector<2000x128xf32>
    %swap3A = arith.constant 0 : index
    %swap3A_11 = arith.constant 0 : index
    %swap3A_12 = vector.load %arg4[%swap3A, %swap3A_11] : memref<2000x128xf32, #tpu.memory_space<vmem>>, vector<2000x128xf32>
    tpu.vector_store %arg4[%swap3A, %swap3A_11], %slice3A {strides = array<i32>} : memref<2000x128xf32, #tpu.memory_space<vmem>>, vector<2000x128xf32>,
    %slice3A_13 = vector.extract_strided_slice %mul3A_10 {offsets = [0, 128], sizes = [2000, 128], strides = [1, 1]} : vector<2000x256xf32> to vector<2000x128xf32>
    %swap3A_14 = arith.constant 0 : index
    %swap3A_15 = arith.constant 0 : index
    %swap3A_16 = vector.load %arg5[%swap3A_14, %swap3A_15] : memref<2000x128xf32, #tpu.memory_space<vmem>>, vector<2000x128xf32>
    tpu.vector_store %arg5[%swap3A_14, %swap3A_15], %slice3A_13 {strides = array<i32>} : memref<2000x128xf32, #tpu.memory_space<vmem>>, vector<2000x128xf32>,
    return
  }
  func.func @transform_0(%arg0: i32) -> (i32, i32) {
    %c0_i32 = arith.constant 0 : i32
    %c0_i32_0 = arith.constant 0 : i32
    return %arg0, %c0_i32 : i32, i32
  }
  func.func @transform_1(%arg0: i32) -> (i32, i32) {
    %c0_i32 = arith.constant 0 : i32
    %c0_i32_0 = arith.constant 0 : i32
    %c0_i32_1 = arith.constant 0 : i32
    return %c0_i32, %c0_i32_0 : i32, i32
  }
  func.func @transform_2(%arg0: i32) -> (i32, i32) {
    %c0_i32 = arith.constant 0 : i32
    %c0_i32_0 = arith.constant 0 : i32
    return %arg0, %c0_i32 : i32, i32
  }
  func.func @transform_3(%arg0: i32) -> (i32, i32) {
    %c0_i32 = arith.constant 0 : i32
    %c0_i32_0 = arith.constant 0 : i32
    return %arg0, %c0_i32 : i32, i32
  }
  func.func @transform_4(%arg0: i32) -> (i32, i32) {
    %c0_i32 = arith.constant 0 : i32
    %c0_i32_0 = arith.constant 0 : i32
    return %arg0, %c0_i32 : i32, i32
  }
}

module attributes {stable_mosaic.version = 14 : i64} {
  func.func @_k4_body(%arg0: i32, %arg1: memref<2000x128xf32, #tpu.memory_space<vmem>>, %arg2: memref<2000x128xf32, #tpu.memory_space<vmem>>, %arg3: memref<2000x1xf32, #tpu.memory_space<vmem>>, %arg4: memref<2000x256xf32, #tpu.memory_space<vmem>>, %arg5: memref<256xf32, #tpu.memory_space<vmem>>, %arg6: memref<256x512xf32, #tpu.memory_space<vmem>>, %arg7: memref<512xf32, #tpu.memory_space<vmem>>, %arg8: memref<512x512xf32, #tpu.memory_space<vmem>>, %arg9: memref<512xf32, #tpu.memory_space<vmem>>, %arg10: memref<512x1xf32, #tpu.memory_space<vmem>>, %arg11: memref<1xf32, #tpu.memory_space<vmem>>, %arg12: memref<2000x512xf32, #tpu.memory_space<vmem>>, %arg13: memref<2000x1xf32, #tpu.memory_space<vmem>>) attributes {dimension_semantics = [#tpu.dimension_semantics<arbitrary>], iteration_bounds = array<i64: 5>, scalar_prefetch = 0 : i64, scratch_operands = 0 : i64, tpu.core_type = #tpu.core_type<tc>, window_params = [{transform_indices = @transform_0, window_bounds = array<i64: 2000, 128>}, {transform_indices = @transform_1, window_bounds = array<i64: 2000, 128>}, {transform_indices = @transform_2, window_bounds = array<i64: 2000, 1>}, {transform_indices = @transform_3, window_bounds = array<i64: 2000, 256>}, {pipeline_mode = #tpu.pipeline_mode<synchronous>, transform_indices = @transform_4, window_bounds = array<i64: 256>}, {pipeline_mode = #tpu.pipeline_mode<synchronous>, transform_indices = @transform_5, window_bounds = array<i64: 256, 512>}, {pipeline_mode = #tpu.pipeline_mode<synchronous>, transform_indices = @transform_6, window_bounds = array<i64: 512>}, {pipeline_mode = #tpu.pipeline_mode<synchronous>, transform_indices = @transform_7, window_bounds = array<i64: 512, 512>}, {pipeline_mode = #tpu.pipeline_mode<synchronous>, transform_indices = @transform_8, window_bounds = array<i64: 512>}, {pipeline_mode = #tpu.pipeline_mode<synchronous>, transform_indices = @transform_9, window_bounds = array<i64: 512, 1>}, {pipeline_mode = #tpu.pipeline_mode<synchronous>, transform_indices = @transform_10, window_bounds = array<i64: 1>}, {transform_indices = @transform_11, window_bounds = array<i64: 2000, 512>}, {transform_indices = @transform_12, window_bounds = array<i64: 2000, 1>}]} {
    %get3A = arith.constant 0 : index
    %get3A_0 = arith.constant 0 : index
    %get3A_1 = vector.load %arg3[%get3A, %get3A_0] : memref<2000x1xf32, #tpu.memory_space<vmem>>, vector<2000x1xf32>
    %rsqrt3A = math.rsqrt %get3A_1 : vector<2000x1xf32>
    %get3A_2 = arith.constant 0 : index
    %get3A_3 = arith.constant 0 : index
    %get3A_4 = vector.load %arg1[%get3A_2, %get3A_3] : memref<2000x128xf32, #tpu.memory_space<vmem>>, vector<2000x128xf32>
    %get3A_5 = arith.constant 0 : index
    %get3A_6 = arith.constant 0 : index
    %get3A_7 = vector.load %arg2[%get3A_5, %get3A_6] : memref<2000x128xf32, #tpu.memory_space<vmem>>, vector<2000x128xf32>
    %concatenate3A = tpu.concatenate %get3A_4, %get3A_7 in 1 : vector<2000x128xf32>, vector<2000x128xf32> -> vector<2000x256xf32>
    %mul3A = vector.broadcast %rsqrt3A : vector<2000x1xf32> to vector<2000x256xf32>
    %mul3A_8 = arith.mulf %concatenate3A, %mul3A : vector<2000x256xf32>
    %get3A_9 = arith.constant 0 : index
    %get3A_10 = vector.load %arg5[%get3A_9] : memref<256xf32, #tpu.memory_space<vmem>>, vector<256xf32>
    %broadcast_in_dim3A = vector.shape_cast %get3A_10 : vector<256xf32> to vector<1x256xf32>
    %add3A = vector.broadcast %broadcast_in_dim3A : vector<1x256xf32> to vector<2000x256xf32>
    %add3A_11 = arith.addf %mul3A_8, %add3A : vector<2000x256xf32>
    %max3A = arith.constant 0.000000e+00 : f32
    %max3A_12 = vector.broadcast %max3A : f32 to vector<2000x256xf32>
    %max3A_13 = arith.maximumf %add3A_11, %max3A_12 : vector<2000x256xf32>
    %get3A_14 = arith.constant 0 : index
    %get3A_15 = arith.constant 0 : index
    %get3A_16 = vector.load %arg4[%get3A_14, %get3A_15] : memref<2000x256xf32, #tpu.memory_space<vmem>>, vector<2000x256xf32>
    %add3A_17 = arith.addf %max3A_13, %get3A_16 : vector<2000x256xf32>
    %get3A_18 = arith.constant 0 : index
    %get3A_19 = arith.constant 0 : index
    %get3A_20 = vector.load %arg6[%get3A_18, %get3A_19] : memref<256x512xf32, #tpu.memory_space<vmem>>, vector<256x512xf32>
    %convert_element_type3A = arith.truncf %add3A_17 : vector<2000x256xf32> to vector<2000x256xbf16>
    %convert_element_type3A_21 = arith.truncf %get3A_20 : vector<256x512xf32> to vector<256x512xbf16>
    %dot_general3A = arith.constant dense<0.000000e+00> : vector<2000x512xf32>
    %dot_general3A_22 = tpu.matmul %convert_element_type3A, %convert_element_type3A_21, %dot_general3A {dimension_numbers = #tpu.dot_dimension_numbers<[1], [0], [0], [1], [0, 0, 1, 1], [], []>, transpose_lhs_hint = false} : vector<2000x256xbf16>, vector<256x512xbf16>, vector<2000x512xf32> -> vector<2000x512xf32>
    %get3A_23 = arith.constant 0 : index
    %get3A_24 = vector.load %arg7[%get3A_23] : memref<512xf32, #tpu.memory_space<vmem>>, vector<512xf32>
    %broadcast_in_dim3A_25 = vector.shape_cast %get3A_24 : vector<512xf32> to vector<1x512xf32>
    %add3A_26 = vector.broadcast %broadcast_in_dim3A_25 : vector<1x512xf32> to vector<2000x512xf32>
    %add3A_27 = arith.addf %dot_general3A_22, %add3A_26 : vector<2000x512xf32>
    %max3A_28 = arith.constant 0.000000e+00 : f32
    %max3A_29 = vector.broadcast %max3A_28 : f32 to vector<2000x512xf32>
    %max3A_30 = arith.maximumf %add3A_27, %max3A_29 : vector<2000x512xf32>
    %swap3A = arith.constant 0 : index
    %swap3A_31 = arith.constant 0 : index
    %swap3A_32 = vector.load %arg12[%swap3A, %swap3A_31] : memref<2000x512xf32, #tpu.memory_space<vmem>>, vector<2000x512xf32>
    tpu.vector_store %arg12[%swap3A, %swap3A_31], %max3A_30 {strides = array<i32>} : memref<2000x512xf32, #tpu.memory_space<vmem>>, vector<2000x512xf32>,
    %get3A_33 = arith.constant 0 : index
    %get3A_34 = arith.constant 0 : index
    %get3A_35 = vector.load %arg8[%get3A_33, %get3A_34] : memref<512x512xf32, #tpu.memory_space<vmem>>, vector<512x512xf32>
    %convert_element_type3A_36 = arith.truncf %max3A_30 : vector<2000x512xf32> to vector<2000x512xbf16>
    %convert_element_type3A_37 = arith.truncf %get3A_35 : vector<512x512xf32> to vector<512x512xbf16>
    %dot_general3A_38 = arith.constant dense<0.000000e+00> : vector<2000x512xf32>
    %dot_general3A_39 = tpu.matmul %convert_element_type3A_36, %convert_element_type3A_37, %dot_general3A_38 {dimension_numbers = #tpu.dot_dimension_numbers<[1], [0], [0], [1], [0, 0, 1, 1], [], []>, transpose_lhs_hint = false} : vector<2000x512xbf16>, vector<512x512xbf16>, vector<2000x512xf32> -> vector<2000x512xf32>
    %get3A_40 = arith.constant 0 : index
    %get3A_41 = vector.load %arg9[%get3A_40] : memref<512xf32, #tpu.memory_space<vmem>>, vector<512xf32>
    %broadcast_in_dim3A_42 = vector.shape_cast %get3A_41 : vector<512xf32> to vector<1x512xf32>
    %add3A_43 = vector.broadcast %broadcast_in_dim3A_42 : vector<1x512xf32> to vector<2000x512xf32>
    %add3A_44 = arith.addf %dot_general3A_39, %add3A_43 : vector<2000x512xf32>
    %max3A_45 = arith.constant 0.000000e+00 : f32
    %max3A_46 = vector.broadcast %max3A_45 : f32 to vector<2000x512xf32>
    %max3A_47 = arith.maximumf %add3A_44, %max3A_46 : vector<2000x512xf32>
    %get3A_48 = arith.constant 0 : index
    %get3A_49 = arith.constant 0 : index
    %get3A_50 = vector.load %arg10[%get3A_48, %get3A_49] : memref<512x1xf32, #tpu.memory_space<vmem>>, vector<512x1xf32>
    %convert_element_type3A_51 = arith.truncf %max3A_47 : vector<2000x512xf32> to vector<2000x512xbf16>
    %convert_element_type3A_52 = arith.truncf %get3A_50 : vector<512x1xf32> to vector<512x1xbf16>
    %dot_general3A_53 = arith.constant dense<0.000000e+00> : vector<2000x1xf32>
    %dot_general3A_54 = tpu.matmul %convert_element_type3A_51, %convert_element_type3A_52, %dot_general3A_53 {dimension_numbers = #tpu.dot_dimension_numbers<[1], [0], [0], [1], [0, 0, 1, 1], [], []>, transpose_lhs_hint = false} : vector<2000x512xbf16>, vector<512x1xbf16>, vector<2000x1xf32> -> vector<2000x1xf32>
    %get3A_55 = arith.constant 0 : index
    %get3A_56 = vector.load %arg11[%get3A_55] : memref<1xf32, #tpu.memory_space<vmem>>, vector<1xf32>
    %broadcast_in_dim3A_57 = vector.shape_cast %get3A_56 : vector<1xf32> to vector<1x1xf32>
    %add3A_58 = vector.broadcast %broadcast_in_dim3A_57 : vector<1x1xf32> to vector<2000x1xf32>
    %add3A_59 = arith.addf %dot_general3A_54, %add3A_58 : vector<2000x1xf32>
    %swap3A_60 = arith.constant 0 : index
    %swap3A_61 = arith.constant 0 : index
    %swap3A_62 = vector.load %arg13[%swap3A_60, %swap3A_61] : memref<2000x1xf32, #tpu.memory_space<vmem>>, vector<2000x1xf32>
    tpu.vector_store %arg13[%swap3A_60, %swap3A_61], %add3A_59 {strides = array<i32>} : memref<2000x1xf32, #tpu.memory_space<vmem>>, vector<2000x1xf32>,
    return
  }
  func.func @transform_0(%arg0: i32) -> (i32, i32) {
    %c0_i32 = arith.constant 0 : i32
    %c0_i32_0 = arith.constant 0 : i32
    return %arg0, %c0_i32 : i32, i32
  }
  func.func @transform_1(%arg0: i32) -> (i32, i32) {
    %c0_i32 = arith.constant 0 : i32
    %c0_i32_0 = arith.constant 0 : i32
    return %arg0, %c0_i32 : i32, i32
  }
  func.func @transform_2(%arg0: i32) -> (i32, i32) {
    %c0_i32 = arith.constant 0 : i32
    %c0_i32_0 = arith.constant 0 : i32
    return %arg0, %c0_i32 : i32, i32
  }
  func.func @transform_3(%arg0: i32) -> (i32, i32) {
    %c0_i32 = arith.constant 0 : i32
    %c0_i32_0 = arith.constant 0 : i32
    return %arg0, %c0_i32 : i32, i32
  }
  func.func @transform_4(%arg0: i32) -> i32 {
    %c0_i32 = arith.constant 0 : i32
    %c0_i32_0 = arith.constant 0 : i32
    return %c0_i32 : i32
  }
  func.func @transform_5(%arg0: i32) -> (i32, i32) {
    %c0_i32 = arith.constant 0 : i32
    %c0_i32_0 = arith.constant 0 : i32
    %c0_i32_1 = arith.constant 0 : i32
    return %c0_i32, %c0_i32_0 : i32, i32
  }
  func.func @transform_6(%arg0: i32) -> i32 {
    %c0_i32 = arith.constant 0 : i32
    %c0_i32_0 = arith.constant 0 : i32
    return %c0_i32 : i32
  }
  func.func @transform_7(%arg0: i32) -> (i32, i32) {
    %c0_i32 = arith.constant 0 : i32
    %c0_i32_0 = arith.constant 0 : i32
    %c0_i32_1 = arith.constant 0 : i32
    return %c0_i32, %c0_i32_0 : i32, i32
  }
  func.func @transform_8(%arg0: i32) -> i32 {
    %c0_i32 = arith.constant 0 : i32
    %c0_i32_0 = arith.constant 0 : i32
    return %c0_i32 : i32
  }
  func.func @transform_9(%arg0: i32) -> (i32, i32) {
    %c0_i32 = arith.constant 0 : i32
    %c0_i32_0 = arith.constant 0 : i32
    %c0_i32_1 = arith.constant 0 : i32
    return %c0_i32, %c0_i32_0 : i32, i32
  }
  func.func @transform_10(%arg0: i32) -> i32 {
    %c0_i32 = arith.constant 0 : i32
    %c0_i32_0 = arith.constant 0 : i32
    return %c0_i32 : i32
  }
  func.func @transform_11(%arg0: i32) -> (i32, i32) {
    %c0_i32 = arith.constant 0 : i32
    %c0_i32_0 = arith.constant 0 : i32
    return %arg0, %c0_i32 : i32, i32
  }
  func.func @transform_12(%arg0: i32) -> (i32, i32) {
    %c0_i32 = arith.constant 0 : i32
    %c0_i32_0 = arith.constant 0 : i32
    return %arg0, %c0_i32 : i32, i32
  }
}

</mosaic_0001>

<sc_bundles>
// kernel: kernel.6.cloned.1.call-start
scs
__scs_entry_jumppad:
0x0: {  	(pc) =	sbr.rel $0x88, $3  }
0x1: {  	(tag) =	ssettag $0x0;
	lr =	simm.s32 $0x1  }
0x2: {  	[smem:$0x3F97] =	sst lr;
	_ =	strace $0xD0000000  }
0x3: {  	_ = 	snop  }
0x4: {  	_ = 	snop  }
0x5: {  	_ = 	snop  }
0x6: {  	_ = 	snop  }
0x7: {  	_ = 	snop  }
__scs_overlays_trampoline_lowered:
0x8: {  	[smem:$0x3FA6] =	sst s0  }
0x9: {  	[smem:$0x3FA7] =	sst s1  }
0xa: {  	[smem:$0x3FA8] =	sst s2  }
0xb: {  	[smem:$0x3FA9] =	sst s3  }
0xc: {  	[smem:$0x3FAA] =	sst s4  }
0xd: {  	[smem:$0x3FAB] =	sst s5  }
0xe: {  	[smem:$0x3FAC] =	sst s6  }
0xf: {  	[smem:$0x3FAD] =	sst s7  }
0x10: {  	[smem:$0x3FAE] =	sst s8  }
0x11: {  	[smem:$0x3FAF] =	sst s9;
	s0 =	simm.s32 @!p0 $0x0  }
0x12: {  	s1 =	sld [smem:$0x3F95];
	s0 =	simm.s32 @p0 $0x1  }
0x13: {  	[smem:$0x3FB0] =	sst s0;
	s0 =	simm.s32 @!p1 $0x0  }
0x14: {  	s2 =	sld [smem:$0x3F94];
	s0 =	simm.s32 @p1 $0x1  }
0x15: {  	[smem:$0x3FB1] =	sst s0;
	s0 =	simm.s32 @!p2 $0x0  }
0x16: {  	s3 =	sld [smem:$0x3FDB];
	s0 =	simm.s32 @p2 $0x1  }
0x17: {  	s4 =	simm.s32 $0x1BF5;
	[smem:$0x3FB3] =	sst s0  }
0x18: {  	s0 =	sld [smem:$0x3F96];
	_ =	swait.ge [sflag:s4], $0x0  }
0x19: {  	s7 =	sld [smem:$0x3F97]  }
0x1a: {  	s8 =	sadd.s32 $0xFFFFE003, lr  }
0x1b: {  	s9 =	sadd.s32 $0xFFFFFEF7, lr;
	s5 =	simm.s32 $0xFFFFFFFF;
	p2 =	slt.u32 s8, $0xFFFFF086  }
0x1c: {  	p1 =	slt.u32 s9, $0xF7A;
	s5 =	simm.s32 @!p2 $0x0  }
0x1d: {  	s5 =	simm.s32 @p1 $0x1;
	p0 =	seq.s32 s7, s2  }
0x1e: {  	s7 =	smul.u32 @!p0 $0xF7A, s2;
	p2 =	seq.s32 @!p0 s5, $0x0  }
0x1f: {  	s9 =	smul.u32 $0xF7A, s1;
	s8 =	simm.s32 @!p0 $0x1BF5;
	p2 =	por !p2, p0  }
0x20: {  	[sflag:s8] =	ssyncset.s32 @!p0 $0xFFFFF086;
	s6 =	sadd.s32 @!p0 s3, s7;
	s7 =	simm.s32 @!p0 $0x108  }
0x21: {  	s3 =	sadd.s32 s3, s9;
	s6 =	sadd.s32 @!p0 $0x88, s6;
	s7 =	simm.s32 @p2 $0x1082  }
0x22: {  	[simem:s7], [sflag:s8] =	dma.local @!p0 [hbm:s6], $0xF7A  }
0x23: {  	s9 =	sor.u32 $0xD0000000, s2;
	s6 =	simm.s32 $0x108;
	_ =	swait.ge @!p0 [sflag:s8], $0x0  }
0x24: {  	s3 =	sadd.s32 $0x88, s3;
	s6 =	simm.s32 @!p1 $0x1082;
	[sflag:s4] =	ssyncset.s32 $0xFFFFF086  }
0x25: {  	[simem:s6], [sflag:s4] =	dma.local [hbm:s3], $0xF7A  }
0x26: {  	[smem:$0x3F97] =	sst s1;
	(tag) =	ssettag s2;
	_ =	strace s9  }
0x27: {  	s1 =	sld [smem:$0x3FA7]  }
0x28: {  	s2 =	sld [smem:$0x3FA8]  }
0x29: {  	s4 =	sld [smem:$0x3FAA]  }
0x2a: {  	p0 =	seq.s32 s5, $0x0;
	s5 =	sld [smem:$0x3FAB]  }
0x2b: {  	s6 =	sld [smem:$0x3FAC]  }
0x2c: {  	s7 =	sld [smem:$0x3FAD]  }
0x2d: {  	s3 =	simm.s32 $0x108;
	s8 =	sld [smem:$0x3FAE]  }
0x2e: {  	s3 =	simm.s32 @!p0 $0x1082;
	s9 =	sld [smem:$0x3FAF]  }
0x2f: {  	lr =	sadd.s32 s0, s3;
	s0 =	sld [smem:$0x3FA6]  }
0x30: {  	s3 =	sld [smem:$0x3FA9]  }
0x31: {  	[smem:$0x3FB2] =	sst s10  }
0x32: {  	s10 =	sld [smem:$0x3FB0];
	_ =	sdelay $0x3  }
0x33: {  	p0 =	seq.s32 s10, $0x1;
	s10 =	sld [smem:$0x3FB2];
	_ =	sdelay $0x3  }
0x34: {  	[smem:$0x3FB2] =	sst s10  }
0x35: {  	s10 =	sld [smem:$0x3FB1];
	_ =	sdelay $0x3  }
0x36: {  	p1 =	seq.s32 s10, $0x1;
	s10 =	sld [smem:$0x3FB2];
	_ =	sdelay $0x3  }
0x37: {  	[smem:$0x3FB2] =	sst s10  }
0x38: {  	s10 =	sld [smem:$0x3FB3]  }
0x39: {  	_ = 	snop;
	(pc) =	sbr.ind lr, $3  }
0x3a: {  	_ = 	snop  }
0x3b: {  	_ = 	snop  }
0x3c: {  	p2 =	seq.s32 s10, $0x1;
	s10 =	sld [smem:$0x3FB2]  }
0x3d: {  	_ =	shalt  }
0x3e: {  	_ =	shalt  }
0x3f: {  	_ =	shalt  }
0x40: {  	_ =	shalt  }
0x41: {  	_ =	shalt  }
0x42: {  	_ =	shalt  }
0x43: {  	_ =	shalt  }
0x44: {  	_ =	shalt  }
0x45: {  	_ =	shalt  }
0x46: {  	_ =	shalt  }
0x47: {  	_ =	shalt  }
0x48: {  	_ =	shalt  }
0x49: {  	_ =	shalt  }
0x4a: {  	_ =	shalt  }
0x4b: {  	_ =	shalt  }
0x4c: {  	_ =	shalt  }
0x4d: {  	_ =	shalt  }
0x4e: {  	_ =	shalt  }
0x4f: {  	_ =	shalt  }
0x50: {  	_ =	shalt  }
0x51: {  	_ =	shalt  }
0x52: {  	_ =	shalt  }
0x53: {  	_ =	shalt  }
0x54: {  	_ =	shalt  }
0x55: {  	_ =	shalt  }
0x56: {  	_ =	shalt  }
0x57: {  	_ =	shalt  }
0x58: {  	_ =	shalt  }
0x59: {  	_ =	shalt  }
0x5a: {  	_ =	shalt  }
0x5b: {  	_ =	shalt  }
0x5c: {  	_ =	shalt  }
0x5d: {  	_ =	shalt  }
0x5e: {  	_ =	shalt  }
0x5f: {  	_ =	shalt  }
0x60: {  	_ =	shalt  }
0x61: {  	_ =	shalt  }
0x62: {  	_ =	shalt  }
0x63: {  	_ =	shalt  }
0x64: {  	_ =	shalt  }
0x65: {  	_ =	shalt  }
0x66: {  	_ =	shalt  }
0x67: {  	_ =	shalt  }
0x68: {  	_ =	shalt  }
0x69: {  	_ =	shalt  }
0x6a: {  	_ =	shalt  }
0x6b: {  	_ =	shalt  }
0x6c: {  	_ =	shalt  }
0x6d: {  	_ =	shalt  }
0x6e: {  	_ =	shalt  }
0x6f: {  	_ =	shalt  }
0x70: {  	_ =	shalt  }
0x71: {  	_ =	shalt  }
0x72: {  	_ =	shalt  }
0x73: {  	_ =	shalt  }
0x74: {  	_ =	shalt  }
0x75: {  	_ =	shalt  }
0x76: {  	_ =	shalt  }
0x77: {  	_ =	shalt  }
0x78: {  	_ =	shalt  }
0x79: {  	_ =	shalt  }
0x7a: {  	_ =	shalt  }
0x7b: {  	_ =	shalt  }
0x7c: {  	_ =	shalt  }
0x7d: {  	_ =	shalt  }
0x7e: {  	_ =	shalt  }
0x7f: {  	_ =	shalt  }
0x80: {  	_ =	shalt  }
0x81: {  	_ =	shalt  }
0x82: {  	_ =	shalt  }
0x83: {  	_ =	shalt  }
0x84: {  	_ =	shalt  }
0x85: {  	_ =	shalt  }
0x86: {  	_ =	shalt  }
0x87: {  	_ =	shalt  }
.Lfunc_end0:
.L_simem_size_0:
called_computation_lowered:
.L_overlay_start_0:
0x88: {  	s2 =	sld [smem:$0x3FD9]  }
0x89: {  	s3 =	sld [smem:$0x3FFE];
	_ =	sdelay $0x1  }
0x8a: {  	s1 =	srdreg.scid  }
0x8b: {  	s0 =	sand.u32 $0x1, s1  }
0x8c: {  	s14 =	sshll.u32 s0, $0xA;
	s2 =	sadd.s32 s3, s2  }
0x8d: {  	s2 =	sadd.s32 s2, s14  }
0x8e: {  	[smem:$0x3FBE] =	sst s2  }
0x8f: {  	_ = 	snop  }
0x90: {  	s2 =	sld [smem:$0x3FD0];
	_ =	sdelay $0x2  }
0x91: {  	s15 =	simm.s32 $0xA;
	s4 =	simm.s32 $0x10  }
0x92: {  	[smem:s4], [sflag:s15] =	dma.local [hbm:s2], $0x1  }
0x93: {  	_ =	swait.eq [sflag:s15], $0x1  }
0x94: {  	[sflag:s15] =	ssyncset.done $0x0  }
0x95: {  	[sflag:s15] =	ssyncadd.s32 $0xFFFFFFFF  }
0x96: {  	s16 =	sld [smem:$0x10];
	(tm) =	ssettm $0x1  }
0x97: {  	s17 =	sld [smem:$0x3FFB];
	_ =	sdelay $0x3  }
0x98: {  	_ =	strace s17  }
0x99: {  	s3 =	sld [smem:$0x3FFC];
	_ =	sdelay $0x3  }
0x9a: {  	_ =	strace s3  }
0x9b: {  	s3 =	sld [smem:$0x3FFD];
	_ =	sdelay $0x3  }
0x9c: {  	_ =	strace s3  }
0x9d: {  	_ =	strace $0x8FFFFFFF  }
0x9e: {  	s18 =	sld [smem:$0x3FDB];
	_ =	sdelay $0x1  }
0x9f: {  	s19 =	simm.s32 $_scs_section_size  }
0xa0: {  	s5 =	simm.s32 $_size__tile_overlayer_lowered;
	s6 =	simm.s32 $_tile_overlayer_lowered  }
0xa1: {  	s22 =	simm.s32 $0x1BFF;
	s21 =	sshll.u32 s6, $0x1;
	s3 =	sadd.s32 s19, s18  }
0xa2: {  	s7 =	simm.s32 $0x0;
	s20 =	sshll.u32 s5, $0x1;
	s5 =	sadd.s32 s21, s3  }
0xa3: {  	[timem:s7], [sflag:s22] =	dma.local [hbm:s5], s20  }
0xa4: {  	_ =	swait.ge [sflag:s22], s20  }
0xa5: {  	s4 =	ssub.s32 $0x0, s20;
	[sflag:s22] =	ssyncset.done $0x0  }
0xa6: {  	[sflag:s22] =	ssyncadd.s32 s4;
	_ =	sdelay $0x1  }
0xa7: {  	s23 =	simm.s32 $0x1B8B  }
0xa8: {  	_ =	swait.ge [sflag:s23], $0x1  }
0xa9: {  	[sflag:s23] =	ssyncset.done $0x0  }
0xaa: {  	s25 =	simm.s32 $0x1B8E;
	s24 =	sld [smem:$0x3FFE];
	[sflag:s23] =	ssyncadd.s32 $0xFFFFFFFF  }
0xab: {  	s26 =	simm.s32 $execute0_lowered;
	[smem:$0x3FD2] =	sst s25  }
0xac: {  	s5 =	sshll.u32 s26, $0x1;
	_ =	strace $0x80000046;
	[dreg:$0x1] =	wrdreg $0xFFFFFFFF  }
0xad: {  	s28 =	simm.s32 $_size_execute0_lowered;
	s3 =	sadd.s32 s3, s5;
	[dreg:$0x0] =	wrdreg $0x0  }
0xae: {  	s5 =	sshll.u32 s28, $0x1;
	[dreg:$0x2] =	wrdreg s3  }
0xaf: {  	[dreg:$0x3] =	wrdreg s5  }
0xb0: {  	[dreg:$0x4] =	wrdreg $0xC0  }
0xb1: {  	_ =	task [dreg:s7], $0x5FFFF  }
0xb2: {  	[dreg:$0x1] =	wrdreg $0xFFFFFFFF  }
0xb3: {  	[dreg:$0x0] =	wrdreg $0x60  }
0xb4: {  	[dreg:$0x2] =	wrdreg s24  }
0xb5: {  	[dreg:$0x3] =	wrdreg s16  }
0xb6: {  	[dreg:$0x4] =	wrdreg $0x5000  }
0xb7: {  	[dreg:$0x5] =	wrdreg $0x9  }
0xb8: {  	_ =	task.clear_ibuf [dreg:s7], $0x6FFFF;
	_ =	strace $0x90000046  }
0xb9: {  	s29 =	simm.s32 $0x9;
	_ =	strace $0x80000048  }
0xba: {  	_ =	swait.ge [sflag:s29], $0x1  }
0xbb: {  	[sflag:s29] =	ssyncadd.s32 $0xFFFFFFFF  }
0xbc: {  	_ =	strace $0x90000048  }
0xbd: {  	_ =	sfence  }
0xbe: {  	s30 =	sld [smem:$0x0];
	_ =	sdelay $0x2  }
0xbf: {  	s31 =	sshll.u32 s1, $0xD;
	s1 =	sshrl.u32 s1, $0x2  }
0xc0: {  	s3 =	sand.u32 $0x4000, s31;
	s1 =	sadd.s32 s1, s30  }
0xc1: {  	s0 =	sor.u32 s3, s0;
	s1 =	sshll.u32 s1, $0x11  }
0xc2: {  	s0 =	sor.u32 s1, s0  }
0xc3: {  	s0 =	sadd.s32 $0x8F2B, s0  }
0xc4: {  	[sflag:s0] =	ssyncadd.remote.s32 $0x1  }
0xc5: {  	_ =	sfence.sel $0xFFFF  }
0xc6: {  	[dreg:$0x0] =	wrdreg $0xFFFFFFFF;
	(pc) =	sbr.abs _section_cstart, $3  }
0xc7: {  	[dreg:$0x1] =	wrdreg $0xFFFFFFFF  }
0xc8: {  	_ =	task.clear_ibuf [dreg:s7], $0x2FFFF;
	_ =	strace $0x9FFFFFFF  }
0xc9: {  	(tm) =	ssettm $0x7FFFFFFF  }
tec
execute0_lowered:
.L_overlay_start_1:
0x0: {  	(tag) =	ssettag $0x1  }
0x1: {  	s0 =	rddreg [dreg:$0x0]  }
0x2: {  	s2 =	rddreg [dreg:$0x1]  }
0x3: {  	s1 =	rddreg [dreg:$0x2]  }
0x4: {  	s3 =	srdreg.scid;
	s15 =	stileid.u32  }
0x5: {  	s30 =	simm.s32 $0x1;
	s31 =	simm.s32 $0x7D;
	s5 =	sand.u32 $0x1, s3  }
0x6: {  	s3 =	simm.s32 $0x0;
	s6 =	smul.u32 $0xA00, s15;
	s9 =	sadd.s32 $0x2580, s1  }
0x7: {  	s10 =	sadd.s32 $0x2600, s1;
	s11 =	sadd.s32 $0x2680, s1;
	s4 =	smul.u32 $0x2800, s5  }
0x8: {  	s12 =	sadd.s32 $0x2700, s1;
	p0 =	seq.s32 s15, $0xF;
	s6 =	sshrl.u32 s6, $0x2  }
0x9: {  	[smem:$0x7FF] =	sst s3;
	s0 =	sadd.s32 s4, s0;
	s4 =	sadd.s32 s6, s1  }
0xa: {  	s7 =	ssub.s32 $0x2, s5;
	s5 =	smul.u32 $0x2710, s5;
	s8 =	sadd.s32 $0x80, s4  }
0xb: {  	_ =	strace $0x80000047;
	s16 =	sadd.s32 $0x100, s4;
	[dreg:$0x4] =	wrdreg s8  }
0xc: {  	s14 =	sshrl.u32 s7, $0x1;
	s17 =	sadd.s32 $0x180, s4;
	[dreg:$0x5] =	wrdreg s16  }
0xd: {  	s6 =	smul.u32 $0x280, s15;
	s18 =	sadd.s32 $0x200, s4;
	[dreg:$0x6] =	wrdreg s17  }
0xe: {  	s7 =	ssub.s32 s7, s14;
	s15 =	simm.s32 $0x300;
	[dreg:$0x7] =	wrdreg s18  }
0xf: {  	s19 =	sadd.s32 s6, s5;
	s13 =	sadd.s32 s6, s1;
	s5 =	sshrl.u32 s5, $0x3  }
0x10: {  	s0 =	sadd.s32 s6, s0;
	s6 =	simm.s32 $0x180;
	s16 =	simm.s32 $0x380  }
0x11: {  	s17 =	simm.s32 $0x0;
	s8 =	sshrl.u32 s19, $0x3;
	s20 =	sadd.s32 $0x80, s13  }
0x12: {  	s22 =	sadd.s32 $0x100, s13;
	s24 =	sadd.s32 $0x180, s13;
	[dreg:$0x8] =	wrdreg s20  }
0x13: {  	s28 =	sadd.s32 $0x200, s13;
	s14 =	sadd.s32 s2, s8;
	[dreg:$0xa] =	wrdreg s22  }
0x14: {  	s2 =	sadd.s32 s2, s5;
	[dreg:$0xc] =	wrdreg s24;
	s24 =	smax.u32 s7, $0x1  }
0x15: {  	s5 =	simm.s32 $0x100;
	s7 =	simm.s32 $0x200;
	s21 =	sadd.s32 $0x10, s14  }
0x16: {  	s8 =	simm.s32 $0x280;
	s23 =	sadd.s32 $0x20, s14;
	[dreg:$0x9] =	wrdreg s21  }
0x17: {  	s25 =	sadd.s32 $0x4B0, s2;
	s26 =	sadd.s32 $0x4C0, s2;
	[dreg:$0xb] =	wrdreg s23  }
0x18: {  	s22 =	sadd.s32 $0x4D0, s2;
	s29 =	sadd.s32 $0x40, s14;
	[dreg:$0xd] =	wrdreg s25  }
0x19: {  	[dreg:$0xe] =	wrdreg s26;
	s23 =	sadd.s32 $0x4E0, s2;
	s25 =	sadd.s32 $0x7600, s0  }
0x1a: {  	v0 =	vimm.f32 $1.000000000e+00;
	s26 =	sadd.s32 $0x30, s14;
	s0 =	simm.s32 $0x400;
	s2 =	simm.s32 $0x80  }
.LBB2_1:
0x1b: {  	[tilespmem:$0x400] =	vst v0  }
0x1c: {  	[tilespmem:$0x410] =	vst v0  }
0x1d: {  	[tilespmem:$0x420] =	vst v0  }
0x1e: {  	[tilespmem:$0x430] =	vst v0  }
0x1f: {  	[tilespmem:$0x440] =	vst v0  }
0x20: {  	[tilespmem:$0x450] =	vst v0  }
0x21: {  	[tilespmem:$0x460] =	vst v0  }
0x22: {  	[tilespmem:$0x470] =	vst v0;
	s18 =	simm.s32 @p0 $0x400;
	s19 =	simm.s32 @p0 $0x1  }
0x23: {  	[spmem:s9] =	stream.linear.scatter @p0 [tilespmem:s18], [sflag:$0x1], $0x80, $0x38;
	[tilespmem:$0x778] =	vst v63  }
0x24: {  	_ =	swait.ge @p0 [sflag:s19], $0x80  }
0x25: {  	[sflag:s19] =	ssyncset.done @p0 $0x0  }
0x26: {  	[sflag:s19] =	ssyncadd.s32 @p0 $0xFFFFFF80  }
0x27: {  	[spmem:s10] =	stream.linear.scatter @p0 [tilespmem:s18], [sflag:$0x1], $0x80, $0x38;
	[tilespmem:$0x778] =	vst v63  }
0x28: {  	_ =	swait.ge @p0 [sflag:s19], $0x80  }
0x29: {  	[sflag:s19] =	ssyncset.done @p0 $0x0  }
0x2a: {  	[sflag:s19] =	ssyncadd.s32 @p0 $0xFFFFFF80  }
0x2b: {  	[spmem:s11] =	stream.linear.scatter @p0 [tilespmem:s18], [sflag:$0x1], $0x80, $0x38;
	[tilespmem:$0x778] =	vst v63  }
0x2c: {  	_ =	swait.ge @p0 [sflag:s19], $0x80  }
0x2d: {  	[sflag:s19] =	ssyncset.done @p0 $0x0  }
0x2e: {  	[sflag:s19] =	ssyncadd.s32 @p0 $0xFFFFFF80  }
0x2f: {  	[spmem:s12] =	stream.linear.scatter @p0 [tilespmem:s18], [sflag:$0x1], $0x10, $0x38;
	[tilespmem:$0x778] =	vst v63  }
0x30: {  	_ =	swait.ge @p0 [sflag:s19], $0x10  }
0x31: {  	[sflag:s19] =	ssyncset.done @p0 $0x0  }
0x32: {  	s18 =	simm.s32 @!p0 $0x400;
	[sflag:s19] =	ssyncadd.s32 @p0 $0xFFFFFFF0;
	s19 =	simm.s32 @!p0 $0x1  }
0x33: {  	[spmem:s4] =	stream.linear.scatter @!p0 [tilespmem:s18], [sflag:$0x1], $0x80, $0x38;
	[tilespmem:$0x778] =	vst v63  }
0x34: {  	_ =	swait.ge @!p0 [sflag:s19], $0x80  }
0x35: {  	[sflag:s19] =	ssyncset.done @!p0 $0x0  }
0x36: {  	s20 =	rddreg [dreg:$0x4];
	[sflag:s19] =	ssyncadd.s32 @!p0 $0xFFFFFF80  }
0x37: {  	[spmem:s20] =	stream.linear.scatter @!p0 [tilespmem:s18], [sflag:$0x1], $0x80, $0x38;
	[tilespmem:$0x778] =	vst v63  }
0x38: {  	_ =	swait.ge @!p0 [sflag:s19], $0x80  }
0x39: {  	[sflag:s19] =	ssyncset.done @!p0 $0x0  }
0x3a: {  	s20 =	rddreg [dreg:$0x5];
	[sflag:s19] =	ssyncadd.s32 @!p0 $0xFFFFFF80  }
0x3b: {  	[spmem:s20] =	stream.linear.scatter @!p0 [tilespmem:s18], [sflag:$0x1], $0x80, $0x38;
	[tilespmem:$0x778] =	vst v63  }
0x3c: {  	_ =	swait.ge @!p0 [sflag:s19], $0x80  }
0x3d: {  	[sflag:s19] =	ssyncset.done @!p0 $0x0  }
0x3e: {  	s20 =	rddreg [dreg:$0x6];
	[sflag:s19] =	ssyncadd.s32 @!p0 $0xFFFFFF80  }
0x3f: {  	[spmem:s20] =	stream.linear.scatter @!p0 [tilespmem:s18], [sflag:$0x1], $0x80, $0x38;
	[tilespmem:$0x778] =	vst v63  }
0x40: {  	_ =	swait.ge @!p0 [sflag:s19], $0x80  }
0x41: {  	[sflag:s19] =	ssyncset.done @!p0 $0x0  }
0x42: {  	s20 =	rddreg [dreg:$0x7];
	[sflag:s19] =	ssyncadd.s32 @!p0 $0xFFFFFF80  }
0x43: {  	[spmem:s20] =	stream.linear.scatter @!p0 [tilespmem:s18], [sflag:$0x1], $0x80, $0x38;
	[tilespmem:$0x778] =	vst v63  }
0x44: {  	_ =	swait.ge @!p0 [sflag:s19], $0x80  }
0x45: {  	[sflag:s19] =	ssyncset.done @!p0 $0x0  }
0x46: {  	[sflag:s19] =	ssyncadd.s32 @!p0 $0xFFFFFF80  }
0x47: {  	s21 =	sadd.s32 $0x0, s25;
	[bflag:$0x0] =	sbarrier.arrive $0xFFFF  }
0x48: {  	[tilespmem:s3], [sflag:$0x1] =	stream.linear.gather [hbm4b:s21+s3], $0x400, $0x38;
	[tilespmem:$0x778] =	vst v63  }
0x49: {  	_ =	swait.ge [sflag:s30], $0x400  }
0x4a: {  	[sflag:s30] =	ssyncset.done $0x0  }
0x4b: {  	[sflag:s30] =	ssyncadd.s32 $0xFFFFFC00  }
0x4c: {  	[spmem:s1] =	stream.indirect.scatter.add.f32 [tilespmem:s0], [sflag:$0x1], $0x1, s3, s31, $0xb8;
	[tilespmem:$0x778] =	vst v63  }
0x4d: {  	_ =	swait.ge [sflag:s30], $0x7D  }
0x4e: {  	[sflag:s30] =	ssyncset.done $0x0  }
0x4f: {  	[sflag:s30] =	ssyncadd.s32 $0xFFFFFF83  }
0x50: {  	[spmem:s1] =	stream.indirect.scatter.add.f32 [tilespmem:s0], [sflag:$0x1], $0x1, s2, s31, $0xb8;
	[tilespmem:$0x778] =	vst v63  }
0x51: {  	_ =	swait.ge [sflag:s30], $0x7D  }
0x52: {  	[sflag:s30] =	ssyncset.done $0x0  }
0x53: {  	[sflag:s30] =	ssyncadd.s32 $0xFFFFFF83  }
0x54: {  	[spmem:s1] =	stream.indirect.scatter.add.f32 [tilespmem:s0], [sflag:$0x1], $0x1, s5, s31, $0xb8;
	[tilespmem:$0x778] =	vst v63  }
0x55: {  	_ =	swait.ge [sflag:s30], $0x7D  }
0x56: {  	[sflag:s30] =	ssyncset.done $0x0  }
0x57: {  	[sflag:s30] =	ssyncadd.s32 $0xFFFFFF83  }
0x58: {  	[spmem:s1] =	stream.indirect.scatter.add.f32 [tilespmem:s0], [sflag:$0x1], $0x1, s6, s31, $0xb8;
	[tilespmem:$0x778] =	vst v63  }
0x59: {  	_ =	swait.ge [sflag:s30], $0x7D  }
0x5a: {  	[sflag:s30] =	ssyncset.done $0x0  }
0x5b: {  	[sflag:s30] =	ssyncadd.s32 $0xFFFFFF83  }
0x5c: {  	[spmem:s1] =	stream.indirect.scatter.add.f32 [tilespmem:s0], [sflag:$0x1], $0x1, s7, s31, $0xb8;
	[tilespmem:$0x778] =	vst v63  }
0x5d: {  	_ =	swait.ge [sflag:s30], $0x7D  }
0x5e: {  	[sflag:s30] =	ssyncset.done $0x0  }
0x5f: {  	[sflag:s30] =	ssyncadd.s32 $0xFFFFFF83  }
0x60: {  	[spmem:s1] =	stream.indirect.scatter.add.f32 [tilespmem:s0], [sflag:$0x1], $0x1, s8, s31, $0xb8;
	[tilespmem:$0x778] =	vst v63  }
0x61: {  	_ =	swait.ge [sflag:s30], $0x7D  }
0x62: {  	[sflag:s30] =	ssyncset.done $0x0  }
0x63: {  	[sflag:s30] =	ssyncadd.s32 $0xFFFFFF83  }
0x64: {  	[spmem:s1] =	stream.indirect.scatter.add.f32 [tilespmem:s0], [sflag:$0x1], $0x1, s15, s31, $0xb8;
	[tilespmem:$0x778] =	vst v63  }
0x65: {  	_ =	swait.ge [sflag:s30], $0x7D  }
0x66: {  	[sflag:s30] =	ssyncset.done $0x0  }
0x67: {  	[sflag:s30] =	ssyncadd.s32 $0xFFFFFF83  }
0x68: {  	[spmem:s1] =	stream.indirect.scatter.add.f32 [tilespmem:s0], [sflag:$0x1], $0x1, s16, s31, $0xb8;
	[tilespmem:$0x778] =	vst v63  }
0x69: {  	_ =	swait.ge [sflag:s30], $0x7D  }
0x6a: {  	s18 =	simm.s32 $0x80;
	s19 =	simm.s32 $0x100;
	[sflag:s30] =	ssyncset.done $0x0  }
.LBB2_2:
0x6b: {  	s21 =	sadd.s32 s18, s25  }
0x6c: {  	[sflag:s30] =	ssyncadd.s32 $0xFFFFFF83;
	s18 =	smov.u32 s19;
	s20 =	sadd.s32 $0x80, s19  }
0x6d: {  	[tilespmem:s3], [sflag:$0x1] =	stream.linear.gather [hbm4b:s21+s3], $0x400, $0x38;
	[tilespmem:$0x778] =	vst v63  }
0x6e: {  	p1 =	sne.s32 s19, $0x200;
	_ =	swait.ge [sflag:s30], $0x400  }
0x6f: {  	[sflag:s30] =	ssyncset.done $0x0  }
0x70: {  	[sflag:s30] =	ssyncadd.s32 $0xFFFFFC00  }
0x71: {  	[spmem:s1] =	stream.indirect.scatter.add.f32 [tilespmem:s0], [sflag:$0x1], $0x1, s3, s31, $0xb8;
	[tilespmem:$0x778] =	vst v63  }
0x72: {  	_ =	swait.ge [sflag:s30], $0x7D  }
0x73: {  	[sflag:s30] =	ssyncset.done $0x0  }
0x74: {  	[sflag:s30] =	ssyncadd.s32 $0xFFFFFF83  }
0x75: {  	[spmem:s1] =	stream.indirect.scatter.add.f32 [tilespmem:s0], [sflag:$0x1], $0x1, s2, s31, $0xb8;
	[tilespmem:$0x778] =	vst v63  }
0x76: {  	_ =	swait.ge [sflag:s30], $0x7D  }
0x77: {  	[sflag:s30] =	ssyncset.done $0x0  }
0x78: {  	[sflag:s30] =	ssyncadd.s32 $0xFFFFFF83  }
0x79: {  	[spmem:s1] =	stream.indirect.scatter.add.f32 [tilespmem:s0], [sflag:$0x1], $0x1, s5, s31, $0xb8;
	[tilespmem:$0x778] =	vst v63  }
0x7a: {  	_ =	swait.ge [sflag:s30], $0x7D  }
0x7b: {  	[sflag:s30] =	ssyncset.done $0x0  }
0x7c: {  	[sflag:s30] =	ssyncadd.s32 $0xFFFFFF83  }
0x7d: {  	[spmem:s1] =	stream.indirect.scatter.add.f32 [tilespmem:s0], [sflag:$0x1], $0x1, s6, s31, $0xb8;
	[tilespmem:$0x778] =	vst v63  }
0x7e: {  	_ =	swait.ge [sflag:s30], $0x7D  }
0x7f: {  	[sflag:s30] =	ssyncset.done $0x0  }
0x80: {  	[sflag:s30] =	ssyncadd.s32 $0xFFFFFF83  }
0x81: {  	[spmem:s1] =	stream.indirect.scatter.add.f32 [tilespmem:s0], [sflag:$0x1], $0x1, s7, s31, $0xb8;
	[tilespmem:$0x778] =	vst v63  }
0x82: {  	_ =	swait.ge [sflag:s30], $0x7D  }
0x83: {  	[sflag:s30] =	ssyncset.done $0x0  }
0x84: {  	[sflag:s30] =	ssyncadd.s32 $0xFFFFFF83  }
0x85: {  	[spmem:s1] =	stream.indirect.scatter.add.f32 [tilespmem:s0], [sflag:$0x1], $0x1, s8, s31, $0xb8;
	[tilespmem:$0x778] =	vst v63  }
0x86: {  	_ =	swait.ge [sflag:s30], $0x7D  }
0x87: {  	[sflag:s30] =	ssyncset.done $0x0  }
0x88: {  	[sflag:s30] =	ssyncadd.s32 $0xFFFFFF83  }
0x89: {  	[spmem:s1] =	stream.indirect.scatter.add.f32 [tilespmem:s0], [sflag:$0x1], $0x1, s15, s31, $0xb8;
	[tilespmem:$0x778] =	vst v63  }
0x8a: {  	_ =	swait.ge [sflag:s30], $0x7D  }
.Ltmp0:
0x8b: {  	[sflag:s30] =	ssyncset.done $0x0;
	(pc) =	sbr.rel @p1 .LBB2_2-.Ltmp0, $4  }
0x8c: {  	[sflag:s30] =	ssyncadd.s32 $0xFFFFFF83  }
0x8d: {  	[spmem:s1] =	stream.indirect.scatter.add.f32 [tilespmem:s0], [sflag:$0x1], $0x1, s16, s31, $0xb8;
	[tilespmem:$0x778] =	vst v63  }
0x8e: {  	_ =	swait.ge [sflag:s30], $0x7D  }
0x8f: {  	s19 =	smov.u32 s20;
	[sflag:s30] =	ssyncset.done $0x0  }
0x90: {  	s18 =	sadd.s32 s18, s25;
	[sflag:s30] =	ssyncadd.s32 $0xFFFFFF83  }
0x91: {  	[tilespmem:s3], [sflag:$0x1] =	stream.linear.gather [hbm4b:s18+s3], $0x400, $0x38;
	[tilespmem:$0x778] =	vst v63  }
0x92: {  	_ =	swait.ge [sflag:s30], $0x400  }
0x93: {  	[sflag:s30] =	ssyncset.done $0x0  }
0x94: {  	[sflag:s30] =	ssyncadd.s32 $0xFFFFFC00  }
0x95: {  	[spmem:s1] =	stream.indirect.scatter.add.f32 [tilespmem:s0], [sflag:$0x1], $0x1, s3, s31, $0xb8;
	[tilespmem:$0x778] =	vst v63  }
0x96: {  	_ =	swait.ge [sflag:s30], $0x7D  }
0x97: {  	[sflag:s30] =	ssyncset.done $0x0  }
0x98: {  	[sflag:s30] =	ssyncadd.s32 $0xFFFFFF83  }
0x99: {  	[spmem:s1] =	stream.indirect.scatter.add.f32 [tilespmem:s0], [sflag:$0x1], $0x1, s2, s31, $0xb8;
	[tilespmem:$0x778] =	vst v63  }
0x9a: {  	_ =	swait.ge [sflag:s30], $0x7D  }
0x9b: {  	[sflag:s30] =	ssyncset.done $0x0  }
0x9c: {  	[sflag:s30] =	ssyncadd.s32 $0xFFFFFF83  }
0x9d: {  	[spmem:s1] =	stream.indirect.scatter.add.f32 [tilespmem:s0], [sflag:$0x1], $0x1, s5, s31, $0xb8;
	[tilespmem:$0x778] =	vst v63  }
0x9e: {  	_ =	swait.ge [sflag:s30], $0x7D  }
0x9f: {  	[sflag:s30] =	ssyncset.done $0x0  }
0xa0: {  	[sflag:s30] =	ssyncadd.s32 $0xFFFFFF83  }
0xa1: {  	[spmem:s1] =	stream.indirect.scatter.add.f32 [tilespmem:s0], [sflag:$0x1], $0x1, s6, s31, $0xb8;
	[tilespmem:$0x778] =	vst v63  }
0xa2: {  	_ =	swait.ge [sflag:s30], $0x7D  }
0xa3: {  	[sflag:s30] =	ssyncset.done $0x0  }
0xa4: {  	[sflag:s30] =	ssyncadd.s32 $0xFFFFFF83  }
0xa5: {  	[spmem:s1] =	stream.indirect.scatter.add.f32 [tilespmem:s0], [sflag:$0x1], $0x1, s7, s31, $0xb8;
	[tilespmem:$0x778] =	vst v63  }
0xa6: {  	_ =	swait.ge [sflag:s30], $0x7D  }
0xa7: {  	[sflag:s30] =	ssyncset.done $0x0  }
0xa8: {  	[sflag:s30] =	ssyncadd.s32 $0xFFFFFF83  }
0xa9: {  	[spmem:s1] =	stream.indirect.scatter.add.f32 [tilespmem:s0], [sflag:$0x1], $0x1, s8, s31, $0xb8;
	[tilespmem:$0x778] =	vst v63  }
0xaa: {  	_ =	swait.ge [sflag:s30], $0x7D  }
0xab: {  	[sflag:s30] =	ssyncset.done $0x0  }
0xac: {  	[sflag:s30] =	ssyncadd.s32 $0xFFFFFF83  }
0xad: {  	[spmem:s1] =	stream.indirect.scatter.add.f32 [tilespmem:s0], [sflag:$0x1], $0x1, s15, s31, $0xb8;
	[tilespmem:$0x778] =	vst v63  }
0xae: {  	_ =	swait.ge [sflag:s30], $0x7D  }
0xaf: {  	[sflag:s30] =	ssyncset.done $0x0  }
0xb0: {  	[sflag:s30] =	ssyncadd.s32 $0xFFFFFF83  }
0xb1: {  	[spmem:s1] =	stream.indirect.scatter.add.f32 [tilespmem:s0], [sflag:$0x1], $0x1, s16, s31, $0xb8;
	[tilespmem:$0x778] =	vst v63  }
0xb2: {  	_ =	swait.ge [sflag:s30], $0x7D  }
0xb3: {  	[sflag:s30] =	ssyncset.done $0x0  }
0xb4: {  	[sflag:s30] =	ssyncadd.s32 $0xFFFFFF83  }
0xb5: {  	s19 =	simm.s32 @p0 $0x1;
	s18 =	simm.s32 @p0 $0x480;
	[bflag:$0x0] =	sbarrier.arrive $0xFFFF  }
0xb6: {  	[tilespmem:s18], [sflag:$0x1] =	stream.linear.gather @p0 [spmem:s9], $0x80, $0x38;
	[tilespmem:$0x778] =	vst v63  }
0xb7: {  	_ =	swait.ge @p0 [sflag:s19], $0x80  }
0xb8: {  	[sflag:s19] =	ssyncset.done @p0 $0x0  }
0xb9: {  	s20 =	simm.s32 @p0 $0x0;
	s21 =	rddreg [dreg:$0xd];
	[sflag:s19] =	ssyncadd.s32 @p0 $0xFFFFFF80  }
0xba: {  	[hbm4b:s21+s20] =	stream.linear.scatter @p0 [tilespmem:s18], [sflag:$0x1], $0x80, $0x38;
	[tilespmem:$0x778] =	vst v63  }
0xbb: {  	_ =	swait.ge @p0 [sflag:s19], $0x80  }
0xbc: {  	[sflag:s19] =	ssyncset.done @p0 $0x0  }
0xbd: {  	[sflag:s19] =	ssyncadd.s32 @p0 $0xFFFFFF80  }
0xbe: {  	[tilespmem:s18], [sflag:$0x1] =	stream.linear.gather @p0 [spmem:s10], $0x80, $0x38;
	[tilespmem:$0x778] =	vst v63  }
0xbf: {  	_ =	swait.ge @p0 [sflag:s19], $0x80  }
0xc0: {  	[sflag:s19] =	ssyncset.done @p0 $0x0  }
0xc1: {  	s21 =	rddreg [dreg:$0xe];
	[sflag:s19] =	ssyncadd.s32 @p0 $0xFFFFFF80  }
0xc2: {  	[hbm4b:s21+s20] =	stream.linear.scatter @p0 [tilespmem:s18], [sflag:$0x1], $0x80, $0x38;
	[tilespmem:$0x778] =	vst v63  }
0xc3: {  	_ =	swait.ge @p0 [sflag:s19], $0x80  }
0xc4: {  	[sflag:s19] =	ssyncset.done @p0 $0x0  }
0xc5: {  	[sflag:s19] =	ssyncadd.s32 @p0 $0xFFFFFF80  }
0xc6: {  	[tilespmem:s18], [sflag:$0x1] =	stream.linear.gather @p0 [spmem:s11], $0x80, $0x38;
	[tilespmem:$0x778] =	vst v63  }
0xc7: {  	_ =	swait.ge @p0 [sflag:s19], $0x80  }
0xc8: {  	[sflag:s19] =	ssyncset.done @p0 $0x0  }
0xc9: {  	[sflag:s19] =	ssyncadd.s32 @p0 $0xFFFFFF80  }
0xca: {  	[hbm4b:s22+s20] =	stream.linear.scatter @p0 [tilespmem:s18], [sflag:$0x1], $0x80, $0x38;
	[tilespmem:$0x778] =	vst v63  }
0xcb: {  	_ =	swait.ge @p0 [sflag:s19], $0x80  }
0xcc: {  	[sflag:s19] =	ssyncset.done @p0 $0x0  }
0xcd: {  	[sflag:s19] =	ssyncadd.s32 @p0 $0xFFFFFF80  }
0xce: {  	[tilespmem:s18], [sflag:$0x1] =	stream.linear.gather @p0 [spmem:s12], $0x10, $0x38;
	[tilespmem:$0x778] =	vst v63  }
0xcf: {  	_ =	swait.ge @p0 [sflag:s19], $0x10  }
0xd0: {  	[sflag:s19] =	ssyncset.done @p0 $0x0  }
0xd1: {  	[sflag:s19] =	ssyncadd.s32 @p0 $0xFFFFFFF0  }
0xd2: {  	[hbm4b:s23+s20] =	stream.linear.scatter @p0 [tilespmem:s18], [sflag:$0x1], $0x10, $0x38;
	[tilespmem:$0x778] =	vst v63  }
0xd3: {  	_ =	swait.ge @p0 [sflag:s19], $0x10  }
0xd4: {  	[sflag:s19] =	ssyncset.done @p0 $0x0  }
0xd5: {  	s18 =	simm.s32 @!p0 $0x480;
	[sflag:s19] =	ssyncadd.s32 @p0 $0xFFFFFFF0;
	s19 =	simm.s32 @!p0 $0x1  }
0xd6: {  	[tilespmem:s18], [sflag:$0x1] =	stream.linear.gather @!p0 [spmem:s13], $0x80, $0x38;
	[tilespmem:$0x778] =	vst v63  }
0xd7: {  	_ =	swait.ge @!p0 [sflag:s19], $0x80  }
0xd8: {  	[sflag:s19] =	ssyncset.done @!p0 $0x0  }
0xd9: {  	s20 =	simm.s32 @!p0 $0x0;
	[sflag:s19] =	ssyncadd.s32 @!p0 $0xFFFFFF80  }
0xda: {  	[hbm4b:s14+s20] =	stream.linear.scatter @!p0 [tilespmem:s18], [sflag:$0x1], $0x80, $0x38;
	[tilespmem:$0x778] =	vst v63  }
0xdb: {  	_ =	swait.ge @!p0 [sflag:s19], $0x80  }
0xdc: {  	[sflag:s19] =	ssyncset.done @!p0 $0x0  }
0xdd: {  	s21 =	rddreg [dreg:$0x8];
	[sflag:s19] =	ssyncadd.s32 @!p0 $0xFFFFFF80  }
0xde: {  	[tilespmem:s18], [sflag:$0x1] =	stream.linear.gather @!p0 [spmem:s21], $0x80, $0x38;
	[tilespmem:$0x778] =	vst v63  }
0xdf: {  	_ =	swait.ge @!p0 [sflag:s19], $0x80  }
0xe0: {  	[sflag:s19] =	ssyncset.done @!p0 $0x0  }
0xe1: {  	s21 =	rddreg [dreg:$0x9];
	[sflag:s19] =	ssyncadd.s32 @!p0 $0xFFFFFF80  }
0xe2: {  	[hbm4b:s21+s20] =	stream.linear.scatter @!p0 [tilespmem:s18], [sflag:$0x1], $0x80, $0x38;
	[tilespmem:$0x778] =	vst v63  }
0xe3: {  	_ =	swait.ge @!p0 [sflag:s19], $0x80  }
0xe4: {  	[sflag:s19] =	ssyncset.done @!p0 $0x0  }
0xe5: {  	s21 =	rddreg [dreg:$0xa];
	[sflag:s19] =	ssyncadd.s32 @!p0 $0xFFFFFF80  }
0xe6: {  	[tilespmem:s18], [sflag:$0x1] =	stream.linear.gather @!p0 [spmem:s21], $0x80, $0x38;
	[tilespmem:$0x778] =	vst v63  }
0xe7: {  	_ =	swait.ge @!p0 [sflag:s19], $0x80  }
0xe8: {  	[sflag:s19] =	ssyncset.done @!p0 $0x0  }
0xe9: {  	s21 =	rddreg [dreg:$0xb];
	[sflag:s19] =	ssyncadd.s32 @!p0 $0xFFFFFF80  }
0xea: {  	[hbm4b:s21+s20] =	stream.linear.scatter @!p0 [tilespmem:s18], [sflag:$0x1], $0x80, $0x38;
	[tilespmem:$0x778] =	vst v63  }
0xeb: {  	_ =	swait.ge @!p0 [sflag:s19], $0x80  }
0xec: {  	[sflag:s19] =	ssyncset.done @!p0 $0x0  }
0xed: {  	s21 =	rddreg [dreg:$0xc];
	[sflag:s19] =	ssyncadd.s32 @!p0 $0xFFFFFF80  }
0xee: {  	[tilespmem:s18], [sflag:$0x1] =	stream.linear.gather @!p0 [spmem:s21], $0x80, $0x38;
	[tilespmem:$0x778] =	vst v63  }
0xef: {  	_ =	swait.ge @!p0 [sflag:s19], $0x80  }
0xf0: {  	[sflag:s19] =	ssyncset.done @!p0 $0x0  }
0xf1: {  	[sflag:s19] =	ssyncadd.s32 @!p0 $0xFFFFFF80  }
0xf2: {  	[hbm4b:s26+s20] =	stream.linear.scatter @!p0 [tilespmem:s18], [sflag:$0x1], $0x80, $0x38;
	[tilespmem:$0x778] =	vst v63  }
0xf3: {  	_ =	swait.ge @!p0 [sflag:s19], $0x80  }
0xf4: {  	[sflag:s19] =	ssyncset.done @!p0 $0x0  }
0xf5: {  	[sflag:s19] =	ssyncadd.s32 @!p0 $0xFFFFFF80  }
0xf6: {  	[tilespmem:s18], [sflag:$0x1] =	stream.linear.gather @!p0 [spmem:s28], $0x80, $0x38;
	[tilespmem:$0x778] =	vst v63  }
0xf7: {  	s17 =	sadd.s32 $0x1, s17;
	_ =	swait.ge @!p0 [sflag:s19], $0x80  }
0xf8: {  	p1 =	sne.s32 s17, s24;
	[sflag:s19] =	ssyncset.done @!p0 $0x0  }
.Ltmp1:
0xf9: {  	[sflag:s19] =	ssyncadd.s32 @!p0 $0xFFFFFF80;
	(pc) =	sbr.rel @p1 .LBB2_1-.Ltmp1, $4  }
0xfa: {  	[hbm4b:s29+s20] =	stream.linear.scatter @!p0 [tilespmem:s18], [sflag:$0x1], $0x80, $0x38;
	[tilespmem:$0x778] =	vst v63  }
0xfb: {  	_ =	swait.ge @!p0 [sflag:s19], $0x80  }
0xfc: {  	[sflag:s19] =	ssyncset.done @!p0 $0x0  }
0xfd: {  	[sflag:s19] =	ssyncadd.s32 @!p0 $0xFFFFFF80  }
0xfe: {  	_ =	sfence.sel $0x180000  }
0xff: {  	[bflag:$0x0] =	sbarrier.arrive $0xFFFF  }
0x100: {  	_ =	strace $0x90000047  }
0x101: {  	s0 =	stileid.u32;
	[bflag:$0x2] =	sbarrier.arrive $0xFFFF  }
0x102: {  	p0 =	sne.s32 s0, $0x0;
	s0 =	rddreg [dreg:$0x3]  }
0x103: {  	s0 =	sadd.s32 @!p0 $0x100000, s0  }
0x104: {  	[sflag:s0] =	ssyncadd.tile.s32 @!p0 $0x1;
	_ =	shalt  }
.Lfunc_end2:
_tile_overlayer_lowered:
.L_overlay_start_2:
0x105: {  	(tag) =	ssettag $0x2  }
0x106: {  	s0 =	rddreg [dreg:$0x0];
	s2 =	stileid.u32  }
0x107: {  	s1 =	rddreg [dreg:$0x1];
	p0 =	sne.s32 s2, $0x0  }
0x108: {  	s3 =	rddreg [dreg:$0x2];
	[bflag:$0x3] =	sbarrier.arrive $0xFFFF;
	s2 =	simm.s32 @!p0 $0x1C01  }
0x109: {  	[timem:s3], [sflag:s2] =	dma.local @!p0 [hbm:s0], s1  }
0x10a: {  	s0 =	simm.s32 @!p0 $0x1  }
0x10b: {  	_ =	swait.ge @!p0 [sflag:s0], s1  }
0x10c: {  	s1 =	ssub.s32 @!p0 $0x0, s1;
	[sflag:s0] =	ssyncset.done @!p0 $0x0  }
0x10d: {  	[sflag:s0] =	ssyncadd.s32 @!p0 s1  }
0x10e: {  	[bflag:$0x3] =	sbarrier.arrive $0xFFFF  }
0x10f: {  	_ =	shalt  }

// kernel: kernel.9.cloned.1.call-start
scs
__scs_entry_jumppad:
0x0: {  	(pc) =	sbr.rel $0x88, $3  }
0x1: {  	(tag) =	ssettag $0x0;
	lr =	simm.s32 $0x1  }
0x2: {  	[smem:$0x3F97] =	sst lr;
	_ =	strace $0xD0000000  }
0x3: {  	_ = 	snop  }
0x4: {  	_ = 	snop  }
0x5: {  	_ = 	snop  }
0x6: {  	_ = 	snop  }
0x7: {  	_ = 	snop  }
__scs_overlays_trampoline_lowered:
0x8: {  	[smem:$0x3FA6] =	sst s0  }
0x9: {  	[smem:$0x3FA7] =	sst s1  }
0xa: {  	[smem:$0x3FA8] =	sst s2  }
0xb: {  	[smem:$0x3FA9] =	sst s3  }
0xc: {  	[smem:$0x3FAA] =	sst s4  }
0xd: {  	[smem:$0x3FAB] =	sst s5  }
0xe: {  	[smem:$0x3FAC] =	sst s6  }
0xf: {  	[smem:$0x3FAD] =	sst s7  }
0x10: {  	[smem:$0x3FAE] =	sst s8  }
0x11: {  	[smem:$0x3FAF] =	sst s9;
	s0 =	simm.s32 @!p0 $0x0  }
0x12: {  	s1 =	sld [smem:$0x3F95];
	s0 =	simm.s32 @p0 $0x1  }
0x13: {  	[smem:$0x3FB0] =	sst s0;
	s0 =	simm.s32 @!p1 $0x0  }
0x14: {  	s2 =	sld [smem:$0x3F94];
	s0 =	simm.s32 @p1 $0x1  }
0x15: {  	[smem:$0x3FB1] =	sst s0;
	s0 =	simm.s32 @!p2 $0x0  }
0x16: {  	s3 =	sld [smem:$0x3FDB];
	s0 =	simm.s32 @p2 $0x1  }
0x17: {  	s4 =	simm.s32 $0x1BF5;
	[smem:$0x3FB3] =	sst s0  }
0x18: {  	s0 =	sld [smem:$0x3F96];
	_ =	swait.ge [sflag:s4], $0x0  }
0x19: {  	s7 =	sld [smem:$0x3F97]  }
0x1a: {  	s8 =	sadd.s32 $0xFFFFE003, lr  }
0x1b: {  	s9 =	sadd.s32 $0xFFFFFEF7, lr;
	s5 =	simm.s32 $0xFFFFFFFF;
	p2 =	slt.u32 s8, $0xFFFFF086  }
0x1c: {  	p1 =	slt.u32 s9, $0xF7A;
	s5 =	simm.s32 @!p2 $0x0  }
0x1d: {  	s5 =	simm.s32 @p1 $0x1;
	p0 =	seq.s32 s7, s2  }
0x1e: {  	s7 =	smul.u32 @!p0 $0xF7A, s2;
	p2 =	seq.s32 @!p0 s5, $0x0  }
0x1f: {  	s9 =	smul.u32 $0xF7A, s1;
	s8 =	simm.s32 @!p0 $0x1BF5;
	p2 =	por !p2, p0  }
0x20: {  	[sflag:s8] =	ssyncset.s32 @!p0 $0xFFFFF086;
	s6 =	sadd.s32 @!p0 s3, s7;
	s7 =	simm.s32 @!p0 $0x108  }
0x21: {  	s3 =	sadd.s32 s3, s9;
	s6 =	sadd.s32 @!p0 $0x88, s6;
	s7 =	simm.s32 @p2 $0x1082  }
0x22: {  	[simem:s7], [sflag:s8] =	dma.local @!p0 [hbm:s6], $0xF7A  }
0x23: {  	s9 =	sor.u32 $0xD0000000, s2;
	s6 =	simm.s32 $0x108;
	_ =	swait.ge @!p0 [sflag:s8], $0x0  }
0x24: {  	s3 =	sadd.s32 $0x88, s3;
	s6 =	simm.s32 @!p1 $0x1082;
	[sflag:s4] =	ssyncset.s32 $0xFFFFF086  }
0x25: {  	[simem:s6], [sflag:s4] =	dma.local [hbm:s3], $0xF7A  }
0x26: {  	[smem:$0x3F97] =	sst s1;
	(tag) =	ssettag s2;
	_ =	strace s9  }
0x27: {  	s1 =	sld [smem:$0x3FA7]  }
0x28: {  	s2 =	sld [smem:$0x3FA8]  }
0x29: {  	s4 =	sld [smem:$0x3FAA]  }
0x2a: {  	p0 =	seq.s32 s5, $0x0;
	s5 =	sld [smem:$0x3FAB]  }
0x2b: {  	s6 =	sld [smem:$0x3FAC]  }
0x2c: {  	s7 =	sld [smem:$0x3FAD]  }
0x2d: {  	s3 =	simm.s32 $0x108;
	s8 =	sld [smem:$0x3FAE]  }
0x2e: {  	s3 =	simm.s32 @!p0 $0x1082;
	s9 =	sld [smem:$0x3FAF]  }
0x2f: {  	lr =	sadd.s32 s0, s3;
	s0 =	sld [smem:$0x3FA6]  }
0x30: {  	s3 =	sld [smem:$0x3FA9]  }
0x31: {  	[smem:$0x3FB2] =	sst s10  }
0x32: {  	s10 =	sld [smem:$0x3FB0];
	_ =	sdelay $0x3  }
0x33: {  	p0 =	seq.s32 s10, $0x1;
	s10 =	sld [smem:$0x3FB2];
	_ =	sdelay $0x3  }
0x34: {  	[smem:$0x3FB2] =	sst s10  }
0x35: {  	s10 =	sld [smem:$0x3FB1];
	_ =	sdelay $0x3  }
0x36: {  	p1 =	seq.s32 s10, $0x1;
	s10 =	sld [smem:$0x3FB2];
	_ =	sdelay $0x3  }
0x37: {  	[smem:$0x3FB2] =	sst s10  }
0x38: {  	s10 =	sld [smem:$0x3FB3]  }
0x39: {  	_ = 	snop;
	(pc) =	sbr.ind lr, $3  }
0x3a: {  	_ = 	snop  }
0x3b: {  	_ = 	snop  }
0x3c: {  	p2 =	seq.s32 s10, $0x1;
	s10 =	sld [smem:$0x3FB2]  }
0x3d: {  	_ =	shalt  }
0x3e: {  	_ =	shalt  }
0x3f: {  	_ =	shalt  }
0x40: {  	_ =	shalt  }
0x41: {  	_ =	shalt  }
0x42: {  	_ =	shalt  }
0x43: {  	_ =	shalt  }
0x44: {  	_ =	shalt  }
0x45: {  	_ =	shalt  }
0x46: {  	_ =	shalt  }
0x47: {  	_ =	shalt  }
0x48: {  	_ =	shalt  }
0x49: {  	_ =	shalt  }
0x4a: {  	_ =	shalt  }
0x4b: {  	_ =	shalt  }
0x4c: {  	_ =	shalt  }
0x4d: {  	_ =	shalt  }
0x4e: {  	_ =	shalt  }
0x4f: {  	_ =	shalt  }
0x50: {  	_ =	shalt  }
0x51: {  	_ =	shalt  }
0x52: {  	_ =	shalt  }
0x53: {  	_ =	shalt  }
0x54: {  	_ =	shalt  }
0x55: {  	_ =	shalt  }
0x56: {  	_ =	shalt  }
0x57: {  	_ =	shalt  }
0x58: {  	_ =	shalt  }
0x59: {  	_ =	shalt  }
0x5a: {  	_ =	shalt  }
0x5b: {  	_ =	shalt  }
0x5c: {  	_ =	shalt  }
0x5d: {  	_ =	shalt  }
0x5e: {  	_ =	shalt  }
0x5f: {  	_ =	shalt  }
0x60: {  	_ =	shalt  }
0x61: {  	_ =	shalt  }
0x62: {  	_ =	shalt  }
0x63: {  	_ =	shalt  }
0x64: {  	_ =	shalt  }
0x65: {  	_ =	shalt  }
0x66: {  	_ =	shalt  }
0x67: {  	_ =	shalt  }
0x68: {  	_ =	shalt  }
0x69: {  	_ =	shalt  }
0x6a: {  	_ =	shalt  }
0x6b: {  	_ =	shalt  }
0x6c: {  	_ =	shalt  }
0x6d: {  	_ =	shalt  }
0x6e: {  	_ =	shalt  }
0x6f: {  	_ =	shalt  }
0x70: {  	_ =	shalt  }
0x71: {  	_ =	shalt  }
0x72: {  	_ =	shalt  }
0x73: {  	_ =	shalt  }
0x74: {  	_ =	shalt  }
0x75: {  	_ =	shalt  }
0x76: {  	_ =	shalt  }
0x77: {  	_ =	shalt  }
0x78: {  	_ =	shalt  }
0x79: {  	_ =	shalt  }
0x7a: {  	_ =	shalt  }
0x7b: {  	_ =	shalt  }
0x7c: {  	_ =	shalt  }
0x7d: {  	_ =	shalt  }
0x7e: {  	_ =	shalt  }
0x7f: {  	_ =	shalt  }
0x80: {  	_ =	shalt  }
0x81: {  	_ =	shalt  }
0x82: {  	_ =	shalt  }
0x83: {  	_ =	shalt  }
0x84: {  	_ =	shalt  }
0x85: {  	_ =	shalt  }
0x86: {  	_ =	shalt  }
0x87: {  	_ =	shalt  }
.Lfunc_end0:
.L_simem_size_0:
called_computation.1_lowered:
.L_overlay_start_0:
0x88: {  	s2 =	sld [smem:$0x3FD9]  }
0x89: {  	s3 =	sld [smem:$0x3FFE];
	_ =	sdelay $0x1  }
0x8a: {  	s1 =	srdreg.scid  }
0x8b: {  	s0 =	sand.u32 $0x1, s1  }
0x8c: {  	s14 =	sshll.u32 s0, $0xA;
	s2 =	sadd.s32 s3, s2  }
0x8d: {  	s2 =	sadd.s32 s2, s14  }
0x8e: {  	[smem:$0x3FBE] =	sst s2  }
0x8f: {  	_ = 	snop  }
0x90: {  	s2 =	sld [smem:$0x3FD0];
	_ =	sdelay $0x2  }
0x91: {  	s15 =	simm.s32 $0xA;
	s4 =	simm.s32 $0x10  }
0x92: {  	[smem:s4], [sflag:s15] =	dma.local [hbm:s2], $0x1  }
0x93: {  	_ =	swait.eq [sflag:s15], $0x1  }
0x94: {  	[sflag:s15] =	ssyncset.done $0x0  }
0x95: {  	[sflag:s15] =	ssyncadd.s32 $0xFFFFFFFF  }
0x96: {  	s16 =	sld [smem:$0x10];
	(tm) =	ssettm $0x1  }
0x97: {  	s17 =	sld [smem:$0x3FFB];
	_ =	sdelay $0x3  }
0x98: {  	_ =	strace s17  }
0x99: {  	s3 =	sld [smem:$0x3FFC];
	_ =	sdelay $0x3  }
0x9a: {  	_ =	strace s3  }
0x9b: {  	s3 =	sld [smem:$0x3FFD];
	_ =	sdelay $0x3  }
0x9c: {  	_ =	strace s3  }
0x9d: {  	_ =	strace $0x8FFFFFFF  }
0x9e: {  	s18 =	sld [smem:$0x3FDB];
	_ =	sdelay $0x1  }
0x9f: {  	s19 =	simm.s32 $_scs_section_size  }
0xa0: {  	s5 =	simm.s32 $_size__tile_overlayer_lowered;
	s6 =	simm.s32 $_tile_overlayer_lowered  }
0xa1: {  	s22 =	simm.s32 $0x1BFF;
	s21 =	sshll.u32 s6, $0x1;
	s3 =	sadd.s32 s19, s18  }
0xa2: {  	s7 =	simm.s32 $0x0;
	s20 =	sshll.u32 s5, $0x1;
	s5 =	sadd.s32 s21, s3  }
0xa3: {  	[timem:s7], [sflag:s22] =	dma.local [hbm:s5], s20  }
0xa4: {  	_ =	swait.ge [sflag:s22], s20  }
0xa5: {  	s4 =	ssub.s32 $0x0, s20;
	[sflag:s22] =	ssyncset.done $0x0  }
0xa6: {  	[sflag:s22] =	ssyncadd.s32 s4;
	_ =	sdelay $0x1  }
0xa7: {  	s23 =	simm.s32 $0x1B8B  }
0xa8: {  	_ =	swait.ge [sflag:s23], $0x1  }
0xa9: {  	[sflag:s23] =	ssyncset.done $0x0  }
0xaa: {  	s25 =	simm.s32 $0x1B8E;
	s24 =	sld [smem:$0x3FFE];
	[sflag:s23] =	ssyncadd.s32 $0xFFFFFFFF  }
0xab: {  	s26 =	simm.s32 $execute0_lowered;
	[smem:$0x3FD2] =	sst s25  }
0xac: {  	s5 =	sshll.u32 s26, $0x1;
	_ =	strace $0x80000049;
	[dreg:$0x1] =	wrdreg $0xFFFFFFFF  }
0xad: {  	s28 =	simm.s32 $_size_execute0_lowered;
	s3 =	sadd.s32 s3, s5;
	[dreg:$0x0] =	wrdreg $0x0  }
0xae: {  	s5 =	sshll.u32 s28, $0x1;
	[dreg:$0x2] =	wrdreg s3  }
0xaf: {  	[dreg:$0x3] =	wrdreg s5  }
0xb0: {  	[dreg:$0x4] =	wrdreg $0xC0  }
0xb1: {  	_ =	task [dreg:s7], $0x5FFFF  }
0xb2: {  	[dreg:$0x1] =	wrdreg $0xFFFFFFFF  }
0xb3: {  	[dreg:$0x0] =	wrdreg $0x60  }
0xb4: {  	[dreg:$0x2] =	wrdreg s16  }
0xb5: {  	[dreg:$0x3] =	wrdreg s24  }
0xb6: {  	[dreg:$0x4] =	wrdreg $0xA8000  }
0xb7: {  	[dreg:$0x5] =	wrdreg $0x9  }
0xb8: {  	_ =	task.clear_ibuf [dreg:s7], $0x6FFFF;
	_ =	strace $0x90000049  }
0xb9: {  	s29 =	simm.s32 $0x9;
	_ =	strace $0x8000004B  }
0xba: {  	_ =	swait.ge [sflag:s29], $0x1  }
0xbb: {  	[sflag:s29] =	ssyncadd.s32 $0xFFFFFFFF  }
0xbc: {  	_ =	strace $0x9000004B  }
0xbd: {  	_ =	sfence  }
0xbe: {  	s30 =	sld [smem:$0x0];
	_ =	sdelay $0x2  }
0xbf: {  	s31 =	sshll.u32 s1, $0xD;
	s1 =	sshrl.u32 s1, $0x2  }
0xc0: {  	s3 =	sand.u32 $0x4000, s31;
	s1 =	sadd.s32 s1, s30  }
0xc1: {  	s0 =	sor.u32 s3, s0;
	s1 =	sshll.u32 s1, $0x11  }
0xc2: {  	s0 =	sor.u32 s1, s0  }
0xc3: {  	s0 =	sadd.s32 $0x8F2B, s0  }
0xc4: {  	[sflag:s0] =	ssyncadd.remote.s32 $0x1  }
0xc5: {  	_ =	sfence.sel $0xFFFF  }
0xc6: {  	[dreg:$0x0] =	wrdreg $0xFFFFFFFF;
	(pc) =	sbr.abs _section_cstart, $3  }
0xc7: {  	[dreg:$0x1] =	wrdreg $0xFFFFFFFF  }
0xc8: {  	_ =	task.clear_ibuf [dreg:s7], $0x2FFFF;
	_ =	strace $0x9FFFFFFF  }
0xc9: {  	(tm) =	ssettm $0x7FFFFFFF  }
tec
execute0_lowered:
.L_overlay_start_1:
0x0: {  	(tag) =	ssettag $0x1  }
0x1: {  	s1 =	rddreg [dreg:$0x0]  }
0x2: {  	s0 =	rddreg [dreg:$0x1]  }
0x3: {  	s3 =	rddreg [dreg:$0x2];
	s21 =	stileid.u32  }
0x4: {  	s4 =	simm.s32 $0x0;
	s5 =	srdreg.scid;
	s2 =	smul.u32 $0x2800, s21  }
0x5: {  	[smem:$0x7FF] =	sst s4;
	s5 =	sand.u32 $0x1, s5;
	s8 =	smul.u32 $0x280, s21  }
0x6: {  	s9 =	smul.u32 $0x50000, s21;
	s14 =	sadd.s32 $0x33800, s0;
	_ =	strace $0x8000004A  }
0x7: {  	s7 =	ssub.s32 $0x2, s5;
	p0 =	seq.s32 s5, $0x1;
	s6 =	sshrl.u32 s2, $0x3  }
0x8: {  	s18 =	sshrl.u32 s7, $0x1;
	s19 =	sshrl.u32 s9, $0x2;
	s20 =	sadd.s32 $0x80, s8  }
0x9: {  	s23 =	sadd.s32 $0x100, s8;
	s24 =	sadd.s32 $0x180, s8;
	s11 =	sadd.s32 $0x200, s8  }
0xa: {  	s13 =	sadd.s32 s6, s0;
	s15 =	ssub.s32 s7, s18;
	s5 =	sadd.s32 s19, s3  }
0xb: {  	s22 =	sshll.u32 s20, $0x7;
	s10 =	sshll.u32 s24, $0x7;
	s19 =	sadd.s32 s14, s2  }
0xc: {  	s18 =	sshll.u32 s24, $0x4;
	s24 =	sadd.s32 s1, s2;
	[dreg:$0x4] =	wrdreg s19  }
0xd: {  	s16 =	sshll.u32 s20, $0x4;
	s12 =	sadd.s32 $0x2880, s13;
	[dreg:$0xa] =	wrdreg s24  }
0xe: {  	s17 =	sshll.u32 s23, $0x4;
	s26 =	sadd.s32 s14, s16;
	[dreg:$0x5] =	wrdreg s12  }
0xf: {  	s20 =	sshll.u32 s11, $0x4;
	s19 =	sadd.s32 s14, s17;
	[dreg:$0x6] =	wrdreg s26  }
0x10: {  	s6 =	sadd.s32 s22, s3;
	s22 =	sadd.s32 s14, s18;
	[dreg:$0x7] =	wrdreg s19  }
0x11: {  	s7 =	sshll.u32 s23, $0x7;
	s23 =	sadd.s32 s14, s20;
	[dreg:$0x8] =	wrdreg s22  }
0x12: {  	s14 =	sadd.s32 $0x5AA00, s0;
	[dreg:$0x9] =	wrdreg s23;
	s26 =	sadd.s32 s1, s16  }
0x13: {  	s25 =	sshll.u32 s11, $0x7;
	s22 =	sadd.s32 s14, s16;
	[dreg:$0xd] =	wrdreg s26  }
0x14: {  	s19 =	sadd.s32 $0xC600, s0;
	s23 =	sadd.s32 s1, s17;
	[dreg:$0xf] =	wrdreg s22  }
0x15: {  	s9 =	sadd.s32 s25, s3;
	s25 =	sadd.s32 s19, s2;
	[dreg:$0x10] =	wrdreg s23  }
0x16: {  	s2 =	sadd.s32 s14, s2;
	[dreg:$0xb] =	wrdreg s25  }
0x17: {  	s12 =	sadd.s32 s19, s16;
	[dreg:$0xc] =	wrdreg s2  }
0x18: {  	s24 =	sadd.s32 s19, s17;
	[dreg:$0xe] =	wrdreg s12  }
0x19: {  	s26 =	sadd.s32 s1, s18;
	[dreg:$0x11] =	wrdreg s24  }
0x1a: {  	s16 =	sadd.s32 s14, s18;
	[dreg:$0x13] =	wrdreg s26  }
0x1b: {  	s22 =	sadd.s32 s19, s20;
	[dreg:$0x15] =	wrdreg s16  }
0x1c: {  	s28 =	simm.s32 $0x2;
	s23 =	sadd.s32 $0x59000, s0;
	[dreg:$0x18] =	wrdreg s22  }
0x1d: {  	s29 =	simm.s32 $0x2700;
	s25 =	sadd.s32 s14, s17;
	[dreg:$0x19] =	wrdreg s23  }
0x1e: {  	s31 =	simm.s32 $0x2780;
	s12 =	sadd.s32 s19, s18;
	[dreg:$0x12] =	wrdreg s25  }
0x1f: {  	p1 =	seq.s32 s21, $0xF;
	s17 =	sadd.s32 s14, s20;
	[dreg:$0x14] =	wrdreg s12  }
0x20: {  	s21 =	simm.s32 $0x1400;
	s18 =	sadd.s32 s1, s20;
	[dreg:$0x16] =	wrdreg s17  }
0x21: {  	s7 =	sadd.s32 s7, s3;
	s24 =	sadd.s32 $0x59800, s0;
	[dreg:$0x17] =	wrdreg s18  }
0x22: {  	s8 =	sadd.s32 s10, s3;
	s26 =	sadd.s32 $0x5A800, s0;
	[dreg:$0x1a] =	wrdreg s24  }
0x23: {  	s10 =	sadd.s32 $0x2600, s13;
	s14 =	sadd.s32 $0x32600, s0;
	[dreg:$0x1c] =	wrdreg s26  }
0x24: {  	s11 =	sadd.s32 $0x7600, s13;
	s16 =	sadd.s32 $0x32E00, s0;
	[dreg:$0x1e] =	wrdreg s14  }
0x25: {  	s13 =	sadd.s32 $0x7880, s13;
	s20 =	sadd.s32 $0x80A00, s0;
	[dreg:$0x1f] =	wrdreg s16  }
0x26: {  	s30 =	smax.u32 s15, $0x1;
	s22 =	sadd.s32 $0x81200, s0;
	[smem:$0x7F7] =	sst s20  }
0x27: {  	s23 =	sadd.s32 $0x25800, s1;
	s25 =	sadd.s32 $0x5A000, s0;
	[smem:$0x7F8] =	sst s22  }
0x28: {  	s12 =	sadd.s32 $0x31E00, s0;
	s17 =	sadd.s32 $0x33600, s0;
	[smem:$0x7FA] =	sst s23  }
0x29: {  	s18 =	sadd.s32 $0x80200, s0;
	s0 =	sadd.s32 $0x81A00, s0;
	[dreg:$0x1b] =	wrdreg s25  }
0x2a: {  	s24 =	sadd.s32 $0x26000, s1;
	s14 =	sadd.s32 $0x130000, s3;
	[dreg:$0x1d] =	wrdreg s12  }
0x2b: {  	s16 =	sadd.s32 $0x134000, s3;
	s26 =	sadd.s32 $0x27000, s1;
	[smem:$0x7F5] =	sst s17  }
.Ltmp0:
0x2c: {  	s20 =	simm.s32 $0x3;
	[smem:$0x7F6] =	sst s18;
	(pc) =	sbr.rel .LBB2_1-.Ltmp0, $4  }
0x2d: {  	s22 =	simm.s32 $0x7D;
	s23 =	simm.s32 $0x2800;
	[smem:$0x7F9] =	sst s0  }
0x2e: {  	s0 =	sadd.s32 $0x12C000, s3;
	[smem:$0x7FB] =	sst s24;
	s25 =	sadd.s32 $0x26800, s1  }
0x2f: {  	[smem:$0x7FD] =	sst s26;
	s18 =	sadd.s32 $0x138000, s3;
	s24 =	simm.s32 $0x80  }
0x30: {  	s26 =	simm.s32 $0x1;
	[smem:$0x7FC] =	sst s25;
	s25 =	simm.s32 $0x6800  }
.LBB2_11:
0x31: {  	[tilespmem:s25], [sflag:$0x2] =	stream.indirect.gather [hbm4b:s19+s22], $0x80, s15, s22, $0xb8;
	[tilespmem:$0x1E080] =	vst v63  }
0x32: {  	_ =	swait.ge [sflag:s26], $0x3E80  }
0x33: {  	[sflag:s26] =	ssyncset.done $0x0  }
0x34: {  	[sflag:s26] =	ssyncadd.s32 $0xFFFFC180  }
0x35: {  	[spmem:s3] =	stream.indirect.scatter.add.f32 [tilespmem:s23], [sflag:$0x3], $0x80, s29, s22, $0xb8;
	[tilespmem:$0x1E080] =	vst v63  }
0x36: {  	_ =	swait.ge [sflag:s20], $0x3E80  }
0x37: {  	[sflag:s20] =	ssyncset.done $0x0  }
0x38: {  	[sflag:s20] =	ssyncadd.s32 $0xFFFFC180  }
0x39: {  	_ =	swait.ge [sflag:s28], $0x3E80  }
0x3a: {  	[sflag:s28] =	ssyncset.done $0x0  }
0x3b: {  	[sflag:s28] =	ssyncadd.s32 $0xFFFFC180  }
0x3c: {  	[spmem:s3] =	stream.indirect.scatter.add.f32 [tilespmem:s25], [sflag:$0x3], $0x80, s31, s22, $0xb8;
	[tilespmem:$0x1E080] =	vst v63  }
0x3d: {  	_ =	swait.ge [sflag:s20], $0x3E80  }
0x3e: {  	[sflag:s20] =	ssyncset.done $0x0  }
0x3f: {  	[sflag:s20] =	ssyncadd.s32 $0xFFFFC180  }
0x40: {  	s2 =	simm.s32 @p1 $0x2800;
	s15 =	simm.s32 @p1 $0x3;
	[bflag:$0x0] =	sbarrier.arrive $0xFFFF  }
0x41: {  	[tilespmem:s2], [sflag:$0x3] =	stream.linear.gather @p1 [spmem:s0], $0x4000, $0x38;
	[tilespmem:$0x1E080] =	vst v63  }
0x42: {  	_ =	swait.ge @p1 [sflag:s15], $0x4000  }
0x43: {  	s12 =	sld [smem:$0x7F6]  }
0x44: {  	[sflag:s15] =	ssyncset.done @p1 $0x0  }
0x45: {  	s17 =	simm.s32 @p1 $0x0;
	[sflag:s15] =	ssyncadd.s32 @p1 $0xFFFFC000  }
0x46: {  	[hbm4b:s12+s17] =	stream.linear.scatter @p1 [tilespmem:s2], [sflag:$0x3], $0x4000, $0x38;
	[tilespmem:$0x1E080] =	vst v63  }
0x47: {  	_ =	swait.ge @p1 [sflag:s15], $0x4000  }
0x48: {  	[sflag:s15] =	ssyncset.done @p1 $0x0  }
0x49: {  	[sflag:s15] =	ssyncadd.s32 @p1 $0xFFFFC000  }
0x4a: {  	[tilespmem:s2], [sflag:$0x3] =	stream.linear.gather @p1 [spmem:s14], $0x4000, $0x38;
	[tilespmem:$0x1E080] =	vst v63  }
0x4b: {  	_ =	swait.ge @p1 [sflag:s15], $0x4000  }
0x4c: {  	s12 =	sld [smem:$0x7F7]  }
0x4d: {  	[sflag:s15] =	ssyncset.done @p1 $0x0  }
0x4e: {  	[sflag:s15] =	ssyncadd.s32 @p1 $0xFFFFC000  }
0x4f: {  	[hbm4b:s12+s17] =	stream.linear.scatter @p1 [tilespmem:s2], [sflag:$0x3], $0x4000, $0x38;
	[tilespmem:$0x1E080] =	vst v63  }
0x50: {  	_ =	swait.ge @p1 [sflag:s15], $0x4000  }
0x51: {  	[sflag:s15] =	ssyncset.done @p1 $0x0  }
0x52: {  	[sflag:s15] =	ssyncadd.s32 @p1 $0xFFFFC000  }
0x53: {  	[tilespmem:s2], [sflag:$0x3] =	stream.linear.gather @p1 [spmem:s16], $0x4000, $0x38;
	[tilespmem:$0x1E080] =	vst v63  }
0x54: {  	_ =	swait.ge @p1 [sflag:s15], $0x4000  }
0x55: {  	s12 =	sld [smem:$0x7F8]  }
0x56: {  	[sflag:s15] =	ssyncset.done @p1 $0x0  }
0x57: {  	[sflag:s15] =	ssyncadd.s32 @p1 $0xFFFFC000  }
0x58: {  	[hbm4b:s12+s17] =	stream.linear.scatter @p1 [tilespmem:s2], [sflag:$0x3], $0x4000, $0x38;
	[tilespmem:$0x1E080] =	vst v63  }
0x59: {  	_ =	swait.ge @p1 [sflag:s15], $0x4000  }
0x5a: {  	[sflag:s15] =	ssyncset.done @p1 $0x0  }
0x5b: {  	[sflag:s15] =	ssyncadd.s32 @p1 $0xFFFFC000  }
0x5c: {  	[tilespmem:s2], [sflag:$0x3] =	stream.linear.gather @p1 [spmem:s18], $0x800, $0x38;
	[tilespmem:$0x1E080] =	vst v63  }
0x5d: {  	_ =	swait.ge @p1 [sflag:s15], $0x800  }
0x5e: {  	s12 =	sld [smem:$0x7F9]  }
0x5f: {  	[sflag:s15] =	ssyncset.done @p1 $0x0  }
0x60: {  	[sflag:s15] =	ssyncadd.s32 @p1 $0xFFFFF800  }
0x61: {  	[hbm4b:s12+s17] =	stream.linear.scatter @p1 [tilespmem:s2], [sflag:$0x3], $0x800, $0x38;
	[tilespmem:$0x1E080] =	vst v63  }
0x62: {  	_ =	swait.ge @p1 [sflag:s15], $0x800  }
0x63: {  	[sflag:s15] =	ssyncset.done @p1 $0x0  }
0x64: {  	s2 =	simm.s32 @!p1 $0x2800;
	[sflag:s15] =	ssyncadd.s32 @p1 $0xFFFFF800;
	s15 =	simm.s32 @!p1 $0x3  }
0x65: {  	[tilespmem:s2], [sflag:$0x3] =	stream.linear.gather @!p1 [spmem:s5], $0x4000, $0x38;
	[tilespmem:$0x1E080] =	vst v63  }
0x66: {  	_ =	swait.ge @!p1 [sflag:s15], $0x4000  }
0x67: {  	[sflag:s15] =	ssyncset.done @!p1 $0x0  }
0x68: {  	s17 =	simm.s32 @!p1 $0x0;
	s12 =	rddreg [dreg:$0xc];
	[sflag:s15] =	ssyncadd.s32 @!p1 $0xFFFFC000  }
0x69: {  	[hbm4b:s12+s17] =	stream.linear.scatter @!p1 [tilespmem:s2], [sflag:$0x3], $0x4000, $0x38;
	[tilespmem:$0x1E080] =	vst v63  }
0x6a: {  	_ =	swait.ge @!p1 [sflag:s15], $0x4000  }
0x6b: {  	[sflag:s15] =	ssyncset.done @!p1 $0x0  }
0x6c: {  	[sflag:s15] =	ssyncadd.s32 @!p1 $0xFFFFC000  }
0x6d: {  	[tilespmem:s2], [sflag:$0x3] =	stream.linear.gather @!p1 [spmem:s6], $0x4000, $0x38;
	[tilespmem:$0x1E080] =	vst v63  }
0x6e: {  	_ =	swait.ge @!p1 [sflag:s15], $0x4000  }
0x6f: {  	[sflag:s15] =	ssyncset.done @!p1 $0x0  }
0x70: {  	s12 =	rddreg [dreg:$0xf];
	[sflag:s15] =	ssyncadd.s32 @!p1 $0xFFFFC000  }
0x71: {  	[hbm4b:s12+s17] =	stream.linear.scatter @!p1 [tilespmem:s2], [sflag:$0x3], $0x4000, $0x38;
	[tilespmem:$0x1E080] =	vst v63  }
0x72: {  	_ =	swait.ge @!p1 [sflag:s15], $0x4000  }
0x73: {  	[sflag:s15] =	ssyncset.done @!p1 $0x0  }
0x74: {  	[sflag:s15] =	ssyncadd.s32 @!p1 $0xFFFFC000  }
0x75: {  	[tilespmem:s2], [sflag:$0x3] =	stream.linear.gather @!p1 [spmem:s7], $0x4000, $0x38;
	[tilespmem:$0x1E080] =	vst v63  }
0x76: {  	_ =	swait.ge @!p1 [sflag:s15], $0x4000  }
0x77: {  	[sflag:s15] =	ssyncset.done @!p1 $0x0  }
0x78: {  	s12 =	rddreg [dreg:$0x12];
	[sflag:s15] =	ssyncadd.s32 @!p1 $0xFFFFC000  }
0x79: {  	[hbm4b:s12+s17] =	stream.linear.scatter @!p1 [tilespmem:s2], [sflag:$0x3], $0x4000, $0x38;
	[tilespmem:$0x1E080] =	vst v63  }
0x7a: {  	_ =	swait.ge @!p1 [sflag:s15], $0x4000  }
0x7b: {  	[sflag:s15] =	ssyncset.done @!p1 $0x0  }
0x7c: {  	[sflag:s15] =	ssyncadd.s32 @!p1 $0xFFFFC000  }
0x7d: {  	[tilespmem:s2], [sflag:$0x3] =	stream.linear.gather @!p1 [spmem:s8], $0x4000, $0x38;
	[tilespmem:$0x1E080] =	vst v63  }
0x7e: {  	_ =	swait.ge @!p1 [sflag:s15], $0x4000  }
0x7f: {  	[sflag:s15] =	ssyncset.done @!p1 $0x0  }
0x80: {  	s12 =	rddreg [dreg:$0x15];
	[sflag:s15] =	ssyncadd.s32 @!p1 $0xFFFFC000  }
0x81: {  	[hbm4b:s12+s17] =	stream.linear.scatter @!p1 [tilespmem:s2], [sflag:$0x3], $0x4000, $0x38;
	[tilespmem:$0x1E080] =	vst v63  }
0x82: {  	_ =	swait.ge @!p1 [sflag:s15], $0x4000  }
0x83: {  	[sflag:s15] =	ssyncset.done @!p1 $0x0  }
0x84: {  	[sflag:s15] =	ssyncadd.s32 @!p1 $0xFFFFC000  }
0x85: {  	[tilespmem:s2], [sflag:$0x3] =	stream.linear.gather @!p1 [spmem:s9], $0x4000, $0x38;
	[tilespmem:$0x1E080] =	vst v63  }
0x86: {  	_ =	swait.ge @!p1 [sflag:s15], $0x4000  }
0x87: {  	[sflag:s15] =	ssyncset.done @!p1 $0x0  }
0x88: {  	s12 =	rddreg [dreg:$0x16];
	[sflag:s15] =	ssyncadd.s32 @!p1 $0xFFFFC000  }
0x89: {  	[hbm4b:s12+s17] =	stream.linear.scatter @!p1 [tilespmem:s2], [sflag:$0x3], $0x4000, $0x38;
	[tilespmem:$0x1E080] =	vst v63  }
0x8a: {  	_ =	swait.ge @!p1 [sflag:s15], $0x4000  }
0x8b: {  	[sflag:s15] =	ssyncset.done @!p1 $0x0  }
0x8c: {  	[sflag:s15] =	ssyncadd.s32 @!p1 $0xFFFFC000  }
.LBB2_12:
0x8d: {  	s4 =	sadd.s32 $0x1, s4  }
0x8e: {  	p2 =	sne.s32 s4, s30  }
.Ltmp1:
0x8f: {  	_ = 	snop;
	(pc) =	sbr.rel @!p2 .LBB2_13-.Ltmp1, $1  }
0x90: {  	_ =	sdelay $0x3  }
.LBB2_1:
.Ltmp2:
0x91: {  	(pc) =	sbr.rel @!p0 .LBB2_2-.Ltmp2, $1  }
0x92: {  	_ =	sdelay $0x3  }
0x93: {  	s2 =	simm.s32 @p1 $0x0  }
0x94: {  	s15 =	simm.s32 @p1 $0x2800;
	s12 =	rddreg [dreg:$0x1d];
	s17 =	simm.s32 @p1 $0x3  }
0x95: {  	[tilespmem:s15], [sflag:$0x3] =	stream.linear.gather @p1 [hbm4b:s12+s2], $0x4000, $0x38;
	[tilespmem:$0x1E080] =	vst v63  }
0x96: {  	_ =	swait.ge @p1 [sflag:s17], $0x4000  }
0x97: {  	[sflag:s17] =	ssyncset.done @p1 $0x0  }
0x98: {  	[sflag:s17] =	ssyncadd.s32 @p1 $0xFFFFC000  }
0x99: {  	[spmem:s0] =	stream.linear.scatter @p1 [tilespmem:s15], [sflag:$0x3], $0x4000, $0x38;
	[tilespmem:$0x1E080] =	vst v63  }
0x9a: {  	_ =	swait.ge @p1 [sflag:s17], $0x4000  }
0x9b: {  	[sflag:s17] =	ssyncset.done @p1 $0x0  }
0x9c: {  	s12 =	rddreg [dreg:$0x1e];
	[sflag:s17] =	ssyncadd.s32 @p1 $0xFFFFC000  }
0x9d: {  	[tilespmem:s15], [sflag:$0x3] =	stream.linear.gather @p1 [hbm4b:s12+s2], $0x4000, $0x38;
	[tilespmem:$0x1E080] =	vst v63  }
0x9e: {  	_ =	swait.ge @p1 [sflag:s17], $0x4000  }
0x9f: {  	[sflag:s17] =	ssyncset.done @p1 $0x0  }
0xa0: {  	[sflag:s17] =	ssyncadd.s32 @p1 $0xFFFFC000  }
0xa1: {  	[spmem:s14] =	stream.linear.scatter @p1 [tilespmem:s15], [sflag:$0x3], $0x4000, $0x38;
	[tilespmem:$0x1E080] =	vst v63  }
0xa2: {  	_ =	swait.ge @p1 [sflag:s17], $0x4000  }
0xa3: {  	[sflag:s17] =	ssyncset.done @p1 $0x0  }
0xa4: {  	s12 =	rddreg [dreg:$0x1f];
	[sflag:s17] =	ssyncadd.s32 @p1 $0xFFFFC000  }
0xa5: {  	[tilespmem:s15], [sflag:$0x3] =	stream.linear.gather @p1 [hbm4b:s12+s2], $0x4000, $0x38;
	[tilespmem:$0x1E080] =	vst v63  }
0xa6: {  	_ =	swait.ge @p1 [sflag:s17], $0x4000  }
0xa7: {  	[sflag:s17] =	ssyncset.done @p1 $0x0  }
0xa8: {  	[sflag:s17] =	ssyncadd.s32 @p1 $0xFFFFC000  }
0xa9: {  	[spmem:s16] =	stream.linear.scatter @p1 [tilespmem:s15], [sflag:$0x3], $0x4000, $0x38;
	[tilespmem:$0x1E080] =	vst v63  }
0xaa: {  	_ =	swait.ge @p1 [sflag:s17], $0x4000  }
0xab: {  	s12 =	sld [smem:$0x7F5]  }
0xac: {  	[sflag:s17] =	ssyncset.done @p1 $0x0  }
0xad: {  	[sflag:s17] =	ssyncadd.s32 @p1 $0xFFFFC000  }
0xae: {  	[tilespmem:s15], [sflag:$0x3] =	stream.linear.gather @p1 [hbm4b:s12+s2], $0x800, $0x38;
	[tilespmem:$0x1E080] =	vst v63  }
0xaf: {  	_ =	swait.ge @p1 [sflag:s17], $0x800  }
0xb0: {  	[sflag:s17] =	ssyncset.done @p1 $0x0  }
0xb1: {  	[sflag:s17] =	ssyncadd.s32 @p1 $0xFFFFF800  }
0xb2: {  	[spmem:s18] =	stream.linear.scatter @p1 [tilespmem:s15], [sflag:$0x3], $0x800, $0x38;
	[tilespmem:$0x1E080] =	vst v63  }
0xb3: {  	_ =	swait.ge @p1 [sflag:s17], $0x800  }
0xb4: {  	s2 =	simm.s32 @!p1 $0x0;
	s15 =	simm.s32 @!p1 $0x2800;
	[sflag:s17] =	ssyncset.done @p1 $0x0  }
0xb5: {  	s12 =	rddreg [dreg:$0xb];
	[sflag:s17] =	ssyncadd.s32 @p1 $0xFFFFF800;
	s17 =	simm.s32 @!p1 $0x3  }
0xb6: {  	[tilespmem:s15], [sflag:$0x3] =	stream.linear.gather @!p1 [hbm4b:s12+s2], $0x4000, $0x38;
	[tilespmem:$0x1E080] =	vst v63  }
0xb7: {  	_ =	swait.ge @!p1 [sflag:s17], $0x4000  }
0xb8: {  	[sflag:s17] =	ssyncset.done @!p1 $0x0  }
0xb9: {  	[sflag:s17] =	ssyncadd.s32 @!p1 $0xFFFFC000  }
0xba: {  	[spmem:s5] =	stream.linear.scatter @!p1 [tilespmem:s15], [sflag:$0x3], $0x4000, $0x38;
	[tilespmem:$0x1E080] =	vst v63  }
0xbb: {  	_ =	swait.ge @!p1 [sflag:s17], $0x4000  }
0xbc: {  	[sflag:s17] =	ssyncset.done @!p1 $0x0  }
0xbd: {  	s12 =	rddreg [dreg:$0xe];
	[sflag:s17] =	ssyncadd.s32 @!p1 $0xFFFFC000  }
0xbe: {  	[tilespmem:s15], [sflag:$0x3] =	stream.linear.gather @!p1 [hbm4b:s12+s2], $0x4000, $0x38;
	[tilespmem:$0x1E080] =	vst v63  }
0xbf: {  	_ =	swait.ge @!p1 [sflag:s17], $0x4000  }
0xc0: {  	[sflag:s17] =	ssyncset.done @!p1 $0x0  }
0xc1: {  	[sflag:s17] =	ssyncadd.s32 @!p1 $0xFFFFC000  }
0xc2: {  	[spmem:s6] =	stream.linear.scatter @!p1 [tilespmem:s15], [sflag:$0x3], $0x4000, $0x38;
	[tilespmem:$0x1E080] =	vst v63  }
0xc3: {  	_ =	swait.ge @!p1 [sflag:s17], $0x4000  }
0xc4: {  	[sflag:s17] =	ssyncset.done @!p1 $0x0  }
0xc5: {  	s12 =	rddreg [dreg:$0x11];
	[sflag:s17] =	ssyncadd.s32 @!p1 $0xFFFFC000  }
0xc6: {  	[tilespmem:s15], [sflag:$0x3] =	stream.linear.gather @!p1 [hbm4b:s12+s2], $0x4000, $0x38;
	[tilespmem:$0x1E080] =	vst v63  }
0xc7: {  	_ =	swait.ge @!p1 [sflag:s17], $0x4000  }
0xc8: {  	[sflag:s17] =	ssyncset.done @!p1 $0x0  }
0xc9: {  	[sflag:s17] =	ssyncadd.s32 @!p1 $0xFFFFC000  }
0xca: {  	[spmem:s7] =	stream.linear.scatter @!p1 [tilespmem:s15], [sflag:$0x3], $0x4000, $0x38;
	[tilespmem:$0x1E080] =	vst v63  }
0xcb: {  	_ =	swait.ge @!p1 [sflag:s17], $0x4000  }
0xcc: {  	[sflag:s17] =	ssyncset.done @!p1 $0x0  }
0xcd: {  	s12 =	rddreg [dreg:$0x14];
	[sflag:s17] =	ssyncadd.s32 @!p1 $0xFFFFC000  }
0xce: {  	[tilespmem:s15], [sflag:$0x3] =	stream.linear.gather @!p1 [hbm4b:s12+s2], $0x4000, $0x38;
	[tilespmem:$0x1E080] =	vst v63  }
0xcf: {  	_ =	swait.ge @!p1 [sflag:s17], $0x4000  }
0xd0: {  	[sflag:s17] =	ssyncset.done @!p1 $0x0  }
0xd1: {  	[sflag:s17] =	ssyncadd.s32 @!p1 $0xFFFFC000  }
0xd2: {  	[spmem:s8] =	stream.linear.scatter @!p1 [tilespmem:s15], [sflag:$0x3], $0x4000, $0x38;
	[tilespmem:$0x1E080] =	vst v63  }
0xd3: {  	_ =	swait.ge @!p1 [sflag:s17], $0x4000  }
0xd4: {  	[sflag:s17] =	ssyncset.done @!p1 $0x0  }
0xd5: {  	s12 =	rddreg [dreg:$0x18];
	[sflag:s17] =	ssyncadd.s32 @!p1 $0xFFFFC000  }
0xd6: {  	[tilespmem:s15], [sflag:$0x3] =	stream.linear.gather @!p1 [hbm4b:s12+s2], $0x4000, $0x38;
	[tilespmem:$0x1E080] =	vst v63  }
0xd7: {  	_ =	swait.ge @!p1 [sflag:s17], $0x4000  }
0xd8: {  	[sflag:s17] =	ssyncset.done @!p1 $0x0  }
0xd9: {  	[sflag:s17] =	ssyncadd.s32 @!p1 $0xFFFFC000  }
0xda: {  	[spmem:s9] =	stream.linear.scatter @!p1 [tilespmem:s15], [sflag:$0x3], $0x4000, $0x38;
	[tilespmem:$0x1E080] =	vst v63  }
0xdb: {  	_ =	swait.ge @!p1 [sflag:s17], $0x4000  }
0xdc: {  	[sflag:s17] =	ssyncset.done @!p1 $0x0  }
0xdd: {  	[sflag:s17] =	ssyncadd.s32 @!p1 $0xFFFFC000  }
0xde: {  	s17 =	simm.s32 $0x0;
	[bflag:$0x0] =	sbarrier.arrive $0xFFFF  }
0xdf: {  	[tilespmem:s17], [sflag:$0x3] =	stream.linear.gather [hbm4b:s10+s17], $0x1400, $0x38;
	[tilespmem:$0x1E080] =	vst v63  }
0xe0: {  	_ =	swait.ge [sflag:s20], $0x1400  }
0xe1: {  	[sflag:s20] =	ssyncset.done $0x0  }
0xe2: {  	[sflag:s20] =	ssyncadd.s32 $0xFFFFEC00  }
0xe3: {  	[tilespmem:s21], [sflag:$0x3] =	stream.linear.gather [hbm4b:s11+s17], $0x1400, $0x38;
	[tilespmem:$0x1E080] =	vst v63  }
0xe4: {  	_ =	swait.ge [sflag:s20], $0x1400  }
0xe5: {  	[sflag:s20] =	ssyncset.done $0x0  }
0xe6: {  	[sflag:s20] =	ssyncadd.s32 $0xFFFFEC00  }
0xe7: {  	[tilespmem:s23], [sflag:$0x1] =	stream.indirect.gather [hbm4b:s19+s22], $0x80, s17, s22, $0xb8;
	[tilespmem:$0x1E080] =	vst v63  }
0xe8: {  	_ = 	snop  }
0xe9: {  	[tilespmem:s25], [sflag:$0x2] =	stream.indirect.gather [hbm4b:s19+s22], $0x80, s24, s22, $0xb8;
	[tilespmem:$0x1E080] =	vst v63  }
0xea: {  	_ =	swait.ge [sflag:s26], $0x3E80  }
0xeb: {  	[sflag:s26] =	ssyncset.done $0x0  }
0xec: {  	s12 =	simm.s32 $0x1400;
	[sflag:s26] =	ssyncadd.s32 $0xFFFFC180  }
0xed: {  	[spmem:s3] =	stream.indirect.scatter.add.f32 [tilespmem:s23], [sflag:$0x3], $0x80, s12, s22, $0xb8;
	[tilespmem:$0x1E080] =	vst v63  }
0xee: {  	_ =	swait.ge [sflag:s20], $0x3E80  }
0xef: {  	[sflag:s20] =	ssyncset.done $0x0  }
0xf0: {  	s15 =	simm.s32 $0x100;
	[sflag:s20] =	ssyncadd.s32 $0xFFFFC180  }
0xf1: {  	[tilespmem:s23], [sflag:$0x1] =	stream.indirect.gather [hbm4b:s19+s22], $0x80, s15, s22, $0xb8;
	[tilespmem:$0x1E080] =	vst v63  }
0xf2: {  	_ =	swait.ge [sflag:s28], $0x3E80  }
0xf3: {  	[sflag:s28] =	ssyncset.done $0x0  }
0xf4: {  	s17 =	simm.s32 $0x1480;
	[sflag:s28] =	ssyncadd.s32 $0xFFFFC180  }
0xf5: {  	[spmem:s3] =	stream.indirect.scatter.add.f32 [tilespmem:s25], [sflag:$0x3], $0x80, s17, s22, $0xb8;
	[tilespmem:$0x1E080] =	vst v63  }
0xf6: {  	_ =	swait.ge [sflag:s20], $0x3E80  }
0xf7: {  	[sflag:s20] =	ssyncset.done $0x0  }
0xf8: {  	s2 =	simm.s32 $0x400;
	s15 =	simm.s32 $0x180;
	[sflag:s20] =	ssyncadd.s32 $0xFFFFC180  }
.LBB2_8:
0xf9: {  	[tilespmem:s25], [sflag:$0x2] =	stream.indirect.gather [hbm4b:s19+s22], $0x80, s15, s22, $0xb8;
	[tilespmem:$0x1E080] =	vst v63  }
0xfa: {  	s15 =	smov.u32 s2  }
0xfb: {  	p2 =	sne.s32 s2, $0x4800;
	s2 =	sadd.s32 $0x400, s2;
	_ =	swait.ge [sflag:s26], $0x3E80  }
0xfc: {  	s15 =	sshra.s32 s15, $0x2;
	[sflag:s26] =	ssyncset.done $0x0  }
0xfd: {  	s17 =	sadd.s32 $0x1400, s15;
	[sflag:s26] =	ssyncadd.s32 $0xFFFFC180  }
0xfe: {  	[spmem:s3] =	stream.indirect.scatter.add.f32 [tilespmem:s23], [sflag:$0x3], $0x80, s17, s22, $0xb8;
	[tilespmem:$0x1E080] =	vst v63  }
0xff: {  	_ =	swait.ge [sflag:s20], $0x3E80  }
0x100: {  	[sflag:s20] =	ssyncset.done $0x0  }
0x101: {  	s17 =	sadd.s32 $0x100, s15;
	[sflag:s20] =	ssyncadd.s32 $0xFFFFC180  }
0x102: {  	[tilespmem:s23], [sflag:$0x1] =	stream.indirect.gather [hbm4b:s19+s22], $0x80, s17, s22, $0xb8;
	[tilespmem:$0x1E080] =	vst v63  }
0x103: {  	_ =	swait.ge [sflag:s28], $0x3E80  }
0x104: {  	[sflag:s28] =	ssyncset.done $0x0  }
.Ltmp3:
0x105: {  	s17 =	sadd.s32 $0x1480, s15;
	[sflag:s28] =	ssyncadd.s32 $0xFFFFC180;
	(pc) =	sbr.rel @p2 .LBB2_8-.Ltmp3, $4  }
0x106: {  	[spmem:s3] =	stream.indirect.scatter.add.f32 [tilespmem:s25], [sflag:$0x3], $0x80, s17, s22, $0xb8;
	[tilespmem:$0x1E080] =	vst v63  }
0x107: {  	_ =	swait.ge [sflag:s20], $0x3E80  }
0x108: {  	[sflag:s20] =	ssyncset.done $0x0  }
0x109: {  	s15 =	sadd.s32 $0x180, s15;
	[sflag:s20] =	ssyncadd.s32 $0xFFFFC180  }
0x10a: {  	[tilespmem:s25], [sflag:$0x2] =	stream.indirect.gather [hbm4b:s19+s22], $0x80, s15, s22, $0xb8;
	[tilespmem:$0x1E080] =	vst v63  }
0x10b: {  	_ =	swait.ge [sflag:s26], $0x3E80  }
0x10c: {  	[sflag:s26] =	ssyncset.done $0x0  }
0x10d: {  	[sflag:s26] =	ssyncadd.s32 $0xFFFFC180  }
0x10e: {  	[spmem:s3] =	stream.indirect.scatter.add.f32 [tilespmem:s23], [sflag:$0x3], $0x80, s29, s22, $0xb8;
	[tilespmem:$0x1E080] =	vst v63  }
0x10f: {  	_ =	swait.ge [sflag:s20], $0x3E80  }
0x110: {  	[sflag:s20] =	ssyncset.done $0x0  }
0x111: {  	[sflag:s20] =	ssyncadd.s32 $0xFFFFC180  }
0x112: {  	_ =	swait.ge [sflag:s28], $0x3E80  }
0x113: {  	[sflag:s28] =	ssyncset.done $0x0  }
0x114: {  	[sflag:s28] =	ssyncadd.s32 $0xFFFFC180  }
0x115: {  	[spmem:s3] =	stream.indirect.scatter.add.f32 [tilespmem:s25], [sflag:$0x3], $0x80, s31, s22, $0xb8;
	[tilespmem:$0x1E080] =	vst v63  }
0x116: {  	_ =	swait.ge [sflag:s20], $0x3E80  }
0x117: {  	[sflag:s20] =	ssyncset.done $0x0  }
0x118: {  	s2 =	simm.s32 $0x0;
	s12 =	rddreg [dreg:$0x5];
	[sflag:s20] =	ssyncadd.s32 $0xFFFFC180  }
0x119: {  	[tilespmem:s2], [sflag:$0x3] =	stream.linear.gather [hbm4b:s12+s2], $0x1400, $0x38;
	[tilespmem:$0x1E080] =	vst v63  }
0x11a: {  	_ =	swait.ge [sflag:s20], $0x1400  }
0x11b: {  	[sflag:s20] =	ssyncset.done $0x0  }
0x11c: {  	[sflag:s20] =	ssyncadd.s32 $0xFFFFEC00  }
0x11d: {  	[tilespmem:s21], [sflag:$0x3] =	stream.linear.gather [hbm4b:s13+s2], $0x1400, $0x38;
	[tilespmem:$0x1E080] =	vst v63  }
0x11e: {  	_ =	swait.ge [sflag:s20], $0x1400  }
0x11f: {  	[sflag:s20] =	ssyncset.done $0x0  }
0x120: {  	[sflag:s20] =	ssyncadd.s32 $0xFFFFEC00  }
0x121: {  	[tilespmem:s23], [sflag:$0x1] =	stream.indirect.gather [hbm4b:s19+s22], $0x80, s2, s22, $0xb8;
	[tilespmem:$0x1E080] =	vst v63  }
0x122: {  	_ = 	snop  }
0x123: {  	[tilespmem:s25], [sflag:$0x2] =	stream.indirect.gather [hbm4b:s19+s22], $0x80, s24, s22, $0xb8;
	[tilespmem:$0x1E080] =	vst v63  }
0x124: {  	_ =	swait.ge [sflag:s26], $0x3E80  }
0x125: {  	[sflag:s26] =	ssyncset.done $0x0  }
0x126: {  	s12 =	simm.s32 $0x1400;
	[sflag:s26] =	ssyncadd.s32 $0xFFFFC180  }
0x127: {  	[spmem:s3] =	stream.indirect.scatter.add.f32 [tilespmem:s23], [sflag:$0x3], $0x80, s12, s22, $0xb8;
	[tilespmem:$0x1E080] =	vst v63  }
0x128: {  	_ =	swait.ge [sflag:s20], $0x3E80  }
0x129: {  	[sflag:s20] =	ssyncset.done $0x0  }
0x12a: {  	s15 =	simm.s32 $0x100;
	[sflag:s20] =	ssyncadd.s32 $0xFFFFC180  }
0x12b: {  	[tilespmem:s23], [sflag:$0x1] =	stream.indirect.gather [hbm4b:s19+s22], $0x80, s15, s22, $0xb8;
	[tilespmem:$0x1E080] =	vst v63  }
0x12c: {  	_ =	swait.ge [sflag:s28], $0x3E80  }
0x12d: {  	[sflag:s28] =	ssyncset.done $0x0  }
0x12e: {  	s17 =	simm.s32 $0x1480;
	[sflag:s28] =	ssyncadd.s32 $0xFFFFC180  }
0x12f: {  	[spmem:s3] =	stream.indirect.scatter.add.f32 [tilespmem:s25], [sflag:$0x3], $0x80, s17, s22, $0xb8;
	[tilespmem:$0x1E080] =	vst v63  }
0x130: {  	_ =	swait.ge [sflag:s20], $0x3E80  }
0x131: {  	[sflag:s20] =	ssyncset.done $0x0  }
0x132: {  	s2 =	simm.s32 $0x400;
	s15 =	simm.s32 $0x180;
	[sflag:s20] =	ssyncadd.s32 $0xFFFFC180  }
.LBB2_10:
0x133: {  	[tilespmem:s25], [sflag:$0x2] =	stream.indirect.gather [hbm4b:s19+s22], $0x80, s15, s22, $0xb8;
	[tilespmem:$0x1E080] =	vst v63  }
0x134: {  	s15 =	smov.u32 s2  }
0x135: {  	p2 =	sne.s32 s2, $0x4800;
	s2 =	sadd.s32 $0x400, s2;
	_ =	swait.ge [sflag:s26], $0x3E80  }
0x136: {  	s15 =	sshra.s32 s15, $0x2;
	[sflag:s26] =	ssyncset.done $0x0  }
0x137: {  	s17 =	sadd.s32 $0x1400, s15;
	[sflag:s26] =	ssyncadd.s32 $0xFFFFC180  }
0x138: {  	[spmem:s3] =	stream.indirect.scatter.add.f32 [tilespmem:s23], [sflag:$0x3], $0x80, s17, s22, $0xb8;
	[tilespmem:$0x1E080] =	vst v63  }
0x139: {  	_ =	swait.ge [sflag:s20], $0x3E80  }
0x13a: {  	[sflag:s20] =	ssyncset.done $0x0  }
0x13b: {  	s17 =	sadd.s32 $0x100, s15;
	[sflag:s20] =	ssyncadd.s32 $0xFFFFC180  }
0x13c: {  	[tilespmem:s23], [sflag:$0x1] =	stream.indirect.gather [hbm4b:s19+s22], $0x80, s17, s22, $0xb8;
	[tilespmem:$0x1E080] =	vst v63  }
0x13d: {  	_ =	swait.ge [sflag:s28], $0x3E80  }
0x13e: {  	[sflag:s28] =	ssyncset.done $0x0  }
.Ltmp4:
0x13f: {  	s17 =	sadd.s32 $0x1480, s15;
	[sflag:s28] =	ssyncadd.s32 $0xFFFFC180;
	(pc) =	sbr.rel @p2 .LBB2_10-.Ltmp4, $4  }
0x140: {  	[spmem:s3] =	stream.indirect.scatter.add.f32 [tilespmem:s25], [sflag:$0x3], $0x80, s17, s22, $0xb8;
	[tilespmem:$0x1E080] =	vst v63  }
0x141: {  	_ =	swait.ge [sflag:s20], $0x3E80  }
0x142: {  	[sflag:s20] =	ssyncset.done $0x0  }
0x143: {  	s15 =	sadd.s32 $0x180, s15;
	[sflag:s20] =	ssyncadd.s32 $0xFFFFC180  }
.Ltmp5:
0x144: {  	_ = 	snop;
	(pc) =	sbr.rel .LBB2_11-.Ltmp5, $1  }
0x145: {  	_ =	sdelay $0x3  }
.LBB2_2:
0x146: {  	s12 =	sld [smem:$0x7FA];
	_ =	sdelay $0x1  }
0x147: {  	s2 =	simm.s32 @p1 $0x0;
	s15 =	simm.s32 @p1 $0x2800;
	s17 =	simm.s32 @p1 $0x3  }
0x148: {  	[tilespmem:s15], [sflag:$0x3] =	stream.linear.gather @p1 [hbm4b:s12+s2], $0x4000, $0x38;
	[tilespmem:$0x1E080] =	vst v63  }
0x149: {  	_ =	swait.ge @p1 [sflag:s17], $0x4000  }
0x14a: {  	[sflag:s17] =	ssyncset.done @p1 $0x0  }
0x14b: {  	[sflag:s17] =	ssyncadd.s32 @p1 $0xFFFFC000  }
0x14c: {  	[spmem:s0] =	stream.linear.scatter @p1 [tilespmem:s15], [sflag:$0x3], $0x4000, $0x38;
	[tilespmem:$0x1E080] =	vst v63  }
0x14d: {  	_ =	swait.ge @p1 [sflag:s17], $0x4000  }
0x14e: {  	s12 =	sld [smem:$0x7FB]  }
0x14f: {  	[sflag:s17] =	ssyncset.done @p1 $0x0  }
0x150: {  	[sflag:s17] =	ssyncadd.s32 @p1 $0xFFFFC000  }
0x151: {  	[tilespmem:s15], [sflag:$0x3] =	stream.linear.gather @p1 [hbm4b:s12+s2], $0x4000, $0x38;
	[tilespmem:$0x1E080] =	vst v63  }
0x152: {  	_ =	swait.ge @p1 [sflag:s17], $0x4000  }
0x153: {  	[sflag:s17] =	ssyncset.done @p1 $0x0  }
0x154: {  	[sflag:s17] =	ssyncadd.s32 @p1 $0xFFFFC000  }
0x155: {  	[spmem:s14] =	stream.linear.scatter @p1 [tilespmem:s15], [sflag:$0x3], $0x4000, $0x38;
	[tilespmem:$0x1E080] =	vst v63  }
0x156: {  	_ =	swait.ge @p1 [sflag:s17], $0x4000  }
0x157: {  	s12 =	sld [smem:$0x7FC]  }
0x158: {  	[sflag:s17] =	ssyncset.done @p1 $0x0  }
0x159: {  	[sflag:s17] =	ssyncadd.s32 @p1 $0xFFFFC000  }
0x15a: {  	[tilespmem:s15], [sflag:$0x3] =	stream.linear.gather @p1 [hbm4b:s12+s2], $0x4000, $0x38;
	[tilespmem:$0x1E080] =	vst v63  }
0x15b: {  	_ =	swait.ge @p1 [sflag:s17], $0x4000  }
0x15c: {  	[sflag:s17] =	ssyncset.done @p1 $0x0  }
0x15d: {  	[sflag:s17] =	ssyncadd.s32 @p1 $0xFFFFC000  }
0x15e: {  	[spmem:s16] =	stream.linear.scatter @p1 [tilespmem:s15], [sflag:$0x3], $0x4000, $0x38;
	[tilespmem:$0x1E080] =	vst v63  }
0x15f: {  	_ =	swait.ge @p1 [sflag:s17], $0x4000  }
0x160: {  	s12 =	sld [smem:$0x7FD]  }
0x161: {  	[sflag:s17] =	ssyncset.done @p1 $0x0  }
0x162: {  	[sflag:s17] =	ssyncadd.s32 @p1 $0xFFFFC000  }
0x163: {  	[tilespmem:s15], [sflag:$0x3] =	stream.linear.gather @p1 [hbm4b:s12+s2], $0x800, $0x38;
	[tilespmem:$0x1E080] =	vst v63  }
0x164: {  	_ =	swait.ge @p1 [sflag:s17], $0x800  }
0x165: {  	[sflag:s17] =	ssyncset.done @p1 $0x0  }
0x166: {  	[sflag:s17] =	ssyncadd.s32 @p1 $0xFFFFF800  }
0x167: {  	[spmem:s18] =	stream.linear.scatter @p1 [tilespmem:s15], [sflag:$0x3], $0x800, $0x38;
	[tilespmem:$0x1E080] =	vst v63  }
0x168: {  	_ =	swait.ge @p1 [sflag:s17], $0x800  }
0x169: {  	s2 =	simm.s32 @!p1 $0x0;
	s15 =	simm.s32 @!p1 $0x2800;
	[sflag:s17] =	ssyncset.done @p1 $0x0  }
0x16a: {  	s12 =	rddreg [dreg:$0xa];
	[sflag:s17] =	ssyncadd.s32 @p1 $0xFFFFF800;
	s17 =	simm.s32 @!p1 $0x3  }
0x16b: {  	[tilespmem:s15], [sflag:$0x3] =	stream.linear.gather @!p1 [hbm4b:s12+s2], $0x4000, $0x38;
	[tilespmem:$0x1E080] =	vst v63  }
0x16c: {  	_ =	swait.ge @!p1 [sflag:s17], $0x4000  }
0x16d: {  	[sflag:s17] =	ssyncset.done @!p1 $0x0  }
0x16e: {  	[sflag:s17] =	ssyncadd.s32 @!p1 $0xFFFFC000  }
0x16f: {  	[spmem:s5] =	stream.linear.scatter @!p1 [tilespmem:s15], [sflag:$0x3], $0x4000, $0x38;
	[tilespmem:$0x1E080] =	vst v63  }
0x170: {  	_ =	swait.ge @!p1 [sflag:s17], $0x4000  }
0x171: {  	[sflag:s17] =	ssyncset.done @!p1 $0x0  }
0x172: {  	s12 =	rddreg [dreg:$0xd];
	[sflag:s17] =	ssyncadd.s32 @!p1 $0xFFFFC000  }
0x173: {  	[tilespmem:s15], [sflag:$0x3] =	stream.linear.gather @!p1 [hbm4b:s12+s2], $0x4000, $0x38;
	[tilespmem:$0x1E080] =	vst v63  }
0x174: {  	_ =	swait.ge @!p1 [sflag:s17], $0x4000  }
0x175: {  	[sflag:s17] =	ssyncset.done @!p1 $0x0  }
0x176: {  	[sflag:s17] =	ssyncadd.s32 @!p1 $0xFFFFC000  }
0x177: {  	[spmem:s6] =	stream.linear.scatter @!p1 [tilespmem:s15], [sflag:$0x3], $0x4000, $0x38;
	[tilespmem:$0x1E080] =	vst v63  }
0x178: {  	_ =	swait.ge @!p1 [sflag:s17], $0x4000  }
0x179: {  	[sflag:s17] =	ssyncset.done @!p1 $0x0  }
0x17a: {  	s12 =	rddreg [dreg:$0x10];
	[sflag:s17] =	ssyncadd.s32 @!p1 $0xFFFFC000  }
0x17b: {  	[tilespmem:s15], [sflag:$0x3] =	stream.linear.gather @!p1 [hbm4b:s12+s2], $0x4000, $0x38;
	[tilespmem:$0x1E080] =	vst v63  }
0x17c: {  	_ =	swait.ge @!p1 [sflag:s17], $0x4000  }
0x17d: {  	[sflag:s17] =	ssyncset.done @!p1 $0x0  }
0x17e: {  	[sflag:s17] =	ssyncadd.s32 @!p1 $0xFFFFC000  }
0x17f: {  	[spmem:s7] =	stream.linear.scatter @!p1 [tilespmem:s15], [sflag:$0x3], $0x4000, $0x38;
	[tilespmem:$0x1E080] =	vst v63  }
0x180: {  	_ =	swait.ge @!p1 [sflag:s17], $0x4000  }
0x181: {  	[sflag:s17] =	ssyncset.done @!p1 $0x0  }
0x182: {  	s12 =	rddreg [dreg:$0x13];
	[sflag:s17] =	ssyncadd.s32 @!p1 $0xFFFFC000  }
0x183: {  	[tilespmem:s15], [sflag:$0x3] =	stream.linear.gather @!p1 [hbm4b:s12+s2], $0x4000, $0x38;
	[tilespmem:$0x1E080] =	vst v63  }
0x184: {  	_ =	swait.ge @!p1 [sflag:s17], $0x4000  }
0x185: {  	[sflag:s17] =	ssyncset.done @!p1 $0x0  }
0x186: {  	[sflag:s17] =	ssyncadd.s32 @!p1 $0xFFFFC000  }
0x187: {  	[spmem:s8] =	stream.linear.scatter @!p1 [tilespmem:s15], [sflag:$0x3], $0x4000, $0x38;
	[tilespmem:$0x1E080] =	vst v63  }
0x188: {  	_ =	swait.ge @!p1 [sflag:s17], $0x4000  }
0x189: {  	[sflag:s17] =	ssyncset.done @!p1 $0x0  }
0x18a: {  	s12 =	rddreg [dreg:$0x17];
	[sflag:s17] =	ssyncadd.s32 @!p1 $0xFFFFC000  }
0x18b: {  	[tilespmem:s15], [sflag:$0x3] =	stream.linear.gather @!p1 [hbm4b:s12+s2], $0x4000, $0x38;
	[tilespmem:$0x1E080] =	vst v63  }
0x18c: {  	_ =	swait.ge @!p1 [sflag:s17], $0x4000  }
0x18d: {  	[sflag:s17] =	ssyncset.done @!p1 $0x0  }
0x18e: {  	[sflag:s17] =	ssyncadd.s32 @!p1 $0xFFFFC000  }
0x18f: {  	[spmem:s9] =	stream.linear.scatter @!p1 [tilespmem:s15], [sflag:$0x3], $0x4000, $0x38;
	[tilespmem:$0x1E080] =	vst v63  }
0x190: {  	_ =	swait.ge @!p1 [sflag:s17], $0x4000  }
0x191: {  	[sflag:s17] =	ssyncset.done @!p1 $0x0  }
0x192: {  	[sflag:s17] =	ssyncadd.s32 @!p1 $0xFFFFC000  }
0x193: {  	s17 =	simm.s32 $0x0;
	[bflag:$0x0] =	sbarrier.arrive $0xFFFF  }
0x194: {  	[tilespmem:s17], [sflag:$0x3] =	stream.linear.gather [hbm4b:s10+s17], $0x1400, $0x38;
	[tilespmem:$0x1E080] =	vst v63  }
0x195: {  	_ =	swait.ge [sflag:s20], $0x1400  }
0x196: {  	[sflag:s20] =	ssyncset.done $0x0  }
0x197: {  	[sflag:s20] =	ssyncadd.s32 $0xFFFFEC00  }
0x198: {  	[tilespmem:s21], [sflag:$0x3] =	stream.linear.gather [hbm4b:s11+s17], $0x1400, $0x38;
	[tilespmem:$0x1E080] =	vst v63  }
0x199: {  	_ =	swait.ge [sflag:s20], $0x1400  }
0x19a: {  	[sflag:s20] =	ssyncset.done $0x0  }
0x19b: {  	[sflag:s20] =	ssyncadd.s32 $0xFFFFEC00  }
0x19c: {  	[tilespmem:s23], [sflag:$0x1] =	stream.indirect.gather [hbm4b:s1+s22], $0x80, s17, s22, $0xb8;
	[tilespmem:$0x1E080] =	vst v63  }
0x19d: {  	_ = 	snop  }
0x19e: {  	[tilespmem:s25], [sflag:$0x2] =	stream.indirect.gather [hbm4b:s1+s22], $0x80, s24, s22, $0xb8;
	[tilespmem:$0x1E080] =	vst v63  }
0x19f: {  	_ =	swait.ge [sflag:s26], $0x3E80  }
0x1a0: {  	[sflag:s26] =	ssyncset.done $0x0  }
0x1a1: {  	s12 =	smov.u32 s11;
	s11 =	simm.s32 $0x1400;
	[sflag:s26] =	ssyncadd.s32 $0xFFFFC180  }
0x1a2: {  	[spmem:s3] =	stream.indirect.scatter.add.f32 [tilespmem:s23], [sflag:$0x3], $0x80, s11, s22, $0xb8;
	[tilespmem:$0x1E080] =	vst v63  }
0x1a3: {  	_ =	swait.ge [sflag:s20], $0x3E80  }
0x1a4: {  	[sflag:s20] =	ssyncset.done $0x0  }
0x1a5: {  	s15 =	simm.s32 $0x100;
	[sflag:s20] =	ssyncadd.s32 $0xFFFFC180  }
0x1a6: {  	[tilespmem:s23], [sflag:$0x1] =	stream.indirect.gather [hbm4b:s1+s22], $0x80, s15, s22, $0xb8;
	[tilespmem:$0x1E080] =	vst v63  }
0x1a7: {  	_ =	swait.ge [sflag:s28], $0x3E80  }
0x1a8: {  	[sflag:s28] =	ssyncset.done $0x0  }
0x1a9: {  	s17 =	simm.s32 $0x1480;
	[sflag:s28] =	ssyncadd.s32 $0xFFFFC180  }
0x1aa: {  	[spmem:s3] =	stream.indirect.scatter.add.f32 [tilespmem:s25], [sflag:$0x3], $0x80, s17, s22, $0xb8;
	[tilespmem:$0x1E080] =	vst v63  }
0x1ab: {  	_ =	swait.ge [sflag:s20], $0x3E80  }
0x1ac: {  	[sflag:s20] =	ssyncset.done $0x0  }
0x1ad: {  	s2 =	simm.s32 $0x400;
	s15 =	simm.s32 $0x180;
	[sflag:s20] =	ssyncadd.s32 $0xFFFFC180  }
.LBB2_3:
0x1ae: {  	[tilespmem:s25], [sflag:$0x2] =	stream.indirect.gather [hbm4b:s1+s22], $0x80, s15, s22, $0xb8;
	[tilespmem:$0x1E080] =	vst v63  }
0x1af: {  	s15 =	smov.u32 s2  }
0x1b0: {  	p2 =	sne.s32 s2, $0x4800;
	s2 =	sadd.s32 $0x400, s2;
	_ =	swait.ge [sflag:s26], $0x3E80  }
0x1b1: {  	s15 =	sshra.s32 s15, $0x2;
	[sflag:s26] =	ssyncset.done $0x0  }
0x1b2: {  	s17 =	sadd.s32 $0x1400, s15;
	[sflag:s26] =	ssyncadd.s32 $0xFFFFC180  }
0x1b3: {  	[spmem:s3] =	stream.indirect.scatter.add.f32 [tilespmem:s23], [sflag:$0x3], $0x80, s17, s22, $0xb8;
	[tilespmem:$0x1E080] =	vst v63  }
0x1b4: {  	_ =	swait.ge [sflag:s20], $0x3E80  }
0x1b5: {  	[sflag:s20] =	ssyncset.done $0x0  }
0x1b6: {  	s17 =	sadd.s32 $0x100, s15;
	[sflag:s20] =	ssyncadd.s32 $0xFFFFC180  }
0x1b7: {  	[tilespmem:s23], [sflag:$0x1] =	stream.indirect.gather [hbm4b:s1+s22], $0x80, s17, s22, $0xb8;
	[tilespmem:$0x1E080] =	vst v63  }
0x1b8: {  	_ =	swait.ge [sflag:s28], $0x3E80  }
0x1b9: {  	[sflag:s28] =	ssyncset.done $0x0  }
.Ltmp6:
0x1ba: {  	s17 =	sadd.s32 $0x1480, s15;
	[sflag:s28] =	ssyncadd.s32 $0xFFFFC180;
	(pc) =	sbr.rel @p2 .LBB2_3-.Ltmp6, $4  }
0x1bb: {  	[spmem:s3] =	stream.indirect.scatter.add.f32 [tilespmem:s25], [sflag:$0x3], $0x80, s17, s22, $0xb8;
	[tilespmem:$0x1E080] =	vst v63  }
0x1bc: {  	_ =	swait.ge [sflag:s20], $0x3E80  }
0x1bd: {  	[sflag:s20] =	ssyncset.done $0x0  }
0x1be: {  	s15 =	sadd.s32 $0x180, s15;
	[sflag:s20] =	ssyncadd.s32 $0xFFFFC180  }
0x1bf: {  	[tilespmem:s25], [sflag:$0x2] =	stream.indirect.gather [hbm4b:s1+s22], $0x80, s15, s22, $0xb8;
	[tilespmem:$0x1E080] =	vst v63  }
0x1c0: {  	_ =	swait.ge [sflag:s26], $0x3E80  }
0x1c1: {  	[sflag:s26] =	ssyncset.done $0x0  }
0x1c2: {  	[sflag:s26] =	ssyncadd.s32 $0xFFFFC180  }
0x1c3: {  	[spmem:s3] =	stream.indirect.scatter.add.f32 [tilespmem:s23], [sflag:$0x3], $0x80, s29, s22, $0xb8;
	[tilespmem:$0x1E080] =	vst v63  }
0x1c4: {  	_ =	swait.ge [sflag:s20], $0x3E80  }
0x1c5: {  	[sflag:s20] =	ssyncset.done $0x0  }
0x1c6: {  	[sflag:s20] =	ssyncadd.s32 $0xFFFFC180  }
0x1c7: {  	_ =	swait.ge [sflag:s28], $0x3E80  }
0x1c8: {  	[sflag:s28] =	ssyncset.done $0x0  }
0x1c9: {  	[sflag:s28] =	ssyncadd.s32 $0xFFFFC180  }
0x1ca: {  	[spmem:s3] =	stream.indirect.scatter.add.f32 [tilespmem:s25], [sflag:$0x3], $0x80, s31, s22, $0xb8;
	[tilespmem:$0x1E080] =	vst v63  }
0x1cb: {  	_ =	swait.ge [sflag:s20], $0x3E80  }
0x1cc: {  	[sflag:s20] =	ssyncset.done $0x0  }
0x1cd: {  	s2 =	simm.s32 $0x0;
	s17 =	rddreg [dreg:$0x5];
	[sflag:s20] =	ssyncadd.s32 $0xFFFFC180  }
0x1ce: {  	[tilespmem:s2], [sflag:$0x3] =	stream.linear.gather [hbm4b:s17+s2], $0x1400, $0x38;
	[tilespmem:$0x1E080] =	vst v63  }
0x1cf: {  	_ =	swait.ge [sflag:s20], $0x1400  }
0x1d0: {  	[sflag:s20] =	ssyncset.done $0x0  }
0x1d1: {  	[sflag:s20] =	ssyncadd.s32 $0xFFFFEC00  }
0x1d2: {  	[tilespmem:s21], [sflag:$0x3] =	stream.linear.gather [hbm4b:s13+s2], $0x1400, $0x38;
	[tilespmem:$0x1E080] =	vst v63  }
0x1d3: {  	_ =	swait.ge [sflag:s20], $0x1400  }
0x1d4: {  	[sflag:s20] =	ssyncset.done $0x0  }
0x1d5: {  	[sflag:s20] =	ssyncadd.s32 $0xFFFFEC00  }
0x1d6: {  	[tilespmem:s23], [sflag:$0x1] =	stream.indirect.gather [hbm4b:s1+s22], $0x80, s2, s22, $0xb8;
	[tilespmem:$0x1E080] =	vst v63  }
0x1d7: {  	_ = 	snop  }
0x1d8: {  	[tilespmem:s25], [sflag:$0x2] =	stream.indirect.gather [hbm4b:s1+s22], $0x80, s24, s22, $0xb8;
	[tilespmem:$0x1E080] =	vst v63  }
0x1d9: {  	_ =	swait.ge [sflag:s26], $0x3E80  }
0x1da: {  	[sflag:s26] =	ssyncset.done $0x0  }
0x1db: {  	s11 =	smov.u32 s10;
	s10 =	simm.s32 $0x1400;
	[sflag:s26] =	ssyncadd.s32 $0xFFFFC180  }
0x1dc: {  	[spmem:s3] =	stream.indirect.scatter.add.f32 [tilespmem:s23], [sflag:$0x3], $0x80, s10, s22, $0xb8;
	[tilespmem:$0x1E080] =	vst v63  }
0x1dd: {  	_ =	swait.ge [sflag:s20], $0x3E80  }
0x1de: {  	[sflag:s20] =	ssyncset.done $0x0  }
0x1df: {  	s15 =	simm.s32 $0x100;
	[sflag:s20] =	ssyncadd.s32 $0xFFFFC180  }
0x1e0: {  	[tilespmem:s23], [sflag:$0x1] =	stream.indirect.gather [hbm4b:s1+s22], $0x80, s15, s22, $0xb8;
	[tilespmem:$0x1E080] =	vst v63  }
0x1e1: {  	_ =	swait.ge [sflag:s28], $0x3E80  }
0x1e2: {  	[sflag:s28] =	ssyncset.done $0x0  }
0x1e3: {  	s17 =	simm.s32 $0x1480;
	[sflag:s28] =	ssyncadd.s32 $0xFFFFC180  }
0x1e4: {  	[spmem:s3] =	stream.indirect.scatter.add.f32 [tilespmem:s25], [sflag:$0x3], $0x80, s17, s22, $0xb8;
	[tilespmem:$0x1E080] =	vst v63  }
0x1e5: {  	_ =	swait.ge [sflag:s20], $0x3E80  }
0x1e6: {  	[sflag:s20] =	ssyncset.done $0x0  }
0x1e7: {  	s2 =	simm.s32 $0x400;
	s15 =	simm.s32 $0x180;
	[sflag:s20] =	ssyncadd.s32 $0xFFFFC180  }
.LBB2_5:
0x1e8: {  	[tilespmem:s25], [sflag:$0x2] =	stream.indirect.gather [hbm4b:s1+s22], $0x80, s15, s22, $0xb8;
	[tilespmem:$0x1E080] =	vst v63  }
0x1e9: {  	s15 =	smov.u32 s2  }
0x1ea: {  	p2 =	sne.s32 s2, $0x4800;
	s2 =	sadd.s32 $0x400, s2;
	_ =	swait.ge [sflag:s26], $0x3E80  }
0x1eb: {  	s15 =	sshra.s32 s15, $0x2;
	[sflag:s26] =	ssyncset.done $0x0  }
0x1ec: {  	s17 =	sadd.s32 $0x1400, s15;
	[sflag:s26] =	ssyncadd.s32 $0xFFFFC180  }
0x1ed: {  	[spmem:s3] =	stream.indirect.scatter.add.f32 [tilespmem:s23], [sflag:$0x3], $0x80, s17, s22, $0xb8;
	[tilespmem:$0x1E080] =	vst v63  }
0x1ee: {  	_ =	swait.ge [sflag:s20], $0x3E80  }
0x1ef: {  	[sflag:s20] =	ssyncset.done $0x0  }
0x1f0: {  	s17 =	sadd.s32 $0x100, s15;
	[sflag:s20] =	ssyncadd.s32 $0xFFFFC180  }
0x1f1: {  	[tilespmem:s23], [sflag:$0x1] =	stream.indirect.gather [hbm4b:s1+s22], $0x80, s17, s22, $0xb8;
	[tilespmem:$0x1E080] =	vst v63  }
0x1f2: {  	_ =	swait.ge [sflag:s28], $0x3E80  }
0x1f3: {  	[sflag:s28] =	ssyncset.done $0x0  }
.Ltmp7:
0x1f4: {  	s17 =	sadd.s32 $0x1480, s15;
	[sflag:s28] =	ssyncadd.s32 $0xFFFFC180;
	(pc) =	sbr.rel @p2 .LBB2_5-.Ltmp7, $4  }
0x1f5: {  	[spmem:s3] =	stream.indirect.scatter.add.f32 [tilespmem:s25], [sflag:$0x3], $0x80, s17, s22, $0xb8;
	[tilespmem:$0x1E080] =	vst v63  }
0x1f6: {  	_ =	swait.ge [sflag:s20], $0x3E80  }
0x1f7: {  	[sflag:s20] =	ssyncset.done $0x0  }
0x1f8: {  	s15 =	sadd.s32 $0x180, s15;
	[sflag:s20] =	ssyncadd.s32 $0xFFFFC180  }
0x1f9: {  	[tilespmem:s25], [sflag:$0x2] =	stream.indirect.gather [hbm4b:s1+s22], $0x80, s15, s22, $0xb8;
	[tilespmem:$0x1E080] =	vst v63  }
0x1fa: {  	_ =	swait.ge [sflag:s26], $0x3E80  }
0x1fb: {  	[sflag:s26] =	ssyncset.done $0x0  }
0x1fc: {  	[sflag:s26] =	ssyncadd.s32 $0xFFFFC180  }
0x1fd: {  	[spmem:s3] =	stream.indirect.scatter.add.f32 [tilespmem:s23], [sflag:$0x3], $0x80, s29, s22, $0xb8;
	[tilespmem:$0x1E080] =	vst v63  }
0x1fe: {  	_ =	swait.ge [sflag:s20], $0x3E80  }
0x1ff: {  	[sflag:s20] =	ssyncset.done $0x0  }
0x200: {  	[sflag:s20] =	ssyncadd.s32 $0xFFFFC180  }
0x201: {  	_ =	swait.ge [sflag:s28], $0x3E80  }
0x202: {  	[sflag:s28] =	ssyncset.done $0x0  }
0x203: {  	[sflag:s28] =	ssyncadd.s32 $0xFFFFC180  }
0x204: {  	[spmem:s3] =	stream.indirect.scatter.add.f32 [tilespmem:s25], [sflag:$0x3], $0x80, s31, s22, $0xb8;
	[tilespmem:$0x1E080] =	vst v63  }
0x205: {  	_ =	swait.ge [sflag:s20], $0x3E80  }
0x206: {  	[sflag:s20] =	ssyncset.done $0x0  }
0x207: {  	[sflag:s20] =	ssyncadd.s32 $0xFFFFC180  }
0x208: {  	s2 =	simm.s32 @p1 $0x2800;
	s15 =	simm.s32 @p1 $0x3;
	[bflag:$0x0] =	sbarrier.arrive $0xFFFF  }
0x209: {  	[tilespmem:s2], [sflag:$0x3] =	stream.linear.gather @p1 [spmem:s0], $0x4000, $0x38;
	[tilespmem:$0x1E080] =	vst v63  }
0x20a: {  	_ =	swait.ge @p1 [sflag:s15], $0x4000  }
0x20b: {  	[sflag:s15] =	ssyncset.done @p1 $0x0  }
0x20c: {  	s17 =	simm.s32 @p1 $0x0;
	s10 =	rddreg [dreg:$0x19];
	[sflag:s15] =	ssyncadd.s32 @p1 $0xFFFFC000  }
0x20d: {  	[hbm4b:s10+s17] =	stream.linear.scatter @p1 [tilespmem:s2], [sflag:$0x3], $0x4000, $0x38;
	[tilespmem:$0x1E080] =	vst v63  }
0x20e: {  	_ =	swait.ge @p1 [sflag:s15], $0x4000  }
0x20f: {  	[sflag:s15] =	ssyncset.done @p1 $0x0  }
0x210: {  	[sflag:s15] =	ssyncadd.s32 @p1 $0xFFFFC000  }
0x211: {  	[tilespmem:s2], [sflag:$0x3] =	stream.linear.gather @p1 [spmem:s14], $0x4000, $0x38;
	[tilespmem:$0x1E080] =	vst v63  }
0x212: {  	_ =	swait.ge @p1 [sflag:s15], $0x4000  }
0x213: {  	[sflag:s15] =	ssyncset.done @p1 $0x0  }
0x214: {  	s10 =	rddreg [dreg:$0x1a];
	[sflag:s15] =	ssyncadd.s32 @p1 $0xFFFFC000  }
0x215: {  	[hbm4b:s10+s17] =	stream.linear.scatter @p1 [tilespmem:s2], [sflag:$0x3], $0x4000, $0x38;
	[tilespmem:$0x1E080] =	vst v63  }
0x216: {  	_ =	swait.ge @p1 [sflag:s15], $0x4000  }
0x217: {  	[sflag:s15] =	ssyncset.done @p1 $0x0  }
0x218: {  	[sflag:s15] =	ssyncadd.s32 @p1 $0xFFFFC000  }
0x219: {  	[tilespmem:s2], [sflag:$0x3] =	stream.linear.gather @p1 [spmem:s16], $0x4000, $0x38;
	[tilespmem:$0x1E080] =	vst v63  }
0x21a: {  	_ =	swait.ge @p1 [sflag:s15], $0x4000  }
0x21b: {  	[sflag:s15] =	ssyncset.done @p1 $0x0  }
0x21c: {  	s10 =	rddreg [dreg:$0x1b];
	[sflag:s15] =	ssyncadd.s32 @p1 $0xFFFFC000  }
0x21d: {  	[hbm4b:s10+s17] =	stream.linear.scatter @p1 [tilespmem:s2], [sflag:$0x3], $0x4000, $0x38;
	[tilespmem:$0x1E080] =	vst v63  }
0x21e: {  	_ =	swait.ge @p1 [sflag:s15], $0x4000  }
0x21f: {  	[sflag:s15] =	ssyncset.done @p1 $0x0  }
0x220: {  	[sflag:s15] =	ssyncadd.s32 @p1 $0xFFFFC000  }
0x221: {  	[tilespmem:s2], [sflag:$0x3] =	stream.linear.gather @p1 [spmem:s18], $0x800, $0x38;
	[tilespmem:$0x1E080] =	vst v63  }
0x222: {  	_ =	swait.ge @p1 [sflag:s15], $0x800  }
0x223: {  	[sflag:s15] =	ssyncset.done @p1 $0x0  }
0x224: {  	s10 =	rddreg [dreg:$0x1c];
	[sflag:s15] =	ssyncadd.s32 @p1 $0xFFFFF800  }
0x225: {  	[hbm4b:s10+s17] =	stream.linear.scatter @p1 [tilespmem:s2], [sflag:$0x3], $0x800, $0x38;
	[tilespmem:$0x1E080] =	vst v63  }
0x226: {  	_ =	swait.ge @p1 [sflag:s15], $0x800  }
0x227: {  	[sflag:s15] =	ssyncset.done @p1 $0x0  }
0x228: {  	s2 =	simm.s32 @!p1 $0x2800;
	[sflag:s15] =	ssyncadd.s32 @p1 $0xFFFFF800;
	s15 =	simm.s32 @!p1 $0x3  }
0x229: {  	[tilespmem:s2], [sflag:$0x3] =	stream.linear.gather @!p1 [spmem:s5], $0x4000, $0x38;
	[tilespmem:$0x1E080] =	vst v63  }
0x22a: {  	_ =	swait.ge @!p1 [sflag:s15], $0x4000  }
0x22b: {  	[sflag:s15] =	ssyncset.done @!p1 $0x0  }
0x22c: {  	s17 =	simm.s32 @!p1 $0x0;
	s10 =	rddreg [dreg:$0x4];
	[sflag:s15] =	ssyncadd.s32 @!p1 $0xFFFFC000  }
0x22d: {  	[hbm4b:s10+s17] =	stream.linear.scatter @!p1 [tilespmem:s2], [sflag:$0x3], $0x4000, $0x38;
	[tilespmem:$0x1E080] =	vst v63  }
0x22e: {  	_ =	swait.ge @!p1 [sflag:s15], $0x4000  }
0x22f: {  	[sflag:s15] =	ssyncset.done @!p1 $0x0  }
0x230: {  	[sflag:s15] =	ssyncadd.s32 @!p1 $0xFFFFC000  }
0x231: {  	[tilespmem:s2], [sflag:$0x3] =	stream.linear.gather @!p1 [spmem:s6], $0x4000, $0x38;
	[tilespmem:$0x1E080] =	vst v63  }
0x232: {  	_ =	swait.ge @!p1 [sflag:s15], $0x4000  }
0x233: {  	[sflag:s15] =	ssyncset.done @!p1 $0x0  }
0x234: {  	s10 =	rddreg [dreg:$0x6];
	[sflag:s15] =	ssyncadd.s32 @!p1 $0xFFFFC000  }
0x235: {  	[hbm4b:s10+s17] =	stream.linear.scatter @!p1 [tilespmem:s2], [sflag:$0x3], $0x4000, $0x38;
	[tilespmem:$0x1E080] =	vst v63  }
0x236: {  	_ =	swait.ge @!p1 [sflag:s15], $0x4000  }
0x237: {  	[sflag:s15] =	ssyncset.done @!p1 $0x0  }
0x238: {  	[sflag:s15] =	ssyncadd.s32 @!p1 $0xFFFFC000  }
0x239: {  	[tilespmem:s2], [sflag:$0x3] =	stream.linear.gather @!p1 [spmem:s7], $0x4000, $0x38;
	[tilespmem:$0x1E080] =	vst v63  }
0x23a: {  	_ =	swait.ge @!p1 [sflag:s15], $0x4000  }
0x23b: {  	[sflag:s15] =	ssyncset.done @!p1 $0x0  }
0x23c: {  	s10 =	rddreg [dreg:$0x7];
	[sflag:s15] =	ssyncadd.s32 @!p1 $0xFFFFC000  }
0x23d: {  	[hbm4b:s10+s17] =	stream.linear.scatter @!p1 [tilespmem:s2], [sflag:$0x3], $0x4000, $0x38;
	[tilespmem:$0x1E080] =	vst v63  }
0x23e: {  	_ =	swait.ge @!p1 [sflag:s15], $0x4000  }
0x23f: {  	[sflag:s15] =	ssyncset.done @!p1 $0x0  }
0x240: {  	[sflag:s15] =	ssyncadd.s32 @!p1 $0xFFFFC000  }
0x241: {  	[tilespmem:s2], [sflag:$0x3] =	stream.linear.gather @!p1 [spmem:s8], $0x4000, $0x38;
	[tilespmem:$0x1E080] =	vst v63  }
0x242: {  	_ =	swait.ge @!p1 [sflag:s15], $0x4000  }
0x243: {  	[sflag:s15] =	ssyncset.done @!p1 $0x0  }
0x244: {  	s10 =	rddreg [dreg:$0x8];
	[sflag:s15] =	ssyncadd.s32 @!p1 $0xFFFFC000  }
0x245: {  	[hbm4b:s10+s17] =	stream.linear.scatter @!p1 [tilespmem:s2], [sflag:$0x3], $0x4000, $0x38;
	[tilespmem:$0x1E080] =	vst v63  }
0x246: {  	_ =	swait.ge @!p1 [sflag:s15], $0x4000  }
0x247: {  	[sflag:s15] =	ssyncset.done @!p1 $0x0  }
0x248: {  	[sflag:s15] =	ssyncadd.s32 @!p1 $0xFFFFC000  }
0x249: {  	[tilespmem:s2], [sflag:$0x3] =	stream.linear.gather @!p1 [spmem:s9], $0x4000, $0x38;
	[tilespmem:$0x1E080] =	vst v63  }
0x24a: {  	_ =	swait.ge @!p1 [sflag:s15], $0x4000  }
0x24b: {  	[sflag:s15] =	ssyncset.done @!p1 $0x0  }
.Ltmp8:
0x24c: {  	s10 =	rddreg [dreg:$0x9];
	[sflag:s15] =	ssyncadd.s32 @!p1 $0xFFFFC000;
	(pc) =	sbr.rel .LBB2_12-.Ltmp8, $4  }
0x24d: {  	[hbm4b:s10+s17] =	stream.linear.scatter @!p1 [tilespmem:s2], [sflag:$0x3], $0x4000, $0x38;
	[tilespmem:$0x1E080] =	vst v63  }
0x24e: {  	_ =	swait.ge @!p1 [sflag:s15], $0x4000  }
0x24f: {  	[sflag:s15] =	ssyncset.done @!p1 $0x0  }
0x250: {  	s10 =	smov.u32 s11;
	s11 =	smov.u32 s12;
	[sflag:s15] =	ssyncadd.s32 @!p1 $0xFFFFC000  }
.LBB2_13:
0x251: {  	_ =	sfence.sel $0x180000  }
0x252: {  	[bflag:$0x0] =	sbarrier.arrive $0xFFFF  }
0x253: {  	_ =	strace $0x9000004A  }
0x254: {  	s0 =	stileid.u32;
	[bflag:$0x2] =	sbarrier.arrive $0xFFFF  }
0x255: {  	p0 =	sne.s32 s0, $0x0;
	s0 =	rddreg [dreg:$0x3]  }
0x256: {  	s0 =	sadd.s32 @!p0 $0x100000, s0  }
0x257: {  	[sflag:s0] =	ssyncadd.tile.s32 @!p0 $0x1;
	_ =	shalt  }
.Lfunc_end2:
_tile_overlayer_lowered:
.L_overlay_start_2:
0x258: {  	(tag) =	ssettag $0x2  }
0x259: {  	s0 =	rddreg [dreg:$0x0];
	s2 =	stileid.u32  }
0x25a: {  	s1 =	rddreg [dreg:$0x1];
	p0 =	sne.s32 s2, $0x0  }
0x25b: {  	s3 =	rddreg [dreg:$0x2];
	[bflag:$0x3] =	sbarrier.arrive $0xFFFF;
	s2 =	simm.s32 @!p0 $0x1C03  }
0x25c: {  	[timem:s3], [sflag:s2] =	dma.local @!p0 [hbm:s0], s1  }
0x25d: {  	s0 =	simm.s32 @!p0 $0x3  }
0x25e: {  	_ =	swait.ge @!p0 [sflag:s0], s1  }
0x25f: {  	s1 =	ssub.s32 @!p0 $0x0, s1;
	[sflag:s0] =	ssyncset.done @!p0 $0x0  }
0x260: {  	[sflag:s0] =	ssyncadd.s32 @!p0 s1  }
0x261: {  	[bflag:$0x3] =	sbarrier.arrive $0xFFFF  }
0x262: {  	_ =	shalt  }

</sc_bundles>
